<compile_context>
chip_gen: v7x
topology: tpu7x:2x2x1
jax: 0.10.2.dev20260603
libtpu: 0.0.44.dev20260713+nightly
codegen_flags: <defaults>
</compile_context>

<pallas_src>
import jax
import jax.numpy as jnp
from jax import lax
from jax.experimental import pallas as pl

_N = 10000
_E = 320000
_D = 128
_H1 = 64
_H2 = 32

_BR = 2000


def _mm_body(x_ref, w_ref, o_ref):
    o_ref[...] = jnp.dot(x_ref[...], w_ref[...],
                         preferred_element_type=jnp.float32)


def _matmul(x, w):
    m, k = x.shape
    n = w.shape[1]
    return pl.pallas_call(
        _mm_body,
        grid=(m // _BR,),
        in_specs=[
            pl.BlockSpec((_BR, k), lambda i: (i, 0)),
            pl.BlockSpec((k, n), lambda i: (0, 0)),
        ],
        out_specs=pl.BlockSpec((_BR, n), lambda i: (i, 0)),
        out_shape=jax.ShapeDtypeStruct((m, n), jnp.float32),
    )(x, w)


def _relu_mm_body(p_ref, w_ref, o_ref):
    h = jnp.maximum(p_ref[...], 0.0)
    o_ref[...] = jnp.dot(h, w_ref[...], preferred_element_type=jnp.float32)


def _relu_matmul(p, w):
    n = w.shape[1]
    return pl.pallas_call(
        _relu_mm_body,
        grid=(_N // _BR,),
        in_specs=[
            pl.BlockSpec((_BR, _H1), lambda i: (i, 0)),
            pl.BlockSpec((_H1, n), lambda i: (0, 0)),
        ],
        out_specs=pl.BlockSpec((_BR, n), lambda i: (i, 0)),
        out_shape=jax.ShapeDtypeStruct((_N, n), jnp.float32),
    )(p, w)


def _z_head_body(p_ref, eps_ref, wden_ref, bden_ref, z_ref, den_ref):
    s = p_ref[...]
    zm = s[:, :_H2]
    zls = s[:, _H2:]
    z_ref[...] = zm + eps_ref[...] * jnp.exp(zls)
    den_ref[...] = (jnp.dot(zm, wden_ref[...],
                            preferred_element_type=jnp.float32)
                    + bden_ref[...])


def _z_and_head(p, eps, w_den, b_den):
    return pl.pallas_call(
        _z_head_body,
        grid=(_N // _BR,),
        in_specs=[
            pl.BlockSpec((_BR, _H1), lambda i: (i, 0)),
            pl.BlockSpec((_BR, _H2), lambda i: (i, 0)),
            pl.BlockSpec((_H2, _H2), lambda i: (0, 0)),
            pl.BlockSpec((_H2,), lambda i: (0,)),
        ],
        out_specs=[
            pl.BlockSpec((_BR, _H2), lambda i: (i, 0)),
            pl.BlockSpec((_BR, _H2), lambda i: (i, 0)),
        ],
        out_shape=[
            jax.ShapeDtypeStruct((_N, _H2), jnp.float32),
            jax.ShapeDtypeStruct((_N, _H2), jnp.float32),
        ],
    )(p, eps, w_den, b_den)


def _z_body(p_ref, eps_ref, z_ref):
    s = p_ref[...]
    z_ref[...] = s[:, :_H2] + eps_ref[...] * jnp.exp(s[:, _H2:])


def _z_only(p, eps):
    return pl.pallas_call(
        _z_body,
        grid=(_N // _BR,),
        in_specs=[
            pl.BlockSpec((_BR, _H1), lambda i: (i, 0)),
            pl.BlockSpec((_BR, _H2), lambda i: (i, 0)),
        ],
        out_specs=pl.BlockSpec((_BR, _H2), lambda i: (i, 0)),
        out_shape=jax.ShapeDtypeStruct((_N, _H2), jnp.float32),
    )(p, eps)


_BI = 1024
_BJ = 2048


def _gram_body(zi_ref, zj_ref, o_ref):
    o_ref[...] = lax.dot_general(
        zi_ref[...], zj_ref[...],
        dimension_numbers=(((1,), (1,)), ((), ())),
        preferred_element_type=jnp.float32,
    )


def _gram(z):
    return pl.pallas_call(
        _gram_body,
        grid=(pl.cdiv(_N, _BI), pl.cdiv(_N, _BJ)),
        in_specs=[
            pl.BlockSpec((_BI, _H2), lambda i, j: (i, 0)),
            pl.BlockSpec((_BJ, _H2), lambda i, j: (j, 0)),
        ],
        out_specs=pl.BlockSpec((_BI, _BJ), lambda i, j: (i, j)),
        out_shape=jax.ShapeDtypeStruct((_N, _N), jnp.float32),
    )(z, z)


def _spmm(src, dst, vals, table):
    msgs = table[src] * vals[:, None]
    return jax.ops.segment_sum(msgs, dst, num_segments=_N)


def kernel(x1, edge_index1, adj1_vals, eps1, x2, edge_index2, adj2_vals, eps2,
           W_h1, W_mean1, W_logstd1, W_h2, W_mean2, W_std2, W_den, b_den):
    Wcat1 = jnp.concatenate([W_mean1, W_logstd1], axis=1)
    Wcat2 = jnp.concatenate([W_mean2, W_std2], axis=1)

    xw1 = _matmul(x1, W_h1)
    p1 = _spmm(edge_index1[0], edge_index1[1], adj1_vals, xw1)
    hc1 = _relu_matmul(p1, Wcat1)
    q1 = _spmm(edge_index1[0], edge_index1[1], adj1_vals, hc1)
    z1, output = _z_and_head(q1, eps1, W_den, b_den)
    rec1 = _gram(z1)

    xw2 = _matmul(x2, W_h2)
    p2 = _spmm(edge_index2[0], edge_index2[1], adj2_vals, xw2)
    hc2 = _relu_matmul(p2, Wcat2)
    q2 = _spmm(edge_index2[0], edge_index2[1], adj2_vals, hc2)
    z2 = _z_only(q2, eps2)
    rec2 = _gram(z2)

    return (rec1, rec2, output)

# --- scband reference (transcript-rebuilt; emitter-appended) ---
"""Pipeline reference for scband-gcnmodel-vae-53644141527286 (READ-ONLY COPY).

The authoritative reference and input builder live on the scoring server;
editing this copy changes nothing except your own understanding.
"""

import jax, jax.numpy as jnp
import numpy as np

N = 10000
E = 320000
D = 128
H1 = 64
H2 = 32


def spmm(edge_index, vals, x, n):
    # sparse adjacency matmul: gather src rows, scale by edge weight, scatter-add to dst
    msgs = x[edge_index[0]] * vals[:, None]
    return jax.ops.segment_sum(msgs, edge_index[1], num_segments=n)


def setup_inputs(seed: int = 0) -> dict:
    key = jax.random.key(seed)
    ks = jax.random.split(key, 16)
    x1 = jax.random.normal(ks[0], (N, D), dtype=jnp.float32)
    edge_index1 = jax.random.randint(ks[1], (2, E), 0, N, dtype=jnp.int32)
    adj1_vals = jax.random.uniform(ks[2], (E,), dtype=jnp.float32)
    eps1 = jax.random.normal(ks[3], (N, H2), dtype=jnp.float32)
    x2 = jax.random.normal(ks[4], (N, D), dtype=jnp.float32)
    edge_index2 = jax.random.randint(ks[5], (2, E), 0, N, dtype=jnp.int32)
    adj2_vals = jax.random.uniform(ks[6], (E,), dtype=jnp.float32)
    eps2 = jax.random.normal(ks[7], (N, H2), dtype=jnp.float32)
    # learned parameters (tf.random_normal_initializer stddev=0.01 equivalent)
    W_h1 = 0.01 * jax.random.normal(ks[8], (D, H1), dtype=jnp.float32)
    W_mean1 = 0.01 * jax.random.normal(ks[9], (H1, H2), dtype=jnp.float32)
    W_logstd1 = 0.01 * jax.random.normal(ks[10], (H1, H2), dtype=jnp.float32)
    W_h2 = 0.01 * jax.random.normal(ks[11], (D, H1), dtype=jnp.float32)
    W_mean2 = 0.01 * jax.random.normal(ks[12], (H1, H2), dtype=jnp.float32)
    W_std2 = 0.01 * jax.random.normal(ks[13], (H1, H2), dtype=jnp.float32)
    W_den = 0.01 * jax.random.normal(ks[14], (H2, H2), dtype=jnp.float32)
    b_den = jnp.zeros((H2,), dtype=jnp.float32)
    return {"x1": x1, "edge_index1": edge_index1, "adj1_vals": adj1_vals, "eps1": eps1,
            "x2": x2, "edge_index2": edge_index2, "adj2_vals": adj2_vals, "eps2": eps2,
            "W_h1": W_h1, "W_mean1": W_mean1, "W_logstd1": W_logstd1,
            "W_h2": W_h2, "W_mean2": W_mean2, "W_std2": W_std2,
            "W_den": W_den, "b_den": b_den}


def reference(x1, edge_index1, adj1_vals, eps1, x2, edge_index2, adj2_vals, eps2,
              W_h1, W_mean1, W_logstd1, W_h2, W_mean2, W_std2, W_den, b_den):
    # graph 1 encoder (dropout = 0.0, so no-op)
    h1 = jax.nn.relu(spmm(edge_index1, adj1_vals, x1 @ W_h1, N))
    z_mean1 = spmm(edge_index1, adj1_vals, h1 @ W_mean1, N)
    z_log_std1 = spmm(edge_index1, adj1_vals, h1 @ W_logstd1, N)
    z1 = z_mean1 + eps1 * jnp.exp(z_log_std1)
    reconstructions1 = z1 @ z1.T  # InnerProductDecoder with identity act
    # graph 2 encoder
    h2 = jax.nn.relu(spmm(edge_index2, adj2_vals, x2 @ W_h2, N))
    z_mean2 = spmm(edge_index2, adj2_vals, h2 @ W_mean2, N)
    z_log_std2 = spmm(edge_index2, adj2_vals, h2 @ W_std2, N)
    z2 = z_mean2 + eps2 * jnp.exp(z_log_std2)
    reconstructions2 = z2 @ z2.T
    # flag=False branch: single dense on z_mean1
    output = z_mean1 @ W_den + b_den
    return (reconstructions1, reconstructions2, output)

if __name__ == "__main__":
    import jax
    _d = setup_inputs()
    print(jax.jit(kernel)(*tuple(_d.values())))

</pallas_src>

<mosaic_0001>
module attributes {stable_mosaic.version = 14 : i64} {
  func.func @_mm_body(%arg0: i32, %arg1: memref<2000x128xf32, #tpu.memory_space<vmem>>, %arg2: memref<128x64xf32, #tpu.memory_space<vmem>>, %arg3: memref<2000x64xf32, #tpu.memory_space<vmem>>) attributes {dimension_semantics = [#tpu.dimension_semantics<arbitrary>], iteration_bounds = array<i64: 5>, scalar_prefetch = 0 : i64, scratch_operands = 0 : i64, tpu.core_type = #tpu.core_type<tc>, window_params = [{transform_indices = @transform_0, window_bounds = array<i64: 2000, 128>}, {pipeline_mode = #tpu.pipeline_mode<synchronous>, transform_indices = @transform_1, window_bounds = array<i64: 128, 64>}, {transform_indices = @transform_2, window_bounds = array<i64: 2000, 64>}]} {
    %get3A = arith.constant 0 : index
    %get3A_0 = arith.constant 0 : index
    %get3A_1 = vector.load %arg1[%get3A, %get3A_0] : memref<2000x128xf32, #tpu.memory_space<vmem>>, vector<2000x128xf32>
    %get3A_2 = arith.constant 0 : index
    %get3A_3 = arith.constant 0 : index
    %get3A_4 = vector.load %arg2[%get3A_2, %get3A_3] : memref<128x64xf32, #tpu.memory_space<vmem>>, vector<128x64xf32>
    %dot_general3A = arith.constant dense<0.000000e+00> : vector<2000x64xf32>
    %dot_general3A_5 = tpu.matmul %get3A_1, %get3A_4, %dot_general3A {dimension_numbers = #tpu.dot_dimension_numbers<[1], [0], [0], [1], [0, 0, 1, 1], [], []>, transpose_lhs_hint = false} : vector<2000x128xf32>, vector<128x64xf32>, vector<2000x64xf32> -> vector<2000x64xf32>
    %swap3A = arith.constant 0 : index
    %swap3A_6 = arith.constant 0 : index
    %swap3A_7 = vector.load %arg3[%swap3A, %swap3A_6] : memref<2000x64xf32, #tpu.memory_space<vmem>>, vector<2000x64xf32>
    tpu.vector_store %arg3[%swap3A, %swap3A_6], %dot_general3A_5 {strides = array<i32>} : memref<2000x64xf32, #tpu.memory_space<vmem>>, vector<2000x64xf32>,
    return
  }
  func.func @transform_0(%arg0: i32) -> (i32, i32) {
    %c0_i32 = arith.constant 0 : i32
    %c0_i32_0 = arith.constant 0 : i32
    return %arg0, %c0_i32 : i32, i32
  }
  func.func @transform_1(%arg0: i32) -> (i32, i32) {
    %c0_i32 = arith.constant 0 : i32
    %c0_i32_0 = arith.constant 0 : i32
    %c0_i32_1 = arith.constant 0 : i32
    return %c0_i32, %c0_i32_0 : i32, i32
  }
  func.func @transform_2(%arg0: i32) -> (i32, i32) {
    %c0_i32 = arith.constant 0 : i32
    %c0_i32_0 = arith.constant 0 : i32
    return %arg0, %c0_i32 : i32, i32
  }
}

module attributes {stable_mosaic.version = 14 : i64} {
  func.func @_relu_mm_body(%arg0: i32, %arg1: memref<2000x64xf32, #tpu.memory_space<vmem>>, %arg2: memref<64x64xf32, #tpu.memory_space<vmem>>, %arg3: memref<2000x64xf32, #tpu.memory_space<vmem>>) attributes {dimension_semantics = [#tpu.dimension_semantics<arbitrary>], iteration_bounds = array<i64: 5>, scalar_prefetch = 0 : i64, scratch_operands = 0 : i64, tpu.core_type = #tpu.core_type<tc>, window_params = [{transform_indices = @transform_0, window_bounds = array<i64: 2000, 64>}, {pipeline_mode = #tpu.pipeline_mode<synchronous>, transform_indices = @transform_1, window_bounds = array<i64: 64, 64>}, {transform_indices = @transform_2, window_bounds = array<i64: 2000, 64>}]} {
    %get3A = arith.constant 0 : index
    %get3A_0 = arith.constant 0 : index
    %get3A_1 = vector.load %arg1[%get3A, %get3A_0] : memref<2000x64xf32, #tpu.memory_space<vmem>>, vector<2000x64xf32>
    %max3A = arith.constant 0.000000e+00 : f32
    %max3A_2 = vector.broadcast %max3A : f32 to vector<2000x64xf32>
    %max3A_3 = arith.maximumf %get3A_1, %max3A_2 : vector<2000x64xf32>
    %get3A_4 = arith.constant 0 : index
    %get3A_5 = arith.constant 0 : index
    %get3A_6 = vector.load %arg2[%get3A_4, %get3A_5] : memref<64x64xf32, #tpu.memory_space<vmem>>, vector<64x64xf32>
    %dot_general3A = arith.constant dense<0.000000e+00> : vector<2000x64xf32>
    %dot_general3A_7 = tpu.matmul %max3A_3, %get3A_6, %dot_general3A {dimension_numbers = #tpu.dot_dimension_numbers<[1], [0], [0], [1], [0, 0, 1, 1], [], []>, transpose_lhs_hint = false} : vector<2000x64xf32>, vector<64x64xf32>, vector<2000x64xf32> -> vector<2000x64xf32>
    %swap3A = arith.constant 0 : index
    %swap3A_8 = arith.constant 0 : index
    %swap3A_9 = vector.load %arg3[%swap3A, %swap3A_8] : memref<2000x64xf32, #tpu.memory_space<vmem>>, vector<2000x64xf32>
    tpu.vector_store %arg3[%swap3A, %swap3A_8], %dot_general3A_7 {strides = array<i32>} : memref<2000x64xf32, #tpu.memory_space<vmem>>, vector<2000x64xf32>,
    return
  }
  func.func @transform_0(%arg0: i32) -> (i32, i32) {
    %c0_i32 = arith.constant 0 : i32
    %c0_i32_0 = arith.constant 0 : i32
    return %arg0, %c0_i32 : i32, i32
  }
  func.func @transform_1(%arg0: i32) -> (i32, i32) {
    %c0_i32 = arith.constant 0 : i32
    %c0_i32_0 = arith.constant 0 : i32
    %c0_i32_1 = arith.constant 0 : i32
    return %c0_i32, %c0_i32_0 : i32, i32
  }
  func.func @transform_2(%arg0: i32) -> (i32, i32) {
    %c0_i32 = arith.constant 0 : i32
    %c0_i32_0 = arith.constant 0 : i32
    return %arg0, %c0_i32 : i32, i32
  }
}

module attributes {stable_mosaic.version = 14 : i64} {
  func.func @_z_head_body(%arg0: i32, %arg1: memref<2000x64xf32, #tpu.memory_space<vmem>>, %arg2: memref<2000x32xf32, #tpu.memory_space<vmem>>, %arg3: memref<32x32xf32, #tpu.memory_space<vmem>>, %arg4: memref<32xf32, #tpu.memory_space<vmem>>, %arg5: memref<2000x32xf32, #tpu.memory_space<vmem>>, %arg6: memref<2000x32xf32, #tpu.memory_space<vmem>>) attributes {dimension_semantics = [#tpu.dimension_semantics<arbitrary>], iteration_bounds = array<i64: 5>, scalar_prefetch = 0 : i64, scratch_operands = 0 : i64, tpu.core_type = #tpu.core_type<tc>, window_params = [{transform_indices = @transform_0, window_bounds = array<i64: 2000, 64>}, {transform_indices = @transform_1, window_bounds = array<i64: 2000, 32>}, {pipeline_mode = #tpu.pipeline_mode<synchronous>, transform_indices = @transform_2, window_bounds = array<i64: 32, 32>}, {pipeline_mode = #tpu.pipeline_mode<synchronous>, transform_indices = @transform_3, window_bounds = array<i64: 32>}, {transform_indices = @transform_4, window_bounds = array<i64: 2000, 32>}, {transform_indices = @transform_5, window_bounds = array<i64: 2000, 32>}]} {
    %get3A = arith.constant 0 : index
    %get3A_0 = arith.constant 0 : index
    %get3A_1 = vector.load %arg1[%get3A, %get3A_0] : memref<2000x64xf32, #tpu.memory_space<vmem>>, vector<2000x64xf32>
    %slice3A = vector.extract_strided_slice %get3A_1 {offsets = [0, 0], sizes = [2000, 32], strides = [1, 1]} : vector<2000x64xf32> to vector<2000x32xf32>
    %slice3A_2 = vector.extract_strided_slice %get3A_1 {offsets = [0, 32], sizes = [2000, 32], strides = [1, 1]} : vector<2000x64xf32> to vector<2000x32xf32>
    %get3A_3 = arith.constant 0 : index
    %get3A_4 = arith.constant 0 : index
    %get3A_5 = vector.load %arg2[%get3A_3, %get3A_4] : memref<2000x32xf32, #tpu.memory_space<vmem>>, vector<2000x32xf32>
    %exp3A = math.exp %slice3A_2 : vector<2000x32xf32>
    %mul3A = arith.mulf %get3A_5, %exp3A : vector<2000x32xf32>
    %add3A = arith.addf %slice3A, %mul3A : vector<2000x32xf32>
    %swap3A = arith.constant 0 : index
    %swap3A_6 = arith.constant 0 : index
    %swap3A_7 = vector.load %arg5[%swap3A, %swap3A_6] : memref<2000x32xf32, #tpu.memory_space<vmem>>, vector<2000x32xf32>
    tpu.vector_store %arg5[%swap3A, %swap3A_6], %add3A {strides = array<i32>} : memref<2000x32xf32, #tpu.memory_space<vmem>>, vector<2000x32xf32>,
    %get3A_8 = arith.constant 0 : index
    %get3A_9 = arith.constant 0 : index
    %get3A_10 = vector.load %arg3[%get3A_8, %get3A_9] : memref<32x32xf32, #tpu.memory_space<vmem>>, vector<32x32xf32>
    %dot_general3A = arith.constant dense<0.000000e+00> : vector<2000x32xf32>
    %dot_general3A_11 = tpu.matmul %slice3A, %get3A_10, %dot_general3A {dimension_numbers = #tpu.dot_dimension_numbers<[1], [0], [0], [1], [0, 0, 1, 1], [], []>, transpose_lhs_hint = false} : vector<2000x32xf32>, vector<32x32xf32>, vector<2000x32xf32> -> vector<2000x32xf32>
    %get3A_12 = arith.constant 0 : index
    %get3A_13 = vector.load %arg4[%get3A_12] : memref<32xf32, #tpu.memory_space<vmem>>, vector<32xf32>
    %broadcast_in_dim3A = vector.shape_cast %get3A_13 : vector<32xf32> to vector<1x32xf32>
    %add3A_14 = vector.broadcast %broadcast_in_dim3A : vector<1x32xf32> to vector<2000x32xf32>
    %add3A_15 = arith.addf %dot_general3A_11, %add3A_14 : vector<2000x32xf32>
    %swap3A_16 = arith.constant 0 : index
    %swap3A_17 = arith.constant 0 : index
    %swap3A_18 = vector.load %arg6[%swap3A_16, %swap3A_17] : memref<2000x32xf32, #tpu.memory_space<vmem>>, vector<2000x32xf32>
    tpu.vector_store %arg6[%swap3A_16, %swap3A_17], %add3A_15 {strides = array<i32>} : memref<2000x32xf32, #tpu.memory_space<vmem>>, vector<2000x32xf32>,
    return
  }
  func.func @transform_0(%arg0: i32) -> (i32, i32) {
    %c0_i32 = arith.constant 0 : i32
    %c0_i32_0 = arith.constant 0 : i32
    return %arg0, %c0_i32 : i32, i32
  }
  func.func @transform_1(%arg0: i32) -> (i32, i32) {
    %c0_i32 = arith.constant 0 : i32
    %c0_i32_0 = arith.constant 0 : i32
    return %arg0, %c0_i32 : i32, i32
  }
  func.func @transform_2(%arg0: i32) -> (i32, i32) {
    %c0_i32 = arith.constant 0 : i32
    %c0_i32_0 = arith.constant 0 : i32
    %c0_i32_1 = arith.constant 0 : i32
    return %c0_i32, %c0_i32_0 : i32, i32
  }
  func.func @transform_3(%arg0: i32) -> i32 {
    %c0_i32 = arith.constant 0 : i32
    %c0_i32_0 = arith.constant 0 : i32
    return %c0_i32 : i32
  }
  func.func @transform_4(%arg0: i32) -> (i32, i32) {
    %c0_i32 = arith.constant 0 : i32
    %c0_i32_0 = arith.constant 0 : i32
    return %arg0, %c0_i32 : i32, i32
  }
  func.func @transform_5(%arg0: i32) -> (i32, i32) {
    %c0_i32 = arith.constant 0 : i32
    %c0_i32_0 = arith.constant 0 : i32
    return %arg0, %c0_i32 : i32, i32
  }
}

module attributes {stable_mosaic.version = 14 : i64} {
  func.func @_z_body(%arg0: i32, %arg1: memref<2000x64xf32, #tpu.memory_space<vmem>>, %arg2: memref<2000x32xf32, #tpu.memory_space<vmem>>, %arg3: memref<2000x32xf32, #tpu.memory_space<vmem>>) attributes {dimension_semantics = [#tpu.dimension_semantics<arbitrary>], iteration_bounds = array<i64: 5>, scalar_prefetch = 0 : i64, scratch_operands = 0 : i64, tpu.core_type = #tpu.core_type<tc>, window_params = [{transform_indices = @transform_0, window_bounds = array<i64: 2000, 64>}, {transform_indices = @transform_1, window_bounds = array<i64: 2000, 32>}, {transform_indices = @transform_2, window_bounds = array<i64: 2000, 32>}]} {
    %get3A = arith.constant 0 : index
    %get3A_0 = arith.constant 0 : index
    %get3A_1 = vector.load %arg1[%get3A, %get3A_0] : memref<2000x64xf32, #tpu.memory_space<vmem>>, vector<2000x64xf32>
    %slice3A = vector.extract_strided_slice %get3A_1 {offsets = [0, 0], sizes = [2000, 32], strides = [1, 1]} : vector<2000x64xf32> to vector<2000x32xf32>
    %get3A_2 = arith.constant 0 : index
    %get3A_3 = arith.constant 0 : index
    %get3A_4 = vector.load %arg2[%get3A_2, %get3A_3] : memref<2000x32xf32, #tpu.memory_space<vmem>>, vector<2000x32xf32>
    %slice3A_5 = vector.extract_strided_slice %get3A_1 {offsets = [0, 32], sizes = [2000, 32], strides = [1, 1]} : vector<2000x64xf32> to vector<2000x32xf32>
    %exp3A = math.exp %slice3A_5 : vector<2000x32xf32>
    %mul3A = arith.mulf %get3A_4, %exp3A : vector<2000x32xf32>
    %add3A = arith.addf %slice3A, %mul3A : vector<2000x32xf32>
    %swap3A = arith.constant 0 : index
    %swap3A_6 = arith.constant 0 : index
    %swap3A_7 = vector.load %arg3[%swap3A, %swap3A_6] : memref<2000x32xf32, #tpu.memory_space<vmem>>, vector<2000x32xf32>
    tpu.vector_store %arg3[%swap3A, %swap3A_6], %add3A {strides = array<i32>} : memref<2000x32xf32, #tpu.memory_space<vmem>>, vector<2000x32xf32>,
    return
  }
  func.func @transform_0(%arg0: i32) -> (i32, i32) {
    %c0_i32 = arith.constant 0 : i32
    %c0_i32_0 = arith.constant 0 : i32
    return %arg0, %c0_i32 : i32, i32
  }
  func.func @transform_1(%arg0: i32) -> (i32, i32) {
    %c0_i32 = arith.constant 0 : i32
    %c0_i32_0 = arith.constant 0 : i32
    return %arg0, %c0_i32 : i32, i32
  }
  func.func @transform_2(%arg0: i32) -> (i32, i32) {
    %c0_i32 = arith.constant 0 : i32
    %c0_i32_0 = arith.constant 0 : i32
    return %arg0, %c0_i32 : i32, i32
  }
}

module attributes {stable_mosaic.version = 14 : i64} {
  func.func @_gram_body(%arg0: i32, %arg1: i32, %arg2: memref<1024x32xf32, #tpu.memory_space<vmem>>, %arg3: memref<2048x32xf32, #tpu.memory_space<vmem>>, %arg4: memref<1024x2048xf32, #tpu.memory_space<vmem>>) attributes {dimension_semantics = [#tpu.dimension_semantics<arbitrary>, #tpu.dimension_semantics<arbitrary>], iteration_bounds = array<i64: 10, 5>, scalar_prefetch = 0 : i64, scratch_operands = 0 : i64, tpu.core_type = #tpu.core_type<tc>, window_params = [{transform_indices = @transform_0, window_bounds = array<i64: 1024, 32>}, {transform_indices = @transform_1, window_bounds = array<i64: 2048, 32>}, {transform_indices = @transform_2, window_bounds = array<i64: 1024, 2048>}]} {
    %get3A = arith.constant 0 : index
    %get3A_0 = arith.constant 0 : index
    %get3A_1 = vector.load %arg2[%get3A, %get3A_0] : memref<1024x32xf32, #tpu.memory_space<vmem>>, vector<1024x32xf32>
    %get3A_2 = arith.constant 0 : index
    %get3A_3 = arith.constant 0 : index
    %get3A_4 = vector.load %arg3[%get3A_2, %get3A_3] : memref<2048x32xf32, #tpu.memory_space<vmem>>, vector<2048x32xf32>
    %dot_general3A = arith.constant dense<0.000000e+00> : vector<1024x2048xf32>
    %dot_general3A_5 = tpu.matmul %get3A_1, %get3A_4, %dot_general3A {dimension_numbers = #tpu.dot_dimension_numbers<[1], [1], [0], [0], [0, 0, 1, 0], [], []>, transpose_lhs_hint = false} : vector<1024x32xf32>, vector<2048x32xf32>, vector<1024x2048xf32> -> vector<1024x2048xf32>
    %swap3A = arith.constant 0 : index
    %swap3A_6 = arith.constant 0 : index
    %swap3A_7 = vector.load %arg4[%swap3A, %swap3A_6] : memref<1024x2048xf32, #tpu.memory_space<vmem>>, vector<1024x2048xf32>
    tpu.vector_store %arg4[%swap3A, %swap3A_6], %dot_general3A_5 {strides = array<i32>} : memref<1024x2048xf32, #tpu.memory_space<vmem>>, vector<1024x2048xf32>,
    return
  }
  func.func @transform_0(%arg0: i32, %arg1: i32) -> (i32, i32) {
    %c0_i32 = arith.constant 0 : i32
    %c0_i32_0 = arith.constant 0 : i32
    return %arg0, %c0_i32 : i32, i32
  }
  func.func @transform_1(%arg0: i32, %arg1: i32) -> (i32, i32) {
    %c0_i32 = arith.constant 0 : i32
    %c0_i32_0 = arith.constant 0 : i32
    return %arg1, %c0_i32 : i32, i32
  }
  func.func @transform_2(%arg0: i32, %arg1: i32) -> (i32, i32) {
    %c0_i32 = arith.constant 0 : i32
    return %arg0, %arg1 : i32, i32
  }
}

</mosaic_0001>

<sc_bundles>
// kernel: scatter_offload_async_start.1
scs
__scs_entry_jumppad:
0x0: {  	(pc) =	sbr.rel $0x88, $3  }
0x1: {  	(tag) =	ssettag $0x0;
	lr =	simm.s32 $0x1  }
0x2: {  	[smem:$0x3F91] =	sst lr;
	_ =	strace $0xD0000000  }
0x3: {  	_ = 	snop  }
0x4: {  	_ = 	snop  }
0x5: {  	_ = 	snop  }
0x6: {  	_ = 	snop  }
0x7: {  	_ = 	snop  }
__scs_overlays_trampoline_lowered:
0x8: {  	[smem:$0x3FA0] =	sst s0  }
0x9: {  	[smem:$0x3FA1] =	sst s1  }
0xa: {  	[smem:$0x3FA2] =	sst s2  }
0xb: {  	[smem:$0x3FA3] =	sst s3  }
0xc: {  	[smem:$0x3FA4] =	sst s4  }
0xd: {  	[smem:$0x3FA5] =	sst s5  }
0xe: {  	[smem:$0x3FA6] =	sst s6  }
0xf: {  	[smem:$0x3FA7] =	sst s7  }
0x10: {  	[smem:$0x3FA8] =	sst s8  }
0x11: {  	[smem:$0x3FA9] =	sst s9;
	s0 =	simm.s32 @!p0 $0x0  }
0x12: {  	s1 =	sld [smem:$0x3F8F];
	s0 =	simm.s32 @p0 $0x1  }
0x13: {  	[smem:$0x3FAA] =	sst s0;
	s0 =	simm.s32 @!p1 $0x0  }
0x14: {  	s2 =	sld [smem:$0x3F8E];
	s0 =	simm.s32 @p1 $0x1  }
0x15: {  	[smem:$0x3FAB] =	sst s0;
	s0 =	simm.s32 @!p2 $0x0  }
0x16: {  	s3 =	sld [smem:$0x3FDB];
	s0 =	simm.s32 @p2 $0x1  }
0x17: {  	s4 =	simm.s32 $0x1BF5;
	[smem:$0x3FAD] =	sst s0  }
0x18: {  	s0 =	sld [smem:$0x3F90];
	_ =	swait.ge [sflag:s4], $0x0  }
0x19: {  	s7 =	sld [smem:$0x3F91]  }
0x1a: {  	s8 =	sadd.s32 $0xFFFFE003, lr  }
0x1b: {  	s9 =	sadd.s32 $0xFFFFFEF7, lr;
	s5 =	simm.s32 $0xFFFFFFFF;
	p2 =	slt.u32 s8, $0xFFFFF086  }
0x1c: {  	p1 =	slt.u32 s9, $0xF7A;
	s5 =	simm.s32 @!p2 $0x0  }
0x1d: {  	s5 =	simm.s32 @p1 $0x1;
	p0 =	seq.s32 s7, s2  }
0x1e: {  	s7 =	smul.u32 @!p0 $0xF7A, s2;
	p2 =	seq.s32 @!p0 s5, $0x0  }
0x1f: {  	s9 =	smul.u32 $0xF7A, s1;
	s8 =	simm.s32 @!p0 $0x1BF5;
	p2 =	por !p2, p0  }
0x20: {  	[sflag:s8] =	ssyncset.s32 @!p0 $0xFFFFF086;
	s6 =	sadd.s32 @!p0 s3, s7;
	s7 =	simm.s32 @!p0 $0x108  }
0x21: {  	s3 =	sadd.s32 s3, s9;
	s6 =	sadd.s32 @!p0 $0x88, s6;
	s7 =	simm.s32 @p2 $0x1082  }
0x22: {  	[simem:s7], [sflag:s8] =	dma.local @!p0 [hbm:s6], $0xF7A  }
0x23: {  	s9 =	sor.u32 $0xD0000000, s2;
	s6 =	simm.s32 $0x108;
	_ =	swait.ge @!p0 [sflag:s8], $0x0  }
0x24: {  	s3 =	sadd.s32 $0x88, s3;
	s6 =	simm.s32 @!p1 $0x1082;
	[sflag:s4] =	ssyncset.s32 $0xFFFFF086  }
0x25: {  	[simem:s6], [sflag:s4] =	dma.local [hbm:s3], $0xF7A  }
0x26: {  	[smem:$0x3F91] =	sst s1;
	(tag) =	ssettag s2;
	_ =	strace s9  }
0x27: {  	s1 =	sld [smem:$0x3FA1]  }
0x28: {  	s2 =	sld [smem:$0x3FA2]  }
0x29: {  	s4 =	sld [smem:$0x3FA4]  }
0x2a: {  	p0 =	seq.s32 s5, $0x0;
	s5 =	sld [smem:$0x3FA5]  }
0x2b: {  	s6 =	sld [smem:$0x3FA6]  }
0x2c: {  	s7 =	sld [smem:$0x3FA7]  }
0x2d: {  	s3 =	simm.s32 $0x108;
	s8 =	sld [smem:$0x3FA8]  }
0x2e: {  	s3 =	simm.s32 @!p0 $0x1082;
	s9 =	sld [smem:$0x3FA9]  }
0x2f: {  	lr =	sadd.s32 s0, s3;
	s0 =	sld [smem:$0x3FA0]  }
0x30: {  	s3 =	sld [smem:$0x3FA3]  }
0x31: {  	[smem:$0x3FAC] =	sst s10  }
0x32: {  	s10 =	sld [smem:$0x3FAA];
	_ =	sdelay $0x3  }
0x33: {  	p0 =	seq.s32 s10, $0x1;
	s10 =	sld [smem:$0x3FAC];
	_ =	sdelay $0x3  }
0x34: {  	[smem:$0x3FAC] =	sst s10  }
0x35: {  	s10 =	sld [smem:$0x3FAB];
	_ =	sdelay $0x3  }
0x36: {  	p1 =	seq.s32 s10, $0x1;
	s10 =	sld [smem:$0x3FAC];
	_ =	sdelay $0x3  }
0x37: {  	[smem:$0x3FAC] =	sst s10  }
0x38: {  	s10 =	sld [smem:$0x3FAD]  }
0x39: {  	_ = 	snop;
	(pc) =	sbr.ind lr, $3  }
0x3a: {  	_ = 	snop  }
0x3b: {  	_ = 	snop  }
0x3c: {  	p2 =	seq.s32 s10, $0x1;
	s10 =	sld [smem:$0x3FAC]  }
0x3d: {  	_ =	shalt  }
0x3e: {  	_ =	shalt  }
0x3f: {  	_ =	shalt  }
0x40: {  	_ =	shalt  }
0x41: {  	_ =	shalt  }
0x42: {  	_ =	shalt  }
0x43: {  	_ =	shalt  }
0x44: {  	_ =	shalt  }
0x45: {  	_ =	shalt  }
0x46: {  	_ =	shalt  }
0x47: {  	_ =	shalt  }
0x48: {  	_ =	shalt  }
0x49: {  	_ =	shalt  }
0x4a: {  	_ =	shalt  }
0x4b: {  	_ =	shalt  }
0x4c: {  	_ =	shalt  }
0x4d: {  	_ =	shalt  }
0x4e: {  	_ =	shalt  }
0x4f: {  	_ =	shalt  }
0x50: {  	_ =	shalt  }
0x51: {  	_ =	shalt  }
0x52: {  	_ =	shalt  }
0x53: {  	_ =	shalt  }
0x54: {  	_ =	shalt  }
0x55: {  	_ =	shalt  }
0x56: {  	_ =	shalt  }
0x57: {  	_ =	shalt  }
0x58: {  	_ =	shalt  }
0x59: {  	_ =	shalt  }
0x5a: {  	_ =	shalt  }
0x5b: {  	_ =	shalt  }
0x5c: {  	_ =	shalt  }
0x5d: {  	_ =	shalt  }
0x5e: {  	_ =	shalt  }
0x5f: {  	_ =	shalt  }
0x60: {  	_ =	shalt  }
0x61: {  	_ =	shalt  }
0x62: {  	_ =	shalt  }
0x63: {  	_ =	shalt  }
0x64: {  	_ =	shalt  }
0x65: {  	_ =	shalt  }
0x66: {  	_ =	shalt  }
0x67: {  	_ =	shalt  }
0x68: {  	_ =	shalt  }
0x69: {  	_ =	shalt  }
0x6a: {  	_ =	shalt  }
0x6b: {  	_ =	shalt  }
0x6c: {  	_ =	shalt  }
0x6d: {  	_ =	shalt  }
0x6e: {  	_ =	shalt  }
0x6f: {  	_ =	shalt  }
0x70: {  	_ =	shalt  }
0x71: {  	_ =	shalt  }
0x72: {  	_ =	shalt  }
0x73: {  	_ =	shalt  }
0x74: {  	_ =	shalt  }
0x75: {  	_ =	shalt  }
0x76: {  	_ =	shalt  }
0x77: {  	_ =	shalt  }
0x78: {  	_ =	shalt  }
0x79: {  	_ =	shalt  }
0x7a: {  	_ =	shalt  }
0x7b: {  	_ =	shalt  }
0x7c: {  	_ =	shalt  }
0x7d: {  	_ =	shalt  }
0x7e: {  	_ =	shalt  }
0x7f: {  	_ =	shalt  }
0x80: {  	_ =	shalt  }
0x81: {  	_ =	shalt  }
0x82: {  	_ =	shalt  }
0x83: {  	_ =	shalt  }
0x84: {  	_ =	shalt  }
0x85: {  	_ =	shalt  }
0x86: {  	_ =	shalt  }
0x87: {  	_ =	shalt  }
.Lfunc_end0:
.L_simem_size_0:
called_computation.1_lowered:
.L_overlay_start_0:
0x88: {  	s2 =	sld [smem:$0x3FD9]  }
0x89: {  	s3 =	sld [smem:$0x3FFE];
	_ =	sdelay $0x1  }
0x8a: {  	s1 =	srdreg.scid  }
0x8b: {  	s0 =	sand.u32 $0x1, s1  }
0x8c: {  	s10 =	sshll.u32 s0, $0xA;
	s2 =	sadd.s32 s3, s2  }
0x8d: {  	s2 =	sadd.s32 s2, s10  }
0x8e: {  	[smem:$0x3FB8] =	sst s2  }
0x8f: {  	_ = 	snop  }
0x90: {  	s2 =	sld [smem:$0x3FD0];
	_ =	sdelay $0x2  }
0x91: {  	s4 =	simm.s32 $0xD;
	s11 =	simm.s32 $0x10  }
0x92: {  	[smem:s11], [sflag:s4] =	dma.local [hbm:s2], $0x1  }
0x93: {  	_ =	swait.eq [sflag:s4], $0x1  }
0x94: {  	[sflag:s4] =	ssyncset.done $0x0  }
0x95: {  	s12 =	sld [smem:$0x11];
	[sflag:s4] =	ssyncadd.s32 $0xFFFFFFFF  }
0x96: {  	s13 =	sld [smem:$0x12];
	(tm) =	ssettm $0x1  }
0x97: {  	s14 =	sld [smem:$0x3FFB];
	_ =	sdelay $0x3  }
0x98: {  	_ =	strace s14  }
0x99: {  	s2 =	sld [smem:$0x3FFC];
	_ =	sdelay $0x3  }
0x9a: {  	_ =	strace s2  }
0x9b: {  	s2 =	sld [smem:$0x3FFD];
	_ =	sdelay $0x3  }
0x9c: {  	_ =	strace s2  }
0x9d: {  	_ =	strace $0x8FFFFFFF  }
0x9e: {  	s15 =	sld [smem:$0x3FDB];
	_ =	sdelay $0x1  }
0x9f: {  	s5 =	simm.s32 $_scs_section_size  }
0xa0: {  	s6 =	simm.s32 $_size__tile_overlayer_lowered;
	s7 =	simm.s32 $_tile_overlayer_lowered  }
0xa1: {  	s19 =	simm.s32 $0x1BFF;
	s17 =	sshll.u32 s7, $0x1;
	s8 =	sadd.s32 s5, s15  }
0xa2: {  	s20 =	simm.s32 $0x0;
	s16 =	sshll.u32 s6, $0x1;
	s18 =	sadd.s32 s17, s8  }
0xa3: {  	[timem:s20], [sflag:s19] =	dma.local [hbm:s18], s16  }
0xa4: {  	_ =	swait.ge [sflag:s19], s16  }
0xa5: {  	s5 =	ssub.s32 $0x0, s16;
	[sflag:s19] =	ssyncset.done $0x0  }
0xa6: {  	[sflag:s19] =	ssyncadd.s32 s5;
	_ =	sdelay $0x1  }
0xa7: {  	s21 =	simm.s32 $0x1B8B  }
0xa8: {  	_ =	swait.ge [sflag:s21], $0x1  }
0xa9: {  	[sflag:s21] =	ssyncset.done $0x0  }
0xaa: {  	[sflag:s21] =	ssyncadd.s32 $0xFFFFFFFF  }
0xab: {  	s5 =	sld [smem:$0x0]  }
0xac: {  	s6 =	sand.u32 $0xFFFFFFFE, s1  }
0xad: {  	p0 =	sne.s32 s1, s6  }
0xae: {  	s6 =	sshll.u32 @p0 s6, $0xE  }
0xaf: {  	s7 =	sadd.s32 @p0 $0x11B8D, s6;
	s9 =	sshll.u32 @p0 s5, $0x11  }
0xb0: {  	s7 =	sor.u32 @p0 s9, s7  }
0xb1: {  	[sflag:s7] =	ssyncadd.remote.s32 @p0 $0x1;
	_ =	sdelay $0x1  }
0xb2: {  	s7 =	simm.s32 @p0 $0x1B8D  }
0xb3: {  	_ =	swait.eq @p0 [sflag:s7], $0x1  }
0xb4: {  	[sflag:s7] =	ssyncadd.s32 @p0 $0xFFFFFFFF  }
0xb5: {  	s9 =	sshll.u32 @!p0 s1, $0xE  }
0xb6: {  	s9 =	sor.u32 @!p0 $0x4000, s9;
	s7 =	simm.s32 @!p0 $0x1B8D  }
0xb7: {  	s11 =	sshll.u32 @!p0 s5, $0x11;
	s10 =	sadd.s32 @!p0 $0x11B8D, s9;
	_ =	swait.eq @!p0 [sflag:s7], $0x1  }
0xb8: {  	[sflag:s7] =	ssyncadd.s32 @!p0 $0xFFFFFFFF;
	s7 =	sor.u32 @!p0 s11, s10  }
0xb9: {  	s23 =	simm.s32 $0x1B8E;
	s22 =	sld [smem:$0x3FFE];
	[sflag:s7] =	ssyncadd.remote.s32 @!p0 $0x1  }
0xba: {  	s24 =	simm.s32 $execute0_lowered;
	[smem:$0x3FD2] =	sst s23  }
0xbb: {  	s10 =	sshll.u32 s24, $0x1;
	_ =	strace $0x80000052;
	[dreg:$0x1] =	wrdreg $0xFFFFFFFF  }
0xbc: {  	s25 =	simm.s32 $_size_execute0_lowered;
	s10 =	sadd.s32 s8, s10;
	[dreg:$0x0] =	wrdreg $0x0  }
0xbd: {  	s11 =	sshll.u32 s25, $0x1;
	[dreg:$0x2] =	wrdreg s10  }
0xbe: {  	[dreg:$0x3] =	wrdreg s11  }
0xbf: {  	[dreg:$0x4] =	wrdreg $0xC0  }
0xc0: {  	s26 =	simm.s32 $execute1_lowered;
	_ =	task [dreg:s20], $0x5FFFF  }
0xc1: {  	s10 =	sshll.u32 s26, $0x1;
	[dreg:$0x1] =	wrdreg $0xFFFFFFFF  }
0xc2: {  	s8 =	sadd.s32 s8, s10;
	[dreg:$0x0] =	wrdreg $0x60  }
0xc3: {  	[dreg:$0x2] =	wrdreg s8  }
0xc4: {  	[dreg:$0x3] =	wrdreg s22  }
0xc5: {  	[dreg:$0x4] =	wrdreg $0x9  }
0xc6: {  	_ =	task.clear_ibuf [dreg:s20], $0x5FFFF;
	_ =	strace $0x90000052  }
0xc7: {  	s28 =	simm.s32 $0x9;
	_ =	strace $0x80000054  }
0xc8: {  	_ =	swait.ge [sflag:s28], $0x1  }
0xc9: {  	[sflag:s28] =	ssyncadd.s32 $0xFFFFFFFF  }
0xca: {  	_ =	strace $0x90000054  }
0xcb: {  	s8 =	sld [smem:$0x0];
	_ =	sdelay $0x3  }
0xcc: {  	s6 =	sadd.s32 @p0 $0x11BF3, s6;
	s10 =	sshll.u32 @p0 s8, $0x11  }
0xcd: {  	s6 =	sor.u32 @p0 s10, s6  }
0xce: {  	[sflag:s6] =	ssyncadd.remote.s32 @p0 $0x1;
	_ =	sdelay $0x1  }
0xcf: {  	s6 =	simm.s32 @p0 $0x1BF3  }
0xd0: {  	_ =	swait.eq @p0 [sflag:s6], $0x1  }
0xd1: {  	[sflag:s6] =	ssyncadd.s32 @p0 $0xFFFFFFFF;
	_ =	sdelay $0x1  }
0xd2: {  	s6 =	simm.s32 @!p0 $0x1BF3  }
0xd3: {  	s9 =	sadd.s32 @!p0 $0x11BF3, s9;
	s8 =	sshll.u32 @!p0 s8, $0x11;
	_ =	swait.eq @!p0 [sflag:s6], $0x1  }
0xd4: {  	[sflag:s6] =	ssyncadd.s32 @!p0 $0xFFFFFFFF;
	s6 =	sor.u32 @!p0 s8, s9  }
0xd5: {  	[sflag:s6] =	ssyncadd.remote.s32 @!p0 $0x1  }
0xd6: {  	_ =	strace $0x80000055;
	[dreg:$0x1] =	wrdreg $0xFFFFFFFF  }
0xd7: {  	[dreg:$0x0] =	wrdreg $0x2030  }
0xd8: {  	[dreg:$0x2] =	wrdreg s22  }
0xd9: {  	[dreg:$0x3] =	wrdreg s13  }
0xda: {  	[dreg:$0x4] =	wrdreg s12  }
0xdb: {  	[dreg:$0x5] =	wrdreg s1  }
0xdc: {  	[dreg:$0x6] =	wrdreg s5  }
0xdd: {  	[dreg:$0x7] =	wrdreg $0xA  }
0xde: {  	_ =	task.clear_ibuf [dreg:s20], $0x8FFFF;
	_ =	strace $0x90000055  }
0xdf: {  	s29 =	simm.s32 $0xA;
	_ =	strace $0x80000057  }
0xe0: {  	_ =	swait.ge [sflag:s29], $0x1  }
0xe1: {  	[sflag:s29] =	ssyncadd.s32 $0xFFFFFFFF  }
0xe2: {  	_ =	strace $0x90000057  }
0xe3: {  	_ =	sfence  }
0xe4: {  	s30 =	sld [smem:$0x0];
	_ =	sdelay $0x2  }
0xe5: {  	s31 =	sshll.u32 s1, $0xD;
	s1 =	sshrl.u32 s1, $0x2  }
0xe6: {  	s4 =	sand.u32 $0x4000, s31;
	s1 =	sadd.s32 s1, s30  }
0xe7: {  	s0 =	sor.u32 s4, s0;
	s1 =	sshll.u32 s1, $0x11  }
0xe8: {  	s0 =	sor.u32 s1, s0  }
0xe9: {  	s0 =	sadd.s32 $0x8F2B, s0  }
0xea: {  	[sflag:s0] =	ssyncadd.remote.s32 $0x1  }
0xeb: {  	_ =	sfence.sel $0xFFFF  }
0xec: {  	[dreg:$0x0] =	wrdreg $0xFFFFFFFF;
	(pc) =	sbr.abs _section_cstart, $3  }
0xed: {  	[dreg:$0x1] =	wrdreg $0xFFFFFFFF  }
0xee: {  	_ =	task.clear_ibuf [dreg:s20], $0x2FFFF;
	_ =	strace $0x9FFFFFFF  }
0xef: {  	(tm) =	ssettm $0x7FFFFFFF  }
tec
execute0_lowered:
.L_overlay_start_1:
0x0: {  	(tag) =	ssettag $0x1  }
0x1: {  	s2 =	rddreg [dreg:$0x0]  }
0x2: {  	s5 =	rddreg [dreg:$0x1]  }
0x3: {  	s0 =	rddreg [dreg:$0x2];
	s3 =	stileid.u32;
	[bflag:$0x3] =	sbarrier.arrive $0xFFFF  }
0x4: {  	s1 =	simm.s32 $_size_execute1_lowered;
	s29 =	srdreg.scid;
	s31 =	simm.s32 $0x2  }
0x5: {  	s13 =	simm.s32 $0x0;
	s8 =	simm.s32 $0x40;
	p0 =	sne.s32 s3, $0x0  }
0x6: {  	s1 =	sshll.u32 s1, $0x1;
	s4 =	simm.s32 @!p0 $0x1C3F;
	s6 =	simm.s32 @!p0 $0x4060  }
0x7: {  	[timem:s6], [sflag:s4] =	dma.local @!p0 [hbm:s2], s1  }
0x8: {  	s9 =	simm.s32 $0x80;
	s11 =	simm.s32 $0x0;
	s2 =	sshll.u32 s29, $0x8  }
.Ltmp0:
0x9: {  	s3 =	sshll.u32 s3, $0x9;
	s30 =	sand.u32 $0x100, s2;
	(pc) =	sbr.rel .LBB2_1-.Ltmp0, $4  }
0xa: {  	s12 =	simm.s32 $0x0;
	s4 =	simm.s32 $0x1;
	s3 =	sor.u32 s3, s30  }
0xb: {  	_ =	strace $0x80000053;
	s2 =	sadd.s32 $0x13C00, s5;
	s7 =	ssub.s32 $0x2700, s3  }
0xc: {  	s5 =	sadd.s32 $0x3AE00, s5;
	[sflag:s4] =	ssyncpa.u1 $0x0;
	s6 =	sshrl.u32 s7, $0xD  }
0xd: {  	[sflag:s31] =	ssyncpa.u1 $0x0;
	s10 =	smov.u32 s3;
	s7 =	sor.u32 $0x2, s6  }
.LBB2_5:
0xe: {  	_ =	sdelay $0x3  }
0xf: {  	[tilespmem:v3+s18+$0x0 ss:$0x1] =	vst.idx.msk $0xffff, v1  }
0x10: {  	[tilespmem:v3+s17+$0x0 ss:$0x1] =	vst.idx.msk $0xffff, v2  }
0x11: {  	[tilespmem:v3+s16+$0x0 ss:$0x1] =	vst.idx.msk $0xffff, v4  }
0x12: {  	[tilespmem:v3+s19+$0x0 ss:$0x1] =	vst.idx.msk $0xffff, v5  }
.LBB2_6:
0x13: {  	s16 =	sand.u32 $0x1FFFFFF, s11  }
0x14: {  	s17 =	smulhi.u32 $0x1A36E2F, s16;
	_ =	sdelay $0x1  }
0x15: {  	s17 =	sshrl.u32 s17, $0x6  }
0x16: {  	s17 =	smul.u32 $0x2710, s17;
	_ =	sdelay $0x1  }
0x17: {  	s16 =	ssub.s32 s16, s17  }
0x18: {  	s16 =	sshll.u32 s16, $0x4  }
0x19: {  	s16 =	sadd.s32 s5, s16  }
0x1a: {  	[hbm4b:s16+s8] =	stream.strided.scatter [tilespmem:s15], [sflag:$0x2], s14, s9, s8, $0x38;
	[tilespmem:$0x10000] =	vst v63  }
.LBB2_7:
0x1b: {  	p1 =	slt.u32 s12, $0x2  }
0x1c: {  	p2 =	sgt.s32 @!p1 s13, $0x2610  }
0x1d: {  	s14 =	smov.u32 s13;
	s15 =	sshra.s32 @!p1 s13, $0x1F;
	p2 =	por !p2, p1  }
0x1e: {  	s13 =	sand.u32 @!p1 s15, s13;
	s14 =	simm.s32 @p2 $0x2610  }
0x1f: {  	s13 =	ssub.s32 @!p1 s14, s13  }
0x20: {  	s13 =	sadd.s32 @!p1 $0xFFFFD9F0, s13  }
0x21: {  	s14 =	sshll.u32 @!p1 s13, $0x8  }
0x22: {  	p2 =	sgt.s32 @!p1 s13, $0xFF;
	s13 =	ssub.s32 @!p1 $0x10000, s14  }
0x23: {  	s15 =	sadd.s32 $0x2000, s10;
	p2 =	por !p2, p1;
	s13 =	sshrl.u32 @!p1 s13, $0x2  }
0x24: {  	s13 =	simm.s32 @!p2 $0x0;
	p2 =	sgt.s32 s15, $0x270F  }
0x25: {  	s15 =	smov.u32 @p2 s3;
	p2 =	sne.s32 s12, s7  }
.Ltmp1:
0x26: {  	_ = 	snop;
	(pc) =	sbr.rel @!p2 .LBB2_8-.Ltmp1, $4  }
0x27: {  	s14 =	simm.s32 @!p1 $0x2  }
0x28: {  	_ =	swait.ge @!p1 [sflag:s14], s13;
	s16 =	ssub.s32 @!p1 $0x0, s13  }
0x29: {  	s13 =	smov.u32 s11;
	s12 =	sadd.s32 $0x1, s12;
	[sflag:s14] =	ssyncset.done @!p1 $0x0  }
0x2a: {  	s11 =	smov.u32 s10;
	s10 =	smov.u32 s15;
	[sflag:s14] =	ssyncadd.s32 @!p1 s16  }
.LBB2_1:
0x2b: {  	p1 =	sgt.u32 s12, s6  }
0x2c: {  	s15 =	smov.u32 s10;
	p2 =	sgt.s32 @!p1 s10, $0x2610  }
0x2d: {  	s14 =	sand.u32 @!p1 $0x1FFFFFF, s10;
	s16 =	sshra.s32 @!p1 s10, $0x1F;
	p2 =	por !p2, p1  }
0x2e: {  	s17 =	smulhi.u32 @!p1 $0x1A36E2F, s14;
	s16 =	sand.u32 @!p1 s16, s10;
	s15 =	simm.s32 @p2 $0x2610  }
0x2f: {  	s15 =	ssub.s32 @!p1 s15, s16  }
0x30: {  	s16 =	sshrl.u32 @!p1 s17, $0x6;
	s15 =	sadd.s32 @!p1 $0xFFFFD9F0, s15  }
0x31: {  	s17 =	sxor.u32 @!p1 $0xFFFFFFFF, s12;
	s16 =	smul.u32 @!p1 $0x2710, s16;
	s18 =	sshll.u32 @!p1 s15, $0x8  }
0x32: {  	s17 =	sshll.u32 @!p1 s17, $0xE;
	p2 =	sgt.s32 @!p1 s15, $0xFF;
	s15 =	ssub.s32 @!p1 $0x10000, s18  }
0x33: {  	s14 =	ssub.s32 @!p1 s14, s16;
	p2 =	por !p2, p1;
	s16 =	sand.u32 @!p1 $0x4000, s17  }
0x34: {  	s17 =	simm.s32 @!p1 $0x40;
	s15 =	sshrl.u32 @!p1 s15, $0x2;
	s14 =	sshll.u32 @!p1 s14, $0x4  }
0x35: {  	s18 =	simm.s32 @!p1 $0x80;
	s15 =	simm.s32 @!p2 $0x0;
	s14 =	sadd.s32 @!p1 s2, s14  }
0x36: {  	[tilespmem:s16], [sflag:$0x1] =	stream.strided.gather @!p1 [hbm4b:s14+s17], s15, s18, s17, $0x38;
	[tilespmem:$0x10000] =	vst v63  }
0x37: {  	p1 =	seq.s32 s12, $0x0  }
0x38: {  	p2 =	sge.u32 @!p1 s12, s7  }
0x39: {  	p1 =	por p1, p2  }
.Ltmp2:
0x3a: {  	_ = 	snop;
	(pc) =	sbr.rel @p1 .LBB2_7-.Ltmp2, $1  }
0x3b: {  	_ =	sdelay $0x3  }
0x3c: {  	p1 =	sgt.s32 s11, $0x2610;
	s14 =	smov.u32 s11;
	s15 =	sshra.s32 s11, $0x1F  }
0x3d: {  	s14 =	simm.s32 @!p1 $0x2610;
	s15 =	sand.u32 s15, s11  }
0x3e: {  	s14 =	ssub.s32 s14, s15  }
0x3f: {  	s14 =	sadd.s32 $0xFFFFD9F0, s14  }
0x40: {  	s31 =	sshll.u32 s14, $0x8  }
0x41: {  	s15 =	ssub.s32 $0x10000, s31  }
0x42: {  	p1 =	sgt.s32 s14, $0xFF;
	s14 =	sshrl.u32 s15, $0x2;
	s15 =	sadd.s32 $0x100, s11  }
0x43: {  	s14 =	simm.s32 @p1 $0x0;
	p1 =	slt.s32 s15, $0x2710  }
0x44: {  	s15 =	simm.s32 @!p1 $0x2710  }
0x45: {  	s20 =	ssub.s32 s15, s11  }
0x46: {  	p1 =	slt.s32 s20, $0x1  }
.Ltmp3:
0x47: {  	_ = 	snop;
	(pc) =	sbr.rel @p1 .LBB2_6-.Ltmp3, $4  }
0x48: {  	_ = 	snop  }
0x49: {  	s16 =	sshll.u32 s12, $0xE;
	_ =	swait.ge [sflag:s4], s14  }
0x4a: {  	s16 =	sand.u32 $0x4000, s16;
	s17 =	ssub.s32 $0x0, s14;
	[sflag:s4] =	ssyncset.done $0x0  }
0x4b: {  	s15 =	sor.u32 $0x8000, s16;
	[sflag:s4] =	ssyncadd.s32 s17  }
0x4c: {  	v0 =	vmov s16;
	_ =	sdelay $0x2  }
0x4d: {  	s31 =	simm.s32 $0x0;
	p1 =	sne.s32 s20, $0x1  }
.Ltmp4:
0x4e: {  	s18 =	sand.u32 $0x3FC0, s31;
	(pc) =	sbr.rel @!p1 .LBB2_5-.Ltmp4, $4  }
0x4f: {  	s17 =	sor.u32 $0x30, s18;
	v1 =	vld.idx.msk [tilespmem:v0+s18+$0x0 ss:$0x1], $0xffff  }
0x50: {  	v3 =	vmov s15;
	s16 =	sor.u32 $0x10, s18;
	v2 =	vld.idx.msk [tilespmem:v0+s17+$0x0 ss:$0x1], $0xffff  }
0x51: {  	s19 =	sor.u32 $0x20, s18;
	v4 =	vld.idx.msk [tilespmem:v0+s16+$0x0 ss:$0x1], $0xffff  }
0x52: {  	s20 =	sadd.s32 $0xFFFFFFFF, s20;
	s21 =	simm.s32 $0x40;
	v5 =	vld.idx.msk [tilespmem:v0+s19+$0x0 ss:$0x1], $0xffff  }
.LBB2_4:
0x53: {  	s22 =	sand.u32 $0x3FC0, s21  }
0x54: {  	p1 =	sne.s32 s20, $0x1;
	s20 =	sadd.s32 $0xFFFFFFFF, s20;
	s23 =	sor.u32 $0x10, s22  }
.Ltmp5:
0x55: {  	s24 =	sor.u32 $0x20, s22;
	s25 =	sor.u32 $0x30, s22;
	[tilespmem:v3+s18+$0x0 ss:$0x1] =	vst.idx.msk $0xffff, v1;
	v1 =	vld.idx.msk [tilespmem:v0+s22+$0x0 ss:$0x1], $0xffff;
	(pc) =	sbr.rel @p1 .LBB2_4-.Ltmp5, $4  }
0x56: {  	s18 =	smov.u32 s22;
	[tilespmem:v3+s17+$0x0 ss:$0x1] =	vst.idx.msk $0xffff, v2;
	v2 =	vld.idx.msk [tilespmem:v0+s25+$0x0 ss:$0x1], $0xffff;
	s17 =	smov.u32 s25  }
0x57: {  	[tilespmem:v3+s16+$0x0 ss:$0x1] =	vst.idx.msk $0xffff, v4;
	v4 =	vld.idx.msk [tilespmem:v0+s23+$0x0 ss:$0x1], $0xffff;
	s16 =	smov.u32 s23  }
0x58: {  	[tilespmem:v3+s19+$0x0 ss:$0x1] =	vst.idx.msk $0xffff, v5;
	v5 =	vld.idx.msk [tilespmem:v0+s24+$0x0 ss:$0x1], $0xffff;
	s19 =	smov.u32 s24  }
0x59: {  	s21 =	sadd.s32 $0x40, s21  }
.Ltmp6:
0x5a: {  	_ = 	snop;
	(pc) =	sbr.rel .LBB2_5-.Ltmp6, $1  }
0x5b: {  	_ =	sdelay $0x3  }
.LBB2_8:
0x5c: {  	_ =	sfence.sel $0x180000  }
0x5d: {  	s2 =	simm.s32 $0x1;
	[bflag:$0x0] =	sbarrier.arrive $0xFFFF  }
0x5e: {  	s31 =	simm.s32 $0x2;
	[sflag:s2] =	ssyncpa.u1 $0x1  }
0x5f: {  	[sflag:s31] =	ssyncpa.u1 $0x1  }
0x60: {  	_ =	strace $0x90000053  }
0x61: {  	s0 =	sadd.s32 @!p0 $0x100000, s0;
	[bflag:$0x2] =	sbarrier.arrive $0xFFFF  }
0x62: {  	[sflag:s0] =	ssyncadd.tile.s32 @!p0 $0x1;
	s0 =	simm.s32 @!p0 $0x3F  }
0x63: {  	_ =	swait.ge @!p0 [sflag:s0], s1  }
0x64: {  	s1 =	ssub.s32 @!p0 $0x0, s1;
	[sflag:s0] =	ssyncset.done @!p0 $0x0  }
0x65: {  	[sflag:s0] =	ssyncadd.s32 @!p0 s1  }
0x66: {  	[bflag:$0x3] =	sbarrier.arrive $0xFFFF  }
0x67: {  	_ =	shalt  }
.Lfunc_end2:
execute1_lowered:
.L_overlay_start_2:
0x68: {  	(tag) =	ssettag $0x2  }
0x69: {  	s2 =	rddreg [dreg:$0x0]  }
0x6a: {  	s0 =	rddreg [dreg:$0x1]  }
0x6b: {  	s6 =	rddreg [dreg:$0x2]  }
0x6c: {  	s4 =	rddreg [dreg:$0x3];
	_ =	strace $0x80000056;
	s1 =	simm.s32 $0x1  }
0x6d: {  	s3 =	simm.s32 $0x88;
	v0 =	vimm.s32 $0x0;
	[sflag:s1] =	ssyncpa.u1 $0x0  }
0x6e: {  	[tilespmem:s3+$0x30] =	vst v0  }
0x6f: {  	s1 =	sadd.s32 $0x3AE00, s2;
	[tilespmem:s3+$0x20] =	vst v0  }
0x70: {  	s2 =	sadd.s32 $0x9E00, s2;
	s7 =	sand.u32 $0x1, s4;
	s4 =	simm.s32 $0x40;
	[tilespmem:s3+$0x10] =	vst v0  }
.LBB3_1:
0x71: {  	s4 =	sadd.s32 $0x40, s4  }
0x72: {  	[tilespmem:s3+$0x0] =	vst v0;
	s3 =	sadd.s32 $0x40, s3;
	p0 =	slt.u32 s4, $0x5040  }
.Ltmp7:
0x73: {  	(pc) =	sbr.rel @p0 .LBB3_1-.Ltmp7, $4  }
0x74: {  	_ = 	snop  }
0x75: {  	[tilespmem:s3+$0x30] =	vst v0  }
0x76: {  	[tilespmem:s3+$0x20] =	vst v0  }
0x77: {  	[tilespmem:s3+$0x10] =	vst v0  }
0x78: {  	s8 =	stileid.u32  }
0x79: {  	s4 =	smul.u32 $0x1F, s8  }
0x7a: {  	s5 =	smin.u32 s8, $0x4  }
0x7b: {  	s4 =	sadd.s32 s5, s4  }
0x7c: {  	p0 =	slt.u32 s8, $0x4;
	s12 =	smul.u32 $0x140, s4;
	s4 =	simm.s32 $0x2800  }
0x7d: {  	s4 =	simm.s32 @!p0 $0x26C0  }
0x7e: {  	s25 =	simm.s32 $0x2;
	s4 =	sadd.s32 s4, s12  }
0x7f: {  	s28 =	simm.s32 $0x9;
	s9 =	simm.s32 $0xA;
	s14 =	smin.u32 s4, $0x27100  }
0x80: {  	s30 =	simm.s32 $0xB;
	[dreg:$0x6] =	wrdreg s7;
	s4 =	ssub.s32 s14, s12  }
0x81: {  	s31 =	smul.u32 $0x4E20, s7;
	s13 =	simm.s32 $0x1;
	p0 =	sgt.s32 s4, $0x0  }
0x82: {  	s19 =	simm.s32 $0x0;
	s20 =	simm.s32 $0xA808;
	s4 =	simm.s32 @!p0 $0x0  }
0x83: {  	s21 =	simm.s32 $0xFFFFFFFF;
	p1 =	por $0x0, $0x0;
	s26 =	smulhi.u32 $0x66666667, s4  }
0x84: {  	[tilespmem:s3+$0x0] =	vst v0;
	s23 =	simm.s32 $0x0;
	[sflag:s25] =	ssyncpa.u1 $0x0;
	s18 =	sshll.u32 s8, $0x7  }
0x85: {  	s0 =	sadd.s32 s31, s0;
	[dreg:$0xc] =	wrdreg s18;
	s3 =	sshrl.u32 s26, $0x7  }
0x86: {  	v0 =	vimm.s32 $0xFFFFFFFF;
	s17 =	sadd.s32 s31, s2;
	[dreg:$0xb] =	wrdreg s0;
	s29 =	smul.u32 $0x140, s3  }
0x87: {  	s25 =	simm.s32 $0x0;
	[tilespmem:$0xA108] =	vst v0;
	[sflag:s28] =	ssyncpa.u1 $0x0;
	[dreg:$0xa] =	wrdreg s17  }
.Ltmp8:
0x88: {  	p0 =	sne.s32 s4, s29;
	s4 =	simm.s32 $0x1;
	(pc) =	sbr.rel .LBB3_3-.Ltmp8, $4  }
0x89: {  	[sflag:s9] =	ssyncpa.u1 $0x0;
	[dreg:$0x7] =	wrdreg s12;
	s4 =	simm.s32 @!p0 $0x0  }
0x8a: {  	[sflag:s30] =	ssyncpa.u1 $0x0;
	[dreg:$0x8] =	wrdreg s14;
	s15 =	sadd.s32 s4, s3  }
0x8b: {  	s24 =	smov.u32 s12;
	s22 =	sadd.s32 $0x1, s15;
	[dreg:$0x9] =	wrdreg s15  }
0x8c: {  	v0 =	vlaneseq.u32;
	s26 =	simm.s32 $0x0;
	p0 =	por $0x1, $0x1;
	[dreg:$0xd] =	wrdreg s22  }
.LBB3_22:
0x8d: {  	s0 =	sshrl.u32 s3, $0x2  }
.LBB3_24:
0x8e: {  	s3 =	simm.s32 $0xC  }
0x8f: {  	_ =	swait.ge [sflag:s3], s0  }
0x90: {  	s31 =	ssub.s32 $0x0, s0;
	v1 =	vmov s4;
	vm0 =	veq.s32 v0, $0x0;
	[sflag:s3] =	ssyncset.done $0x0  }
0x91: {  	vm15 =	veq.s32 v0, $0x2;
	v1 =	vsel vm0, s2, v1;
	[sflag:s3] =	ssyncadd.s32 s31  }
0x92: {  	v1 =	vsel vm15, s26, v1;
	[sflag:s3] =	ssyncpa.u1 $0x1  }
0x93: {  	[tilespmem:$0xA108] =	vst v1  }
.LBB3_25:
0x94: {  	s0 =	sadd.s32 $0x140, s24  }
0x95: {  	s2 =	smov.u32 s12;
	p2 =	slt.s32 s0, s14  }
0x96: {  	s2 =	smov.u32 @p2 s0;
	p2 =	sne.s32 s25, s22  }
.Ltmp9:
0x97: {  	_ = 	snop;
	(pc) =	sbr.rel @!p2 .LBB3_26-.Ltmp9, $4  }
0x98: {  	_ = 	snop  }
0x99: {  	s26 =	smov.u32 s23;
	s31 =	sadd.s32 $0x1, s25;
	p0 =	por !p0, !p0  }
0x9a: {  	s23 =	smov.u32 s24;
	s20 =	sadd.s32 $0x140, s20;
	s21 =	sadd.s32 $0x1, s21  }
0x9b: {  	p1 =	por !p1, !p1;
	s25 =	smov.u32 s31;
	s24 =	smov.u32 s2  }
.LBB3_3:
0x9c: {  	p2 =	sge.u32 s25, s15  }
0x9d: {  	s0 =	smulhi.u32 @!p2 $0xAAAAAAAB, s25  }
0x9e: {  	s2 =	smov.u32 s24;
	p3 =	sgt.s32 @!p2 s24, $0x26FC0  }
0x9f: {  	s3 =	sshra.s32 @!p2 s24, $0x1F;
	p3 =	por !p3, p2;
	s0 =	sshrl.u32 @!p2 s0, $0x1  }
0xa0: {  	s3 =	sand.u32 @!p2 s3, s24;
	s2 =	simm.s32 @p3 $0x26FC0;
	s0 =	smul.u32 @!p2 $0x3, s0  }
0xa1: {  	s2 =	ssub.s32 @!p2 s2, s3  }
0xa2: {  	s2 =	sadd.s32 @!p2 $0xFFFD9040, s2;
	s0 =	ssub.s32 @!p2 s25, s0  }
0xa3: {  	s3 =	sshll.u32 @!p2 s2, $0x2;
	p3 =	sgt.s32 @!p2 s2, $0x13F;
	s0 =	smul.u32 @!p2 $0x500, s0  }
0xa4: {  	s4 =	sand.u32 @!p2 $0x7, s24;
	s2 =	ssub.s32 @!p2 $0x500, s3;
	p3 =	por !p3, p2  }
0xa5: {  	s3 =	sshrl.u32 @!p2 s24, $0x3;
	s2 =	sshrl.u32 @!p2 s2, $0x2;
	s0 =	sshrl.u32 @!p2 s0, $0x2  }
0xa6: {  	s3 =	sadd.s32 @!p2 s3, s17;
	s2 =	simm.s32 @!p3 $0x0;
	s0 =	sadd.s32 @!p2 $0xA948, s0  }
0xa7: {  	[tilespmem:s0], [sflag:$0xA] =	stream.linear.gather @!p2 [hbm4b:s3+s4], s2, $0x38;
	[tilespmem:$0x1EF88] =	vst v63  }
0xa8: {  	s0 =	sadd.s32 $0xFFFFFFFF, s25  }
0xa9: {  	p2 =	sge.u32 s0, s15  }
.Ltmp10:
0xaa: {  	_ = 	snop;
	(pc) =	sbr.rel @p2 .LBB3_7-.Ltmp10, $1  }
0xab: {  	_ =	sdelay $0x3  }
0xac: {  	p2 =	sgt.s32 s23, $0x26FC0;
	s2 =	smov.u32 s23;
	s3 =	sshra.s32 s23, $0x1F  }
0xad: {  	s2 =	simm.s32 @!p2 $0x26FC0;
	s3 =	sand.u32 s3, s23  }
0xae: {  	s17 =	smulhi.u32 $0xAAAAAAAB, s21;
	s2 =	ssub.s32 s2, s3  }
0xaf: {  	s0 =	sand.u32 $0x1, s0;
	s2 =	sadd.s32 $0xFFFD9040, s2  }
0xb0: {  	s5 =	simm.s32 $0xA;
	s3 =	sshrl.u32 s17, $0x1;
	s4 =	sshll.u32 s2, $0x2  }
0xb1: {  	s7 =	sshrl.u32 s23, $0x3;
	s3 =	smul.u32 $0xFFFFF100, s3;
	s4 =	ssub.s32 $0x500, s4  }
0xb2: {  	s18 =	smul.u32 $0x500, s0;
	p2 =	sgt.s32 s2, $0x13F;
	s2 =	sshrl.u32 s4, $0x2  }
0xb3: {  	s9 =	sand.u32 $0x7, s23;
	s3 =	sshra.s32 s3, $0x2;
	s2 =	simm.s32 @p2 $0x0  }
0xb4: {  	s0 =	sadd.s32 s3, s20;
	s4 =	sshrl.u32 s18, $0x2;
	_ =	swait.ge [sflag:s5], s2  }
0xb5: {  	s22 =	ssub.s32 $0x0, s2;
	[sflag:s5] =	ssyncset.done $0x0;
	s8 =	rddreg [dreg:$0xb]  }
0xb6: {  	s4 =	sadd.s32 $0xAD08, s4;
	[sflag:s5] =	ssyncadd.s32 s22;
	s3 =	sadd.s32 s7, s8  }
0xb7: {  	[tilespmem:s4], [sflag:$0xB] =	stream.linear.gather [hbm4b:s3+s9], s2, $0x38;
	[tilespmem:$0x1EF88] =	vst v63  }
0xb8: {  	v1 =	vld.msk [tilespmem:s0+$0x0], $0xffff;
	_ =	sdelay $0x4  }
0xb9: {  	v1 =	vshll.u32 v1, $0x4  }
0xba: {  	(v2sf) =	vpush v1, $0x0  }
0xbb: {  	(v2sf) =	vpush v1, $0x1  }
0xbc: {  	(v2sf) =	vpush v1, $0x2;
	_ =	sdelay $0x3  }
0xbd: {  	(v2sf) =	vpush v1, $0x3;
	_ =	sdelay $0x1  }
0xbe: {  	(v2sf) =	vpush v1, $0x4  }
0xbf: {  	s2 =	simm.s32 $0x1;
	(v2sf) =	vpush v1, $0x5  }
0xc0: {  	s2 =	simm.s32 @!p0 $0x0  }
0xc1: {  	s2 =	smul.u32 $0x28000, s2;
	(v2sf) =	vpush v1, $0x6;
	_ =	sdelay $0x1  }
0xc2: {  	s2 =	sshrl.u32 s2, $0x2  }
0xc3: {  	s28 =	sadd.s32 $0xB708, s2  }
0xc4: {  	s12 =	sadd.s32 $0xFFFFF880, s28;
	s17 =	sadd.s32 $0xFFFFF900, s28;
	s10 =	spop (v2sf);
	(v2sf) =	vpush v1, $0x7  }
0xc5: {  	s18 =	sadd.s32 $0xFFFFF980, s28;
	s11 =	sand.u32 $0x1FFFFFF0, s10;
	s14 =	spop (v2sf)  }
0xc6: {  	(v2sf) =	vpush v1, $0x8;
	s2 =	sadd.s32 s6, s11;
	s15 =	sand.u32 $0x1FFFFFF0, s14;
	s16 =	spop (v2sf)  }
0xc7: {  	[tilespmem:s12], [sflag:$0x9] =	stream.linear.gather [hbm4b:s2+s19], $0x40, $0x38;
	[tilespmem:$0x1EF88] =	vst v63  }
0xc8: {  	s5 =	sadd.s32 $0xFFFFFA00, s28;
	s2 =	sadd.s32 s6, s15;
	s3 =	sand.u32 $0x1FFFFFF0, s16  }
0xc9: {  	(v2sf) =	vpush v1, $0x9;
	[tilespmem:s17], [sflag:$0x9] =	stream.linear.gather [hbm4b:s2+s19], $0x40, $0x38;
	[tilespmem:$0x1EF88] =	vst v63  }
0xca: {  	s7 =	sadd.s32 $0xFFFFFA80, s28;
	s22 =	spop (v2sf);
	s3 =	sadd.s32 s6, s3  }
0xcb: {  	(v2sf) =	vpush v1, $0xA;
	[tilespmem:s18], [sflag:$0x9] =	stream.linear.gather [hbm4b:s3+s19], $0x40, $0x38;
	[tilespmem:$0x1EF88] =	vst v63  }
0xcc: {  	s11 =	sadd.s32 $0xFFFFFB00, s28;
	s4 =	spop (v2sf);
	(v2sf) =	vpush v1, $0xB;
	s3 =	sand.u32 $0x1FFFFFF0, s22  }
0xcd: {  	s8 =	spop (v2sf);
	s2 =	sadd.s32 s6, s3;
	s3 =	sand.u32 $0x1FFFFFF0, s4  }
0xce: {  	(v2sf) =	vpush v1, $0xC;
	[tilespmem:s5], [sflag:$0x9] =	stream.linear.gather [hbm4b:s2+s19], $0x40, $0x38;
	[tilespmem:$0x1EF88] =	vst v63  }
0xcf: {  	s9 =	sand.u32 $0x1FFFFFF0, s8;
	s10 =	spop (v2sf);
	s3 =	sadd.s32 s6, s3  }
0xd0: {  	(v2sf) =	vpush v1, $0xD;
	[tilespmem:s7], [sflag:$0x9] =	stream.linear.gather [hbm4b:s3+s19], $0x40, $0x38;
	[tilespmem:$0x1EF88] =	vst v63  }
0xd1: {  	s12 =	sadd.s32 $0xFFFFFB80, s28;
	s2 =	sadd.s32 s6, s9;
	s3 =	sand.u32 $0x1FFFFFF0, s10  }
0xd2: {  	[tilespmem:s11], [sflag:$0x9] =	stream.linear.gather [hbm4b:s2+s19], $0x40, $0x38;
	[tilespmem:$0x1EF88] =	vst v63  }
0xd3: {  	s17 =	sadd.s32 $0xFFFFFC00, s28;
	s3 =	sadd.s32 s6, s3;
	s14 =	spop (v2sf)  }
0xd4: {  	[tilespmem:s12], [sflag:$0x9] =	stream.linear.gather [hbm4b:s3+s19], $0x40, $0x38;
	(v2sf) =	vpush v1, $0xE;
	[tilespmem:$0x1EF88] =	vst v63  }
0xd5: {  	s18 =	sadd.s32 $0xFFFFFC80, s28;
	s15 =	sand.u32 $0x1FFFFFF0, s14;
	s16 =	spop (v2sf)  }
0xd6: {  	s5 =	sadd.s32 $0xFFFFFD00, s28;
	(v2sf) =	vpush v1, $0xF;
	s2 =	sadd.s32 s6, s15;
	s3 =	sand.u32 $0x1FFFFFF0, s16  }
0xd7: {  	[tilespmem:s17], [sflag:$0x9] =	stream.linear.gather [hbm4b:s2+s19], $0x40, $0x38;
	[tilespmem:$0x1EF88] =	vst v63  }
0xd8: {  	s7 =	sadd.s32 $0xFFFFFD80, s28;
	s22 =	spop (v2sf);
	s3 =	sadd.s32 s6, s3  }
0xd9: {  	[tilespmem:s18], [sflag:$0x9] =	stream.linear.gather [hbm4b:s3+s19], $0x40, $0x38;
	[tilespmem:$0x1EF88] =	vst v63  }
0xda: {  	s11 =	sadd.s32 $0xFFFFFE00, s28;
	s4 =	spop (v2sf);
	s3 =	sand.u32 $0x1FFFFFF0, s22  }
0xdb: {  	s8 =	spop (v2sf);
	s2 =	sadd.s32 s6, s3;
	s3 =	sand.u32 $0x1FFFFFF0, s4  }
0xdc: {  	[tilespmem:s5], [sflag:$0x9] =	stream.linear.gather [hbm4b:s2+s19], $0x40, $0x38;
	[tilespmem:$0x1EF88] =	vst v63  }
0xdd: {  	s9 =	sand.u32 $0x1FFFFFF0, s8;
	s10 =	spop (v2sf);
	s3 =	sadd.s32 s6, s3  }
0xde: {  	[tilespmem:s7], [sflag:$0x9] =	stream.linear.gather [hbm4b:s3+s19], $0x40, $0x38;
	[tilespmem:$0x1EF88] =	vst v63  }
0xdf: {  	s14 =	spop (v2sf);
	s2 =	sadd.s32 s6, s9;
	s3 =	sand.u32 $0x1FFFFFF0, s10  }
0xe0: {  	[tilespmem:s11], [sflag:$0x9] =	stream.linear.gather [hbm4b:s2+s19], $0x40, $0x38;
	[tilespmem:$0x1EF88] =	vst v63  }
0xe1: {  	s12 =	sadd.s32 $0xFFFFFE80, s28;
	s15 =	sand.u32 $0x1FFFFFF0, s14;
	s3 =	sadd.s32 s6, s3  }
0xe2: {  	[tilespmem:s12], [sflag:$0x9] =	stream.linear.gather [hbm4b:s3+s19], $0x40, $0x38;
	[tilespmem:$0x1EF88] =	vst v63  }
0xe3: {  	s17 =	sadd.s32 $0xFFFFFF00, s28;
	s2 =	sadd.s32 s6, s15;
	s16 =	spop (v2sf)  }
0xe4: {  	[tilespmem:s17], [sflag:$0x9] =	stream.linear.gather [hbm4b:s2+s19], $0x40, $0x38;
	[tilespmem:$0x1EF88] =	vst v63  }
0xe5: {  	s29 =	simm.s32 $0x0;
	s3 =	sand.u32 $0x1FFFFFF0, s16;
	s18 =	spop (v2sf)  }
0xe6: {  	s22 =	sadd.s32 $0xFFFFFF80, s28;
	s3 =	sadd.s32 s6, s3;
	s2 =	sand.u32 $0x1FFFFFF0, s18  }
0xe7: {  	[tilespmem:s22], [sflag:$0x9] =	stream.linear.gather [hbm4b:s3+s19], $0x40, $0x38;
	[tilespmem:$0x1EF88] =	vst v63  }
0xe8: {  	s31 =	sadd.s32 $0x10, s0;
	s30 =	sadd.s32 $0x800, s28;
	s2 =	sadd.s32 s6, s2  }
.LBB3_5:
0xe9: {  	[tilespmem:s28], [sflag:$0x9] =	stream.linear.gather [hbm4b:s2+s19], $0x40, $0x38;
	[tilespmem:$0x1EF88] =	vst v63  }
0xea: {  	s29 =	sadd.s32 $0x10, s29;
	s28 =	smov.u32 s30  }
0xeb: {  	p2 =	slt.u32 s29, $0x130;
	v1 =	vld.msk [tilespmem:s31+$0x0], $0xffff;
	_ =	sdelay $0x4  }
0xec: {  	v1 =	vshll.u32 v1, $0x4  }
0xed: {  	(v2sf) =	vpush v1, $0x0  }
0xee: {  	(v2sf) =	vpush v1, $0x1  }
0xef: {  	(v2sf) =	vpush v1, $0x2;
	_ =	sdelay $0x1  }
0xf0: {  	(v2sf) =	vpush v1, $0x3;
	_ =	sdelay $0x1  }
0xf1: {  	(v2sf) =	vpush v1, $0x4;
	_ =	sdelay $0x1  }
0xf2: {  	(v2sf) =	vpush v1, $0x5;
	_ =	sdelay $0x1  }
0xf3: {  	(v2sf) =	vpush v1, $0x6  }
0xf4: {  	s4 =	sadd.s32 $0xFFFFFE80, s30;
	s0 =	sadd.s32 $0xFFFFFF00, s30  }
0xf5: {  	s3 =	sadd.s32 $0xFFFFFD00, s30;
	s2 =	sadd.s32 $0xFFFFFD80, s30;
	s5 =	sadd.s32 $0xFFFFFE00, s30;
	(v2sf) =	vpush v1, $0x7  }
0xf6: {  	s10 =	sadd.s32 $0xFFFFFB80, s30;
	s9 =	sadd.s32 $0xFFFFFC00, s30;
	s16 =	sadd.s32 $0xFFFFFC80, s30  }
0xf7: {  	s11 =	sadd.s32 $0xFFFFFA00, s30;
	s12 =	sadd.s32 $0xFFFFFA80, s30;
	s15 =	sadd.s32 $0xFFFFFB00, s30;
	(v2sf) =	vpush v1, $0x8  }
0xf8: {  	s18 =	sadd.s32 $0xFFFFF900, s30;
	s7 =	sadd.s32 $0xFFFFF980, s30;
	s22 =	spop (v2sf)  }
0xf9: {  	s8 =	sadd.s32 $0xFFFFF880, s30;
	s22 =	sand.u32 $0x1FFFFFF0, s22;
	s14 =	spop (v2sf);
	(v2sf) =	vpush v1, $0x9  }
0xfa: {  	s22 =	sadd.s32 s6, s22;
	s14 =	sand.u32 $0x1FFFFFF0, s14;
	s17 =	spop (v2sf)  }
0xfb: {  	[tilespmem:s8], [sflag:$0x9] =	stream.linear.gather [hbm4b:s22+s19], $0x40, $0x38;
	(v2sf) =	vpush v1, $0xA;
	[tilespmem:$0x1EF88] =	vst v63  }
0xfc: {  	s8 =	sadd.s32 s6, s14;
	s14 =	sand.u32 $0x1FFFFFF0, s17;
	s17 =	spop (v2sf)  }
0xfd: {  	[tilespmem:s18], [sflag:$0x9] =	stream.linear.gather [hbm4b:s8+s19], $0x40, $0x38;
	(v2sf) =	vpush v1, $0xB;
	[tilespmem:$0x1EF88] =	vst v63  }
0xfe: {  	s8 =	sadd.s32 s6, s14;
	s14 =	sand.u32 $0x1FFFFFF0, s17;
	s17 =	spop (v2sf)  }
0xff: {  	[tilespmem:s7], [sflag:$0x9] =	stream.linear.gather [hbm4b:s8+s19], $0x40, $0x38;
	(v2sf) =	vpush v1, $0xC;
	[tilespmem:$0x1EF88] =	vst v63  }
0x100: {  	s7 =	sadd.s32 s6, s14;
	s8 =	sand.u32 $0x1FFFFFF0, s17;
	s14 =	spop (v2sf)  }
0x101: {  	[tilespmem:s11], [sflag:$0x9] =	stream.linear.gather [hbm4b:s7+s19], $0x40, $0x38;
	(v2sf) =	vpush v1, $0xD;
	[tilespmem:$0x1EF88] =	vst v63  }
0x102: {  	s7 =	sadd.s32 s6, s8;
	s8 =	sand.u32 $0x1FFFFFF0, s14;
	s11 =	spop (v2sf)  }
0x103: {  	[tilespmem:s12], [sflag:$0x9] =	stream.linear.gather [hbm4b:s7+s19], $0x40, $0x38;
	(v2sf) =	vpush v1, $0xE;
	[tilespmem:$0x1EF88] =	vst v63  }
0x104: {  	s7 =	sadd.s32 s6, s8;
	s8 =	sand.u32 $0x1FFFFFF0, s11;
	s11 =	spop (v2sf)  }
0x105: {  	[tilespmem:s15], [sflag:$0x9] =	stream.linear.gather [hbm4b:s7+s19], $0x40, $0x38;
	(v2sf) =	vpush v1, $0xF;
	[tilespmem:$0x1EF88] =	vst v63  }
0x106: {  	s7 =	sadd.s32 s6, s8;
	s8 =	sand.u32 $0x1FFFFFF0, s11;
	s11 =	spop (v2sf)  }
0x107: {  	[tilespmem:s10], [sflag:$0x9] =	stream.linear.gather [hbm4b:s7+s19], $0x40, $0x38;
	[tilespmem:$0x1EF88] =	vst v63  }
0x108: {  	s7 =	sadd.s32 s6, s8;
	s8 =	sand.u32 $0x1FFFFFF0, s11;
	s10 =	spop (v2sf)  }
0x109: {  	[tilespmem:s9], [sflag:$0x9] =	stream.linear.gather [hbm4b:s7+s19], $0x40, $0x38;
	[tilespmem:$0x1EF88] =	vst v63  }
0x10a: {  	s7 =	sadd.s32 s6, s8;
	s8 =	sand.u32 $0x1FFFFFF0, s10;
	s9 =	spop (v2sf)  }
0x10b: {  	[tilespmem:s16], [sflag:$0x9] =	stream.linear.gather [hbm4b:s7+s19], $0x40, $0x38;
	[tilespmem:$0x1EF88] =	vst v63  }
0x10c: {  	s7 =	sadd.s32 s6, s8;
	s8 =	sand.u32 $0x1FFFFFF0, s9;
	s9 =	spop (v2sf)  }
0x10d: {  	[tilespmem:s3], [sflag:$0x9] =	stream.linear.gather [hbm4b:s7+s19], $0x40, $0x38;
	[tilespmem:$0x1EF88] =	vst v63  }
0x10e: {  	s3 =	sadd.s32 s6, s8;
	s7 =	sand.u32 $0x1FFFFFF0, s9;
	s8 =	spop (v2sf)  }
0x10f: {  	[tilespmem:s2], [sflag:$0x9] =	stream.linear.gather [hbm4b:s3+s19], $0x40, $0x38;
	[tilespmem:$0x1EF88] =	vst v63  }
0x110: {  	s2 =	sadd.s32 s6, s7;
	s3 =	sand.u32 $0x1FFFFFF0, s8;
	s7 =	spop (v2sf)  }
0x111: {  	[tilespmem:s5], [sflag:$0x9] =	stream.linear.gather [hbm4b:s2+s19], $0x40, $0x38;
	[tilespmem:$0x1EF88] =	vst v63  }
0x112: {  	s2 =	sadd.s32 s6, s3;
	s3 =	sand.u32 $0x1FFFFFF0, s7;
	s5 =	spop (v2sf)  }
0x113: {  	[tilespmem:s4], [sflag:$0x9] =	stream.linear.gather [hbm4b:s2+s19], $0x40, $0x38;
	[tilespmem:$0x1EF88] =	vst v63  }
0x114: {  	s2 =	sadd.s32 s6, s3  }
.Ltmp11:
0x115: {  	s3 =	sand.u32 $0x1FFFFFF0, s5;
	s4 =	spop (v2sf);
	(pc) =	sbr.rel @p2 .LBB3_5-.Ltmp11, $4  }
0x116: {  	[tilespmem:s0], [sflag:$0x9] =	stream.linear.gather [hbm4b:s2+s19], $0x40, $0x38;
	[tilespmem:$0x1EF88] =	vst v63  }
0x117: {  	s0 =	sadd.s32 s6, s3;
	s2 =	sadd.s32 $0xFFFFFF80, s30;
	s3 =	sand.u32 $0x1FFFFFF0, s4  }
0x118: {  	[tilespmem:s2], [sflag:$0x9] =	stream.linear.gather [hbm4b:s0+s19], $0x40, $0x38;
	[tilespmem:$0x1EF88] =	vst v63  }
0x119: {  	s31 =	sadd.s32 $0x10, s31;
	s30 =	sadd.s32 $0x800, s30;
	s2 =	sadd.s32 s6, s3  }
0x11a: {  	[tilespmem:s28], [sflag:$0x9] =	stream.linear.gather [hbm4b:s2+s19], $0x40, $0x38;
	[tilespmem:$0x1EF88] =	vst v63  }
0x11b: {  	s12 =	rddreg [dreg:$0x7]  }
0x11c: {  	s14 =	rddreg [dreg:$0x8]  }
0x11d: {  	s15 =	rddreg [dreg:$0x9]  }
0x11e: {  	s17 =	rddreg [dreg:$0xa]  }
0x11f: {  	s18 =	rddreg [dreg:$0xc]  }
0x120: {  	s22 =	rddreg [dreg:$0xd]  }
.LBB3_7:
0x121: {  	p2 =	slt.u32 s25, $0x2  }
.Ltmp12:
0x122: {  	_ = 	snop;
	(pc) =	sbr.rel @p2 .LBB3_25-.Ltmp12, $1  }
0x123: {  	_ =	sdelay $0x3  }
0x124: {  	p2 =	sgt.s32 s26, $0x26FC0;
	s0 =	smov.u32 s26;
	s2 =	sshra.s32 s26, $0x1F  }
0x125: {  	s0 =	simm.s32 @!p2 $0x26FC0;
	s2 =	sand.u32 s2, s26  }
0x126: {  	s0 =	ssub.s32 s0, s2  }
0x127: {  	s0 =	sadd.s32 $0xFFFD9040, s0  }
0x128: {  	s3 =	simm.s32 $0x9;
	s29 =	sshll.u32 s0, $0x2  }
0x129: {  	_ =	swait.ge [sflag:s3], $0x5000;
	s2 =	ssub.s32 $0x500, s29  }
0x12a: {  	[sflag:s3] =	ssyncset.done $0x0;
	p2 =	sgt.s32 s0, $0x13F;
	s0 =	sshrl.u32 s2, $0x2  }
0x12b: {  	s30 =	simm.s32 $0xB;
	[sflag:s3] =	ssyncadd.s32 $0xFFFFB000;
	s0 =	simm.s32 @p2 $0x0  }
0x12c: {  	_ =	swait.ge [sflag:s30], s0  }
0x12d: {  	s0 =	ssub.s32 $0x0, s0;
	[sflag:s30] =	ssyncset.done $0x0  }
0x12e: {  	[sflag:s30] =	ssyncadd.s32 s0  }
0x12f: {  	v1 =	vld [tilespmem:$0xA108];
	_ =	sdelay $0x4  }
0x130: {  	(v2sf) =	vpush v1, $0x0  }
0x131: {  	(v2sf) =	vpush v1, $0x1  }
0x132: {  	(v2sf) =	vpush v1, $0x2;
	_ =	sdelay $0x3  }
0x133: {  	s0 =	sadd.s32 $0x140, s26  }
0x134: {  	s4 =	ssub.s32 $0x4E200, s26;
	p2 =	slt.s32 s14, s0  }
0x135: {  	s0 =	smov.u32 @p2 s14;
	p2 =	sgt.s32 s4, $0x0  }
0x136: {  	s0 =	ssub.s32 s0, s26;
	s4 =	simm.s32 @!p2 $0x0  }
0x137: {  	p2 =	slt.s32 s4, s0  }
0x138: {  	s0 =	smov.u32 @p2 s4  }
0x139: {  	s2 =	simm.s32 $0x1;
	p2 =	slt.s32 s0, $0x1  }
.Ltmp13:
0x13a: {  	s2 =	simm.s32 @!p1 $0x0;
	(pc) =	sbr.rel @p2 .LBB3_12-.Ltmp13, $4  }
0x13b: {  	s7 =	smul.u32 $0x500, s2  }
0x13c: {  	s3 =	spop (v2sf)  }
0x13d: {  	s31 =	sshrl.u32 s7, $0x2;
	s5 =	spop (v2sf)  }
0x13e: {  	s28 =	sadd.s32 $0xAD08, s31;
	s26 =	spop (v2sf)  }
0x13f: {  	s4 =	smin.u32 s0, $0x10  }
0x140: {  	v1 =	vmov s4  }
0x141: {  	p3 =	sgt.s32 s0, $0x10;
	vm1 =	vgt.u32 v1, v0  }
.Ltmp14:
0x142: {  	_ = 	snop;
	(pc) =	sbr.rel @!p3 .LBB3_11-.Ltmp14, $2  }
0x143: {  	_ =	sdelay $0x2  }
0x144: {  	s9 =	simm.s32 $0x10;
	s10 =	sadd.s32 $0xFFFFFFF0, s0;
	s4 =	smov.u32 s28;
	vm0 =	vmmov vm1  }
.LBB3_10:
0x145: {  	s7 =	smin.u32 s10, $0x10;
	s9 =	sadd.s32 $0x10, s9;
	v1 =	vld.msk [tilespmem:s4+$0x0 ss:$0x1], vm1  }
0x146: {  	v2 =	vmov s7;
	p3 =	slt.s32 s9, s0  }
0x147: {  	vm1 =	vgt.u32 v2, v0  }
.Ltmp15:
0x148: {  	(pc) =	sbr.rel @p3 .LBB3_10-.Ltmp15, $3  }
0x149: {  	_ =	sdelay $0x1  }
0x14a: {  	v1 =	vshll.u32 v1, $0x4  }
0x14b: {  	s10 =	sadd.s32 $0xFFFFFFF0, s10;
	[tilespmem:s4+$0x0] =	vst.msk vm0, v1;
	s4 =	sadd.s32 $0x10, s4;
	vm0 =	vmmov vm1  }
.LBB3_11:
0x14c: {  	_ =	sdelay $0x4  }
0x14d: {  	v1 =	vld.msk [tilespmem:s4+$0x0 ss:$0x1], vm1;
	_ =	sdelay $0x4  }
0x14e: {  	v1 =	vshll.u32 v1, $0x4  }
0x14f: {  	[tilespmem:s4+$0x0] =	vst.msk vm0, v1  }
.LBB3_12:
0x150: {  	s4 =	sand.u32 $0x1, s25  }
0x151: {  	s4 =	smul.u32 $0x140, s4  }
0x152: {  	p3 =	sne.s32 s5, $0xFFFFFFFF  }
0x153: {  	v1 =	vld.msk @!p3 [tilespmem:s4+$0xAD08], $0x1;
	_ =	sdelay $0x4  }
0x154: {  	(v2sf) =	vpush @!p3 v1, $0x0;
	_ =	sdelay $0xc  }
.Ltmp16:
0x155: {  	_ = 	snop;
	(pc) =	sbr.rel @p2 .LBB3_23-.Ltmp16, $4  }
0x156: {  	_ = 	snop  }
0x157: {  	s29 =	spop @!p3 (v2sf)  }
0x158: {  	s31 =	simm.s32 $0xC;
	s26 =	simm.s32 @!p3 $0x0;
	s4 =	smov.u32 s29  }
0x159: {  	[sflag:s31] =	ssyncpa.u1 $0x0;
	s29 =	smov.u32 @p3 s3;
	s4 =	smov.u32 @p3 s5  }
0x15a: {  	v1 =	vld.msk [tilespmem:s28+$0x0], $0x1;
	_ =	sdelay $0x4  }
0x15b: {  	(v2sf) =	vpush v1, $0x0;
	_ =	sdelay $0xe  }
0x15c: {  	s2 =	smul.u32 $0x28000, s2;
	s5 =	spop (v2sf)  }
0x15d: {  	s31 =	ssub.s32 $0x0, s0;
	p2 =	seq.s32 s29, s5  }
0x15e: {  	s3 =	smov.u32 s29;
	s2 =	sshrl.u32 s2, $0x2;
	p3 =	sgt.s32 @!p2 s29, $0x0  }
0x15f: {  	s30 =	sadd.s32 $0xAFA8, s2;
	s2 =	sadd.s32 $0x1, s31;
	p3 =	por !p3, p2  }
0x160: {  	s3 =	simm.s32 @p3 $0x0;
	p3 =	seq.s32 s2, $0x0  }
.Ltmp17:
0x161: {  	_ = 	snop;
	(pc) =	sbr.rel @p3 .LBB3_15-.Ltmp17, $4  }
0x162: {  	_ = 	snop  }
0x163: {  	s0 =	simm.s32 $0x0;
	s9 =	simm.s32 @!p2 $0x1;
	s3 =	smin.u32 @!p2 s3, $0x270F8  }
0x164: {  	s10 =	simm.s32 @!p2 $0x50C8;
	s9 =	smov.u32 @p2 s0;
	s7 =	sand.u32 @!p2 $0x3FFF8, s3  }
0x165: {  	s16 =	sand.u32 @!p2 $0x7, s3;
	s3 =	sadd.s32 $0x1, s28;
	s11 =	sadd.s32 @!p2 s1, s7  }
.LBB3_14:
0x166: {  	s7 =	smov.u32 s9  }
0x167: {  	[tilespmem:s10], [sflag:$0x2] =	stream.linear.gather @!p2 [hbm4b:s11+s16], $0x40, $0x38;
	[tilespmem:$0x1EF88] =	vst v63  }
0x168: {  	s2 =	sadd.s32 $0x1, s2;
	s8 =	smov.u32 s5;
	v1 =	vld.msk [tilespmem:s3+$0x0], $0x1  }
0x169: {  	p3 =	seq.s32 s2, $0x0;
	_ =	sdelay $0x3  }
0x16a: {  	(v2sf) =	vpush v1, $0x0;
	_ =	sdelay $0xe  }
0x16b: {  	s5 =	spop (v2sf)  }
0x16c: {  	p2 =	seq.s32 s8, s5  }
0x16d: {  	p4 =	sgt.s32 @!p2 s8, $0x0;
	s10 =	sshll.u32 @!p2 s9, $0x8;
	s9 =	sadd.s32 @!p2 $0x1, s9  }
.Ltmp18:
0x16e: {  	p4 =	por !p4, p2;
	s10 =	sshra.s32 @!p2 s10, $0x2;
	(pc) =	sbr.rel @!p3 .LBB3_14-.Ltmp18, $4  }
0x16f: {  	s9 =	smov.u32 @p2 s7;
	s8 =	simm.s32 @p4 $0x0;
	s10 =	sadd.s32 @!p2 $0x50C8, s10  }
0x170: {  	s7 =	smin.u32 @!p2 s8, $0x270F8  }
0x171: {  	s8 =	sand.u32 @!p2 $0x3FFF8, s7;
	s16 =	sand.u32 @!p2 $0x7, s7  }
0x172: {  	s3 =	sadd.s32 $0x1, s3;
	s11 =	sadd.s32 @!p2 s1, s8  }
.LBB3_15:
0x173: {  	[tilespmem:s10], [sflag:$0x2] =	stream.linear.gather @!p2 [hbm4b:s11+s16], $0x40, $0x38;
	[tilespmem:$0x1EF88] =	vst v63  }
.Ltmp19:
0x174: {  	s2 =	sshll.u32 s9, $0x6;
	(pc) =	sbr.rel .LBB3_16-.Ltmp19, $4  }
0x175: {  	s3 =	simm.s32 $0x2;
	s2 =	sand.u32 $0x3FFFFFC0, s2  }
0x176: {  	_ =	swait.ge [sflag:s3], s2  }
0x177: {  	s2 =	ssub.s32 $0x0, s2;
	[sflag:s3] =	ssyncset.done $0x0  }
0x178: {  	[sflag:s3] =	ssyncadd.s32 s2;
	s3 =	simm.s32 $0x0  }
.LBB3_17:
0x179: {  	v1 =	vld [tilespmem:s30+$0xFFFFFFE0];
	_ =	sdelay $0x4  }
0x17a: {  	[tilespmem:s5+$0x88] =	vst.add.f32.msk $0xffff, v1  }
0x17b: {  	v1 =	vld [tilespmem:s30+$0xFFFFFFF0];
	_ =	sdelay $0x4  }
0x17c: {  	[tilespmem:s5+$0x98] =	vst.add.f32.msk $0xffff, v1  }
0x17d: {  	v1 =	vld [tilespmem:s30+$0x0];
	_ =	sdelay $0x4  }
0x17e: {  	[tilespmem:s5+$0xA8] =	vst.add.f32.msk $0xffff, v1  }
0x17f: {  	v1 =	vld [tilespmem:s30+$0x10];
	_ =	sdelay $0x4  }
0x180: {  	[tilespmem:s5+$0xB8] =	vst.add.f32.msk $0xffff, v1  }
.LBB3_21:
0x181: {  	s31 =	sadd.s32 $0x1, s31  }
0x182: {  	p2 =	seq.s32 s31, $0x0  }
.Ltmp20:
0x183: {  	_ = 	snop;
	(pc) =	sbr.rel @p2 .LBB3_22-.Ltmp20, $2  }
0x184: {  	_ =	sdelay $0x2  }
0x185: {  	s30 =	sadd.s32 $0x80, s30;
	s28 =	sadd.s32 $0x1, s28;
	s29 =	smov.u32 s2  }
.LBB3_16:
0x186: {  	v1 =	vld.msk [tilespmem:s28+$0x0], $0x1;
	_ =	sdelay $0x4  }
0x187: {  	(v2sf) =	vpush v1, $0x0;
	_ =	sdelay $0xe  }
0x188: {  	s2 =	spop (v2sf)  }
0x189: {  	p2 =	sne.s32 s29, s2  }
.Ltmp21:
0x18a: {  	_ = 	snop;
	(pc) =	sbr.rel @!p2 .LBB3_17-.Ltmp21, $3  }
0x18b: {  	_ =	sdelay $0x1  }
0x18c: {  	s5 =	sshll.u32 s26, $0x8  }
0x18d: {  	s5 =	sshra.s32 s5, $0x2  }
0x18e: {  	p2 =	seq.s32 s29, s4  }
.Ltmp22:
0x18f: {  	_ = 	snop;
	(pc) =	sbr.rel @!p2 .LBB3_19-.Ltmp22, $1  }
0x190: {  	_ =	sdelay $0x3  }
.Ltmp23:
0x191: {  	s5 =	sadd.s32 $0x88, s5;
	(pc) =	sbr.rel .LBB3_20-.Ltmp23, $4  }
0x192: {  	[spmem:s18] =	stream.linear.scatter [tilespmem:s5], [sflag:$0x1], $0x40, $0x38;
	[tilespmem:$0x1EF88] =	vst v63  }
0x193: {  	_ =	swait.ge [sflag:s13], $0x40  }
0x194: {  	[sflag:s13] =	ssyncset.done $0x0  }
0x195: {  	[sflag:s13] =	ssyncadd.s32 $0xFFFFFFC0  }
.LBB3_19:
0x196: {  	s7 =	sshll.u32 s0, $0x8  }
0x197: {  	s7 =	sshra.s32 s7, $0x2  }
0x198: {  	v1 =	vld [tilespmem:s7+$0x50C8];
	_ =	sdelay $0x4  }
0x199: {  	[tilespmem:s5+$0x88] =	vst.add.f32.msk $0xffff, v1  }
0x19a: {  	v1 =	vld [tilespmem:s7+$0x50D8];
	_ =	sdelay $0x4  }
0x19b: {  	[tilespmem:s5+$0x98] =	vst.add.f32.msk $0xffff, v1  }
0x19c: {  	v1 =	vld [tilespmem:s7+$0x50E8];
	_ =	sdelay $0x4  }
0x19d: {  	[tilespmem:s5+$0xA8] =	vst.add.f32.msk $0xffff, v1  }
0x19e: {  	v1 =	vld [tilespmem:s7+$0x50F8];
	_ =	sdelay $0x2  }
0x19f: {  	p2 =	sgt.u32 s29, $0x270F8  }
0x1a0: {  	s7 =	sand.u32 @!p2 $0x3FFF8, s29  }
0x1a1: {  	s8 =	sadd.s32 $0x88, s5;
	[tilespmem:s5+$0xB8] =	vst.add.f32.msk $0xffff, v1;
	s5 =	sadd.s32 @!p2 s1, s7;
	s7 =	sand.u32 @!p2 $0x7, s29  }
0x1a2: {  	[hbm4b:s5+s7] =	stream.linear.scatter @!p2 [tilespmem:s8], [sflag:$0xC], $0x40, $0x38;
	[tilespmem:$0x1EF88] =	vst v63  }
0x1a3: {  	s5 =	simm.s32 $0x0  }
0x1a4: {  	s5 =	simm.s32 @!p2 $0x100  }
0x1a5: {  	s3 =	sadd.s32 s5, s3  }
.LBB3_20:
0x1a6: {  	s5 =	sadd.s32 $0x1, s26  }
0x1a7: {  	s7 =	smulhi.u32 $0xCCCCCCCD, s5;
	_ =	sdelay $0x1  }
0x1a8: {  	v1 =	vld [tilespmem:s30+$0xFFFFFFE0];
	s7 =	sshrl.u32 s7, $0x8  }
0x1a9: {  	s7 =	smul.u32 $0x140, s7;
	_ =	sdelay $0x1  }
0x1aa: {  	s26 =	ssub.s32 s5, s7  }
0x1ab: {  	s5 =	sshll.u32 s26, $0x6  }
0x1ac: {  	[tilespmem:s5+$0x88] =	vst v1  }
0x1ad: {  	v1 =	vld [tilespmem:s30+$0xFFFFFFF0];
	_ =	sdelay $0x4  }
0x1ae: {  	[tilespmem:s5+$0x98] =	vst v1  }
0x1af: {  	v1 =	vld [tilespmem:s30+$0x0];
	_ =	sdelay $0x4  }
0x1b0: {  	[tilespmem:s5+$0xA8] =	vst v1  }
0x1b1: {  	v1 =	vld [tilespmem:s30+$0x10]  }
.Ltmp24:
0x1b2: {  	_ = 	snop;
	(pc) =	sbr.rel .LBB3_21-.Ltmp24, $2  }
0x1b3: {  	_ =	sdelay $0x2  }
0x1b4: {  	s0 =	sadd.s32 $0x1, s0;
	[tilespmem:s5+$0xB8] =	vst v1  }
.LBB3_23:
.Ltmp25:
0x1b5: {  	(pc) =	sbr.rel .LBB3_24-.Ltmp25, $4  }
0x1b6: {  	_ = 	snop  }
0x1b7: {  	s0 =	simm.s32 $0x2  }
0x1b8: {  	_ =	swait.ge [sflag:s0], $0x0  }
0x1b9: {  	s2 =	smov.u32 s29;
	[sflag:s0] =	ssyncset.done $0x0;
	s0 =	simm.s32 $0x0  }
.LBB3_26:
0x1ba: {  	_ =	sfence.sel $0x180000  }
0x1bb: {  	s0 =	simm.s32 $0x9;
	[bflag:$0x0] =	sbarrier.arrive $0xFFFF  }
0x1bc: {  	s24 =	simm.s32 $0xA;
	[sflag:s0] =	ssyncpa.u1 $0x1  }
0x1bd: {  	s25 =	simm.s32 $0xB;
	[sflag:s24] =	ssyncpa.u1 $0x1  }
0x1be: {  	s26 =	simm.s32 $0x2;
	[sflag:s25] =	ssyncpa.u1 $0x1  }
0x1bf: {  	[sflag:s26] =	ssyncpa.u1 $0x1  }
0x1c0: {  	v0 =	vld [tilespmem:$0xA108];
	_ =	sdelay $0x4  }
0x1c1: {  	(v2sf) =	vpush v0, $0x0  }
0x1c2: {  	(v2sf) =	vpush v0, $0x1;
	_ =	sdelay $0x1  }
0x1c3: {  	(v2sf) =	vpush v0, $0x2;
	_ =	sdelay $0xb  }
0x1c4: {  	s0 =	spop (v2sf)  }
0x1c5: {  	s2 =	spop (v2sf)  }
0x1c6: {  	s3 =	smov.u32 s0;
	p0 =	sne.s32 s0, s2  }
0x1c7: {  	s4 =	spop (v2sf);
	s3 =	simm.s32 @!p0 $0xFFFFFFFF  }
0x1c8: {  	v2 =	vimm.s32 $0x1;
	v3 =	vlaneseq.u32;
	p0 =	seq.s32 s4, $0xFFFFFFFF;
	v1 =	vmov s3  }
0x1c9: {  	s14 =	stileid.u32;
	v0 =	vperm.xlane v0, v2;
	p1 =	sne.s32 @!p0 s0, s2;
	v1 =	vperm.xlane v1, v3  }
0x1ca: {  	vm0 =	vcmask $0x3F04;
	s6 =	simm.s32 $0xA108;
	s0 =	simm.s32 @!p0 $0x1;
	p1 =	por !p1, p0  }
0x1cb: {  	s3 =	sshll.u32 s14, $0x1;
	s2 =	sshll.u32 @!p0 s4, $0x8;
	s0 =	simm.s32 @p1 $0x0;
	v0 =	vsel vm0, v1, v0  }
0x1cc: {  	s5 =	sor.u32 $0x800, s3;
	s2 =	sshra.s32 @!p0 s2, $0x2;
	s0 =	sor.u32 @!p0 s0, s3;
	[tilespmem:$0xA108] =	vst v0  }
0x1cd: {  	[spmem:s5] =	stream.linear.scatter [tilespmem:s6], [sflag:$0x1], $0x2, $0x38;
	[tilespmem:$0x1EF88] =	vst v63  }
0x1ce: {  	s2 =	sadd.s32 @!p0 $0x88, s2;
	s0 =	sshll.u32 @!p0 s0, $0x6  }
0x1cf: {  	[spmem:s0] =	stream.linear.scatter @!p0 [tilespmem:s2], [sflag:$0x1], $0x40, $0x38;
	[tilespmem:$0x1EF88] =	vst v63  }
0x1d0: {  	s0 =	simm.s32 @!p0 $0x42  }
0x1d1: {  	s28 =	simm.s32 $0x1;
	s0 =	simm.s32 @p0 $0x2  }
0x1d2: {  	_ =	swait.ge [sflag:s28], s0  }
0x1d3: {  	s0 =	ssub.s32 $0x0, s0;
	[sflag:s28] =	ssyncset.done $0x0  }
0x1d4: {  	p0 =	sne.s32 s14, $0x0;
	[sflag:s28] =	ssyncadd.s32 s0  }
.Ltmp26:
0x1d5: {  	_ =	sfence.stream.spmem;
	(pc) =	sbr.rel @p0 .LBB3_43-.Ltmp26, $4  }
0x1d6: {  	s29 =	simm.s32 $0x3;
	[bflag:$0x0] =	sbarrier.arrive $0xFFFF  }
0x1d7: {  	s30 =	simm.s32 $0x4;
	[sflag:s29] =	ssyncpa.u1 $0x1  }
0x1d8: {  	s31 =	simm.s32 $0x3C;
	[sflag:s30] =	ssyncpa.u1 $0x1  }
0x1d9: {  	s13 =	rddreg [dreg:$0x6];
	[sflag:s31] =	ssyncpa.u1 $0x1  }
0x1da: {  	_ =	sfence.stream.spmem;
	s0 =	simm.s32 $0x5  }
0x1db: {  	s2 =	simm.s32 $0x800;
	s3 =	simm.s32 $0xA118;
	[sflag:s0] =	ssyncpa.u1 $0x0  }
0x1dc: {  	[tilespmem:s3], [sflag:$0x5] =	stream.linear.gather [spmem:s2], $0x20, $0x38;
	[tilespmem:$0x1EF88] =	vst v63  }
0x1dd: {  	s26 =	simm.s32 $0x0;
	s28 =	simm.s32 $0xA138  }
0x1de: {  	[tilespmem:s28], [sflag:$0x5] =	stream.linear.gather [spmem:s26], $0x800, $0x38;
	[tilespmem:$0x1EF88] =	vst v63  }
0x1df: {  	_ =	swait.ge [sflag:s0], $0x820  }
0x1e0: {  	[sflag:s0] =	ssyncset.done $0x0  }
0x1e1: {  	s29 =	simm.s32 $0x0;
	[sflag:s0] =	ssyncadd.s32 $0xFFFFF7E0  }
0x1e2: {  	v0 =	vld.msk [tilespmem:s29+$0xA118], $0x1;
	_ =	sdelay $0x1  }
0x1e3: {  	s30 =	simm.s32 $0x1  }
0x1e4: {  	v1 =	vld.msk [tilespmem:s30+$0xA118], $0x1;
	_ =	sdelay $0x1  }
0x1e5: {  	(v2sf) =	vpush v0, $0x0;
	_ =	sdelay $0x2  }
0x1e6: {  	(v2sf) =	vpush v1, $0x0;
	_ =	sdelay $0x2  }
0x1e7: {  	s31 =	simm.s32 $0x2  }
0x1e8: {  	v0 =	vld.msk [tilespmem:s31+$0xA118], $0x1;
	_ =	sdelay $0x2  }
0x1e9: {  	s2 =	simm.s32 $0xFFFFFFFF;
	s3 =	simm.s32 $0xFFFFFFFF;
	s0 =	simm.s32 $0xC  }
.LBB3_28:
0x1ea: {  	s4 =	smov.u32 s3;
	s5 =	smov.u32 s2  }
0x1eb: {  	s2 =	sshra.s32 s0, $0x2;
	p1 =	sne.s32 s0, $0x7C;
	s0 =	sadd.s32 $0x4, s0;
	(v2sf) =	vpush v0, $0x0  }
0x1ec: {  	v0 =	vld.msk [tilespmem:s2+$0xA118], $0x1  }
.Ltmp27:
0x1ed: {  	(pc) =	sbr.rel @p1 .LBB3_28-.Ltmp27, $4  }
0x1ee: {  	s3 =	spop (v2sf)  }
0x1ef: {  	p2 =	sne.s32 s5, $0xFFFFFFFF;
	s2 =	smov.u32 s3  }
0x1f0: {  	p3 =	seq.s32 s3, $0xFFFFFFFF;
	s2 =	smov.u32 @p2 s5  }
0x1f1: {  	s3 =	smov.u32 @p3 s4;
	s2 =	smov.u32 @p3 s5  }
0x1f2: {  	(v2sf) =	vpush v0, $0x0;
	_ =	sdelay $0x8  }
0x1f3: {  	s0 =	spop (v2sf)  }
0x1f4: {  	p1 =	sne.s32 s2, $0xFFFFFFFF;
	s4 =	smov.u32 s0  }
0x1f5: {  	s6 =	simm.s32 $0x0;
	p2 =	seq.s32 s0, $0xFFFFFFFF;
	s4 =	smov.u32 @p1 s2  }
0x1f6: {  	s9 =	simm.s32 $0xA0C8;
	s4 =	smov.u32 @p2 s2;
	s2 =	spop (v2sf)  }
0x1f7: {  	s0 =	smov.u32 @p2 s3;
	p1 =	sne.s32 s4, $0xFFFFFFFF;
	s5 =	smov.u32 s2  }
.Ltmp28:
0x1f8: {  	p2 =	seq.s32 s2, $0xFFFFFFFF;
	s5 =	smov.u32 @p1 s4;
	(pc) =	sbr.rel .LBB3_30-.Ltmp28, $4  }
0x1f9: {  	s10 =	simm.s32 $0x0;
	s5 =	smov.u32 @p2 s4;
	s7 =	spop (v2sf)  }
0x1fa: {  	s2 =	smov.u32 @p2 s0;
	p1 =	sne.s32 s5, $0xFFFFFFFF;
	s8 =	smov.u32 s7  }
0x1fb: {  	s0 =	simm.s32 $0x6;
	p2 =	seq.s32 s7, $0xFFFFFFFF;
	s8 =	smov.u32 @p1 s5  }
0x1fc: {  	[sflag:s0] =	ssyncpa.u1 $0x0;
	s7 =	smov.u32 @p2 s2;
	s8 =	smov.u32 @p2 s5  }
.LBB3_36:
0x1fd: {  	p1 =	sgt.u32 s2, $0x270F8  }
0x1fe: {  	p2 =	seq.s32 @!p1 s2, s8  }
0x1ff: {  	p1 =	por p1, p2  }
0x200: {  	p2 =	sne.s32 @!p1 s2, s7  }
0x201: {  	p1 =	por p1, !p2  }
0x202: {  	s2 =	sshll.u32 @p1 s10, $0x8  }
0x203: {  	s3 =	sand.u32 @!p1 $0x3FFF8, s2  }
0x204: {  	s2 =	sand.u32 @!p1 $0x7, s2;
	s3 =	sadd.s32 @!p1 s1, s3  }
0x205: {  	[tilespmem:s9], [sflag:$0x6] =	stream.linear.gather @!p1 [hbm4b:s3+s2], $0x40, $0x38;
	[tilespmem:$0x1EF88] =	vst v63  }
0x206: {  	_ =	swait.ge @!p1 [sflag:s0], $0x40  }
0x207: {  	[sflag:s0] =	ssyncset.done @!p1 $0x0  }
0x208: {  	[sflag:s0] =	ssyncadd.s32 @!p1 $0xFFFFFFC0  }
0x209: {  	v1 =	vld @!p1 [tilespmem:$0xA0C8];
	_ =	sdelay $0x2  }
0x20a: {  	s2 =	sshll.u32 @!p1 s10, $0x8  }
0x20b: {  	s3 =	sshrl.u32 @!p1 s2, $0x2  }
0x20c: {  	[tilespmem:s3+$0xA138] =	vst.add.f32.msk @!p1 $0xffff, v1  }
0x20d: {  	v1 =	vld @!p1 [tilespmem:$0xA0D8];
	_ =	sdelay $0x4  }
0x20e: {  	[tilespmem:s3+$0xA148] =	vst.add.f32.msk @!p1 $0xffff, v1  }
0x20f: {  	v1 =	vld @!p1 [tilespmem:$0xA0E8];
	_ =	sdelay $0x4  }
0x210: {  	[tilespmem:s3+$0xA158] =	vst.add.f32.msk @!p1 $0xffff, v1  }
0x211: {  	v1 =	vld @!p1 [tilespmem:$0xA0F8];
	_ =	sdelay $0x4  }
0x212: {  	[tilespmem:s3+$0xA168] =	vst.add.f32.msk @!p1 $0xffff, v1  }
0x213: {  	s2 =	sshrl.u32 s2, $0x2;
	[tilespmem:s6+$0xA118] =	vst.msk $0x1, v0  }
0x214: {  	v0 =	vld [tilespmem:s2+$0xA138];
	_ =	sdelay $0x2  }
0x215: {  	s31 =	sshll.u32 s6, $0x8  }
0x216: {  	s3 =	sshra.s32 s31, $0x2  }
0x217: {  	[tilespmem:s3+$0xA138] =	vst v0  }
0x218: {  	v0 =	vld [tilespmem:s2+$0xA148];
	_ =	sdelay $0x4  }
0x219: {  	[tilespmem:s3+$0xA148] =	vst v0  }
0x21a: {  	v0 =	vld [tilespmem:s2+$0xA158];
	_ =	sdelay $0x4  }
0x21b: {  	[tilespmem:s3+$0xA158] =	vst v0  }
0x21c: {  	v0 =	vld [tilespmem:s2+$0xA168];
	_ =	sdelay $0x4  }
0x21d: {  	s6 =	sadd.s32 $0x1, s6;
	[tilespmem:s3+$0xA168] =	vst v0  }
.LBB3_37:
0x21e: {  	s10 =	sadd.s32 $0x1, s10  }
0x21f: {  	p1 =	sne.s32 s10, $0x20  }
.Ltmp29:
0x220: {  	_ = 	snop;
	(pc) =	sbr.rel @!p1 .LBB3_38-.Ltmp29, $1  }
0x221: {  	_ =	sdelay $0x3  }
.LBB3_30:
0x222: {  	v0 =	vld.msk [tilespmem:s10+$0xA118], $0x1;
	_ =	sdelay $0x4  }
0x223: {  	(v2sf) =	vpush v0, $0x0;
	_ =	sdelay $0xe  }
0x224: {  	s2 =	spop (v2sf)  }
0x225: {  	p1 =	seq.s32 s2, $0xFFFFFFFF  }
.Ltmp30:
0x226: {  	_ = 	snop;
	(pc) =	sbr.rel @p1 .LBB3_37-.Ltmp30, $1  }
0x227: {  	_ =	sdelay $0x3  }
0x228: {  	p1 =	slt.s32 s6, $0x1  }
.Ltmp31:
0x229: {  	_ = 	snop;
	(pc) =	sbr.rel @p1 .LBB3_36-.Ltmp31, $1  }
0x22a: {  	_ =	sdelay $0x3  }
0x22b: {  	s3 =	simm.s32 $0xA118;
	p1 =	por $0x0, $0x0  }
0x22c: {  	v1 =	vld.msk @!p1 [tilespmem:s3+$0x0], $0x1;
	_ =	sdelay $0x4  }
0x22d: {  	(v2sf) =	vpush @!p1 v1, $0x0;
	_ =	sdelay $0xd  }
0x22e: {  	p3 =	sne.s32 s6, $0x1  }
.Ltmp32:
0x22f: {  	s4 =	spop @!p1 (v2sf);
	(pc) =	sbr.rel @!p3 .LBB3_34-.Ltmp32, $4  }
0x230: {  	p2 =	seq.s32 @!p1 s2, s4  }
0x231: {  	s4 =	simm.s32 $0x0;
	p2 =	por !p2, p1  }
0x232: {  	s11 =	simm.s32 $0xFFFFFFFF;
	s4 =	simm.s32 @p2 $0xFFFFFFFF  }
0x233: {  	s5 =	simm.s32 $0x1;
	s4 =	smov.u32 @p1 s11  }
.LBB3_33:
0x234: {  	s11 =	smov.u32 s4;
	p1 =	sne.s32 s4, $0xFFFFFFFF  }
0x235: {  	s3 =	sadd.s32 $0x1, s3;
	s4 =	smov.u32 s5;
	s5 =	sadd.s32 $0x1, s5  }
0x236: {  	p2 =	sne.s32 s6, s5;
	v1 =	vld.msk @!p1 [tilespmem:s3+$0x0], $0x1;
	_ =	sdelay $0x4  }
0x237: {  	(v2sf) =	vpush @!p1 v1, $0x0;
	_ =	sdelay $0xe  }
.Ltmp33:
0x238: {  	s12 =	spop @!p1 (v2sf);
	(pc) =	sbr.rel @p2 .LBB3_33-.Ltmp33, $4  }
0x239: {  	p3 =	seq.s32 @!p1 s2, s12  }
0x23a: {  	p3 =	por !p3, p1  }
0x23b: {  	s4 =	simm.s32 @p3 $0xFFFFFFFF  }
0x23c: {  	s4 =	smov.u32 @p1 s11  }
.LBB3_34:
0x23d: {  	p1 =	seq.s32 s4, $0xFFFFFFFF  }
.Ltmp34:
0x23e: {  	_ = 	snop;
	(pc) =	sbr.rel @p1 .LBB3_36-.Ltmp34, $1  }
0x23f: {  	_ =	sdelay $0x3  }
0x240: {  	s2 =	sshll.u32 s10, $0x6  }
0x241: {  	s2 =	sand.u32 $0x3FFFFFC0, s2  }
0x242: {  	v0 =	vld [tilespmem:s2+$0xA138];
	_ =	sdelay $0x2  }
0x243: {  	s3 =	sshll.u32 s4, $0x8  }
0x244: {  	s3 =	sshra.s32 s3, $0x2  }
0x245: {  	[tilespmem:s3+$0xA138] =	vst.add.f32.msk $0xffff, v0  }
0x246: {  	v0 =	vld [tilespmem:s2+$0xA148];
	_ =	sdelay $0x4  }
0x247: {  	[tilespmem:s3+$0xA148] =	vst.add.f32.msk $0xffff, v0  }
0x248: {  	v0 =	vld [tilespmem:s2+$0xA158];
	_ =	sdelay $0x4  }
0x249: {  	[tilespmem:s3+$0xA158] =	vst.add.f32.msk $0xffff, v0  }
0x24a: {  	v0 =	vld [tilespmem:s2+$0xA168]  }
.Ltmp35:
0x24b: {  	_ = 	snop;
	(pc) =	sbr.rel .LBB3_37-.Ltmp35, $2  }
0x24c: {  	_ =	sdelay $0x2  }
0x24d: {  	[tilespmem:s3+$0xA168] =	vst.add.f32.msk $0xffff, v0  }
.LBB3_38:
0x24e: {  	s0 =	simm.s32 $0x6;
	p1 =	seq.s32 s6, $0x0  }
0x24f: {  	[sflag:s0] =	ssyncpa.u1 $0x1;
	v0 =	vimm.s32 @p1 $0xFFFFFFFF  }
0x250: {  	s0 =	sadd.s32 $0xFFFFFFFF, s6;
	[tilespmem:$0xA938] =	vst @p1 v0  }
0x251: {  	v0 =	vld.msk @!p1 [tilespmem:s0+$0xA118], $0x1;
	_ =	sdelay $0x1  }
0x252: {  	v1 =	vld.msk @!p1 [tilespmem:$0xA118], $0x1;
	_ =	sdelay $0x2  }
0x253: {  	p2 =	seq.s32 @!p1 s0, $0x0;
	v0 =	vbroadcast @!p1 v0, $0x0  }
0x254: {  	vm0 =	vmmov @!p1 $0x1;
	p2 =	por !p2, p1  }
0x255: {  	v1 =	vnsel @!p1 vm0, $0xFFFFFFFF, v1;
	vm0 =	vcmask @!p1 $0x308;
	v0 =	vpsel !p2, $0xFFFFFFFF, v0  }
0x256: {  	p2 =	sne.s32 @!p1 s8, s7;
	v0 =	vsel @!p1 vm0, v1, v0  }
0x257: {  	s2 =	simm.s32 @!p1 $0xA138;
	s3 =	simm.s32 @!p1 $0x0;
	p3 =	por !p2, p1;
	[tilespmem:$0xA938] =	vst @!p1 v0  }
0x258: {  	[spmem:s3] =	stream.linear.scatter @!p1 [tilespmem:s2], [sflag:$0x1], $0x40, $0x38;
	[tilespmem:$0x1EF88] =	vst v63  }
0x259: {  	s2 =	sshll.u32 @!p3 s0, $0x8  }
0x25a: {  	s2 =	sshra.s32 @!p3 s2, $0x2  }
0x25b: {  	s3 =	simm.s32 @!p3 $0x40;
	s2 =	sadd.s32 @!p3 $0xA138, s2  }
0x25c: {  	[spmem:s3] =	stream.linear.scatter @!p3 [tilespmem:s2], [sflag:$0x1], $0x40, $0x38;
	[tilespmem:$0x1EF88] =	vst v63  }
0x25d: {  	s2 =	simm.s32 @!p3 $0x1  }
0x25e: {  	_ =	swait.ge @!p3 [sflag:s2], $0x80  }
0x25f: {  	p1 =	por p2, p1;
	[sflag:s2] =	ssyncset.done @!p3 $0x0  }
0x260: {  	[sflag:s2] =	ssyncadd.s32 @!p3 $0xFFFFFF80;
	s2 =	simm.s32 @!p1 $0x1  }
0x261: {  	_ =	swait.ge @!p1 [sflag:s2], $0x40  }
0x262: {  	s29 =	simm.s32 $0xA938;
	[sflag:s2] =	ssyncset.done @!p1 $0x0  }
0x263: {  	s30 =	simm.s32 $0x800;
	s31 =	simm.s32 $0x1;
	[sflag:s2] =	ssyncadd.s32 @!p1 $0xFFFFFFC0  }
0x264: {  	[spmem:s30] =	stream.linear.scatter [tilespmem:s29], [sflag:$0x1], $0x10, $0x38;
	[tilespmem:$0x1EF88] =	vst v63  }
0x265: {  	_ =	swait.ge [sflag:s31], $0x10  }
0x266: {  	[sflag:s31] =	ssyncset.done $0x0  }
0x267: {  	p1 =	seq.s32 s13, $0x0;
	s9 =	rddreg [dreg:$0x3];
	[sflag:s31] =	ssyncadd.s32 $0xFFFFFFF0  }
0x268: {  	s3 =	sshll.u32 @p1 s9, $0xE;
	s8 =	rddreg [dreg:$0x4]  }
0x269: {  	s2 =	sadd.s32 @p1 $0x15C3C, s3;
	s3 =	sshll.u32 @p1 s8, $0x11  }
0x26a: {  	_ =	sfence.stream.spmem;
	s2 =	sor.u32 @p1 s3, s2  }
0x26b: {  	[sflag:s2] =	ssyncadd.remote.s32 @p1 $0x1;
	s2 =	simm.s32 @p1 $0x4  }
0x26c: {  	s4 =	simm.s32 @!p1 $0x3C;
	s3 =	sand.u32 $0xFFFFFFFE, s9;
	_ =	swait.ge @p1 [sflag:s2], $0x12  }
0x26d: {  	s5 =	simm.s32 @!p1 $0x0;
	s3 =	sadd.s32 @!p1 $0x4, s3;
	[sflag:s2] =	ssyncset.done @p1 $0x0  }
0x26e: {  	s7 =	simm.s32 @!p1 $0x80;
	[sflag:s2] =	ssyncadd.s32 @p1 $0xFFFFFFEE;
	s2 =	sshll.u32 @!p1 s3, $0x1A  }
0x26f: {  	s3 =	sshll.u32 @!p1 s3, $0xD;
	s2 =	sor.u32 @!p1 s2, s8;
	_ =	swait.eq @!p1 [sflag:s4], $0x1  }
0x270: {  	s3 =	sor.u32 @!p1 $0x1C04, s3;
	s4 =	simm.s32 @!p1 $0x1C03;
	s2 =	sor.u32 @!p1 $0x80004000, s2  }
0x271: {  	[spmem:s7], [sflag:s3] =	dma.general @!p1 [spmem:s5], [sflag:s4], length:$0x10, [dreg:$0x0], stride_count:$0x0, ici_dest:s2, dma_misc:DstOpCode:WRITE  }
0x272: {  	p2 =	slt.s32 s0, $0x2;
	s5 =	simm.s32 @!p1 $0x100;
	s7 =	simm.s32 @!p1 $0x102  }
0x273: {  	[spmem:s7], [sflag:s3] =	dma.general @!p1 [spmem:s5], [sflag:s4], length:$0x2, [dreg:$0x0], stride_count:$0x0, ici_dest:s2, dma_misc:DstOpCode:WRITE  }
.Ltmp36:
0x274: {  	s2 =	simm.s32 @!p1 $0x3;
	(pc) =	sbr.rel @p2 .LBB3_42-.Ltmp36, $4  }
0x275: {  	s3 =	sshll.u32 @!p1 s9, $0xE;
	_ =	swait.ge @!p1 [sflag:s2], $0x12  }
0x276: {  	s4 =	sshll.u32 @!p1 s8, $0x11;
	s3 =	sadd.s32 @!p1 $0x11C3C, s3;
	[sflag:s2] =	ssyncset.done @!p1 $0x0  }
0x277: {  	[sflag:s2] =	ssyncadd.s32 @!p1 $0xFFFFFFEE;
	s2 =	sor.u32 @!p1 s4, s3  }
0x278: {  	s0 =	simm.s32 $0x0;
	[sflag:s2] =	ssyncadd.remote.s32 @!p1 $0xFFFFFFFF  }
0x279: {  	s0 =	simm.s32 $0xA119  }
0x27a: {  	v0 =	vld.msk [tilespmem:s0+$0x0], $0x1;
	_ =	sdelay $0x4  }
0x27b: {  	(v2sf) =	vpush v0, $0x0;
	_ =	sdelay $0xc  }
0x27c: {  	s2 =	sadd.s32 $0xFFFFFFFE, s6  }
0x27d: {  	s2 =	sadd.s32 $0xFFFFFFFF, s2  }
0x27e: {  	p2 =	sne.s32 s2, $0x0;
	s3 =	spop (v2sf)  }
.Ltmp37:
0x27f: {  	p1 =	sgt.u32 s3, $0x270F8;
	(pc) =	sbr.rel @!p2 .LBB3_41-.Ltmp37, $4  }
0x280: {  	s5 =	simm.s32 $0x0;
	s4 =	sand.u32 @!p1 $0x3FFF8, s3  }
0x281: {  	s0 =	simm.s32 $0xA178;
	s3 =	sand.u32 @!p1 $0x7, s3;
	s4 =	sadd.s32 @!p1 s1, s4  }
0x282: {  	[hbm4b:s4+s3] =	stream.linear.scatter @!p1 [tilespmem:s0], [sflag:$0x5], $0x40, $0x38;
	[tilespmem:$0x1EF88] =	vst v63  }
0x283: {  	s5 =	simm.s32 @!p1 $0x100;
	s3 =	simm.s32 $0x0;
	s4 =	simm.s32 $0xA11A  }
.LBB3_40:
0x284: {  	v0 =	vld.msk [tilespmem:s4+$0x0], $0x1;
	s2 =	sadd.s32 $0xFFFFFFFF, s2;
	s3 =	sadd.s32 s3, s5  }
0x285: {  	p1 =	sne.s32 s2, $0x0;
	_ =	sdelay $0x3  }
0x286: {  	(v2sf) =	vpush v0, $0x0;
	_ =	sdelay $0xe  }
.Ltmp38:
0x287: {  	s6 =	spop (v2sf);
	(pc) =	sbr.rel @p1 .LBB3_40-.Ltmp38, $4  }
0x288: {  	s5 =	simm.s32 $0x0;
	p2 =	sgt.u32 s6, $0x270F8  }
0x289: {  	s0 =	sadd.s32 $0x40, s0;
	s5 =	simm.s32 @!p2 $0x100;
	s7 =	sand.u32 @!p2 $0x3FFF8, s6  }
0x28a: {  	s4 =	sadd.s32 $0x1, s4;
	s6 =	sand.u32 @!p2 $0x7, s6;
	s7 =	sadd.s32 @!p2 s1, s7  }
0x28b: {  	[hbm4b:s7+s6] =	stream.linear.scatter @!p2 [tilespmem:s0], [sflag:$0x5], $0x40, $0x38;
	[tilespmem:$0x1EF88] =	vst v63  }
.LBB3_41:
0x28c: {  	s0 =	sadd.s32 s3, s5  }
0x28d: {  	s0 =	sshrl.u32 s0, $0x2  }
.LBB3_42:
0x28e: {  	s2 =	simm.s32 $0x5  }
0x28f: {  	_ =	swait.ge [sflag:s2], s0  }
0x290: {  	s31 =	ssub.s32 $0x0, s0;
	[sflag:s2] =	ssyncset.done $0x0  }
0x291: {  	[sflag:s2] =	ssyncadd.s32 s31  }
0x292: {  	[sflag:s2] =	ssyncpa.u1 $0x1  }
.LBB3_43:
0x293: {  	s0 =	sor.u32 s13, s14  }
0x294: {  	p1 =	sne.s32 s0, $0x0  }
.Ltmp39:
0x295: {  	_ = 	snop;
	(pc) =	sbr.rel @p1 .LBB3_58-.Ltmp39, $3  }
0x296: {  	_ =	sdelay $0x1  }
0x297: {  	[bflag:$0x0] =	sbarrier.arrive $0xFFFF  }
0x298: {  	_ =	sfence  }
0x299: {  	s2 =	simm.s32 $0x7  }
0x29a: {  	s0 =	simm.s32 $0x800;
	s3 =	simm.s32 $0xA118;
	[sflag:s2] =	ssyncpa.u1 $0x0  }
0x29b: {  	[tilespmem:s3], [sflag:$0x7] =	stream.linear.gather [spmem:s0], $0x20, $0x38;
	[tilespmem:$0x1EF88] =	vst v63  }
0x29c: {  	s30 =	simm.s32 $0xA138;
	s0 =	simm.s32 $0x0  }
0x29d: {  	[tilespmem:s30], [sflag:$0x7] =	stream.linear.gather [spmem:s0], $0x800, $0x38;
	[tilespmem:$0x1EF88] =	vst v63  }
.Ltmp40:
0x29e: {  	_ = 	snop;
	(pc) =	sbr.rel .LBB3_45-.Ltmp40, $4  }
0x29f: {  	_ =	swait.ge [sflag:s2], $0x820  }
0x2a0: {  	[sflag:s2] =	ssyncset.done $0x0  }
0x2a1: {  	s31 =	simm.s32 $0x8;
	[sflag:s2] =	ssyncadd.s32 $0xFFFFF7E0  }
0x2a2: {  	s2 =	simm.s32 $0x0;
	[sflag:s31] =	ssyncpa.u1 $0x0  }
.LBB3_51:
0x2a3: {  	p1 =	slt.u32 s3, $0x270F9  }
0x2a4: {  	s4 =	sand.u32 @p1 $0x3FFF8, s3  }
0x2a5: {  	s3 =	sand.u32 @p1 $0x7, s3;
	s5 =	simm.s32 @p1 $0xA0C8;
	s4 =	sadd.s32 @p1 s1, s4  }
0x2a6: {  	[tilespmem:s5], [sflag:$0x8] =	stream.linear.gather @p1 [hbm4b:s4+s3], $0x40, $0x38;
	[tilespmem:$0x1EF88] =	vst v63  }
0x2a7: {  	s3 =	simm.s32 @p1 $0x8  }
0x2a8: {  	_ =	swait.ge @p1 [sflag:s3], $0x40  }
0x2a9: {  	[sflag:s3] =	ssyncset.done @p1 $0x0  }
0x2aa: {  	[sflag:s3] =	ssyncadd.s32 @p1 $0xFFFFFFC0  }
0x2ab: {  	v1 =	vld @p1 [tilespmem:$0xA0C8];
	_ =	sdelay $0x2  }
0x2ac: {  	s3 =	sshll.u32 @p1 s2, $0x8  }
0x2ad: {  	s4 =	sshrl.u32 @p1 s3, $0x2  }
0x2ae: {  	[tilespmem:s4+$0xA138] =	vst.add.f32.msk @p1 $0xffff, v1  }
0x2af: {  	v1 =	vld @p1 [tilespmem:$0xA0D8];
	_ =	sdelay $0x4  }
0x2b0: {  	[tilespmem:s4+$0xA148] =	vst.add.f32.msk @p1 $0xffff, v1  }
0x2b1: {  	v1 =	vld @p1 [tilespmem:$0xA0E8];
	_ =	sdelay $0x4  }
0x2b2: {  	[tilespmem:s4+$0xA158] =	vst.add.f32.msk @p1 $0xffff, v1  }
0x2b3: {  	v1 =	vld @p1 [tilespmem:$0xA0F8];
	_ =	sdelay $0x3  }
0x2b4: {  	s5 =	sshll.u32 @!p1 s2, $0x8  }
0x2b5: {  	s5 =	smov.u32 @p1 s3;
	[tilespmem:s4+$0xA168] =	vst.add.f32.msk @p1 $0xffff, v1  }
0x2b6: {  	s3 =	sshrl.u32 s5, $0x2;
	[tilespmem:s0+$0xA118] =	vst.msk $0x1, v0  }
0x2b7: {  	v0 =	vld [tilespmem:s3+$0xA138];
	_ =	sdelay $0x2  }
0x2b8: {  	s31 =	sshll.u32 s0, $0x8  }
0x2b9: {  	s4 =	sshra.s32 s31, $0x2  }
0x2ba: {  	[tilespmem:s4+$0xA138] =	vst v0  }
0x2bb: {  	v0 =	vld [tilespmem:s3+$0xA148];
	_ =	sdelay $0x4  }
0x2bc: {  	[tilespmem:s4+$0xA148] =	vst v0  }
0x2bd: {  	v0 =	vld [tilespmem:s3+$0xA158];
	_ =	sdelay $0x4  }
0x2be: {  	[tilespmem:s4+$0xA158] =	vst v0  }
0x2bf: {  	v0 =	vld [tilespmem:s3+$0xA168];
	_ =	sdelay $0x4  }
0x2c0: {  	s0 =	sadd.s32 $0x1, s0;
	[tilespmem:s4+$0xA168] =	vst v0  }
.LBB3_52:
0x2c1: {  	s2 =	sadd.s32 $0x1, s2  }
0x2c2: {  	p1 =	sne.s32 s2, $0x20  }
.Ltmp41:
0x2c3: {  	_ = 	snop;
	(pc) =	sbr.rel @!p1 .LBB3_53-.Ltmp41, $1  }
0x2c4: {  	_ =	sdelay $0x3  }
.LBB3_45:
0x2c5: {  	v0 =	vld.msk [tilespmem:s2+$0xA118], $0x1;
	_ =	sdelay $0x4  }
0x2c6: {  	(v2sf) =	vpush v0, $0x0;
	_ =	sdelay $0xe  }
0x2c7: {  	s3 =	spop (v2sf)  }
0x2c8: {  	p1 =	seq.s32 s3, $0xFFFFFFFF  }
.Ltmp42:
0x2c9: {  	_ = 	snop;
	(pc) =	sbr.rel @p1 .LBB3_52-.Ltmp42, $1  }
0x2ca: {  	_ =	sdelay $0x3  }
0x2cb: {  	p1 =	slt.s32 s0, $0x1  }
.Ltmp43:
0x2cc: {  	_ = 	snop;
	(pc) =	sbr.rel @p1 .LBB3_51-.Ltmp43, $1  }
0x2cd: {  	_ =	sdelay $0x3  }
0x2ce: {  	s4 =	simm.s32 $0xA118;
	p1 =	por $0x0, $0x0  }
0x2cf: {  	v1 =	vld.msk @!p1 [tilespmem:s4+$0x0], $0x1;
	_ =	sdelay $0x4  }
0x2d0: {  	(v2sf) =	vpush @!p1 v1, $0x0;
	_ =	sdelay $0xd  }
0x2d1: {  	p3 =	sne.s32 s0, $0x1  }
.Ltmp44:
0x2d2: {  	s5 =	spop @!p1 (v2sf);
	(pc) =	sbr.rel @!p3 .LBB3_49-.Ltmp44, $4  }
0x2d3: {  	p2 =	seq.s32 @!p1 s3, s5  }
0x2d4: {  	s5 =	simm.s32 $0x0;
	p2 =	por !p2, p1  }
0x2d5: {  	s7 =	simm.s32 $0xFFFFFFFF;
	s5 =	simm.s32 @p2 $0xFFFFFFFF  }
0x2d6: {  	s6 =	simm.s32 $0x1;
	s5 =	smov.u32 @p1 s7  }
.LBB3_48:
0x2d7: {  	s7 =	smov.u32 s5;
	p1 =	sne.s32 s5, $0xFFFFFFFF  }
0x2d8: {  	s4 =	sadd.s32 $0x1, s4;
	s5 =	smov.u32 s6;
	s6 =	sadd.s32 $0x1, s6  }
0x2d9: {  	p2 =	sne.s32 s0, s6;
	v1 =	vld.msk @!p1 [tilespmem:s4+$0x0], $0x1;
	_ =	sdelay $0x4  }
0x2da: {  	(v2sf) =	vpush @!p1 v1, $0x0;
	_ =	sdelay $0xe  }
.Ltmp45:
0x2db: {  	s8 =	spop @!p1 (v2sf);
	(pc) =	sbr.rel @p2 .LBB3_48-.Ltmp45, $4  }
0x2dc: {  	p3 =	seq.s32 @!p1 s3, s8  }
0x2dd: {  	p3 =	por !p3, p1  }
0x2de: {  	s5 =	simm.s32 @p3 $0xFFFFFFFF  }
0x2df: {  	s5 =	smov.u32 @p1 s7  }
.LBB3_49:
0x2e0: {  	p1 =	seq.s32 s5, $0xFFFFFFFF  }
.Ltmp46:
0x2e1: {  	_ = 	snop;
	(pc) =	sbr.rel @p1 .LBB3_51-.Ltmp46, $1  }
0x2e2: {  	_ =	sdelay $0x3  }
0x2e3: {  	s3 =	sshll.u32 s2, $0x6  }
0x2e4: {  	s3 =	sand.u32 $0x3FFFFFC0, s3  }
0x2e5: {  	v0 =	vld [tilespmem:s3+$0xA138];
	_ =	sdelay $0x2  }
0x2e6: {  	s4 =	sshll.u32 s5, $0x8  }
0x2e7: {  	s4 =	sshra.s32 s4, $0x2  }
0x2e8: {  	[tilespmem:s4+$0xA138] =	vst.add.f32.msk $0xffff, v0  }
0x2e9: {  	v0 =	vld [tilespmem:s3+$0xA148];
	_ =	sdelay $0x4  }
0x2ea: {  	[tilespmem:s4+$0xA148] =	vst.add.f32.msk $0xffff, v0  }
0x2eb: {  	v0 =	vld [tilespmem:s3+$0xA158];
	_ =	sdelay $0x4  }
0x2ec: {  	[tilespmem:s4+$0xA158] =	vst.add.f32.msk $0xffff, v0  }
0x2ed: {  	v0 =	vld [tilespmem:s3+$0xA168]  }
.Ltmp47:
0x2ee: {  	_ = 	snop;
	(pc) =	sbr.rel .LBB3_52-.Ltmp47, $2  }
0x2ef: {  	_ =	sdelay $0x2  }
0x2f0: {  	[tilespmem:s4+$0xA168] =	vst.add.f32.msk $0xffff, v0  }
.LBB3_53:
0x2f1: {  	p1 =	slt.s32 s0, $0x1  }
.Ltmp48:
0x2f2: {  	_ = 	snop;
	(pc) =	sbr.rel @p1 .LBB3_57-.Ltmp48, $3  }
0x2f3: {  	_ =	sdelay $0x1  }
0x2f4: {  	s2 =	simm.s32 $0x8  }
0x2f5: {  	[sflag:s2] =	ssyncpa.u1 $0x1;
	s2 =	simm.s32 $0x0  }
0x2f6: {  	s3 =	simm.s32 $0xA118  }
0x2f7: {  	v0 =	vld.msk [tilespmem:s3+$0x0], $0x1;
	_ =	sdelay $0x4  }
0x2f8: {  	(v2sf) =	vpush v0, $0x0;
	_ =	sdelay $0xe  }
0x2f9: {  	s0 =	sadd.s32 $0xFFFFFFFF, s0;
	s4 =	spop (v2sf)  }
0x2fa: {  	p2 =	sne.s32 s0, $0x0;
	p1 =	sgt.u32 s4, $0x270F8  }
.Ltmp49:
0x2fb: {  	s5 =	sand.u32 @!p1 $0x3FFF8, s4;
	(pc) =	sbr.rel @!p2 .LBB3_56-.Ltmp49, $4  }
0x2fc: {  	s3 =	simm.s32 $0xA138;
	s4 =	sand.u32 @!p1 $0x7, s4;
	s5 =	sadd.s32 @!p1 s1, s5  }
0x2fd: {  	[hbm4b:s5+s4] =	stream.linear.scatter @!p1 [tilespmem:s3], [sflag:$0x7], $0x40, $0x38;
	[tilespmem:$0x1EF88] =	vst v63  }
0x2fe: {  	s5 =	simm.s32 $0x0  }
0x2ff: {  	s4 =	simm.s32 $0xA119;
	s5 =	simm.s32 @!p1 $0x100  }
.LBB3_55:
0x300: {  	v0 =	vld.msk [tilespmem:s4+$0x0], $0x1;
	s0 =	sadd.s32 $0xFFFFFFFF, s0;
	s2 =	sadd.s32 s2, s5  }
0x301: {  	p1 =	sne.s32 s0, $0x0;
	_ =	sdelay $0x3  }
0x302: {  	(v2sf) =	vpush v0, $0x0;
	_ =	sdelay $0xe  }
.Ltmp50:
0x303: {  	s6 =	spop (v2sf);
	(pc) =	sbr.rel @p1 .LBB3_55-.Ltmp50, $4  }
0x304: {  	s5 =	simm.s32 $0x0;
	p2 =	sgt.u32 s6, $0x270F8  }
0x305: {  	s3 =	sadd.s32 $0x40, s3;
	s5 =	simm.s32 @!p2 $0x100;
	s7 =	sand.u32 @!p2 $0x3FFF8, s6  }
0x306: {  	s4 =	sadd.s32 $0x1, s4;
	s6 =	sand.u32 @!p2 $0x7, s6;
	s7 =	sadd.s32 @!p2 s1, s7  }
0x307: {  	[hbm4b:s7+s6] =	stream.linear.scatter @!p2 [tilespmem:s3], [sflag:$0x7], $0x40, $0x38;
	[tilespmem:$0x1EF88] =	vst v63  }
.LBB3_56:
0x308: {  	s0 =	sadd.s32 s2, s5  }
0x309: {  	s2 =	sshrl.u32 s0, $0x2  }
.LBB3_57:
0x30a: {  	s0 =	simm.s32 $0x7  }
0x30b: {  	_ =	swait.ge [sflag:s0], s2  }
0x30c: {  	s1 =	ssub.s32 $0x0, s2;
	[sflag:s0] =	ssyncset.done $0x0  }
0x30d: {  	[sflag:s0] =	ssyncadd.s32 s1  }
0x30e: {  	[sflag:s0] =	ssyncpa.u1 $0x1  }
.LBB3_58:
0x30f: {  	_ =	sfence;
	s0 =	simm.s32 $0x1  }
0x310: {  	[sflag:s0] =	ssyncpa.u1 $0x1  }
0x311: {  	_ =	strace $0x90000056  }
0x312: {  	[bflag:$0x2] =	sbarrier.arrive $0xFFFF  }
0x313: {  	s0 =	rddreg [dreg:$0x5]  }
0x314: {  	s0 =	sadd.s32 @!p0 $0x100000, s0  }
0x315: {  	[sflag:s0] =	ssyncadd.tile.s32 @!p0 $0x1;
	_ =	shalt  }
.Lfunc_end3:
_tile_overlayer_lowered:
.L_overlay_start_3:
0x316: {  	(tag) =	ssettag $0x3  }
0x317: {  	s0 =	rddreg [dreg:$0x0];
	s2 =	stileid.u32  }
0x318: {  	s1 =	rddreg [dreg:$0x1];
	p0 =	sne.s32 s2, $0x0  }
0x319: {  	s3 =	rddreg [dreg:$0x2];
	[bflag:$0x3] =	sbarrier.arrive $0xFFFF;
	s2 =	simm.s32 @!p0 $0x1C01  }
0x31a: {  	[timem:s3], [sflag:s2] =	dma.local @!p0 [hbm:s0], s1  }
0x31b: {  	s0 =	simm.s32 @!p0 $0x1  }
0x31c: {  	_ =	swait.ge @!p0 [sflag:s0], s1  }
0x31d: {  	s1 =	ssub.s32 @!p0 $0x0, s1;
	[sflag:s0] =	ssyncset.done @!p0 $0x0  }
0x31e: {  	[sflag:s0] =	ssyncadd.s32 @!p0 s1  }
0x31f: {  	[bflag:$0x3] =	sbarrier.arrive $0xFFFF  }
0x320: {  	_ =	shalt  }

// kernel: scatter_offload_async_start.2
scs
__scs_entry_jumppad:
0x0: {  	(pc) =	sbr.rel $0x88, $3  }
0x1: {  	(tag) =	ssettag $0x0;
	lr =	simm.s32 $0x1  }
0x2: {  	[smem:$0x3F91] =	sst lr;
	_ =	strace $0xD0000000  }
0x3: {  	_ = 	snop  }
0x4: {  	_ = 	snop  }
0x5: {  	_ = 	snop  }
0x6: {  	_ = 	snop  }
0x7: {  	_ = 	snop  }
__scs_overlays_trampoline_lowered:
0x8: {  	[smem:$0x3FA0] =	sst s0  }
0x9: {  	[smem:$0x3FA1] =	sst s1  }
0xa: {  	[smem:$0x3FA2] =	sst s2  }
0xb: {  	[smem:$0x3FA3] =	sst s3  }
0xc: {  	[smem:$0x3FA4] =	sst s4  }
0xd: {  	[smem:$0x3FA5] =	sst s5  }
0xe: {  	[smem:$0x3FA6] =	sst s6  }
0xf: {  	[smem:$0x3FA7] =	sst s7  }
0x10: {  	[smem:$0x3FA8] =	sst s8  }
0x11: {  	[smem:$0x3FA9] =	sst s9;
	s0 =	simm.s32 @!p0 $0x0  }
0x12: {  	s1 =	sld [smem:$0x3F8F];
	s0 =	simm.s32 @p0 $0x1  }
0x13: {  	[smem:$0x3FAA] =	sst s0;
	s0 =	simm.s32 @!p1 $0x0  }
0x14: {  	s2 =	sld [smem:$0x3F8E];
	s0 =	simm.s32 @p1 $0x1  }
0x15: {  	[smem:$0x3FAB] =	sst s0;
	s0 =	simm.s32 @!p2 $0x0  }
0x16: {  	s3 =	sld [smem:$0x3FDB];
	s0 =	simm.s32 @p2 $0x1  }
0x17: {  	s4 =	simm.s32 $0x1BF5;
	[smem:$0x3FAD] =	sst s0  }
0x18: {  	s0 =	sld [smem:$0x3F90];
	_ =	swait.ge [sflag:s4], $0x0  }
0x19: {  	s7 =	sld [smem:$0x3F91]  }
0x1a: {  	s8 =	sadd.s32 $0xFFFFE003, lr  }
0x1b: {  	s9 =	sadd.s32 $0xFFFFFEF7, lr;
	s5 =	simm.s32 $0xFFFFFFFF;
	p2 =	slt.u32 s8, $0xFFFFF086  }
0x1c: {  	p1 =	slt.u32 s9, $0xF7A;
	s5 =	simm.s32 @!p2 $0x0  }
0x1d: {  	s5 =	simm.s32 @p1 $0x1;
	p0 =	seq.s32 s7, s2  }
0x1e: {  	s7 =	smul.u32 @!p0 $0xF7A, s2;
	p2 =	seq.s32 @!p0 s5, $0x0  }
0x1f: {  	s9 =	smul.u32 $0xF7A, s1;
	s8 =	simm.s32 @!p0 $0x1BF5;
	p2 =	por !p2, p0  }
0x20: {  	[sflag:s8] =	ssyncset.s32 @!p0 $0xFFFFF086;
	s6 =	sadd.s32 @!p0 s3, s7;
	s7 =	simm.s32 @!p0 $0x108  }
0x21: {  	s3 =	sadd.s32 s3, s9;
	s6 =	sadd.s32 @!p0 $0x88, s6;
	s7 =	simm.s32 @p2 $0x1082  }
0x22: {  	[simem:s7], [sflag:s8] =	dma.local @!p0 [hbm:s6], $0xF7A  }
0x23: {  	s9 =	sor.u32 $0xD0000000, s2;
	s6 =	simm.s32 $0x108;
	_ =	swait.ge @!p0 [sflag:s8], $0x0  }
0x24: {  	s3 =	sadd.s32 $0x88, s3;
	s6 =	simm.s32 @!p1 $0x1082;
	[sflag:s4] =	ssyncset.s32 $0xFFFFF086  }
0x25: {  	[simem:s6], [sflag:s4] =	dma.local [hbm:s3], $0xF7A  }
0x26: {  	[smem:$0x3F91] =	sst s1;
	(tag) =	ssettag s2;
	_ =	strace s9  }
0x27: {  	s1 =	sld [smem:$0x3FA1]  }
0x28: {  	s2 =	sld [smem:$0x3FA2]  }
0x29: {  	s4 =	sld [smem:$0x3FA4]  }
0x2a: {  	p0 =	seq.s32 s5, $0x0;
	s5 =	sld [smem:$0x3FA5]  }
0x2b: {  	s6 =	sld [smem:$0x3FA6]  }
0x2c: {  	s7 =	sld [smem:$0x3FA7]  }
0x2d: {  	s3 =	simm.s32 $0x108;
	s8 =	sld [smem:$0x3FA8]  }
0x2e: {  	s3 =	simm.s32 @!p0 $0x1082;
	s9 =	sld [smem:$0x3FA9]  }
0x2f: {  	lr =	sadd.s32 s0, s3;
	s0 =	sld [smem:$0x3FA0]  }
0x30: {  	s3 =	sld [smem:$0x3FA3]  }
0x31: {  	[smem:$0x3FAC] =	sst s10  }
0x32: {  	s10 =	sld [smem:$0x3FAA];
	_ =	sdelay $0x3  }
0x33: {  	p0 =	seq.s32 s10, $0x1;
	s10 =	sld [smem:$0x3FAC];
	_ =	sdelay $0x3  }
0x34: {  	[smem:$0x3FAC] =	sst s10  }
0x35: {  	s10 =	sld [smem:$0x3FAB];
	_ =	sdelay $0x3  }
0x36: {  	p1 =	seq.s32 s10, $0x1;
	s10 =	sld [smem:$0x3FAC];
	_ =	sdelay $0x3  }
0x37: {  	[smem:$0x3FAC] =	sst s10  }
0x38: {  	s10 =	sld [smem:$0x3FAD]  }
0x39: {  	_ = 	snop;
	(pc) =	sbr.ind lr, $3  }
0x3a: {  	_ = 	snop  }
0x3b: {  	_ = 	snop  }
0x3c: {  	p2 =	seq.s32 s10, $0x1;
	s10 =	sld [smem:$0x3FAC]  }
0x3d: {  	_ =	shalt  }
0x3e: {  	_ =	shalt  }
0x3f: {  	_ =	shalt  }
0x40: {  	_ =	shalt  }
0x41: {  	_ =	shalt  }
0x42: {  	_ =	shalt  }
0x43: {  	_ =	shalt  }
0x44: {  	_ =	shalt  }
0x45: {  	_ =	shalt  }
0x46: {  	_ =	shalt  }
0x47: {  	_ =	shalt  }
0x48: {  	_ =	shalt  }
0x49: {  	_ =	shalt  }
0x4a: {  	_ =	shalt  }
0x4b: {  	_ =	shalt  }
0x4c: {  	_ =	shalt  }
0x4d: {  	_ =	shalt  }
0x4e: {  	_ =	shalt  }
0x4f: {  	_ =	shalt  }
0x50: {  	_ =	shalt  }
0x51: {  	_ =	shalt  }
0x52: {  	_ =	shalt  }
0x53: {  	_ =	shalt  }
0x54: {  	_ =	shalt  }
0x55: {  	_ =	shalt  }
0x56: {  	_ =	shalt  }
0x57: {  	_ =	shalt  }
0x58: {  	_ =	shalt  }
0x59: {  	_ =	shalt  }
0x5a: {  	_ =	shalt  }
0x5b: {  	_ =	shalt  }
0x5c: {  	_ =	shalt  }
0x5d: {  	_ =	shalt  }
0x5e: {  	_ =	shalt  }
0x5f: {  	_ =	shalt  }
0x60: {  	_ =	shalt  }
0x61: {  	_ =	shalt  }
0x62: {  	_ =	shalt  }
0x63: {  	_ =	shalt  }
0x64: {  	_ =	shalt  }
0x65: {  	_ =	shalt  }
0x66: {  	_ =	shalt  }
0x67: {  	_ =	shalt  }
0x68: {  	_ =	shalt  }
0x69: {  	_ =	shalt  }
0x6a: {  	_ =	shalt  }
0x6b: {  	_ =	shalt  }
0x6c: {  	_ =	shalt  }
0x6d: {  	_ =	shalt  }
0x6e: {  	_ =	shalt  }
0x6f: {  	_ =	shalt  }
0x70: {  	_ =	shalt  }
0x71: {  	_ =	shalt  }
0x72: {  	_ =	shalt  }
0x73: {  	_ =	shalt  }
0x74: {  	_ =	shalt  }
0x75: {  	_ =	shalt  }
0x76: {  	_ =	shalt  }
0x77: {  	_ =	shalt  }
0x78: {  	_ =	shalt  }
0x79: {  	_ =	shalt  }
0x7a: {  	_ =	shalt  }
0x7b: {  	_ =	shalt  }
0x7c: {  	_ =	shalt  }
0x7d: {  	_ =	shalt  }
0x7e: {  	_ =	shalt  }
0x7f: {  	_ =	shalt  }
0x80: {  	_ =	shalt  }
0x81: {  	_ =	shalt  }
0x82: {  	_ =	shalt  }
0x83: {  	_ =	shalt  }
0x84: {  	_ =	shalt  }
0x85: {  	_ =	shalt  }
0x86: {  	_ =	shalt  }
0x87: {  	_ =	shalt  }
.Lfunc_end0:
.L_simem_size_0:
called_computation.2_lowered:
.L_overlay_start_0:
0x88: {  	s2 =	sld [smem:$0x3FD9]  }
0x89: {  	s3 =	sld [smem:$0x3FFE];
	_ =	sdelay $0x1  }
0x8a: {  	s1 =	srdreg.scid  }
0x8b: {  	s0 =	sand.u32 $0x1, s1  }
0x8c: {  	s10 =	sshll.u32 s0, $0xA;
	s2 =	sadd.s32 s3, s2  }
0x8d: {  	s2 =	sadd.s32 s2, s10  }
0x8e: {  	[smem:$0x3FB8] =	sst s2  }
0x8f: {  	_ = 	snop  }
0x90: {  	s2 =	sld [smem:$0x3FD0];
	_ =	sdelay $0x2  }
0x91: {  	s11 =	simm.s32 $0xD;
	s4 =	simm.s32 $0x10  }
0x92: {  	[smem:s4], [sflag:s11] =	dma.local [hbm:s2], $0x1  }
0x93: {  	_ =	swait.eq [sflag:s11], $0x1  }
0x94: {  	[sflag:s11] =	ssyncset.done $0x0  }
0x95: {  	[sflag:s11] =	ssyncadd.s32 $0xFFFFFFFF  }
0x96: {  	s12 =	sld [smem:$0x10];
	(tm) =	ssettm $0x1  }
0x97: {  	s13 =	sld [smem:$0x3FFB];
	_ =	sdelay $0x3  }
0x98: {  	_ =	strace s13  }
0x99: {  	s2 =	sld [smem:$0x3FFC];
	_ =	sdelay $0x3  }
0x9a: {  	_ =	strace s2  }
0x9b: {  	s2 =	sld [smem:$0x3FFD];
	_ =	sdelay $0x3  }
0x9c: {  	_ =	strace s2  }
0x9d: {  	_ =	strace $0x8FFFFFFF  }
0x9e: {  	s14 =	sld [smem:$0x3FDB];
	_ =	sdelay $0x1  }
0x9f: {  	s15 =	simm.s32 $_scs_section_size  }
0xa0: {  	s5 =	simm.s32 $_size__tile_overlayer_lowered;
	s6 =	simm.s32 $_tile_overlayer_lowered  }
0xa1: {  	s19 =	simm.s32 $0x1BFF;
	s17 =	sshll.u32 s6, $0x1;
	s7 =	sadd.s32 s15, s14  }
0xa2: {  	s20 =	simm.s32 $0x0;
	s16 =	sshll.u32 s5, $0x1;
	s18 =	sadd.s32 s17, s7  }
0xa3: {  	[timem:s20], [sflag:s19] =	dma.local [hbm:s18], s16  }
0xa4: {  	_ =	swait.ge [sflag:s19], s16  }
0xa5: {  	s4 =	ssub.s32 $0x0, s16;
	[sflag:s19] =	ssyncset.done $0x0  }
0xa6: {  	[sflag:s19] =	ssyncadd.s32 s4;
	_ =	sdelay $0x1  }
0xa7: {  	s21 =	simm.s32 $0x1B8B  }
0xa8: {  	_ =	swait.ge [sflag:s21], $0x1  }
0xa9: {  	[sflag:s21] =	ssyncset.done $0x0  }
0xaa: {  	[sflag:s21] =	ssyncadd.s32 $0xFFFFFFFF  }
0xab: {  	s4 =	sld [smem:$0x0]  }
0xac: {  	s5 =	sand.u32 $0xFFFFFFFE, s1  }
0xad: {  	p0 =	sne.s32 s1, s5  }
0xae: {  	s5 =	sshll.u32 @p0 s5, $0xE  }
0xaf: {  	s6 =	sadd.s32 @p0 $0x11B8D, s5;
	s8 =	sshll.u32 @p0 s4, $0x11  }
0xb0: {  	s6 =	sor.u32 @p0 s8, s6  }
0xb1: {  	[sflag:s6] =	ssyncadd.remote.s32 @p0 $0x1;
	_ =	sdelay $0x1  }
0xb2: {  	s6 =	simm.s32 @p0 $0x1B8D  }
0xb3: {  	_ =	swait.eq @p0 [sflag:s6], $0x1  }
0xb4: {  	[sflag:s6] =	ssyncadd.s32 @p0 $0xFFFFFFFF  }
0xb5: {  	s8 =	sshll.u32 @!p0 s1, $0xE  }
0xb6: {  	s8 =	sor.u32 @!p0 $0x4000, s8;
	s6 =	simm.s32 @!p0 $0x1B8D  }
0xb7: {  	s10 =	sshll.u32 @!p0 s4, $0x11;
	s9 =	sadd.s32 @!p0 $0x11B8D, s8;
	_ =	swait.eq @!p0 [sflag:s6], $0x1  }
0xb8: {  	[sflag:s6] =	ssyncadd.s32 @!p0 $0xFFFFFFFF;
	s6 =	sor.u32 @!p0 s10, s9  }
0xb9: {  	s23 =	simm.s32 $0x1B8E;
	s22 =	sld [smem:$0x3FFE];
	[sflag:s6] =	ssyncadd.remote.s32 @!p0 $0x1  }
0xba: {  	s24 =	simm.s32 $execute0_lowered;
	[smem:$0x3FD2] =	sst s23  }
0xbb: {  	s9 =	sshll.u32 s24, $0x1;
	_ =	strace $0x8000004C;
	[dreg:$0x1] =	wrdreg $0xFFFFFFFF  }
0xbc: {  	s25 =	simm.s32 $_size_execute0_lowered;
	s9 =	sadd.s32 s7, s9;
	[dreg:$0x0] =	wrdreg $0x0  }
0xbd: {  	s10 =	sshll.u32 s25, $0x1;
	[dreg:$0x2] =	wrdreg s9  }
0xbe: {  	[dreg:$0x3] =	wrdreg s10  }
0xbf: {  	[dreg:$0x4] =	wrdreg $0xC0  }
0xc0: {  	s26 =	simm.s32 $execute1_lowered;
	_ =	task [dreg:s20], $0x5FFFF  }
0xc1: {  	s9 =	sshll.u32 s26, $0x1;
	[dreg:$0x1] =	wrdreg $0xFFFFFFFF  }
0xc2: {  	s7 =	sadd.s32 s7, s9;
	[dreg:$0x0] =	wrdreg $0x60  }
0xc3: {  	[dreg:$0x2] =	wrdreg s7  }
0xc4: {  	[dreg:$0x3] =	wrdreg s22  }
0xc5: {  	[dreg:$0x4] =	wrdreg $0xB  }
0xc6: {  	_ =	task.clear_ibuf [dreg:s20], $0x5FFFF;
	_ =	strace $0x9000004C  }
0xc7: {  	s28 =	simm.s32 $0xB;
	_ =	strace $0x8000004E  }
0xc8: {  	_ =	swait.ge [sflag:s28], $0x1  }
0xc9: {  	[sflag:s28] =	ssyncadd.s32 $0xFFFFFFFF  }
0xca: {  	_ =	strace $0x9000004E  }
0xcb: {  	s7 =	sld [smem:$0x0];
	_ =	sdelay $0x3  }
0xcc: {  	s5 =	sadd.s32 @p0 $0x11BF3, s5;
	s9 =	sshll.u32 @p0 s7, $0x11  }
0xcd: {  	s5 =	sor.u32 @p0 s9, s5  }
0xce: {  	[sflag:s5] =	ssyncadd.remote.s32 @p0 $0x1;
	_ =	sdelay $0x1  }
0xcf: {  	s5 =	simm.s32 @p0 $0x1BF3  }
0xd0: {  	_ =	swait.eq @p0 [sflag:s5], $0x1  }
0xd1: {  	[sflag:s5] =	ssyncadd.s32 @p0 $0xFFFFFFFF;
	_ =	sdelay $0x1  }
0xd2: {  	s5 =	simm.s32 @!p0 $0x1BF3  }
0xd3: {  	s8 =	sadd.s32 @!p0 $0x11BF3, s8;
	s7 =	sshll.u32 @!p0 s7, $0x11;
	_ =	swait.eq @!p0 [sflag:s5], $0x1  }
0xd4: {  	[sflag:s5] =	ssyncadd.s32 @!p0 $0xFFFFFFFF;
	s5 =	sor.u32 @!p0 s7, s8  }
0xd5: {  	[sflag:s5] =	ssyncadd.remote.s32 @!p0 $0x1  }
0xd6: {  	_ =	strace $0x8000004F;
	[dreg:$0x1] =	wrdreg $0xFFFFFFFF  }
0xd7: {  	[dreg:$0x0] =	wrdreg $0x2030  }
0xd8: {  	[dreg:$0x2] =	wrdreg s22  }
0xd9: {  	[dreg:$0x3] =	wrdreg s12  }
0xda: {  	[dreg:$0x4] =	wrdreg s1  }
0xdb: {  	[dreg:$0x5] =	wrdreg s4  }
0xdc: {  	[dreg:$0x6] =	wrdreg $0xC  }
0xdd: {  	_ =	task.clear_ibuf [dreg:s20], $0x7FFFF;
	_ =	strace $0x9000004F  }
0xde: {  	s29 =	simm.s32 $0xC;
	_ =	strace $0x80000051  }
0xdf: {  	_ =	swait.ge [sflag:s29], $0x1  }
0xe0: {  	[sflag:s29] =	ssyncadd.s32 $0xFFFFFFFF  }
0xe1: {  	_ =	strace $0x90000051  }
0xe2: {  	_ =	sfence  }
0xe3: {  	s30 =	sld [smem:$0x0];
	_ =	sdelay $0x2  }
0xe4: {  	s31 =	sshll.u32 s1, $0xD;
	s1 =	sshrl.u32 s1, $0x2  }
0xe5: {  	s4 =	sand.u32 $0x4000, s31;
	s1 =	sadd.s32 s1, s30  }
0xe6: {  	s0 =	sor.u32 s4, s0;
	s1 =	sshll.u32 s1, $0x11  }
0xe7: {  	s0 =	sor.u32 s1, s0  }
0xe8: {  	s0 =	sadd.s32 $0x8F2B, s0  }
0xe9: {  	[sflag:s0] =	ssyncadd.remote.s32 $0x1  }
0xea: {  	_ =	sfence.sel $0xFFFF  }
0xeb: {  	[dreg:$0x0] =	wrdreg $0xFFFFFFFF;
	(pc) =	sbr.abs _section_cstart, $3  }
0xec: {  	[dreg:$0x1] =	wrdreg $0xFFFFFFFF  }
0xed: {  	_ =	task.clear_ibuf [dreg:s20], $0x2FFFF;
	_ =	strace $0x9FFFFFFF  }
0xee: {  	(tm) =	ssettm $0x7FFFFFFF  }
0xef: {  	_ =	shalt  }
tec
execute0_lowered:
.L_overlay_start_1:
0x0: {  	(tag) =	ssettag $0x1  }
0x1: {  	s2 =	rddreg [dreg:$0x0]  }
0x2: {  	s5 =	rddreg [dreg:$0x1]  }
0x3: {  	s0 =	rddreg [dreg:$0x2];
	s3 =	stileid.u32;
	[bflag:$0x3] =	sbarrier.arrive $0xFFFF  }
0x4: {  	s1 =	simm.s32 $_size_execute1_lowered;
	s29 =	srdreg.scid;
	s31 =	simm.s32 $0x2  }
0x5: {  	s13 =	simm.s32 $0x0;
	s8 =	simm.s32 $0x40;
	p0 =	sne.s32 s3, $0x0  }
0x6: {  	s1 =	sshll.u32 s1, $0x1;
	s4 =	simm.s32 @!p0 $0x1C3F;
	s6 =	simm.s32 @!p0 $0x4060  }
0x7: {  	[timem:s6], [sflag:s4] =	dma.local @!p0 [hbm:s2], s1  }
0x8: {  	s9 =	simm.s32 $0x80;
	s11 =	simm.s32 $0x0;
	s2 =	sshll.u32 s29, $0x8  }
.Ltmp0:
0x9: {  	s3 =	sshll.u32 s3, $0x9;
	s30 =	sand.u32 $0x100, s2;
	(pc) =	sbr.rel .LBB2_1-.Ltmp0, $4  }
0xa: {  	s12 =	simm.s32 $0x0;
	s4 =	simm.s32 $0x1;
	s3 =	sor.u32 s3, s30  }
0xb: {  	_ =	strace $0x8000004D;
	s2 =	sadd.s32 $0x13C00, s5;
	s7 =	ssub.s32 $0x2700, s3  }
0xc: {  	s5 =	sadd.s32 $0x7FA00, s5;
	[sflag:s4] =	ssyncpa.u1 $0x0;
	s6 =	sshrl.u32 s7, $0xD  }
0xd: {  	[sflag:s31] =	ssyncpa.u1 $0x0;
	s10 =	smov.u32 s3;
	s7 =	sor.u32 $0x2, s6  }
.LBB2_5:
0xe: {  	_ =	sdelay $0x3  }
0xf: {  	[tilespmem:v3+s18+$0x0 ss:$0x1] =	vst.idx.msk $0xffff, v1  }
0x10: {  	[tilespmem:v3+s17+$0x0 ss:$0x1] =	vst.idx.msk $0xffff, v2  }
0x11: {  	[tilespmem:v3+s16+$0x0 ss:$0x1] =	vst.idx.msk $0xffff, v4  }
0x12: {  	[tilespmem:v3+s19+$0x0 ss:$0x1] =	vst.idx.msk $0xffff, v5  }
.LBB2_6:
0x13: {  	s16 =	sand.u32 $0x1FFFFFF, s11  }
0x14: {  	s17 =	smulhi.u32 $0x1A36E2F, s16;
	_ =	sdelay $0x1  }
0x15: {  	s17 =	sshrl.u32 s17, $0x6  }
0x16: {  	s17 =	smul.u32 $0x2710, s17;
	_ =	sdelay $0x1  }
0x17: {  	s16 =	ssub.s32 s16, s17  }
0x18: {  	s16 =	sshll.u32 s16, $0x4  }
0x19: {  	s16 =	sadd.s32 s5, s16  }
0x1a: {  	[hbm4b:s16+s8] =	stream.strided.scatter [tilespmem:s15], [sflag:$0x2], s14, s9, s8, $0x38;
	[tilespmem:$0x10000] =	vst v63  }
.LBB2_7:
0x1b: {  	p1 =	slt.u32 s12, $0x2  }
0x1c: {  	p2 =	sgt.s32 @!p1 s13, $0x2610  }
0x1d: {  	s14 =	smov.u32 s13;
	s15 =	sshra.s32 @!p1 s13, $0x1F;
	p2 =	por !p2, p1  }
0x1e: {  	s13 =	sand.u32 @!p1 s15, s13;
	s14 =	simm.s32 @p2 $0x2610  }
0x1f: {  	s13 =	ssub.s32 @!p1 s14, s13  }
0x20: {  	s13 =	sadd.s32 @!p1 $0xFFFFD9F0, s13  }
0x21: {  	s14 =	sshll.u32 @!p1 s13, $0x8  }
0x22: {  	p2 =	sgt.s32 @!p1 s13, $0xFF;
	s13 =	ssub.s32 @!p1 $0x10000, s14  }
0x23: {  	s15 =	sadd.s32 $0x2000, s10;
	p2 =	por !p2, p1;
	s13 =	sshrl.u32 @!p1 s13, $0x2  }
0x24: {  	s13 =	simm.s32 @!p2 $0x0;
	p2 =	sgt.s32 s15, $0x270F  }
0x25: {  	s15 =	smov.u32 @p2 s3;
	p2 =	sne.s32 s12, s7  }
.Ltmp1:
0x26: {  	_ = 	snop;
	(pc) =	sbr.rel @!p2 .LBB2_8-.Ltmp1, $4  }
0x27: {  	s14 =	simm.s32 @!p1 $0x2  }
0x28: {  	_ =	swait.ge @!p1 [sflag:s14], s13;
	s16 =	ssub.s32 @!p1 $0x0, s13  }
0x29: {  	s13 =	smov.u32 s11;
	s12 =	sadd.s32 $0x1, s12;
	[sflag:s14] =	ssyncset.done @!p1 $0x0  }
0x2a: {  	s11 =	smov.u32 s10;
	s10 =	smov.u32 s15;
	[sflag:s14] =	ssyncadd.s32 @!p1 s16  }
.LBB2_1:
0x2b: {  	p1 =	sgt.u32 s12, s6  }
0x2c: {  	s15 =	smov.u32 s10;
	p2 =	sgt.s32 @!p1 s10, $0x2610  }
0x2d: {  	s14 =	sand.u32 @!p1 $0x1FFFFFF, s10;
	s16 =	sshra.s32 @!p1 s10, $0x1F;
	p2 =	por !p2, p1  }
0x2e: {  	s17 =	smulhi.u32 @!p1 $0x1A36E2F, s14;
	s16 =	sand.u32 @!p1 s16, s10;
	s15 =	simm.s32 @p2 $0x2610  }
0x2f: {  	s15 =	ssub.s32 @!p1 s15, s16  }
0x30: {  	s16 =	sshrl.u32 @!p1 s17, $0x6;
	s15 =	sadd.s32 @!p1 $0xFFFFD9F0, s15  }
0x31: {  	s17 =	sxor.u32 @!p1 $0xFFFFFFFF, s12;
	s16 =	smul.u32 @!p1 $0x2710, s16;
	s18 =	sshll.u32 @!p1 s15, $0x8  }
0x32: {  	s17 =	sshll.u32 @!p1 s17, $0xE;
	p2 =	sgt.s32 @!p1 s15, $0xFF;
	s15 =	ssub.s32 @!p1 $0x10000, s18  }
0x33: {  	s14 =	ssub.s32 @!p1 s14, s16;
	p2 =	por !p2, p1;
	s16 =	sand.u32 @!p1 $0x4000, s17  }
0x34: {  	s17 =	simm.s32 @!p1 $0x40;
	s15 =	sshrl.u32 @!p1 s15, $0x2;
	s14 =	sshll.u32 @!p1 s14, $0x4  }
0x35: {  	s18 =	simm.s32 @!p1 $0x80;
	s15 =	simm.s32 @!p2 $0x0;
	s14 =	sadd.s32 @!p1 s2, s14  }
0x36: {  	[tilespmem:s16], [sflag:$0x1] =	stream.strided.gather @!p1 [hbm4b:s14+s17], s15, s18, s17, $0x38;
	[tilespmem:$0x10000] =	vst v63  }
0x37: {  	p1 =	seq.s32 s12, $0x0  }
0x38: {  	p2 =	sge.u32 @!p1 s12, s7  }
0x39: {  	p1 =	por p1, p2  }
.Ltmp2:
0x3a: {  	_ = 	snop;
	(pc) =	sbr.rel @p1 .LBB2_7-.Ltmp2, $1  }
0x3b: {  	_ =	sdelay $0x3  }
0x3c: {  	p1 =	sgt.s32 s11, $0x2610;
	s14 =	smov.u32 s11;
	s15 =	sshra.s32 s11, $0x1F  }
0x3d: {  	s14 =	simm.s32 @!p1 $0x2610;
	s15 =	sand.u32 s15, s11  }
0x3e: {  	s14 =	ssub.s32 s14, s15  }
0x3f: {  	s14 =	sadd.s32 $0xFFFFD9F0, s14  }
0x40: {  	s31 =	sshll.u32 s14, $0x8  }
0x41: {  	s15 =	ssub.s32 $0x10000, s31  }
0x42: {  	p1 =	sgt.s32 s14, $0xFF;
	s14 =	sshrl.u32 s15, $0x2;
	s15 =	sadd.s32 $0x100, s11  }
0x43: {  	s14 =	simm.s32 @p1 $0x0;
	p1 =	slt.s32 s15, $0x2710  }
0x44: {  	s15 =	simm.s32 @!p1 $0x2710  }
0x45: {  	s20 =	ssub.s32 s15, s11  }
0x46: {  	p1 =	slt.s32 s20, $0x1  }
.Ltmp3:
0x47: {  	_ = 	snop;
	(pc) =	sbr.rel @p1 .LBB2_6-.Ltmp3, $4  }
0x48: {  	_ = 	snop  }
0x49: {  	s16 =	sshll.u32 s12, $0xE;
	_ =	swait.ge [sflag:s4], s14  }
0x4a: {  	s16 =	sand.u32 $0x4000, s16;
	s17 =	ssub.s32 $0x0, s14;
	[sflag:s4] =	ssyncset.done $0x0  }
0x4b: {  	s15 =	sor.u32 $0x8000, s16;
	[sflag:s4] =	ssyncadd.s32 s17  }
0x4c: {  	v0 =	vmov s16;
	_ =	sdelay $0x2  }
0x4d: {  	s31 =	simm.s32 $0x0;
	p1 =	sne.s32 s20, $0x1  }
.Ltmp4:
0x4e: {  	s18 =	sand.u32 $0x3FC0, s31;
	(pc) =	sbr.rel @!p1 .LBB2_5-.Ltmp4, $4  }
0x4f: {  	s17 =	sor.u32 $0x30, s18;
	v1 =	vld.idx.msk [tilespmem:v0+s18+$0x0 ss:$0x1], $0xffff  }
0x50: {  	v3 =	vmov s15;
	s16 =	sor.u32 $0x10, s18;
	v2 =	vld.idx.msk [tilespmem:v0+s17+$0x0 ss:$0x1], $0xffff  }
0x51: {  	s19 =	sor.u32 $0x20, s18;
	v4 =	vld.idx.msk [tilespmem:v0+s16+$0x0 ss:$0x1], $0xffff  }
0x52: {  	s20 =	sadd.s32 $0xFFFFFFFF, s20;
	s21 =	simm.s32 $0x40;
	v5 =	vld.idx.msk [tilespmem:v0+s19+$0x0 ss:$0x1], $0xffff  }
.LBB2_4:
0x53: {  	s22 =	sand.u32 $0x3FC0, s21  }
0x54: {  	p1 =	sne.s32 s20, $0x1;
	s20 =	sadd.s32 $0xFFFFFFFF, s20;
	s23 =	sor.u32 $0x10, s22  }
.Ltmp5:
0x55: {  	s24 =	sor.u32 $0x20, s22;
	s25 =	sor.u32 $0x30, s22;
	[tilespmem:v3+s18+$0x0 ss:$0x1] =	vst.idx.msk $0xffff, v1;
	v1 =	vld.idx.msk [tilespmem:v0+s22+$0x0 ss:$0x1], $0xffff;
	(pc) =	sbr.rel @p1 .LBB2_4-.Ltmp5, $4  }
0x56: {  	s18 =	smov.u32 s22;
	[tilespmem:v3+s17+$0x0 ss:$0x1] =	vst.idx.msk $0xffff, v2;
	v2 =	vld.idx.msk [tilespmem:v0+s25+$0x0 ss:$0x1], $0xffff;
	s17 =	smov.u32 s25  }
0x57: {  	[tilespmem:v3+s16+$0x0 ss:$0x1] =	vst.idx.msk $0xffff, v4;
	v4 =	vld.idx.msk [tilespmem:v0+s23+$0x0 ss:$0x1], $0xffff;
	s16 =	smov.u32 s23  }
0x58: {  	[tilespmem:v3+s19+$0x0 ss:$0x1] =	vst.idx.msk $0xffff, v5;
	v5 =	vld.idx.msk [tilespmem:v0+s24+$0x0 ss:$0x1], $0xffff;
	s19 =	smov.u32 s24  }
0x59: {  	s21 =	sadd.s32 $0x40, s21  }
.Ltmp6:
0x5a: {  	_ = 	snop;
	(pc) =	sbr.rel .LBB2_5-.Ltmp6, $1  }
0x5b: {  	_ =	sdelay $0x3  }
.LBB2_8:
0x5c: {  	_ =	sfence.sel $0x180000  }
0x5d: {  	s2 =	simm.s32 $0x1;
	[bflag:$0x0] =	sbarrier.arrive $0xFFFF  }
0x5e: {  	s31 =	simm.s32 $0x2;
	[sflag:s2] =	ssyncpa.u1 $0x1  }
0x5f: {  	[sflag:s31] =	ssyncpa.u1 $0x1  }
0x60: {  	_ =	strace $0x9000004D  }
0x61: {  	s0 =	sadd.s32 @!p0 $0x100000, s0;
	[bflag:$0x2] =	sbarrier.arrive $0xFFFF  }
0x62: {  	[sflag:s0] =	ssyncadd.tile.s32 @!p0 $0x1;
	s0 =	simm.s32 @!p0 $0x3F  }
0x63: {  	_ =	swait.ge @!p0 [sflag:s0], s1  }
0x64: {  	s1 =	ssub.s32 @!p0 $0x0, s1;
	[sflag:s0] =	ssyncset.done @!p0 $0x0  }
0x65: {  	[sflag:s0] =	ssyncadd.s32 @!p0 s1  }
0x66: {  	[bflag:$0x3] =	sbarrier.arrive $0xFFFF  }
0x67: {  	_ =	shalt  }
.Lfunc_end2:
execute1_lowered:
.L_overlay_start_2:
0x68: {  	(tag) =	ssettag $0x2  }
0x69: {  	s2 =	rddreg [dreg:$0x0]  }
0x6a: {  	s6 =	rddreg [dreg:$0x1]  }
0x6b: {  	s4 =	rddreg [dreg:$0x2];
	_ =	strace $0x80000050;
	s0 =	simm.s32 $0x1  }
0x6c: {  	s3 =	simm.s32 $0x88;
	v0 =	vimm.s32 $0x0;
	[sflag:s0] =	ssyncpa.u1 $0x0  }
0x6d: {  	[tilespmem:s3+$0x30] =	vst v0  }
0x6e: {  	s1 =	sadd.s32 $0x7FA00, s2;
	s0 =	sadd.s32 $0x62000, s2;
	[tilespmem:s3+$0x20] =	vst v0  }
0x6f: {  	s2 =	sadd.s32 $0x6BE00, s2;
	s7 =	sand.u32 $0x1, s4;
	s4 =	simm.s32 $0x40;
	[tilespmem:s3+$0x10] =	vst v0  }
.LBB3_1:
0x70: {  	s4 =	sadd.s32 $0x40, s4  }
0x71: {  	[tilespmem:s3+$0x0] =	vst v0;
	s3 =	sadd.s32 $0x40, s3;
	p0 =	slt.u32 s4, $0x5040  }
.Ltmp7:
0x72: {  	(pc) =	sbr.rel @p0 .LBB3_1-.Ltmp7, $4  }
0x73: {  	_ = 	snop  }
0x74: {  	[tilespmem:s3+$0x30] =	vst v0  }
0x75: {  	[tilespmem:s3+$0x20] =	vst v0  }
0x76: {  	[tilespmem:s3+$0x10] =	vst v0  }
0x77: {  	s8 =	stileid.u32  }
0x78: {  	s4 =	smul.u32 $0x1F, s8  }
0x79: {  	s5 =	smin.u32 s8, $0x4  }
0x7a: {  	s4 =	sadd.s32 s5, s4  }
0x7b: {  	p0 =	slt.u32 s8, $0x4;
	s12 =	smul.u32 $0x140, s4;
	s4 =	simm.s32 $0x2800  }
0x7c: {  	s4 =	simm.s32 @!p0 $0x26C0  }
0x7d: {  	s25 =	simm.s32 $0x2;
	s4 =	sadd.s32 s4, s12  }
0x7e: {  	s28 =	simm.s32 $0x9;
	s9 =	simm.s32 $0xA;
	s14 =	smin.u32 s4, $0x27100  }
0x7f: {  	s30 =	simm.s32 $0xB;
	[dreg:$0x5] =	wrdreg s7;
	s4 =	ssub.s32 s14, s12  }
0x80: {  	s31 =	smul.u32 $0x4E20, s7;
	s13 =	simm.s32 $0x1;
	p0 =	sgt.s32 s4, $0x0  }
0x81: {  	s19 =	simm.s32 $0x0;
	s20 =	simm.s32 $0xA808;
	s4 =	simm.s32 @!p0 $0x0  }
0x82: {  	s21 =	simm.s32 $0xFFFFFFFF;
	p1 =	por $0x0, $0x0;
	s26 =	smulhi.u32 $0x66666667, s4  }
0x83: {  	[tilespmem:s3+$0x0] =	vst v0;
	s23 =	simm.s32 $0x0;
	[sflag:s25] =	ssyncpa.u1 $0x0;
	s18 =	sshll.u32 s8, $0x7  }
0x84: {  	s0 =	sadd.s32 s31, s0;
	[dreg:$0xb] =	wrdreg s18;
	s3 =	sshrl.u32 s26, $0x7  }
0x85: {  	v0 =	vimm.s32 $0xFFFFFFFF;
	s17 =	sadd.s32 s31, s2;
	[dreg:$0xa] =	wrdreg s0;
	s29 =	smul.u32 $0x140, s3  }
0x86: {  	s25 =	simm.s32 $0x0;
	[tilespmem:$0xA108] =	vst v0;
	[sflag:s28] =	ssyncpa.u1 $0x0;
	[dreg:$0x9] =	wrdreg s17  }
.Ltmp8:
0x87: {  	p0 =	sne.s32 s4, s29;
	s4 =	simm.s32 $0x1;
	(pc) =	sbr.rel .LBB3_3-.Ltmp8, $4  }
0x88: {  	[sflag:s9] =	ssyncpa.u1 $0x0;
	[dreg:$0x6] =	wrdreg s12;
	s4 =	simm.s32 @!p0 $0x0  }
0x89: {  	[sflag:s30] =	ssyncpa.u1 $0x0;
	[dreg:$0x7] =	wrdreg s14;
	s15 =	sadd.s32 s4, s3  }
0x8a: {  	s24 =	smov.u32 s12;
	s22 =	sadd.s32 $0x1, s15;
	[dreg:$0x8] =	wrdreg s15  }
0x8b: {  	v0 =	vlaneseq.u32;
	s26 =	simm.s32 $0x0;
	p0 =	por $0x1, $0x1;
	[dreg:$0xc] =	wrdreg s22  }
.LBB3_22:
0x8c: {  	s0 =	sshrl.u32 s3, $0x2  }
.LBB3_24:
0x8d: {  	s3 =	simm.s32 $0xC  }
0x8e: {  	_ =	swait.ge [sflag:s3], s0  }
0x8f: {  	s31 =	ssub.s32 $0x0, s0;
	v1 =	vmov s4;
	vm0 =	veq.s32 v0, $0x0;
	[sflag:s3] =	ssyncset.done $0x0  }
0x90: {  	vm15 =	veq.s32 v0, $0x2;
	v1 =	vsel vm0, s2, v1;
	[sflag:s3] =	ssyncadd.s32 s31  }
0x91: {  	v1 =	vsel vm15, s26, v1;
	[sflag:s3] =	ssyncpa.u1 $0x1  }
0x92: {  	[tilespmem:$0xA108] =	vst v1  }
.LBB3_25:
0x93: {  	s0 =	sadd.s32 $0x140, s24  }
0x94: {  	s2 =	smov.u32 s12;
	p2 =	slt.s32 s0, s14  }
0x95: {  	s2 =	smov.u32 @p2 s0;
	p2 =	sne.s32 s25, s22  }
.Ltmp9:
0x96: {  	_ = 	snop;
	(pc) =	sbr.rel @!p2 .LBB3_26-.Ltmp9, $4  }
0x97: {  	_ = 	snop  }
0x98: {  	s26 =	smov.u32 s23;
	s31 =	sadd.s32 $0x1, s25;
	p0 =	por !p0, !p0  }
0x99: {  	s23 =	smov.u32 s24;
	s20 =	sadd.s32 $0x140, s20;
	s21 =	sadd.s32 $0x1, s21  }
0x9a: {  	p1 =	por !p1, !p1;
	s25 =	smov.u32 s31;
	s24 =	smov.u32 s2  }
.LBB3_3:
0x9b: {  	p2 =	sge.u32 s25, s15  }
0x9c: {  	s0 =	smulhi.u32 @!p2 $0xAAAAAAAB, s25  }
0x9d: {  	s2 =	smov.u32 s24;
	p3 =	sgt.s32 @!p2 s24, $0x26FC0  }
0x9e: {  	s3 =	sshra.s32 @!p2 s24, $0x1F;
	p3 =	por !p3, p2;
	s0 =	sshrl.u32 @!p2 s0, $0x1  }
0x9f: {  	s3 =	sand.u32 @!p2 s3, s24;
	s2 =	simm.s32 @p3 $0x26FC0;
	s0 =	smul.u32 @!p2 $0x3, s0  }
0xa0: {  	s2 =	ssub.s32 @!p2 s2, s3  }
0xa1: {  	s2 =	sadd.s32 @!p2 $0xFFFD9040, s2;
	s0 =	ssub.s32 @!p2 s25, s0  }
0xa2: {  	s3 =	sshll.u32 @!p2 s2, $0x2;
	p3 =	sgt.s32 @!p2 s2, $0x13F;
	s0 =	smul.u32 @!p2 $0x500, s0  }
0xa3: {  	s4 =	sand.u32 @!p2 $0x7, s24;
	s2 =	ssub.s32 @!p2 $0x500, s3;
	p3 =	por !p3, p2  }
0xa4: {  	s3 =	sshrl.u32 @!p2 s24, $0x3;
	s2 =	sshrl.u32 @!p2 s2, $0x2;
	s0 =	sshrl.u32 @!p2 s0, $0x2  }
0xa5: {  	s3 =	sadd.s32 @!p2 s3, s17;
	s2 =	simm.s32 @!p3 $0x0;
	s0 =	sadd.s32 @!p2 $0xA948, s0  }
0xa6: {  	[tilespmem:s0], [sflag:$0xA] =	stream.linear.gather @!p2 [hbm4b:s3+s4], s2, $0x38;
	[tilespmem:$0x1EF88] =	vst v63  }
0xa7: {  	s0 =	sadd.s32 $0xFFFFFFFF, s25  }
0xa8: {  	p2 =	sge.u32 s0, s15  }
.Ltmp10:
0xa9: {  	_ = 	snop;
	(pc) =	sbr.rel @p2 .LBB3_7-.Ltmp10, $1  }
0xaa: {  	_ =	sdelay $0x3  }
0xab: {  	p2 =	sgt.s32 s23, $0x26FC0;
	s2 =	smov.u32 s23;
	s3 =	sshra.s32 s23, $0x1F  }
0xac: {  	s2 =	simm.s32 @!p2 $0x26FC0;
	s3 =	sand.u32 s3, s23  }
0xad: {  	s17 =	smulhi.u32 $0xAAAAAAAB, s21;
	s2 =	ssub.s32 s2, s3  }
0xae: {  	s0 =	sand.u32 $0x1, s0;
	s2 =	sadd.s32 $0xFFFD9040, s2  }
0xaf: {  	s5 =	simm.s32 $0xA;
	s3 =	sshrl.u32 s17, $0x1;
	s4 =	sshll.u32 s2, $0x2  }
0xb0: {  	s7 =	sshrl.u32 s23, $0x3;
	s3 =	smul.u32 $0xFFFFF100, s3;
	s4 =	ssub.s32 $0x500, s4  }
0xb1: {  	s18 =	smul.u32 $0x500, s0;
	p2 =	sgt.s32 s2, $0x13F;
	s2 =	sshrl.u32 s4, $0x2  }
0xb2: {  	s9 =	sand.u32 $0x7, s23;
	s3 =	sshra.s32 s3, $0x2;
	s2 =	simm.s32 @p2 $0x0  }
0xb3: {  	s0 =	sadd.s32 s3, s20;
	s4 =	sshrl.u32 s18, $0x2;
	_ =	swait.ge [sflag:s5], s2  }
0xb4: {  	s22 =	ssub.s32 $0x0, s2;
	[sflag:s5] =	ssyncset.done $0x0;
	s8 =	rddreg [dreg:$0xa]  }
0xb5: {  	s4 =	sadd.s32 $0xAD08, s4;
	[sflag:s5] =	ssyncadd.s32 s22;
	s3 =	sadd.s32 s7, s8  }
0xb6: {  	[tilespmem:s4], [sflag:$0xB] =	stream.linear.gather [hbm4b:s3+s9], s2, $0x38;
	[tilespmem:$0x1EF88] =	vst v63  }
0xb7: {  	v1 =	vld.msk [tilespmem:s0+$0x0], $0xffff;
	_ =	sdelay $0x4  }
0xb8: {  	v1 =	vshll.u32 v1, $0x4  }
0xb9: {  	(v2sf) =	vpush v1, $0x0  }
0xba: {  	(v2sf) =	vpush v1, $0x1  }
0xbb: {  	(v2sf) =	vpush v1, $0x2;
	_ =	sdelay $0x3  }
0xbc: {  	(v2sf) =	vpush v1, $0x3;
	_ =	sdelay $0x1  }
0xbd: {  	(v2sf) =	vpush v1, $0x4  }
0xbe: {  	s2 =	simm.s32 $0x1;
	(v2sf) =	vpush v1, $0x5  }
0xbf: {  	s2 =	simm.s32 @!p0 $0x0  }
0xc0: {  	s2 =	smul.u32 $0x28000, s2;
	(v2sf) =	vpush v1, $0x6;
	_ =	sdelay $0x1  }
0xc1: {  	s2 =	sshrl.u32 s2, $0x2  }
0xc2: {  	s28 =	sadd.s32 $0xB708, s2  }
0xc3: {  	s12 =	sadd.s32 $0xFFFFF880, s28;
	s17 =	sadd.s32 $0xFFFFF900, s28;
	s10 =	spop (v2sf);
	(v2sf) =	vpush v1, $0x7  }
0xc4: {  	s18 =	sadd.s32 $0xFFFFF980, s28;
	s11 =	sand.u32 $0x1FFFFFF0, s10;
	s14 =	spop (v2sf)  }
0xc5: {  	(v2sf) =	vpush v1, $0x8;
	s2 =	sadd.s32 s6, s11;
	s15 =	sand.u32 $0x1FFFFFF0, s14;
	s16 =	spop (v2sf)  }
0xc6: {  	[tilespmem:s12], [sflag:$0x9] =	stream.linear.gather [hbm4b:s2+s19], $0x40, $0x38;
	[tilespmem:$0x1EF88] =	vst v63  }
0xc7: {  	s5 =	sadd.s32 $0xFFFFFA00, s28;
	s2 =	sadd.s32 s6, s15;
	s3 =	sand.u32 $0x1FFFFFF0, s16  }
0xc8: {  	(v2sf) =	vpush v1, $0x9;
	[tilespmem:s17], [sflag:$0x9] =	stream.linear.gather [hbm4b:s2+s19], $0x40, $0x38;
	[tilespmem:$0x1EF88] =	vst v63  }
0xc9: {  	s7 =	sadd.s32 $0xFFFFFA80, s28;
	s22 =	spop (v2sf);
	s3 =	sadd.s32 s6, s3  }
0xca: {  	(v2sf) =	vpush v1, $0xA;
	[tilespmem:s18], [sflag:$0x9] =	stream.linear.gather [hbm4b:s3+s19], $0x40, $0x38;
	[tilespmem:$0x1EF88] =	vst v63  }
0xcb: {  	s11 =	sadd.s32 $0xFFFFFB00, s28;
	s4 =	spop (v2sf);
	(v2sf) =	vpush v1, $0xB;
	s3 =	sand.u32 $0x1FFFFFF0, s22  }
0xcc: {  	s8 =	spop (v2sf);
	s2 =	sadd.s32 s6, s3;
	s3 =	sand.u32 $0x1FFFFFF0, s4  }
0xcd: {  	(v2sf) =	vpush v1, $0xC;
	[tilespmem:s5], [sflag:$0x9] =	stream.linear.gather [hbm4b:s2+s19], $0x40, $0x38;
	[tilespmem:$0x1EF88] =	vst v63  }
0xce: {  	s9 =	sand.u32 $0x1FFFFFF0, s8;
	s10 =	spop (v2sf);
	s3 =	sadd.s32 s6, s3  }
0xcf: {  	(v2sf) =	vpush v1, $0xD;
	[tilespmem:s7], [sflag:$0x9] =	stream.linear.gather [hbm4b:s3+s19], $0x40, $0x38;
	[tilespmem:$0x1EF88] =	vst v63  }
0xd0: {  	s12 =	sadd.s32 $0xFFFFFB80, s28;
	s2 =	sadd.s32 s6, s9;
	s3 =	sand.u32 $0x1FFFFFF0, s10  }
0xd1: {  	[tilespmem:s11], [sflag:$0x9] =	stream.linear.gather [hbm4b:s2+s19], $0x40, $0x38;
	[tilespmem:$0x1EF88] =	vst v63  }
0xd2: {  	s17 =	sadd.s32 $0xFFFFFC00, s28;
	s3 =	sadd.s32 s6, s3;
	s14 =	spop (v2sf)  }
0xd3: {  	[tilespmem:s12], [sflag:$0x9] =	stream.linear.gather [hbm4b:s3+s19], $0x40, $0x38;
	(v2sf) =	vpush v1, $0xE;
	[tilespmem:$0x1EF88] =	vst v63  }
0xd4: {  	s18 =	sadd.s32 $0xFFFFFC80, s28;
	s15 =	sand.u32 $0x1FFFFFF0, s14;
	s16 =	spop (v2sf)  }
0xd5: {  	s5 =	sadd.s32 $0xFFFFFD00, s28;
	(v2sf) =	vpush v1, $0xF;
	s2 =	sadd.s32 s6, s15;
	s3 =	sand.u32 $0x1FFFFFF0, s16  }
0xd6: {  	[tilespmem:s17], [sflag:$0x9] =	stream.linear.gather [hbm4b:s2+s19], $0x40, $0x38;
	[tilespmem:$0x1EF88] =	vst v63  }
0xd7: {  	s7 =	sadd.s32 $0xFFFFFD80, s28;
	s22 =	spop (v2sf);
	s3 =	sadd.s32 s6, s3  }
0xd8: {  	[tilespmem:s18], [sflag:$0x9] =	stream.linear.gather [hbm4b:s3+s19], $0x40, $0x38;
	[tilespmem:$0x1EF88] =	vst v63  }
0xd9: {  	s11 =	sadd.s32 $0xFFFFFE00, s28;
	s4 =	spop (v2sf);
	s3 =	sand.u32 $0x1FFFFFF0, s22  }
0xda: {  	s8 =	spop (v2sf);
	s2 =	sadd.s32 s6, s3;
	s3 =	sand.u32 $0x1FFFFFF0, s4  }
0xdb: {  	[tilespmem:s5], [sflag:$0x9] =	stream.linear.gather [hbm4b:s2+s19], $0x40, $0x38;
	[tilespmem:$0x1EF88] =	vst v63  }
0xdc: {  	s9 =	sand.u32 $0x1FFFFFF0, s8;
	s10 =	spop (v2sf);
	s3 =	sadd.s32 s6, s3  }
0xdd: {  	[tilespmem:s7], [sflag:$0x9] =	stream.linear.gather [hbm4b:s3+s19], $0x40, $0x38;
	[tilespmem:$0x1EF88] =	vst v63  }
0xde: {  	s14 =	spop (v2sf);
	s2 =	sadd.s32 s6, s9;
	s3 =	sand.u32 $0x1FFFFFF0, s10  }
0xdf: {  	[tilespmem:s11], [sflag:$0x9] =	stream.linear.gather [hbm4b:s2+s19], $0x40, $0x38;
	[tilespmem:$0x1EF88] =	vst v63  }
0xe0: {  	s12 =	sadd.s32 $0xFFFFFE80, s28;
	s15 =	sand.u32 $0x1FFFFFF0, s14;
	s3 =	sadd.s32 s6, s3  }
0xe1: {  	[tilespmem:s12], [sflag:$0x9] =	stream.linear.gather [hbm4b:s3+s19], $0x40, $0x38;
	[tilespmem:$0x1EF88] =	vst v63  }
0xe2: {  	s17 =	sadd.s32 $0xFFFFFF00, s28;
	s2 =	sadd.s32 s6, s15;
	s16 =	spop (v2sf)  }
0xe3: {  	[tilespmem:s17], [sflag:$0x9] =	stream.linear.gather [hbm4b:s2+s19], $0x40, $0x38;
	[tilespmem:$0x1EF88] =	vst v63  }
0xe4: {  	s29 =	simm.s32 $0x0;
	s3 =	sand.u32 $0x1FFFFFF0, s16;
	s18 =	spop (v2sf)  }
0xe5: {  	s22 =	sadd.s32 $0xFFFFFF80, s28;
	s3 =	sadd.s32 s6, s3;
	s2 =	sand.u32 $0x1FFFFFF0, s18  }
0xe6: {  	[tilespmem:s22], [sflag:$0x9] =	stream.linear.gather [hbm4b:s3+s19], $0x40, $0x38;
	[tilespmem:$0x1EF88] =	vst v63  }
0xe7: {  	s31 =	sadd.s32 $0x10, s0;
	s30 =	sadd.s32 $0x800, s28;
	s2 =	sadd.s32 s6, s2  }
.LBB3_5:
0xe8: {  	[tilespmem:s28], [sflag:$0x9] =	stream.linear.gather [hbm4b:s2+s19], $0x40, $0x38;
	[tilespmem:$0x1EF88] =	vst v63  }
0xe9: {  	s29 =	sadd.s32 $0x10, s29;
	s28 =	smov.u32 s30  }
0xea: {  	p2 =	slt.u32 s29, $0x130;
	v1 =	vld.msk [tilespmem:s31+$0x0], $0xffff;
	_ =	sdelay $0x4  }
0xeb: {  	v1 =	vshll.u32 v1, $0x4  }
0xec: {  	(v2sf) =	vpush v1, $0x0  }
0xed: {  	(v2sf) =	vpush v1, $0x1  }
0xee: {  	(v2sf) =	vpush v1, $0x2;
	_ =	sdelay $0x1  }
0xef: {  	(v2sf) =	vpush v1, $0x3;
	_ =	sdelay $0x1  }
0xf0: {  	(v2sf) =	vpush v1, $0x4;
	_ =	sdelay $0x1  }
0xf1: {  	(v2sf) =	vpush v1, $0x5;
	_ =	sdelay $0x1  }
0xf2: {  	(v2sf) =	vpush v1, $0x6  }
0xf3: {  	s4 =	sadd.s32 $0xFFFFFE80, s30;
	s0 =	sadd.s32 $0xFFFFFF00, s30  }
0xf4: {  	s3 =	sadd.s32 $0xFFFFFD00, s30;
	s2 =	sadd.s32 $0xFFFFFD80, s30;
	s5 =	sadd.s32 $0xFFFFFE00, s30;
	(v2sf) =	vpush v1, $0x7  }
0xf5: {  	s10 =	sadd.s32 $0xFFFFFB80, s30;
	s9 =	sadd.s32 $0xFFFFFC00, s30;
	s16 =	sadd.s32 $0xFFFFFC80, s30  }
0xf6: {  	s11 =	sadd.s32 $0xFFFFFA00, s30;
	s12 =	sadd.s32 $0xFFFFFA80, s30;
	s15 =	sadd.s32 $0xFFFFFB00, s30;
	(v2sf) =	vpush v1, $0x8  }
0xf7: {  	s18 =	sadd.s32 $0xFFFFF900, s30;
	s7 =	sadd.s32 $0xFFFFF980, s30;
	s22 =	spop (v2sf)  }
0xf8: {  	s8 =	sadd.s32 $0xFFFFF880, s30;
	s22 =	sand.u32 $0x1FFFFFF0, s22;
	s14 =	spop (v2sf);
	(v2sf) =	vpush v1, $0x9  }
0xf9: {  	s22 =	sadd.s32 s6, s22;
	s14 =	sand.u32 $0x1FFFFFF0, s14;
	s17 =	spop (v2sf)  }
0xfa: {  	[tilespmem:s8], [sflag:$0x9] =	stream.linear.gather [hbm4b:s22+s19], $0x40, $0x38;
	(v2sf) =	vpush v1, $0xA;
	[tilespmem:$0x1EF88] =	vst v63  }
0xfb: {  	s8 =	sadd.s32 s6, s14;
	s14 =	sand.u32 $0x1FFFFFF0, s17;
	s17 =	spop (v2sf)  }
0xfc: {  	[tilespmem:s18], [sflag:$0x9] =	stream.linear.gather [hbm4b:s8+s19], $0x40, $0x38;
	(v2sf) =	vpush v1, $0xB;
	[tilespmem:$0x1EF88] =	vst v63  }
0xfd: {  	s8 =	sadd.s32 s6, s14;
	s14 =	sand.u32 $0x1FFFFFF0, s17;
	s17 =	spop (v2sf)  }
0xfe: {  	[tilespmem:s7], [sflag:$0x9] =	stream.linear.gather [hbm4b:s8+s19], $0x40, $0x38;
	(v2sf) =	vpush v1, $0xC;
	[tilespmem:$0x1EF88] =	vst v63  }
0xff: {  	s7 =	sadd.s32 s6, s14;
	s8 =	sand.u32 $0x1FFFFFF0, s17;
	s14 =	spop (v2sf)  }
0x100: {  	[tilespmem:s11], [sflag:$0x9] =	stream.linear.gather [hbm4b:s7+s19], $0x40, $0x38;
	(v2sf) =	vpush v1, $0xD;
	[tilespmem:$0x1EF88] =	vst v63  }
0x101: {  	s7 =	sadd.s32 s6, s8;
	s8 =	sand.u32 $0x1FFFFFF0, s14;
	s11 =	spop (v2sf)  }
0x102: {  	[tilespmem:s12], [sflag:$0x9] =	stream.linear.gather [hbm4b:s7+s19], $0x40, $0x38;
	(v2sf) =	vpush v1, $0xE;
	[tilespmem:$0x1EF88] =	vst v63  }
0x103: {  	s7 =	sadd.s32 s6, s8;
	s8 =	sand.u32 $0x1FFFFFF0, s11;
	s11 =	spop (v2sf)  }
0x104: {  	[tilespmem:s15], [sflag:$0x9] =	stream.linear.gather [hbm4b:s7+s19], $0x40, $0x38;
	(v2sf) =	vpush v1, $0xF;
	[tilespmem:$0x1EF88] =	vst v63  }
0x105: {  	s7 =	sadd.s32 s6, s8;
	s8 =	sand.u32 $0x1FFFFFF0, s11;
	s11 =	spop (v2sf)  }
0x106: {  	[tilespmem:s10], [sflag:$0x9] =	stream.linear.gather [hbm4b:s7+s19], $0x40, $0x38;
	[tilespmem:$0x1EF88] =	vst v63  }
0x107: {  	s7 =	sadd.s32 s6, s8;
	s8 =	sand.u32 $0x1FFFFFF0, s11;
	s10 =	spop (v2sf)  }
0x108: {  	[tilespmem:s9], [sflag:$0x9] =	stream.linear.gather [hbm4b:s7+s19], $0x40, $0x38;
	[tilespmem:$0x1EF88] =	vst v63  }
0x109: {  	s7 =	sadd.s32 s6, s8;
	s8 =	sand.u32 $0x1FFFFFF0, s10;
	s9 =	spop (v2sf)  }
0x10a: {  	[tilespmem:s16], [sflag:$0x9] =	stream.linear.gather [hbm4b:s7+s19], $0x40, $0x38;
	[tilespmem:$0x1EF88] =	vst v63  }
0x10b: {  	s7 =	sadd.s32 s6, s8;
	s8 =	sand.u32 $0x1FFFFFF0, s9;
	s9 =	spop (v2sf)  }
0x10c: {  	[tilespmem:s3], [sflag:$0x9] =	stream.linear.gather [hbm4b:s7+s19], $0x40, $0x38;
	[tilespmem:$0x1EF88] =	vst v63  }
0x10d: {  	s3 =	sadd.s32 s6, s8;
	s7 =	sand.u32 $0x1FFFFFF0, s9;
	s8 =	spop (v2sf)  }
0x10e: {  	[tilespmem:s2], [sflag:$0x9] =	stream.linear.gather [hbm4b:s3+s19], $0x40, $0x38;
	[tilespmem:$0x1EF88] =	vst v63  }
0x10f: {  	s2 =	sadd.s32 s6, s7;
	s3 =	sand.u32 $0x1FFFFFF0, s8;
	s7 =	spop (v2sf)  }
0x110: {  	[tilespmem:s5], [sflag:$0x9] =	stream.linear.gather [hbm4b:s2+s19], $0x40, $0x38;
	[tilespmem:$0x1EF88] =	vst v63  }
0x111: {  	s2 =	sadd.s32 s6, s3;
	s3 =	sand.u32 $0x1FFFFFF0, s7;
	s5 =	spop (v2sf)  }
0x112: {  	[tilespmem:s4], [sflag:$0x9] =	stream.linear.gather [hbm4b:s2+s19], $0x40, $0x38;
	[tilespmem:$0x1EF88] =	vst v63  }
0x113: {  	s2 =	sadd.s32 s6, s3  }
.Ltmp11:
0x114: {  	s3 =	sand.u32 $0x1FFFFFF0, s5;
	s4 =	spop (v2sf);
	(pc) =	sbr.rel @p2 .LBB3_5-.Ltmp11, $4  }
0x115: {  	[tilespmem:s0], [sflag:$0x9] =	stream.linear.gather [hbm4b:s2+s19], $0x40, $0x38;
	[tilespmem:$0x1EF88] =	vst v63  }
0x116: {  	s0 =	sadd.s32 s6, s3;
	s2 =	sadd.s32 $0xFFFFFF80, s30;
	s3 =	sand.u32 $0x1FFFFFF0, s4  }
0x117: {  	[tilespmem:s2], [sflag:$0x9] =	stream.linear.gather [hbm4b:s0+s19], $0x40, $0x38;
	[tilespmem:$0x1EF88] =	vst v63  }
0x118: {  	s31 =	sadd.s32 $0x10, s31;
	s30 =	sadd.s32 $0x800, s30;
	s2 =	sadd.s32 s6, s3  }
0x119: {  	[tilespmem:s28], [sflag:$0x9] =	stream.linear.gather [hbm4b:s2+s19], $0x40, $0x38;
	[tilespmem:$0x1EF88] =	vst v63  }
0x11a: {  	s12 =	rddreg [dreg:$0x6]  }
0x11b: {  	s14 =	rddreg [dreg:$0x7]  }
0x11c: {  	s15 =	rddreg [dreg:$0x8]  }
0x11d: {  	s17 =	rddreg [dreg:$0x9]  }
0x11e: {  	s18 =	rddreg [dreg:$0xb]  }
0x11f: {  	s22 =	rddreg [dreg:$0xc]  }
.LBB3_7:
0x120: {  	p2 =	slt.u32 s25, $0x2  }
.Ltmp12:
0x121: {  	_ = 	snop;
	(pc) =	sbr.rel @p2 .LBB3_25-.Ltmp12, $1  }
0x122: {  	_ =	sdelay $0x3  }
0x123: {  	p2 =	sgt.s32 s26, $0x26FC0;
	s0 =	smov.u32 s26;
	s2 =	sshra.s32 s26, $0x1F  }
0x124: {  	s0 =	simm.s32 @!p2 $0x26FC0;
	s2 =	sand.u32 s2, s26  }
0x125: {  	s0 =	ssub.s32 s0, s2  }
0x126: {  	s0 =	sadd.s32 $0xFFFD9040, s0  }
0x127: {  	s3 =	simm.s32 $0x9;
	s29 =	sshll.u32 s0, $0x2  }
0x128: {  	_ =	swait.ge [sflag:s3], $0x5000;
	s2 =	ssub.s32 $0x500, s29  }
0x129: {  	[sflag:s3] =	ssyncset.done $0x0;
	p2 =	sgt.s32 s0, $0x13F;
	s0 =	sshrl.u32 s2, $0x2  }
0x12a: {  	s30 =	simm.s32 $0xB;
	[sflag:s3] =	ssyncadd.s32 $0xFFFFB000;
	s0 =	simm.s32 @p2 $0x0  }
0x12b: {  	_ =	swait.ge [sflag:s30], s0  }
0x12c: {  	s0 =	ssub.s32 $0x0, s0;
	[sflag:s30] =	ssyncset.done $0x0  }
0x12d: {  	[sflag:s30] =	ssyncadd.s32 s0  }
0x12e: {  	v1 =	vld [tilespmem:$0xA108];
	_ =	sdelay $0x4  }
0x12f: {  	(v2sf) =	vpush v1, $0x0  }
0x130: {  	(v2sf) =	vpush v1, $0x1  }
0x131: {  	(v2sf) =	vpush v1, $0x2;
	_ =	sdelay $0x3  }
0x132: {  	s0 =	sadd.s32 $0x140, s26  }
0x133: {  	s4 =	ssub.s32 $0x4E200, s26;
	p2 =	slt.s32 s14, s0  }
0x134: {  	s0 =	smov.u32 @p2 s14;
	p2 =	sgt.s32 s4, $0x0  }
0x135: {  	s0 =	ssub.s32 s0, s26;
	s4 =	simm.s32 @!p2 $0x0  }
0x136: {  	p2 =	slt.s32 s4, s0  }
0x137: {  	s0 =	smov.u32 @p2 s4  }
0x138: {  	s2 =	simm.s32 $0x1;
	p2 =	slt.s32 s0, $0x1  }
.Ltmp13:
0x139: {  	s2 =	simm.s32 @!p1 $0x0;
	(pc) =	sbr.rel @p2 .LBB3_12-.Ltmp13, $4  }
0x13a: {  	s7 =	smul.u32 $0x500, s2  }
0x13b: {  	s3 =	spop (v2sf)  }
0x13c: {  	s31 =	sshrl.u32 s7, $0x2;
	s5 =	spop (v2sf)  }
0x13d: {  	s28 =	sadd.s32 $0xAD08, s31;
	s26 =	spop (v2sf)  }
0x13e: {  	s4 =	smin.u32 s0, $0x10  }
0x13f: {  	v1 =	vmov s4  }
0x140: {  	p3 =	sgt.s32 s0, $0x10;
	vm1 =	vgt.u32 v1, v0  }
.Ltmp14:
0x141: {  	_ = 	snop;
	(pc) =	sbr.rel @!p3 .LBB3_11-.Ltmp14, $2  }
0x142: {  	_ =	sdelay $0x2  }
0x143: {  	s9 =	simm.s32 $0x10;
	s10 =	sadd.s32 $0xFFFFFFF0, s0;
	s4 =	smov.u32 s28;
	vm0 =	vmmov vm1  }
.LBB3_10:
0x144: {  	s7 =	smin.u32 s10, $0x10;
	s9 =	sadd.s32 $0x10, s9;
	v1 =	vld.msk [tilespmem:s4+$0x0 ss:$0x1], vm1  }
0x145: {  	v2 =	vmov s7;
	p3 =	slt.s32 s9, s0  }
0x146: {  	vm1 =	vgt.u32 v2, v0  }
.Ltmp15:
0x147: {  	(pc) =	sbr.rel @p3 .LBB3_10-.Ltmp15, $3  }
0x148: {  	_ =	sdelay $0x1  }
0x149: {  	v1 =	vshll.u32 v1, $0x4  }
0x14a: {  	s10 =	sadd.s32 $0xFFFFFFF0, s10;
	[tilespmem:s4+$0x0] =	vst.msk vm0, v1;
	s4 =	sadd.s32 $0x10, s4;
	vm0 =	vmmov vm1  }
.LBB3_11:
0x14b: {  	_ =	sdelay $0x4  }
0x14c: {  	v1 =	vld.msk [tilespmem:s4+$0x0 ss:$0x1], vm1;
	_ =	sdelay $0x4  }
0x14d: {  	v1 =	vshll.u32 v1, $0x4  }
0x14e: {  	[tilespmem:s4+$0x0] =	vst.msk vm0, v1  }
.LBB3_12:
0x14f: {  	s4 =	sand.u32 $0x1, s25  }
0x150: {  	s4 =	smul.u32 $0x140, s4  }
0x151: {  	p3 =	sne.s32 s5, $0xFFFFFFFF  }
0x152: {  	v1 =	vld.msk @!p3 [tilespmem:s4+$0xAD08], $0x1;
	_ =	sdelay $0x4  }
0x153: {  	(v2sf) =	vpush @!p3 v1, $0x0;
	_ =	sdelay $0xc  }
.Ltmp16:
0x154: {  	_ = 	snop;
	(pc) =	sbr.rel @p2 .LBB3_23-.Ltmp16, $4  }
0x155: {  	_ = 	snop  }
0x156: {  	s29 =	spop @!p3 (v2sf)  }
0x157: {  	s31 =	simm.s32 $0xC;
	s26 =	simm.s32 @!p3 $0x0;
	s4 =	smov.u32 s29  }
0x158: {  	[sflag:s31] =	ssyncpa.u1 $0x0;
	s29 =	smov.u32 @p3 s3;
	s4 =	smov.u32 @p3 s5  }
0x159: {  	v1 =	vld.msk [tilespmem:s28+$0x0], $0x1;
	_ =	sdelay $0x4  }
0x15a: {  	(v2sf) =	vpush v1, $0x0;
	_ =	sdelay $0xe  }
0x15b: {  	s2 =	smul.u32 $0x28000, s2;
	s5 =	spop (v2sf)  }
0x15c: {  	s31 =	ssub.s32 $0x0, s0;
	p2 =	seq.s32 s29, s5  }
0x15d: {  	s3 =	smov.u32 s29;
	s2 =	sshrl.u32 s2, $0x2;
	p3 =	sgt.s32 @!p2 s29, $0x0  }
0x15e: {  	s30 =	sadd.s32 $0xAFA8, s2;
	s2 =	sadd.s32 $0x1, s31;
	p3 =	por !p3, p2  }
0x15f: {  	s3 =	simm.s32 @p3 $0x0;
	p3 =	seq.s32 s2, $0x0  }
.Ltmp17:
0x160: {  	_ = 	snop;
	(pc) =	sbr.rel @p3 .LBB3_15-.Ltmp17, $4  }
0x161: {  	_ = 	snop  }
0x162: {  	s0 =	simm.s32 $0x0;
	s9 =	simm.s32 @!p2 $0x1;
	s3 =	smin.u32 @!p2 s3, $0x270F8  }
0x163: {  	s10 =	simm.s32 @!p2 $0x50C8;
	s9 =	smov.u32 @p2 s0;
	s7 =	sand.u32 @!p2 $0x3FFF8, s3  }
0x164: {  	s16 =	sand.u32 @!p2 $0x7, s3;
	s3 =	sadd.s32 $0x1, s28;
	s11 =	sadd.s32 @!p2 s1, s7  }
.LBB3_14:
0x165: {  	s7 =	smov.u32 s9  }
0x166: {  	[tilespmem:s10], [sflag:$0x2] =	stream.linear.gather @!p2 [hbm4b:s11+s16], $0x40, $0x38;
	[tilespmem:$0x1EF88] =	vst v63  }
0x167: {  	s2 =	sadd.s32 $0x1, s2;
	s8 =	smov.u32 s5;
	v1 =	vld.msk [tilespmem:s3+$0x0], $0x1  }
0x168: {  	p3 =	seq.s32 s2, $0x0;
	_ =	sdelay $0x3  }
0x169: {  	(v2sf) =	vpush v1, $0x0;
	_ =	sdelay $0xe  }
0x16a: {  	s5 =	spop (v2sf)  }
0x16b: {  	p2 =	seq.s32 s8, s5  }
0x16c: {  	p4 =	sgt.s32 @!p2 s8, $0x0;
	s10 =	sshll.u32 @!p2 s9, $0x8;
	s9 =	sadd.s32 @!p2 $0x1, s9  }
.Ltmp18:
0x16d: {  	p4 =	por !p4, p2;
	s10 =	sshra.s32 @!p2 s10, $0x2;
	(pc) =	sbr.rel @!p3 .LBB3_14-.Ltmp18, $4  }
0x16e: {  	s9 =	smov.u32 @p2 s7;
	s8 =	simm.s32 @p4 $0x0;
	s10 =	sadd.s32 @!p2 $0x50C8, s10  }
0x16f: {  	s7 =	smin.u32 @!p2 s8, $0x270F8  }
0x170: {  	s8 =	sand.u32 @!p2 $0x3FFF8, s7;
	s16 =	sand.u32 @!p2 $0x7, s7  }
0x171: {  	s3 =	sadd.s32 $0x1, s3;
	s11 =	sadd.s32 @!p2 s1, s8  }
.LBB3_15:
0x172: {  	[tilespmem:s10], [sflag:$0x2] =	stream.linear.gather @!p2 [hbm4b:s11+s16], $0x40, $0x38;
	[tilespmem:$0x1EF88] =	vst v63  }
.Ltmp19:
0x173: {  	s2 =	sshll.u32 s9, $0x6;
	(pc) =	sbr.rel .LBB3_16-.Ltmp19, $4  }
0x174: {  	s3 =	simm.s32 $0x2;
	s2 =	sand.u32 $0x3FFFFFC0, s2  }
0x175: {  	_ =	swait.ge [sflag:s3], s2  }
0x176: {  	s2 =	ssub.s32 $0x0, s2;
	[sflag:s3] =	ssyncset.done $0x0  }
0x177: {  	[sflag:s3] =	ssyncadd.s32 s2;
	s3 =	simm.s32 $0x0  }
.LBB3_17:
0x178: {  	v1 =	vld [tilespmem:s30+$0xFFFFFFE0];
	_ =	sdelay $0x4  }
0x179: {  	[tilespmem:s5+$0x88] =	vst.add.f32.msk $0xffff, v1  }
0x17a: {  	v1 =	vld [tilespmem:s30+$0xFFFFFFF0];
	_ =	sdelay $0x4  }
0x17b: {  	[tilespmem:s5+$0x98] =	vst.add.f32.msk $0xffff, v1  }
0x17c: {  	v1 =	vld [tilespmem:s30+$0x0];
	_ =	sdelay $0x4  }
0x17d: {  	[tilespmem:s5+$0xA8] =	vst.add.f32.msk $0xffff, v1  }
0x17e: {  	v1 =	vld [tilespmem:s30+$0x10];
	_ =	sdelay $0x4  }
0x17f: {  	[tilespmem:s5+$0xB8] =	vst.add.f32.msk $0xffff, v1  }
.LBB3_21:
0x180: {  	s31 =	sadd.s32 $0x1, s31  }
0x181: {  	p2 =	seq.s32 s31, $0x0  }
.Ltmp20:
0x182: {  	_ = 	snop;
	(pc) =	sbr.rel @p2 .LBB3_22-.Ltmp20, $2  }
0x183: {  	_ =	sdelay $0x2  }
0x184: {  	s30 =	sadd.s32 $0x80, s30;
	s28 =	sadd.s32 $0x1, s28;
	s29 =	smov.u32 s2  }
.LBB3_16:
0x185: {  	v1 =	vld.msk [tilespmem:s28+$0x0], $0x1;
	_ =	sdelay $0x4  }
0x186: {  	(v2sf) =	vpush v1, $0x0;
	_ =	sdelay $0xe  }
0x187: {  	s2 =	spop (v2sf)  }
0x188: {  	p2 =	sne.s32 s29, s2  }
.Ltmp21:
0x189: {  	_ = 	snop;
	(pc) =	sbr.rel @!p2 .LBB3_17-.Ltmp21, $3  }
0x18a: {  	_ =	sdelay $0x1  }
0x18b: {  	s5 =	sshll.u32 s26, $0x8  }
0x18c: {  	s5 =	sshra.s32 s5, $0x2  }
0x18d: {  	p2 =	seq.s32 s29, s4  }
.Ltmp22:
0x18e: {  	_ = 	snop;
	(pc) =	sbr.rel @!p2 .LBB3_19-.Ltmp22, $1  }
0x18f: {  	_ =	sdelay $0x3  }
.Ltmp23:
0x190: {  	s5 =	sadd.s32 $0x88, s5;
	(pc) =	sbr.rel .LBB3_20-.Ltmp23, $4  }
0x191: {  	[spmem:s18] =	stream.linear.scatter [tilespmem:s5], [sflag:$0x1], $0x40, $0x38;
	[tilespmem:$0x1EF88] =	vst v63  }
0x192: {  	_ =	swait.ge [sflag:s13], $0x40  }
0x193: {  	[sflag:s13] =	ssyncset.done $0x0  }
0x194: {  	[sflag:s13] =	ssyncadd.s32 $0xFFFFFFC0  }
.LBB3_19:
0x195: {  	s7 =	sshll.u32 s0, $0x8  }
0x196: {  	s7 =	sshra.s32 s7, $0x2  }
0x197: {  	v1 =	vld [tilespmem:s7+$0x50C8];
	_ =	sdelay $0x4  }
0x198: {  	[tilespmem:s5+$0x88] =	vst.add.f32.msk $0xffff, v1  }
0x199: {  	v1 =	vld [tilespmem:s7+$0x50D8];
	_ =	sdelay $0x4  }
0x19a: {  	[tilespmem:s5+$0x98] =	vst.add.f32.msk $0xffff, v1  }
0x19b: {  	v1 =	vld [tilespmem:s7+$0x50E8];
	_ =	sdelay $0x4  }
0x19c: {  	[tilespmem:s5+$0xA8] =	vst.add.f32.msk $0xffff, v1  }
0x19d: {  	v1 =	vld [tilespmem:s7+$0x50F8];
	_ =	sdelay $0x2  }
0x19e: {  	p2 =	sgt.u32 s29, $0x270F8  }
0x19f: {  	s7 =	sand.u32 @!p2 $0x3FFF8, s29  }
0x1a0: {  	s8 =	sadd.s32 $0x88, s5;
	[tilespmem:s5+$0xB8] =	vst.add.f32.msk $0xffff, v1;
	s5 =	sadd.s32 @!p2 s1, s7;
	s7 =	sand.u32 @!p2 $0x7, s29  }
0x1a1: {  	[hbm4b:s5+s7] =	stream.linear.scatter @!p2 [tilespmem:s8], [sflag:$0xC], $0x40, $0x38;
	[tilespmem:$0x1EF88] =	vst v63  }
0x1a2: {  	s5 =	simm.s32 $0x0  }
0x1a3: {  	s5 =	simm.s32 @!p2 $0x100  }
0x1a4: {  	s3 =	sadd.s32 s5, s3  }
.LBB3_20:
0x1a5: {  	s5 =	sadd.s32 $0x1, s26  }
0x1a6: {  	s7 =	smulhi.u32 $0xCCCCCCCD, s5;
	_ =	sdelay $0x1  }
0x1a7: {  	v1 =	vld [tilespmem:s30+$0xFFFFFFE0];
	s7 =	sshrl.u32 s7, $0x8  }
0x1a8: {  	s7 =	smul.u32 $0x140, s7;
	_ =	sdelay $0x1  }
0x1a9: {  	s26 =	ssub.s32 s5, s7  }
0x1aa: {  	s5 =	sshll.u32 s26, $0x6  }
0x1ab: {  	[tilespmem:s5+$0x88] =	vst v1  }
0x1ac: {  	v1 =	vld [tilespmem:s30+$0xFFFFFFF0];
	_ =	sdelay $0x4  }
0x1ad: {  	[tilespmem:s5+$0x98] =	vst v1  }
0x1ae: {  	v1 =	vld [tilespmem:s30+$0x0];
	_ =	sdelay $0x4  }
0x1af: {  	[tilespmem:s5+$0xA8] =	vst v1  }
0x1b0: {  	v1 =	vld [tilespmem:s30+$0x10]  }
.Ltmp24:
0x1b1: {  	_ = 	snop;
	(pc) =	sbr.rel .LBB3_21-.Ltmp24, $2  }
0x1b2: {  	_ =	sdelay $0x2  }
0x1b3: {  	s0 =	sadd.s32 $0x1, s0;
	[tilespmem:s5+$0xB8] =	vst v1  }
.LBB3_23:
.Ltmp25:
0x1b4: {  	(pc) =	sbr.rel .LBB3_24-.Ltmp25, $4  }
0x1b5: {  	_ = 	snop  }
0x1b6: {  	s0 =	simm.s32 $0x2  }
0x1b7: {  	_ =	swait.ge [sflag:s0], $0x0  }
0x1b8: {  	s2 =	smov.u32 s29;
	[sflag:s0] =	ssyncset.done $0x0;
	s0 =	simm.s32 $0x0  }
.LBB3_26:
0x1b9: {  	_ =	sfence.sel $0x180000  }
0x1ba: {  	s0 =	simm.s32 $0x9;
	[bflag:$0x0] =	sbarrier.arrive $0xFFFF  }
0x1bb: {  	s24 =	simm.s32 $0xA;
	[sflag:s0] =	ssyncpa.u1 $0x1  }
0x1bc: {  	s25 =	simm.s32 $0xB;
	[sflag:s24] =	ssyncpa.u1 $0x1  }
0x1bd: {  	s26 =	simm.s32 $0x2;
	[sflag:s25] =	ssyncpa.u1 $0x1  }
0x1be: {  	[sflag:s26] =	ssyncpa.u1 $0x1  }
0x1bf: {  	v0 =	vld [tilespmem:$0xA108];
	_ =	sdelay $0x4  }
0x1c0: {  	(v2sf) =	vpush v0, $0x0  }
0x1c1: {  	(v2sf) =	vpush v0, $0x1;
	_ =	sdelay $0x1  }
0x1c2: {  	(v2sf) =	vpush v0, $0x2;
	_ =	sdelay $0xb  }
0x1c3: {  	s0 =	spop (v2sf)  }
0x1c4: {  	s2 =	spop (v2sf)  }
0x1c5: {  	s3 =	smov.u32 s0;
	p0 =	sne.s32 s0, s2  }
0x1c6: {  	s4 =	spop (v2sf);
	s3 =	simm.s32 @!p0 $0xFFFFFFFF  }
0x1c7: {  	v2 =	vimm.s32 $0x1;
	v3 =	vlaneseq.u32;
	p0 =	seq.s32 s4, $0xFFFFFFFF;
	v1 =	vmov s3  }
0x1c8: {  	s14 =	stileid.u32;
	v0 =	vperm.xlane v0, v2;
	p1 =	sne.s32 @!p0 s0, s2;
	v1 =	vperm.xlane v1, v3  }
0x1c9: {  	vm0 =	vcmask $0x3F04;
	s6 =	simm.s32 $0xA108;
	s0 =	simm.s32 @!p0 $0x1;
	p1 =	por !p1, p0  }
0x1ca: {  	s3 =	sshll.u32 s14, $0x1;
	s2 =	sshll.u32 @!p0 s4, $0x8;
	s0 =	simm.s32 @p1 $0x0;
	v0 =	vsel vm0, v1, v0  }
0x1cb: {  	s5 =	sor.u32 $0x800, s3;
	s2 =	sshra.s32 @!p0 s2, $0x2;
	s0 =	sor.u32 @!p0 s0, s3;
	[tilespmem:$0xA108] =	vst v0  }
0x1cc: {  	[spmem:s5] =	stream.linear.scatter [tilespmem:s6], [sflag:$0x1], $0x2, $0x38;
	[tilespmem:$0x1EF88] =	vst v63  }
0x1cd: {  	s2 =	sadd.s32 @!p0 $0x88, s2;
	s0 =	sshll.u32 @!p0 s0, $0x6  }
0x1ce: {  	[spmem:s0] =	stream.linear.scatter @!p0 [tilespmem:s2], [sflag:$0x1], $0x40, $0x38;
	[tilespmem:$0x1EF88] =	vst v63  }
0x1cf: {  	s0 =	simm.s32 @!p0 $0x42  }
0x1d0: {  	s28 =	simm.s32 $0x1;
	s0 =	simm.s32 @p0 $0x2  }
0x1d1: {  	_ =	swait.ge [sflag:s28], s0  }
0x1d2: {  	s0 =	ssub.s32 $0x0, s0;
	[sflag:s28] =	ssyncset.done $0x0  }
0x1d3: {  	p0 =	sne.s32 s14, $0x0;
	[sflag:s28] =	ssyncadd.s32 s0  }
.Ltmp26:
0x1d4: {  	_ =	sfence.stream.spmem;
	(pc) =	sbr.rel @p0 .LBB3_43-.Ltmp26, $4  }
0x1d5: {  	s29 =	simm.s32 $0x3;
	[bflag:$0x0] =	sbarrier.arrive $0xFFFF  }
0x1d6: {  	s30 =	simm.s32 $0x4;
	[sflag:s29] =	ssyncpa.u1 $0x1  }
0x1d7: {  	s31 =	simm.s32 $0x3C;
	[sflag:s30] =	ssyncpa.u1 $0x1  }
0x1d8: {  	s13 =	rddreg [dreg:$0x5];
	[sflag:s31] =	ssyncpa.u1 $0x1  }
0x1d9: {  	_ =	sfence.stream.spmem;
	s0 =	simm.s32 $0x5  }
0x1da: {  	s2 =	simm.s32 $0x800;
	s3 =	simm.s32 $0xA118;
	[sflag:s0] =	ssyncpa.u1 $0x0  }
0x1db: {  	[tilespmem:s3], [sflag:$0x5] =	stream.linear.gather [spmem:s2], $0x20, $0x38;
	[tilespmem:$0x1EF88] =	vst v63  }
0x1dc: {  	s26 =	simm.s32 $0x0;
	s28 =	simm.s32 $0xA138  }
0x1dd: {  	[tilespmem:s28], [sflag:$0x5] =	stream.linear.gather [spmem:s26], $0x800, $0x38;
	[tilespmem:$0x1EF88] =	vst v63  }
0x1de: {  	_ =	swait.ge [sflag:s0], $0x820  }
0x1df: {  	[sflag:s0] =	ssyncset.done $0x0  }
0x1e0: {  	s29 =	simm.s32 $0x0;
	[sflag:s0] =	ssyncadd.s32 $0xFFFFF7E0  }
0x1e1: {  	v0 =	vld.msk [tilespmem:s29+$0xA118], $0x1;
	_ =	sdelay $0x1  }
0x1e2: {  	s30 =	simm.s32 $0x1  }
0x1e3: {  	v1 =	vld.msk [tilespmem:s30+$0xA118], $0x1;
	_ =	sdelay $0x1  }
0x1e4: {  	(v2sf) =	vpush v0, $0x0;
	_ =	sdelay $0x2  }
0x1e5: {  	(v2sf) =	vpush v1, $0x0;
	_ =	sdelay $0x2  }
0x1e6: {  	s31 =	simm.s32 $0x2  }
0x1e7: {  	v0 =	vld.msk [tilespmem:s31+$0xA118], $0x1;
	_ =	sdelay $0x2  }
0x1e8: {  	s2 =	simm.s32 $0xFFFFFFFF;
	s3 =	simm.s32 $0xFFFFFFFF;
	s0 =	simm.s32 $0xC  }
.LBB3_28:
0x1e9: {  	s4 =	smov.u32 s3;
	s5 =	smov.u32 s2  }
0x1ea: {  	s2 =	sshra.s32 s0, $0x2;
	p1 =	sne.s32 s0, $0x7C;
	s0 =	sadd.s32 $0x4, s0;
	(v2sf) =	vpush v0, $0x0  }
0x1eb: {  	v0 =	vld.msk [tilespmem:s2+$0xA118], $0x1  }
.Ltmp27:
0x1ec: {  	(pc) =	sbr.rel @p1 .LBB3_28-.Ltmp27, $4  }
0x1ed: {  	s3 =	spop (v2sf)  }
0x1ee: {  	p2 =	sne.s32 s5, $0xFFFFFFFF;
	s2 =	smov.u32 s3  }
0x1ef: {  	p3 =	seq.s32 s3, $0xFFFFFFFF;
	s2 =	smov.u32 @p2 s5  }
0x1f0: {  	s3 =	smov.u32 @p3 s4;
	s2 =	smov.u32 @p3 s5  }
0x1f1: {  	(v2sf) =	vpush v0, $0x0;
	_ =	sdelay $0x8  }
0x1f2: {  	s0 =	spop (v2sf)  }
0x1f3: {  	p1 =	sne.s32 s2, $0xFFFFFFFF;
	s4 =	smov.u32 s0  }
0x1f4: {  	s6 =	simm.s32 $0x0;
	p2 =	seq.s32 s0, $0xFFFFFFFF;
	s4 =	smov.u32 @p1 s2  }
0x1f5: {  	s9 =	simm.s32 $0xA0C8;
	s4 =	smov.u32 @p2 s2;
	s2 =	spop (v2sf)  }
0x1f6: {  	s0 =	smov.u32 @p2 s3;
	p1 =	sne.s32 s4, $0xFFFFFFFF;
	s5 =	smov.u32 s2  }
.Ltmp28:
0x1f7: {  	p2 =	seq.s32 s2, $0xFFFFFFFF;
	s5 =	smov.u32 @p1 s4;
	(pc) =	sbr.rel .LBB3_30-.Ltmp28, $4  }
0x1f8: {  	s10 =	simm.s32 $0x0;
	s5 =	smov.u32 @p2 s4;
	s7 =	spop (v2sf)  }
0x1f9: {  	s2 =	smov.u32 @p2 s0;
	p1 =	sne.s32 s5, $0xFFFFFFFF;
	s8 =	smov.u32 s7  }
0x1fa: {  	s0 =	simm.s32 $0x6;
	p2 =	seq.s32 s7, $0xFFFFFFFF;
	s8 =	smov.u32 @p1 s5  }
0x1fb: {  	[sflag:s0] =	ssyncpa.u1 $0x0;
	s7 =	smov.u32 @p2 s2;
	s8 =	smov.u32 @p2 s5  }
.LBB3_36:
0x1fc: {  	p1 =	sgt.u32 s2, $0x270F8  }
0x1fd: {  	p2 =	seq.s32 @!p1 s2, s8  }
0x1fe: {  	p1 =	por p1, p2  }
0x1ff: {  	p2 =	sne.s32 @!p1 s2, s7  }
0x200: {  	p1 =	por p1, !p2  }
0x201: {  	s2 =	sshll.u32 @p1 s10, $0x8  }
0x202: {  	s3 =	sand.u32 @!p1 $0x3FFF8, s2  }
0x203: {  	s2 =	sand.u32 @!p1 $0x7, s2;
	s3 =	sadd.s32 @!p1 s1, s3  }
0x204: {  	[tilespmem:s9], [sflag:$0x6] =	stream.linear.gather @!p1 [hbm4b:s3+s2], $0x40, $0x38;
	[tilespmem:$0x1EF88] =	vst v63  }
0x205: {  	_ =	swait.ge @!p1 [sflag:s0], $0x40  }
0x206: {  	[sflag:s0] =	ssyncset.done @!p1 $0x0  }
0x207: {  	[sflag:s0] =	ssyncadd.s32 @!p1 $0xFFFFFFC0  }
0x208: {  	v1 =	vld @!p1 [tilespmem:$0xA0C8];
	_ =	sdelay $0x2  }
0x209: {  	s2 =	sshll.u32 @!p1 s10, $0x8  }
0x20a: {  	s3 =	sshrl.u32 @!p1 s2, $0x2  }
0x20b: {  	[tilespmem:s3+$0xA138] =	vst.add.f32.msk @!p1 $0xffff, v1  }
0x20c: {  	v1 =	vld @!p1 [tilespmem:$0xA0D8];
	_ =	sdelay $0x4  }
0x20d: {  	[tilespmem:s3+$0xA148] =	vst.add.f32.msk @!p1 $0xffff, v1  }
0x20e: {  	v1 =	vld @!p1 [tilespmem:$0xA0E8];
	_ =	sdelay $0x4  }
0x20f: {  	[tilespmem:s3+$0xA158] =	vst.add.f32.msk @!p1 $0xffff, v1  }
0x210: {  	v1 =	vld @!p1 [tilespmem:$0xA0F8];
	_ =	sdelay $0x4  }
0x211: {  	[tilespmem:s3+$0xA168] =	vst.add.f32.msk @!p1 $0xffff, v1  }
0x212: {  	s2 =	sshrl.u32 s2, $0x2;
	[tilespmem:s6+$0xA118] =	vst.msk $0x1, v0  }
0x213: {  	v0 =	vld [tilespmem:s2+$0xA138];
	_ =	sdelay $0x2  }
0x214: {  	s31 =	sshll.u32 s6, $0x8  }
0x215: {  	s3 =	sshra.s32 s31, $0x2  }
0x216: {  	[tilespmem:s3+$0xA138] =	vst v0  }
0x217: {  	v0 =	vld [tilespmem:s2+$0xA148];
	_ =	sdelay $0x4  }
0x218: {  	[tilespmem:s3+$0xA148] =	vst v0  }
0x219: {  	v0 =	vld [tilespmem:s2+$0xA158];
	_ =	sdelay $0x4  }
0x21a: {  	[tilespmem:s3+$0xA158] =	vst v0  }
0x21b: {  	v0 =	vld [tilespmem:s2+$0xA168];
	_ =	sdelay $0x4  }
0x21c: {  	s6 =	sadd.s32 $0x1, s6;
	[tilespmem:s3+$0xA168] =	vst v0  }
.LBB3_37:
0x21d: {  	s10 =	sadd.s32 $0x1, s10  }
0x21e: {  	p1 =	sne.s32 s10, $0x20  }
.Ltmp29:
0x21f: {  	_ = 	snop;
	(pc) =	sbr.rel @!p1 .LBB3_38-.Ltmp29, $1  }
0x220: {  	_ =	sdelay $0x3  }
.LBB3_30:
0x221: {  	v0 =	vld.msk [tilespmem:s10+$0xA118], $0x1;
	_ =	sdelay $0x4  }
0x222: {  	(v2sf) =	vpush v0, $0x0;
	_ =	sdelay $0xe  }
0x223: {  	s2 =	spop (v2sf)  }
0x224: {  	p1 =	seq.s32 s2, $0xFFFFFFFF  }
.Ltmp30:
0x225: {  	_ = 	snop;
	(pc) =	sbr.rel @p1 .LBB3_37-.Ltmp30, $1  }
0x226: {  	_ =	sdelay $0x3  }
0x227: {  	p1 =	slt.s32 s6, $0x1  }
.Ltmp31:
0x228: {  	_ = 	snop;
	(pc) =	sbr.rel @p1 .LBB3_36-.Ltmp31, $1  }
0x229: {  	_ =	sdelay $0x3  }
0x22a: {  	s3 =	simm.s32 $0xA118;
	p1 =	por $0x0, $0x0  }
0x22b: {  	v1 =	vld.msk @!p1 [tilespmem:s3+$0x0], $0x1;
	_ =	sdelay $0x4  }
0x22c: {  	(v2sf) =	vpush @!p1 v1, $0x0;
	_ =	sdelay $0xd  }
0x22d: {  	p3 =	sne.s32 s6, $0x1  }
.Ltmp32:
0x22e: {  	s4 =	spop @!p1 (v2sf);
	(pc) =	sbr.rel @!p3 .LBB3_34-.Ltmp32, $4  }
0x22f: {  	p2 =	seq.s32 @!p1 s2, s4  }
0x230: {  	s4 =	simm.s32 $0x0;
	p2 =	por !p2, p1  }
0x231: {  	s11 =	simm.s32 $0xFFFFFFFF;
	s4 =	simm.s32 @p2 $0xFFFFFFFF  }
0x232: {  	s5 =	simm.s32 $0x1;
	s4 =	smov.u32 @p1 s11  }
.LBB3_33:
0x233: {  	s11 =	smov.u32 s4;
	p1 =	sne.s32 s4, $0xFFFFFFFF  }
0x234: {  	s3 =	sadd.s32 $0x1, s3;
	s4 =	smov.u32 s5;
	s5 =	sadd.s32 $0x1, s5  }
0x235: {  	p2 =	sne.s32 s6, s5;
	v1 =	vld.msk @!p1 [tilespmem:s3+$0x0], $0x1;
	_ =	sdelay $0x4  }
0x236: {  	(v2sf) =	vpush @!p1 v1, $0x0;
	_ =	sdelay $0xe  }
.Ltmp33:
0x237: {  	s12 =	spop @!p1 (v2sf);
	(pc) =	sbr.rel @p2 .LBB3_33-.Ltmp33, $4  }
0x238: {  	p3 =	seq.s32 @!p1 s2, s12  }
0x239: {  	p3 =	por !p3, p1  }
0x23a: {  	s4 =	simm.s32 @p3 $0xFFFFFFFF  }
0x23b: {  	s4 =	smov.u32 @p1 s11  }
.LBB3_34:
0x23c: {  	p1 =	seq.s32 s4, $0xFFFFFFFF  }
.Ltmp34:
0x23d: {  	_ = 	snop;
	(pc) =	sbr.rel @p1 .LBB3_36-.Ltmp34, $1  }
0x23e: {  	_ =	sdelay $0x3  }
0x23f: {  	s2 =	sshll.u32 s10, $0x6  }
0x240: {  	s2 =	sand.u32 $0x3FFFFFC0, s2  }
0x241: {  	v0 =	vld [tilespmem:s2+$0xA138];
	_ =	sdelay $0x2  }
0x242: {  	s3 =	sshll.u32 s4, $0x8  }
0x243: {  	s3 =	sshra.s32 s3, $0x2  }
0x244: {  	[tilespmem:s3+$0xA138] =	vst.add.f32.msk $0xffff, v0  }
0x245: {  	v0 =	vld [tilespmem:s2+$0xA148];
	_ =	sdelay $0x4  }
0x246: {  	[tilespmem:s3+$0xA148] =	vst.add.f32.msk $0xffff, v0  }
0x247: {  	v0 =	vld [tilespmem:s2+$0xA158];
	_ =	sdelay $0x4  }
0x248: {  	[tilespmem:s3+$0xA158] =	vst.add.f32.msk $0xffff, v0  }
0x249: {  	v0 =	vld [tilespmem:s2+$0xA168]  }
.Ltmp35:
0x24a: {  	_ = 	snop;
	(pc) =	sbr.rel .LBB3_37-.Ltmp35, $2  }
0x24b: {  	_ =	sdelay $0x2  }
0x24c: {  	[tilespmem:s3+$0xA168] =	vst.add.f32.msk $0xffff, v0  }
.LBB3_38:
0x24d: {  	s0 =	simm.s32 $0x6;
	p1 =	seq.s32 s6, $0x0  }
0x24e: {  	[sflag:s0] =	ssyncpa.u1 $0x1;
	v0 =	vimm.s32 @p1 $0xFFFFFFFF  }
0x24f: {  	s0 =	sadd.s32 $0xFFFFFFFF, s6;
	[tilespmem:$0xA938] =	vst @p1 v0  }
0x250: {  	v0 =	vld.msk @!p1 [tilespmem:s0+$0xA118], $0x1;
	_ =	sdelay $0x1  }
0x251: {  	v1 =	vld.msk @!p1 [tilespmem:$0xA118], $0x1;
	_ =	sdelay $0x2  }
0x252: {  	p2 =	seq.s32 @!p1 s0, $0x0;
	v0 =	vbroadcast @!p1 v0, $0x0  }
0x253: {  	vm0 =	vmmov @!p1 $0x1;
	p2 =	por !p2, p1  }
0x254: {  	v1 =	vnsel @!p1 vm0, $0xFFFFFFFF, v1;
	vm0 =	vcmask @!p1 $0x308;
	v0 =	vpsel !p2, $0xFFFFFFFF, v0  }
0x255: {  	p2 =	sne.s32 @!p1 s8, s7;
	v0 =	vsel @!p1 vm0, v1, v0  }
0x256: {  	s2 =	simm.s32 @!p1 $0xA138;
	s3 =	simm.s32 @!p1 $0x0;
	p3 =	por !p2, p1;
	[tilespmem:$0xA938] =	vst @!p1 v0  }
0x257: {  	[spmem:s3] =	stream.linear.scatter @!p1 [tilespmem:s2], [sflag:$0x1], $0x40, $0x38;
	[tilespmem:$0x1EF88] =	vst v63  }
0x258: {  	s2 =	sshll.u32 @!p3 s0, $0x8  }
0x259: {  	s2 =	sshra.s32 @!p3 s2, $0x2  }
0x25a: {  	s3 =	simm.s32 @!p3 $0x40;
	s2 =	sadd.s32 @!p3 $0xA138, s2  }
0x25b: {  	[spmem:s3] =	stream.linear.scatter @!p3 [tilespmem:s2], [sflag:$0x1], $0x40, $0x38;
	[tilespmem:$0x1EF88] =	vst v63  }
0x25c: {  	s2 =	simm.s32 @!p3 $0x1  }
0x25d: {  	_ =	swait.ge @!p3 [sflag:s2], $0x80  }
0x25e: {  	p1 =	por p2, p1;
	[sflag:s2] =	ssyncset.done @!p3 $0x0  }
0x25f: {  	[sflag:s2] =	ssyncadd.s32 @!p3 $0xFFFFFF80;
	s2 =	simm.s32 @!p1 $0x1  }
0x260: {  	_ =	swait.ge @!p1 [sflag:s2], $0x40  }
0x261: {  	s29 =	simm.s32 $0xA938;
	[sflag:s2] =	ssyncset.done @!p1 $0x0  }
0x262: {  	s30 =	simm.s32 $0x800;
	s31 =	simm.s32 $0x1;
	[sflag:s2] =	ssyncadd.s32 @!p1 $0xFFFFFFC0  }
0x263: {  	[spmem:s30] =	stream.linear.scatter [tilespmem:s29], [sflag:$0x1], $0x10, $0x38;
	[tilespmem:$0x1EF88] =	vst v63  }
0x264: {  	_ =	swait.ge [sflag:s31], $0x10  }
0x265: {  	[sflag:s31] =	ssyncset.done $0x0  }
0x266: {  	p1 =	seq.s32 s13, $0x0;
	s9 =	rddreg [dreg:$0x2];
	[sflag:s31] =	ssyncadd.s32 $0xFFFFFFF0  }
0x267: {  	s3 =	sshll.u32 @p1 s9, $0xE;
	s8 =	rddreg [dreg:$0x3]  }
0x268: {  	s2 =	sadd.s32 @p1 $0x15C3C, s3;
	s3 =	sshll.u32 @p1 s8, $0x11  }
0x269: {  	_ =	sfence.stream.spmem;
	s2 =	sor.u32 @p1 s3, s2  }
0x26a: {  	[sflag:s2] =	ssyncadd.remote.s32 @p1 $0x1;
	s2 =	simm.s32 @p1 $0x4  }
0x26b: {  	s4 =	simm.s32 @!p1 $0x3C;
	s3 =	sand.u32 $0xFFFFFFFE, s9;
	_ =	swait.ge @p1 [sflag:s2], $0x12  }
0x26c: {  	s5 =	simm.s32 @!p1 $0x0;
	s3 =	sadd.s32 @!p1 $0x4, s3;
	[sflag:s2] =	ssyncset.done @p1 $0x0  }
0x26d: {  	s7 =	simm.s32 @!p1 $0x80;
	[sflag:s2] =	ssyncadd.s32 @p1 $0xFFFFFFEE;
	s2 =	sshll.u32 @!p1 s3, $0x1A  }
0x26e: {  	s3 =	sshll.u32 @!p1 s3, $0xD;
	s2 =	sor.u32 @!p1 s2, s8;
	_ =	swait.eq @!p1 [sflag:s4], $0x1  }
0x26f: {  	s3 =	sor.u32 @!p1 $0x1C04, s3;
	s4 =	simm.s32 @!p1 $0x1C03;
	s2 =	sor.u32 @!p1 $0x80004000, s2  }
0x270: {  	[spmem:s7], [sflag:s3] =	dma.general @!p1 [spmem:s5], [sflag:s4], length:$0x10, [dreg:$0x0], stride_count:$0x0, ici_dest:s2, dma_misc:DstOpCode:WRITE  }
0x271: {  	p2 =	slt.s32 s0, $0x2;
	s5 =	simm.s32 @!p1 $0x100;
	s7 =	simm.s32 @!p1 $0x102  }
0x272: {  	[spmem:s7], [sflag:s3] =	dma.general @!p1 [spmem:s5], [sflag:s4], length:$0x2, [dreg:$0x0], stride_count:$0x0, ici_dest:s2, dma_misc:DstOpCode:WRITE  }
.Ltmp36:
0x273: {  	s2 =	simm.s32 @!p1 $0x3;
	(pc) =	sbr.rel @p2 .LBB3_42-.Ltmp36, $4  }
0x274: {  	s3 =	sshll.u32 @!p1 s9, $0xE;
	_ =	swait.ge @!p1 [sflag:s2], $0x12  }
0x275: {  	s4 =	sshll.u32 @!p1 s8, $0x11;
	s3 =	sadd.s32 @!p1 $0x11C3C, s3;
	[sflag:s2] =	ssyncset.done @!p1 $0x0  }
0x276: {  	[sflag:s2] =	ssyncadd.s32 @!p1 $0xFFFFFFEE;
	s2 =	sor.u32 @!p1 s4, s3  }
0x277: {  	s0 =	simm.s32 $0x0;
	[sflag:s2] =	ssyncadd.remote.s32 @!p1 $0xFFFFFFFF  }
0x278: {  	s0 =	simm.s32 $0xA119  }
0x279: {  	v0 =	vld.msk [tilespmem:s0+$0x0], $0x1;
	_ =	sdelay $0x4  }
0x27a: {  	(v2sf) =	vpush v0, $0x0;
	_ =	sdelay $0xc  }
0x27b: {  	s2 =	sadd.s32 $0xFFFFFFFE, s6  }
0x27c: {  	s2 =	sadd.s32 $0xFFFFFFFF, s2  }
0x27d: {  	p2 =	sne.s32 s2, $0x0;
	s3 =	spop (v2sf)  }
.Ltmp37:
0x27e: {  	p1 =	sgt.u32 s3, $0x270F8;
	(pc) =	sbr.rel @!p2 .LBB3_41-.Ltmp37, $4  }
0x27f: {  	s5 =	simm.s32 $0x0;
	s4 =	sand.u32 @!p1 $0x3FFF8, s3  }
0x280: {  	s0 =	simm.s32 $0xA178;
	s3 =	sand.u32 @!p1 $0x7, s3;
	s4 =	sadd.s32 @!p1 s1, s4  }
0x281: {  	[hbm4b:s4+s3] =	stream.linear.scatter @!p1 [tilespmem:s0], [sflag:$0x5], $0x40, $0x38;
	[tilespmem:$0x1EF88] =	vst v63  }
0x282: {  	s5 =	simm.s32 @!p1 $0x100;
	s3 =	simm.s32 $0x0;
	s4 =	simm.s32 $0xA11A  }
.LBB3_40:
0x283: {  	v0 =	vld.msk [tilespmem:s4+$0x0], $0x1;
	s2 =	sadd.s32 $0xFFFFFFFF, s2;
	s3 =	sadd.s32 s3, s5  }
0x284: {  	p1 =	sne.s32 s2, $0x0;
	_ =	sdelay $0x3  }
0x285: {  	(v2sf) =	vpush v0, $0x0;
	_ =	sdelay $0xe  }
.Ltmp38:
0x286: {  	s6 =	spop (v2sf);
	(pc) =	sbr.rel @p1 .LBB3_40-.Ltmp38, $4  }
0x287: {  	s5 =	simm.s32 $0x0;
	p2 =	sgt.u32 s6, $0x270F8  }
0x288: {  	s0 =	sadd.s32 $0x40, s0;
	s5 =	simm.s32 @!p2 $0x100;
	s7 =	sand.u32 @!p2 $0x3FFF8, s6  }
0x289: {  	s4 =	sadd.s32 $0x1, s4;
	s6 =	sand.u32 @!p2 $0x7, s6;
	s7 =	sadd.s32 @!p2 s1, s7  }
0x28a: {  	[hbm4b:s7+s6] =	stream.linear.scatter @!p2 [tilespmem:s0], [sflag:$0x5], $0x40, $0x38;
	[tilespmem:$0x1EF88] =	vst v63  }
.LBB3_41:
0x28b: {  	s0 =	sadd.s32 s3, s5  }
0x28c: {  	s0 =	sshrl.u32 s0, $0x2  }
.LBB3_42:
0x28d: {  	s2 =	simm.s32 $0x5  }
0x28e: {  	_ =	swait.ge [sflag:s2], s0  }
0x28f: {  	s31 =	ssub.s32 $0x0, s0;
	[sflag:s2] =	ssyncset.done $0x0  }
0x290: {  	[sflag:s2] =	ssyncadd.s32 s31  }
0x291: {  	[sflag:s2] =	ssyncpa.u1 $0x1  }
.LBB3_43:
0x292: {  	s0 =	sor.u32 s13, s14  }
0x293: {  	p1 =	sne.s32 s0, $0x0  }
.Ltmp39:
0x294: {  	_ = 	snop;
	(pc) =	sbr.rel @p1 .LBB3_58-.Ltmp39, $3  }
0x295: {  	_ =	sdelay $0x1  }
0x296: {  	[bflag:$0x0] =	sbarrier.arrive $0xFFFF  }
0x297: {  	_ =	sfence  }
0x298: {  	s2 =	simm.s32 $0x7  }
0x299: {  	s0 =	simm.s32 $0x800;
	s3 =	simm.s32 $0xA118;
	[sflag:s2] =	ssyncpa.u1 $0x0  }
0x29a: {  	[tilespmem:s3], [sflag:$0x7] =	stream.linear.gather [spmem:s0], $0x20, $0x38;
	[tilespmem:$0x1EF88] =	vst v63  }
0x29b: {  	s30 =	simm.s32 $0xA138;
	s0 =	simm.s32 $0x0  }
0x29c: {  	[tilespmem:s30], [sflag:$0x7] =	stream.linear.gather [spmem:s0], $0x800, $0x38;
	[tilespmem:$0x1EF88] =	vst v63  }
.Ltmp40:
0x29d: {  	_ = 	snop;
	(pc) =	sbr.rel .LBB3_45-.Ltmp40, $4  }
0x29e: {  	_ =	swait.ge [sflag:s2], $0x820  }
0x29f: {  	[sflag:s2] =	ssyncset.done $0x0  }
0x2a0: {  	s31 =	simm.s32 $0x8;
	[sflag:s2] =	ssyncadd.s32 $0xFFFFF7E0  }
0x2a1: {  	s2 =	simm.s32 $0x0;
	[sflag:s31] =	ssyncpa.u1 $0x0  }
.LBB3_51:
0x2a2: {  	p1 =	slt.u32 s3, $0x270F9  }
0x2a3: {  	s4 =	sand.u32 @p1 $0x3FFF8, s3  }
0x2a4: {  	s3 =	sand.u32 @p1 $0x7, s3;
	s5 =	simm.s32 @p1 $0xA0C8;
	s4 =	sadd.s32 @p1 s1, s4  }
0x2a5: {  	[tilespmem:s5], [sflag:$0x8] =	stream.linear.gather @p1 [hbm4b:s4+s3], $0x40, $0x38;
	[tilespmem:$0x1EF88] =	vst v63  }
0x2a6: {  	s3 =	simm.s32 @p1 $0x8  }
0x2a7: {  	_ =	swait.ge @p1 [sflag:s3], $0x40  }
0x2a8: {  	[sflag:s3] =	ssyncset.done @p1 $0x0  }
0x2a9: {  	[sflag:s3] =	ssyncadd.s32 @p1 $0xFFFFFFC0  }
0x2aa: {  	v1 =	vld @p1 [tilespmem:$0xA0C8];
	_ =	sdelay $0x2  }
0x2ab: {  	s3 =	sshll.u32 @p1 s2, $0x8  }
0x2ac: {  	s4 =	sshrl.u32 @p1 s3, $0x2  }
0x2ad: {  	[tilespmem:s4+$0xA138] =	vst.add.f32.msk @p1 $0xffff, v1  }
0x2ae: {  	v1 =	vld @p1 [tilespmem:$0xA0D8];
	_ =	sdelay $0x4  }
0x2af: {  	[tilespmem:s4+$0xA148] =	vst.add.f32.msk @p1 $0xffff, v1  }
0x2b0: {  	v1 =	vld @p1 [tilespmem:$0xA0E8];
	_ =	sdelay $0x4  }
0x2b1: {  	[tilespmem:s4+$0xA158] =	vst.add.f32.msk @p1 $0xffff, v1  }
0x2b2: {  	v1 =	vld @p1 [tilespmem:$0xA0F8];
	_ =	sdelay $0x3  }
0x2b3: {  	s5 =	sshll.u32 @!p1 s2, $0x8  }
0x2b4: {  	s5 =	smov.u32 @p1 s3;
	[tilespmem:s4+$0xA168] =	vst.add.f32.msk @p1 $0xffff, v1  }
0x2b5: {  	s3 =	sshrl.u32 s5, $0x2;
	[tilespmem:s0+$0xA118] =	vst.msk $0x1, v0  }
0x2b6: {  	v0 =	vld [tilespmem:s3+$0xA138];
	_ =	sdelay $0x2  }
0x2b7: {  	s31 =	sshll.u32 s0, $0x8  }
0x2b8: {  	s4 =	sshra.s32 s31, $0x2  }
0x2b9: {  	[tilespmem:s4+$0xA138] =	vst v0  }
0x2ba: {  	v0 =	vld [tilespmem:s3+$0xA148];
	_ =	sdelay $0x4  }
0x2bb: {  	[tilespmem:s4+$0xA148] =	vst v0  }
0x2bc: {  	v0 =	vld [tilespmem:s3+$0xA158];
	_ =	sdelay $0x4  }
0x2bd: {  	[tilespmem:s4+$0xA158] =	vst v0  }
0x2be: {  	v0 =	vld [tilespmem:s3+$0xA168];
	_ =	sdelay $0x4  }
0x2bf: {  	s0 =	sadd.s32 $0x1, s0;
	[tilespmem:s4+$0xA168] =	vst v0  }
.LBB3_52:
0x2c0: {  	s2 =	sadd.s32 $0x1, s2  }
0x2c1: {  	p1 =	sne.s32 s2, $0x20  }
.Ltmp41:
0x2c2: {  	_ = 	snop;
	(pc) =	sbr.rel @!p1 .LBB3_53-.Ltmp41, $1  }
0x2c3: {  	_ =	sdelay $0x3  }
.LBB3_45:
0x2c4: {  	v0 =	vld.msk [tilespmem:s2+$0xA118], $0x1;
	_ =	sdelay $0x4  }
0x2c5: {  	(v2sf) =	vpush v0, $0x0;
	_ =	sdelay $0xe  }
0x2c6: {  	s3 =	spop (v2sf)  }
0x2c7: {  	p1 =	seq.s32 s3, $0xFFFFFFFF  }
.Ltmp42:
0x2c8: {  	_ = 	snop;
	(pc) =	sbr.rel @p1 .LBB3_52-.Ltmp42, $1  }
0x2c9: {  	_ =	sdelay $0x3  }
0x2ca: {  	p1 =	slt.s32 s0, $0x1  }
.Ltmp43:
0x2cb: {  	_ = 	snop;
	(pc) =	sbr.rel @p1 .LBB3_51-.Ltmp43, $1  }
0x2cc: {  	_ =	sdelay $0x3  }
0x2cd: {  	s4 =	simm.s32 $0xA118;
	p1 =	por $0x0, $0x0  }
0x2ce: {  	v1 =	vld.msk @!p1 [tilespmem:s4+$0x0], $0x1;
	_ =	sdelay $0x4  }
0x2cf: {  	(v2sf) =	vpush @!p1 v1, $0x0;
	_ =	sdelay $0xd  }
0x2d0: {  	p3 =	sne.s32 s0, $0x1  }
.Ltmp44:
0x2d1: {  	s5 =	spop @!p1 (v2sf);
	(pc) =	sbr.rel @!p3 .LBB3_49-.Ltmp44, $4  }
0x2d2: {  	p2 =	seq.s32 @!p1 s3, s5  }
0x2d3: {  	s5 =	simm.s32 $0x0;
	p2 =	por !p2, p1  }
0x2d4: {  	s7 =	simm.s32 $0xFFFFFFFF;
	s5 =	simm.s32 @p2 $0xFFFFFFFF  }
0x2d5: {  	s6 =	simm.s32 $0x1;
	s5 =	smov.u32 @p1 s7  }
.LBB3_48:
0x2d6: {  	s7 =	smov.u32 s5;
	p1 =	sne.s32 s5, $0xFFFFFFFF  }
0x2d7: {  	s4 =	sadd.s32 $0x1, s4;
	s5 =	smov.u32 s6;
	s6 =	sadd.s32 $0x1, s6  }
0x2d8: {  	p2 =	sne.s32 s0, s6;
	v1 =	vld.msk @!p1 [tilespmem:s4+$0x0], $0x1;
	_ =	sdelay $0x4  }
0x2d9: {  	(v2sf) =	vpush @!p1 v1, $0x0;
	_ =	sdelay $0xe  }
.Ltmp45:
0x2da: {  	s8 =	spop @!p1 (v2sf);
	(pc) =	sbr.rel @p2 .LBB3_48-.Ltmp45, $4  }
0x2db: {  	p3 =	seq.s32 @!p1 s3, s8  }
0x2dc: {  	p3 =	por !p3, p1  }
0x2dd: {  	s5 =	simm.s32 @p3 $0xFFFFFFFF  }
0x2de: {  	s5 =	smov.u32 @p1 s7  }
.LBB3_49:
0x2df: {  	p1 =	seq.s32 s5, $0xFFFFFFFF  }
.Ltmp46:
0x2e0: {  	_ = 	snop;
	(pc) =	sbr.rel @p1 .LBB3_51-.Ltmp46, $1  }
0x2e1: {  	_ =	sdelay $0x3  }
0x2e2: {  	s3 =	sshll.u32 s2, $0x6  }
0x2e3: {  	s3 =	sand.u32 $0x3FFFFFC0, s3  }
0x2e4: {  	v0 =	vld [tilespmem:s3+$0xA138];
	_ =	sdelay $0x2  }
0x2e5: {  	s4 =	sshll.u32 s5, $0x8  }
0x2e6: {  	s4 =	sshra.s32 s4, $0x2  }
0x2e7: {  	[tilespmem:s4+$0xA138] =	vst.add.f32.msk $0xffff, v0  }
0x2e8: {  	v0 =	vld [tilespmem:s3+$0xA148];
	_ =	sdelay $0x4  }
0x2e9: {  	[tilespmem:s4+$0xA148] =	vst.add.f32.msk $0xffff, v0  }
0x2ea: {  	v0 =	vld [tilespmem:s3+$0xA158];
	_ =	sdelay $0x4  }
0x2eb: {  	[tilespmem:s4+$0xA158] =	vst.add.f32.msk $0xffff, v0  }
0x2ec: {  	v0 =	vld [tilespmem:s3+$0xA168]  }
.Ltmp47:
0x2ed: {  	_ = 	snop;
	(pc) =	sbr.rel .LBB3_52-.Ltmp47, $2  }
0x2ee: {  	_ =	sdelay $0x2  }
0x2ef: {  	[tilespmem:s4+$0xA168] =	vst.add.f32.msk $0xffff, v0  }
.LBB3_53:
0x2f0: {  	p1 =	slt.s32 s0, $0x1  }
.Ltmp48:
0x2f1: {  	_ = 	snop;
	(pc) =	sbr.rel @p1 .LBB3_57-.Ltmp48, $3  }
0x2f2: {  	_ =	sdelay $0x1  }
0x2f3: {  	s2 =	simm.s32 $0x8  }
0x2f4: {  	[sflag:s2] =	ssyncpa.u1 $0x1;
	s2 =	simm.s32 $0x0  }
0x2f5: {  	s3 =	simm.s32 $0xA118  }
0x2f6: {  	v0 =	vld.msk [tilespmem:s3+$0x0], $0x1;
	_ =	sdelay $0x4  }
0x2f7: {  	(v2sf) =	vpush v0, $0x0;
	_ =	sdelay $0xe  }
0x2f8: {  	s0 =	sadd.s32 $0xFFFFFFFF, s0;
	s4 =	spop (v2sf)  }
0x2f9: {  	p2 =	sne.s32 s0, $0x0;
	p1 =	sgt.u32 s4, $0x270F8  }
.Ltmp49:
0x2fa: {  	s5 =	sand.u32 @!p1 $0x3FFF8, s4;
	(pc) =	sbr.rel @!p2 .LBB3_56-.Ltmp49, $4  }
0x2fb: {  	s3 =	simm.s32 $0xA138;
	s4 =	sand.u32 @!p1 $0x7, s4;
	s5 =	sadd.s32 @!p1 s1, s5  }
0x2fc: {  	[hbm4b:s5+s4] =	stream.linear.scatter @!p1 [tilespmem:s3], [sflag:$0x7], $0x40, $0x38;
	[tilespmem:$0x1EF88] =	vst v63  }
0x2fd: {  	s5 =	simm.s32 $0x0  }
0x2fe: {  	s4 =	simm.s32 $0xA119;
	s5 =	simm.s32 @!p1 $0x100  }
.LBB3_55:
0x2ff: {  	v0 =	vld.msk [tilespmem:s4+$0x0], $0x1;
	s0 =	sadd.s32 $0xFFFFFFFF, s0;
	s2 =	sadd.s32 s2, s5  }
0x300: {  	p1 =	sne.s32 s0, $0x0;
	_ =	sdelay $0x3  }
0x301: {  	(v2sf) =	vpush v0, $0x0;
	_ =	sdelay $0xe  }
.Ltmp50:
0x302: {  	s6 =	spop (v2sf);
	(pc) =	sbr.rel @p1 .LBB3_55-.Ltmp50, $4  }
0x303: {  	s5 =	simm.s32 $0x0;
	p2 =	sgt.u32 s6, $0x270F8  }
0x304: {  	s3 =	sadd.s32 $0x40, s3;
	s5 =	simm.s32 @!p2 $0x100;
	s7 =	sand.u32 @!p2 $0x3FFF8, s6  }
0x305: {  	s4 =	sadd.s32 $0x1, s4;
	s6 =	sand.u32 @!p2 $0x7, s6;
	s7 =	sadd.s32 @!p2 s1, s7  }
0x306: {  	[hbm4b:s7+s6] =	stream.linear.scatter @!p2 [tilespmem:s3], [sflag:$0x7], $0x40, $0x38;
	[tilespmem:$0x1EF88] =	vst v63  }
.LBB3_56:
0x307: {  	s0 =	sadd.s32 s2, s5  }
0x308: {  	s2 =	sshrl.u32 s0, $0x2  }
.LBB3_57:
0x309: {  	s0 =	simm.s32 $0x7  }
0x30a: {  	_ =	swait.ge [sflag:s0], s2  }
0x30b: {  	s1 =	ssub.s32 $0x0, s2;
	[sflag:s0] =	ssyncset.done $0x0  }
0x30c: {  	[sflag:s0] =	ssyncadd.s32 s1  }
0x30d: {  	[sflag:s0] =	ssyncpa.u1 $0x1  }
.LBB3_58:
0x30e: {  	_ =	sfence;
	s0 =	simm.s32 $0x1  }
0x30f: {  	[sflag:s0] =	ssyncpa.u1 $0x1  }
0x310: {  	_ =	strace $0x90000050  }
0x311: {  	[bflag:$0x2] =	sbarrier.arrive $0xFFFF  }
0x312: {  	s0 =	rddreg [dreg:$0x4]  }
0x313: {  	s0 =	sadd.s32 @!p0 $0x100000, s0  }
0x314: {  	[sflag:s0] =	ssyncadd.tile.s32 @!p0 $0x1;
	_ =	shalt  }
.Lfunc_end3:
_tile_overlayer_lowered:
.L_overlay_start_3:
0x315: {  	(tag) =	ssettag $0x3  }
0x316: {  	s0 =	rddreg [dreg:$0x0];
	s2 =	stileid.u32  }
0x317: {  	s1 =	rddreg [dreg:$0x1];
	p0 =	sne.s32 s2, $0x0  }
0x318: {  	s3 =	rddreg [dreg:$0x2];
	[bflag:$0x3] =	sbarrier.arrive $0xFFFF;
	s2 =	simm.s32 @!p0 $0x1C01  }
0x319: {  	[timem:s3], [sflag:s2] =	dma.local @!p0 [hbm:s0], s1  }
0x31a: {  	s0 =	simm.s32 @!p0 $0x1  }
0x31b: {  	_ =	swait.ge @!p0 [sflag:s0], s1  }
0x31c: {  	s1 =	ssub.s32 @!p0 $0x0, s1;
	[sflag:s0] =	ssyncset.done @!p0 $0x0  }
0x31d: {  	[sflag:s0] =	ssyncadd.s32 @!p0 s1  }
0x31e: {  	[bflag:$0x3] =	sbarrier.arrive $0xFFFF  }
0x31f: {  	_ =	shalt  }

// kernel: scatter_offload_async_start.3
scs
__scs_entry_jumppad:
0x0: {  	(pc) =	sbr.rel $0x88, $3  }
0x1: {  	(tag) =	ssettag $0x0;
	lr =	simm.s32 $0x1  }
0x2: {  	[smem:$0x3F91] =	sst lr;
	_ =	strace $0xD0000000  }
0x3: {  	_ = 	snop  }
0x4: {  	_ = 	snop  }
0x5: {  	_ = 	snop  }
0x6: {  	_ = 	snop  }
0x7: {  	_ = 	snop  }
__scs_overlays_trampoline_lowered:
0x8: {  	[smem:$0x3FA0] =	sst s0  }
0x9: {  	[smem:$0x3FA1] =	sst s1  }
0xa: {  	[smem:$0x3FA2] =	sst s2  }
0xb: {  	[smem:$0x3FA3] =	sst s3  }
0xc: {  	[smem:$0x3FA4] =	sst s4  }
0xd: {  	[smem:$0x3FA5] =	sst s5  }
0xe: {  	[smem:$0x3FA6] =	sst s6  }
0xf: {  	[smem:$0x3FA7] =	sst s7  }
0x10: {  	[smem:$0x3FA8] =	sst s8  }
0x11: {  	[smem:$0x3FA9] =	sst s9;
	s0 =	simm.s32 @!p0 $0x0  }
0x12: {  	s1 =	sld [smem:$0x3F8F];
	s0 =	simm.s32 @p0 $0x1  }
0x13: {  	[smem:$0x3FAA] =	sst s0;
	s0 =	simm.s32 @!p1 $0x0  }
0x14: {  	s2 =	sld [smem:$0x3F8E];
	s0 =	simm.s32 @p1 $0x1  }
0x15: {  	[smem:$0x3FAB] =	sst s0;
	s0 =	simm.s32 @!p2 $0x0  }
0x16: {  	s3 =	sld [smem:$0x3FDB];
	s0 =	simm.s32 @p2 $0x1  }
0x17: {  	s4 =	simm.s32 $0x1BF5;
	[smem:$0x3FAD] =	sst s0  }
0x18: {  	s0 =	sld [smem:$0x3F90];
	_ =	swait.ge [sflag:s4], $0x0  }
0x19: {  	s7 =	sld [smem:$0x3F91]  }
0x1a: {  	s8 =	sadd.s32 $0xFFFFE003, lr  }
0x1b: {  	s9 =	sadd.s32 $0xFFFFFEF7, lr;
	s5 =	simm.s32 $0xFFFFFFFF;
	p2 =	slt.u32 s8, $0xFFFFF086  }
0x1c: {  	p1 =	slt.u32 s9, $0xF7A;
	s5 =	simm.s32 @!p2 $0x0  }
0x1d: {  	s5 =	simm.s32 @p1 $0x1;
	p0 =	seq.s32 s7, s2  }
0x1e: {  	s7 =	smul.u32 @!p0 $0xF7A, s2;
	p2 =	seq.s32 @!p0 s5, $0x0  }
0x1f: {  	s9 =	smul.u32 $0xF7A, s1;
	s8 =	simm.s32 @!p0 $0x1BF5;
	p2 =	por !p2, p0  }
0x20: {  	[sflag:s8] =	ssyncset.s32 @!p0 $0xFFFFF086;
	s6 =	sadd.s32 @!p0 s3, s7;
	s7 =	simm.s32 @!p0 $0x108  }
0x21: {  	s3 =	sadd.s32 s3, s9;
	s6 =	sadd.s32 @!p0 $0x88, s6;
	s7 =	simm.s32 @p2 $0x1082  }
0x22: {  	[simem:s7], [sflag:s8] =	dma.local @!p0 [hbm:s6], $0xF7A  }
0x23: {  	s9 =	sor.u32 $0xD0000000, s2;
	s6 =	simm.s32 $0x108;
	_ =	swait.ge @!p0 [sflag:s8], $0x0  }
0x24: {  	s3 =	sadd.s32 $0x88, s3;
	s6 =	simm.s32 @!p1 $0x1082;
	[sflag:s4] =	ssyncset.s32 $0xFFFFF086  }
0x25: {  	[simem:s6], [sflag:s4] =	dma.local [hbm:s3], $0xF7A  }
0x26: {  	[smem:$0x3F91] =	sst s1;
	(tag) =	ssettag s2;
	_ =	strace s9  }
0x27: {  	s1 =	sld [smem:$0x3FA1]  }
0x28: {  	s2 =	sld [smem:$0x3FA2]  }
0x29: {  	s4 =	sld [smem:$0x3FA4]  }
0x2a: {  	p0 =	seq.s32 s5, $0x0;
	s5 =	sld [smem:$0x3FA5]  }
0x2b: {  	s6 =	sld [smem:$0x3FA6]  }
0x2c: {  	s7 =	sld [smem:$0x3FA7]  }
0x2d: {  	s3 =	simm.s32 $0x108;
	s8 =	sld [smem:$0x3FA8]  }
0x2e: {  	s3 =	simm.s32 @!p0 $0x1082;
	s9 =	sld [smem:$0x3FA9]  }
0x2f: {  	lr =	sadd.s32 s0, s3;
	s0 =	sld [smem:$0x3FA0]  }
0x30: {  	s3 =	sld [smem:$0x3FA3]  }
0x31: {  	[smem:$0x3FAC] =	sst s10  }
0x32: {  	s10 =	sld [smem:$0x3FAA];
	_ =	sdelay $0x3  }
0x33: {  	p0 =	seq.s32 s10, $0x1;
	s10 =	sld [smem:$0x3FAC];
	_ =	sdelay $0x3  }
0x34: {  	[smem:$0x3FAC] =	sst s10  }
0x35: {  	s10 =	sld [smem:$0x3FAB];
	_ =	sdelay $0x3  }
0x36: {  	p1 =	seq.s32 s10, $0x1;
	s10 =	sld [smem:$0x3FAC];
	_ =	sdelay $0x3  }
0x37: {  	[smem:$0x3FAC] =	sst s10  }
0x38: {  	s10 =	sld [smem:$0x3FAD]  }
0x39: {  	_ = 	snop;
	(pc) =	sbr.ind lr, $3  }
0x3a: {  	_ = 	snop  }
0x3b: {  	_ = 	snop  }
0x3c: {  	p2 =	seq.s32 s10, $0x1;
	s10 =	sld [smem:$0x3FAC]  }
0x3d: {  	_ =	shalt  }
0x3e: {  	_ =	shalt  }
0x3f: {  	_ =	shalt  }
0x40: {  	_ =	shalt  }
0x41: {  	_ =	shalt  }
0x42: {  	_ =	shalt  }
0x43: {  	_ =	shalt  }
0x44: {  	_ =	shalt  }
0x45: {  	_ =	shalt  }
0x46: {  	_ =	shalt  }
0x47: {  	_ =	shalt  }
0x48: {  	_ =	shalt  }
0x49: {  	_ =	shalt  }
0x4a: {  	_ =	shalt  }
0x4b: {  	_ =	shalt  }
0x4c: {  	_ =	shalt  }
0x4d: {  	_ =	shalt  }
0x4e: {  	_ =	shalt  }
0x4f: {  	_ =	shalt  }
0x50: {  	_ =	shalt  }
0x51: {  	_ =	shalt  }
0x52: {  	_ =	shalt  }
0x53: {  	_ =	shalt  }
0x54: {  	_ =	shalt  }
0x55: {  	_ =	shalt  }
0x56: {  	_ =	shalt  }
0x57: {  	_ =	shalt  }
0x58: {  	_ =	shalt  }
0x59: {  	_ =	shalt  }
0x5a: {  	_ =	shalt  }
0x5b: {  	_ =	shalt  }
0x5c: {  	_ =	shalt  }
0x5d: {  	_ =	shalt  }
0x5e: {  	_ =	shalt  }
0x5f: {  	_ =	shalt  }
0x60: {  	_ =	shalt  }
0x61: {  	_ =	shalt  }
0x62: {  	_ =	shalt  }
0x63: {  	_ =	shalt  }
0x64: {  	_ =	shalt  }
0x65: {  	_ =	shalt  }
0x66: {  	_ =	shalt  }
0x67: {  	_ =	shalt  }
0x68: {  	_ =	shalt  }
0x69: {  	_ =	shalt  }
0x6a: {  	_ =	shalt  }
0x6b: {  	_ =	shalt  }
0x6c: {  	_ =	shalt  }
0x6d: {  	_ =	shalt  }
0x6e: {  	_ =	shalt  }
0x6f: {  	_ =	shalt  }
0x70: {  	_ =	shalt  }
0x71: {  	_ =	shalt  }
0x72: {  	_ =	shalt  }
0x73: {  	_ =	shalt  }
0x74: {  	_ =	shalt  }
0x75: {  	_ =	shalt  }
0x76: {  	_ =	shalt  }
0x77: {  	_ =	shalt  }
0x78: {  	_ =	shalt  }
0x79: {  	_ =	shalt  }
0x7a: {  	_ =	shalt  }
0x7b: {  	_ =	shalt  }
0x7c: {  	_ =	shalt  }
0x7d: {  	_ =	shalt  }
0x7e: {  	_ =	shalt  }
0x7f: {  	_ =	shalt  }
0x80: {  	_ =	shalt  }
0x81: {  	_ =	shalt  }
0x82: {  	_ =	shalt  }
0x83: {  	_ =	shalt  }
0x84: {  	_ =	shalt  }
0x85: {  	_ =	shalt  }
0x86: {  	_ =	shalt  }
0x87: {  	_ =	shalt  }
.Lfunc_end0:
.L_simem_size_0:
called_computation.3_lowered:
.L_overlay_start_0:
0x88: {  	s2 =	sld [smem:$0x3FD9]  }
0x89: {  	s3 =	sld [smem:$0x3FFE];
	_ =	sdelay $0x1  }
0x8a: {  	s1 =	srdreg.scid  }
0x8b: {  	s0 =	sand.u32 $0x1, s1  }
0x8c: {  	s10 =	sshll.u32 s0, $0xA;
	s2 =	sadd.s32 s3, s2  }
0x8d: {  	s2 =	sadd.s32 s2, s10  }
0x8e: {  	[smem:$0x3FB8] =	sst s2  }
0x8f: {  	_ = 	snop  }
0x90: {  	s2 =	sld [smem:$0x3FD0];
	_ =	sdelay $0x2  }
0x91: {  	s11 =	simm.s32 $0xD;
	s4 =	simm.s32 $0x10  }
0x92: {  	[smem:s4], [sflag:s11] =	dma.local [hbm:s2], $0x1  }
0x93: {  	_ =	swait.eq [sflag:s11], $0x1  }
0x94: {  	[sflag:s11] =	ssyncset.done $0x0  }
0x95: {  	[sflag:s11] =	ssyncadd.s32 $0xFFFFFFFF  }
0x96: {  	s12 =	sld [smem:$0x10];
	(tm) =	ssettm $0x1  }
0x97: {  	s13 =	sld [smem:$0x3FFB];
	_ =	sdelay $0x3  }
0x98: {  	_ =	strace s13  }
0x99: {  	s2 =	sld [smem:$0x3FFC];
	_ =	sdelay $0x3  }
0x9a: {  	_ =	strace s2  }
0x9b: {  	s2 =	sld [smem:$0x3FFD];
	_ =	sdelay $0x3  }
0x9c: {  	_ =	strace s2  }
0x9d: {  	_ =	strace $0x8FFFFFFF  }
0x9e: {  	s14 =	sld [smem:$0x3FDB];
	_ =	sdelay $0x1  }
0x9f: {  	s15 =	simm.s32 $_scs_section_size  }
0xa0: {  	s5 =	simm.s32 $_size__tile_overlayer_lowered;
	s6 =	simm.s32 $_tile_overlayer_lowered  }
0xa1: {  	s19 =	simm.s32 $0x1BFF;
	s17 =	sshll.u32 s6, $0x1;
	s7 =	sadd.s32 s15, s14  }
0xa2: {  	s20 =	simm.s32 $0x0;
	s16 =	sshll.u32 s5, $0x1;
	s18 =	sadd.s32 s17, s7  }
0xa3: {  	[timem:s20], [sflag:s19] =	dma.local [hbm:s18], s16  }
0xa4: {  	_ =	swait.ge [sflag:s19], s16  }
0xa5: {  	s4 =	ssub.s32 $0x0, s16;
	[sflag:s19] =	ssyncset.done $0x0  }
0xa6: {  	[sflag:s19] =	ssyncadd.s32 s4;
	_ =	sdelay $0x1  }
0xa7: {  	s21 =	simm.s32 $0x1B8B  }
0xa8: {  	_ =	swait.ge [sflag:s21], $0x1  }
0xa9: {  	[sflag:s21] =	ssyncset.done $0x0  }
0xaa: {  	[sflag:s21] =	ssyncadd.s32 $0xFFFFFFFF  }
0xab: {  	s4 =	sld [smem:$0x0]  }
0xac: {  	s5 =	sand.u32 $0xFFFFFFFE, s1  }
0xad: {  	p0 =	sne.s32 s1, s5  }
0xae: {  	s5 =	sshll.u32 @p0 s5, $0xE  }
0xaf: {  	s6 =	sadd.s32 @p0 $0x11B8D, s5;
	s8 =	sshll.u32 @p0 s4, $0x11  }
0xb0: {  	s6 =	sor.u32 @p0 s8, s6  }
0xb1: {  	[sflag:s6] =	ssyncadd.remote.s32 @p0 $0x1;
	_ =	sdelay $0x1  }
0xb2: {  	s6 =	simm.s32 @p0 $0x1B8D  }
0xb3: {  	_ =	swait.eq @p0 [sflag:s6], $0x1  }
0xb4: {  	[sflag:s6] =	ssyncadd.s32 @p0 $0xFFFFFFFF  }
0xb5: {  	s8 =	sshll.u32 @!p0 s1, $0xE  }
0xb6: {  	s8 =	sor.u32 @!p0 $0x4000, s8;
	s6 =	simm.s32 @!p0 $0x1B8D  }
0xb7: {  	s10 =	sshll.u32 @!p0 s4, $0x11;
	s9 =	sadd.s32 @!p0 $0x11B8D, s8;
	_ =	swait.eq @!p0 [sflag:s6], $0x1  }
0xb8: {  	[sflag:s6] =	ssyncadd.s32 @!p0 $0xFFFFFFFF;
	s6 =	sor.u32 @!p0 s10, s9  }
0xb9: {  	s23 =	simm.s32 $0x1B8E;
	s22 =	sld [smem:$0x3FFE];
	[sflag:s6] =	ssyncadd.remote.s32 @!p0 $0x1  }
0xba: {  	s24 =	simm.s32 $execute0_lowered;
	[smem:$0x3FD2] =	sst s23  }
0xbb: {  	s9 =	sshll.u32 s24, $0x1;
	_ =	strace $0x80000058;
	[dreg:$0x1] =	wrdreg $0xFFFFFFFF  }
0xbc: {  	s25 =	simm.s32 $_size_execute0_lowered;
	s9 =	sadd.s32 s7, s9;
	[dreg:$0x0] =	wrdreg $0x0  }
0xbd: {  	s10 =	sshll.u32 s25, $0x1;
	[dreg:$0x2] =	wrdreg s9  }
0xbe: {  	[dreg:$0x3] =	wrdreg s10  }
0xbf: {  	[dreg:$0x4] =	wrdreg $0xC0  }
0xc0: {  	s26 =	simm.s32 $execute1_lowered;
	_ =	task [dreg:s20], $0x5FFFF  }
0xc1: {  	s9 =	sshll.u32 s26, $0x1;
	[dreg:$0x1] =	wrdreg $0xFFFFFFFF  }
0xc2: {  	s7 =	sadd.s32 s7, s9;
	[dreg:$0x0] =	wrdreg $0x60  }
0xc3: {  	[dreg:$0x2] =	wrdreg s7  }
0xc4: {  	[dreg:$0x3] =	wrdreg s22  }
0xc5: {  	[dreg:$0x4] =	wrdreg $0xB  }
0xc6: {  	_ =	task.clear_ibuf [dreg:s20], $0x5FFFF;
	_ =	strace $0x90000058  }
0xc7: {  	s28 =	simm.s32 $0xB;
	_ =	strace $0x8000005A  }
0xc8: {  	_ =	swait.ge [sflag:s28], $0x1  }
0xc9: {  	[sflag:s28] =	ssyncadd.s32 $0xFFFFFFFF  }
0xca: {  	_ =	strace $0x9000005A  }
0xcb: {  	s7 =	sld [smem:$0x0];
	_ =	sdelay $0x3  }
0xcc: {  	s5 =	sadd.s32 @p0 $0x11BF3, s5;
	s9 =	sshll.u32 @p0 s7, $0x11  }
0xcd: {  	s5 =	sor.u32 @p0 s9, s5  }
0xce: {  	[sflag:s5] =	ssyncadd.remote.s32 @p0 $0x1;
	_ =	sdelay $0x1  }
0xcf: {  	s5 =	simm.s32 @p0 $0x1BF3  }
0xd0: {  	_ =	swait.eq @p0 [sflag:s5], $0x1  }
0xd1: {  	[sflag:s5] =	ssyncadd.s32 @p0 $0xFFFFFFFF;
	_ =	sdelay $0x1  }
0xd2: {  	s5 =	simm.s32 @!p0 $0x1BF3  }
0xd3: {  	s8 =	sadd.s32 @!p0 $0x11BF3, s8;
	s7 =	sshll.u32 @!p0 s7, $0x11;
	_ =	swait.eq @!p0 [sflag:s5], $0x1  }
0xd4: {  	[sflag:s5] =	ssyncadd.s32 @!p0 $0xFFFFFFFF;
	s5 =	sor.u32 @!p0 s7, s8  }
0xd5: {  	[sflag:s5] =	ssyncadd.remote.s32 @!p0 $0x1  }
0xd6: {  	_ =	strace $0x8000005B;
	[dreg:$0x1] =	wrdreg $0xFFFFFFFF  }
0xd7: {  	[dreg:$0x0] =	wrdreg $0x2030  }
0xd8: {  	[dreg:$0x2] =	wrdreg s22  }
0xd9: {  	[dreg:$0x3] =	wrdreg s12  }
0xda: {  	[dreg:$0x4] =	wrdreg s1  }
0xdb: {  	[dreg:$0x5] =	wrdreg s4  }
0xdc: {  	[dreg:$0x6] =	wrdreg $0xC  }
0xdd: {  	_ =	task.clear_ibuf [dreg:s20], $0x7FFFF;
	_ =	strace $0x9000005B  }
0xde: {  	s29 =	simm.s32 $0xC;
	_ =	strace $0x8000005D  }
0xdf: {  	_ =	swait.ge [sflag:s29], $0x1  }
0xe0: {  	[sflag:s29] =	ssyncadd.s32 $0xFFFFFFFF  }
0xe1: {  	_ =	strace $0x9000005D  }
0xe2: {  	_ =	sfence  }
0xe3: {  	s30 =	sld [smem:$0x0];
	_ =	sdelay $0x2  }
0xe4: {  	s31 =	sshll.u32 s1, $0xD;
	s1 =	sshrl.u32 s1, $0x2  }
0xe5: {  	s4 =	sand.u32 $0x4000, s31;
	s1 =	sadd.s32 s1, s30  }
0xe6: {  	s0 =	sor.u32 s4, s0;
	s1 =	sshll.u32 s1, $0x11  }
0xe7: {  	s0 =	sor.u32 s1, s0  }
0xe8: {  	s0 =	sadd.s32 $0x8F2B, s0  }
0xe9: {  	[sflag:s0] =	ssyncadd.remote.s32 $0x1  }
0xea: {  	_ =	sfence.sel $0xFFFF  }
0xeb: {  	[dreg:$0x0] =	wrdreg $0xFFFFFFFF;
	(pc) =	sbr.abs _section_cstart, $3  }
0xec: {  	[dreg:$0x1] =	wrdreg $0xFFFFFFFF  }
0xed: {  	_ =	task.clear_ibuf [dreg:s20], $0x2FFFF;
	_ =	strace $0x9FFFFFFF  }
0xee: {  	(tm) =	ssettm $0x7FFFFFFF  }
0xef: {  	_ =	shalt  }
tec
execute0_lowered:
.L_overlay_start_1:
0x0: {  	(tag) =	ssettag $0x1  }
0x1: {  	s2 =	rddreg [dreg:$0x0]  }
0x2: {  	s5 =	rddreg [dreg:$0x1]  }
0x3: {  	s0 =	rddreg [dreg:$0x2];
	s3 =	stileid.u32;
	[bflag:$0x3] =	sbarrier.arrive $0xFFFF  }
0x4: {  	s1 =	simm.s32 $_size_execute1_lowered;
	s29 =	srdreg.scid;
	s31 =	simm.s32 $0x2  }
0x5: {  	s13 =	simm.s32 $0x0;
	s8 =	simm.s32 $0x40;
	p0 =	sne.s32 s3, $0x0  }
0x6: {  	s1 =	sshll.u32 s1, $0x1;
	s4 =	simm.s32 @!p0 $0x1C3F;
	s6 =	simm.s32 @!p0 $0x4060  }
0x7: {  	[timem:s6], [sflag:s4] =	dma.local @!p0 [hbm:s2], s1  }
0x8: {  	s9 =	simm.s32 $0x80;
	s11 =	simm.s32 $0x0;
	s2 =	sshll.u32 s29, $0x8  }
.Ltmp0:
0x9: {  	s3 =	sshll.u32 s3, $0x9;
	s30 =	sand.u32 $0x100, s2;
	(pc) =	sbr.rel .LBB2_1-.Ltmp0, $4  }
0xa: {  	s12 =	simm.s32 $0x0;
	s4 =	simm.s32 $0x1;
	s3 =	sor.u32 s3, s30  }
0xb: {  	_ =	strace $0x80000059;
	s2 =	sadd.s32 $0x13C00, s5;
	s7 =	ssub.s32 $0x2700, s3  }
0xc: {  	s5 =	sadd.s32 $0x75C00, s5;
	[sflag:s4] =	ssyncpa.u1 $0x0;
	s6 =	sshrl.u32 s7, $0xD  }
0xd: {  	[sflag:s31] =	ssyncpa.u1 $0x0;
	s10 =	smov.u32 s3;
	s7 =	sor.u32 $0x2, s6  }
.LBB2_5:
0xe: {  	_ =	sdelay $0x3  }
0xf: {  	[tilespmem:v3+s18+$0x0 ss:$0x1] =	vst.idx.msk $0xffff, v1  }
0x10: {  	[tilespmem:v3+s17+$0x0 ss:$0x1] =	vst.idx.msk $0xffff, v2  }
0x11: {  	[tilespmem:v3+s16+$0x0 ss:$0x1] =	vst.idx.msk $0xffff, v4  }
0x12: {  	[tilespmem:v3+s19+$0x0 ss:$0x1] =	vst.idx.msk $0xffff, v5  }
.LBB2_6:
0x13: {  	s16 =	sand.u32 $0x1FFFFFF, s11  }
0x14: {  	s17 =	smulhi.u32 $0x1A36E2F, s16;
	_ =	sdelay $0x1  }
0x15: {  	s17 =	sshrl.u32 s17, $0x6  }
0x16: {  	s17 =	smul.u32 $0x2710, s17;
	_ =	sdelay $0x1  }
0x17: {  	s16 =	ssub.s32 s16, s17  }
0x18: {  	s16 =	sshll.u32 s16, $0x4  }
0x19: {  	s16 =	sadd.s32 s5, s16  }
0x1a: {  	[hbm4b:s16+s8] =	stream.strided.scatter [tilespmem:s15], [sflag:$0x2], s14, s9, s8, $0x38;
	[tilespmem:$0x10000] =	vst v63  }
.LBB2_7:
0x1b: {  	p1 =	slt.u32 s12, $0x2  }
0x1c: {  	p2 =	sgt.s32 @!p1 s13, $0x2610  }
0x1d: {  	s14 =	smov.u32 s13;
	s15 =	sshra.s32 @!p1 s13, $0x1F;
	p2 =	por !p2, p1  }
0x1e: {  	s13 =	sand.u32 @!p1 s15, s13;
	s14 =	simm.s32 @p2 $0x2610  }
0x1f: {  	s13 =	ssub.s32 @!p1 s14, s13  }
0x20: {  	s13 =	sadd.s32 @!p1 $0xFFFFD9F0, s13  }
0x21: {  	s14 =	sshll.u32 @!p1 s13, $0x8  }
0x22: {  	p2 =	sgt.s32 @!p1 s13, $0xFF;
	s13 =	ssub.s32 @!p1 $0x10000, s14  }
0x23: {  	s15 =	sadd.s32 $0x2000, s10;
	p2 =	por !p2, p1;
	s13 =	sshrl.u32 @!p1 s13, $0x2  }
0x24: {  	s13 =	simm.s32 @!p2 $0x0;
	p2 =	sgt.s32 s15, $0x270F  }
0x25: {  	s15 =	smov.u32 @p2 s3;
	p2 =	sne.s32 s12, s7  }
.Ltmp1:
0x26: {  	_ = 	snop;
	(pc) =	sbr.rel @!p2 .LBB2_8-.Ltmp1, $4  }
0x27: {  	s14 =	simm.s32 @!p1 $0x2  }
0x28: {  	_ =	swait.ge @!p1 [sflag:s14], s13;
	s16 =	ssub.s32 @!p1 $0x0, s13  }
0x29: {  	s13 =	smov.u32 s11;
	s12 =	sadd.s32 $0x1, s12;
	[sflag:s14] =	ssyncset.done @!p1 $0x0  }
0x2a: {  	s11 =	smov.u32 s10;
	s10 =	smov.u32 s15;
	[sflag:s14] =	ssyncadd.s32 @!p1 s16  }
.LBB2_1:
0x2b: {  	p1 =	sgt.u32 s12, s6  }
0x2c: {  	s15 =	smov.u32 s10;
	p2 =	sgt.s32 @!p1 s10, $0x2610  }
0x2d: {  	s14 =	sand.u32 @!p1 $0x1FFFFFF, s10;
	s16 =	sshra.s32 @!p1 s10, $0x1F;
	p2 =	por !p2, p1  }
0x2e: {  	s17 =	smulhi.u32 @!p1 $0x1A36E2F, s14;
	s16 =	sand.u32 @!p1 s16, s10;
	s15 =	simm.s32 @p2 $0x2610  }
0x2f: {  	s15 =	ssub.s32 @!p1 s15, s16  }
0x30: {  	s16 =	sshrl.u32 @!p1 s17, $0x6;
	s15 =	sadd.s32 @!p1 $0xFFFFD9F0, s15  }
0x31: {  	s17 =	sxor.u32 @!p1 $0xFFFFFFFF, s12;
	s16 =	smul.u32 @!p1 $0x2710, s16;
	s18 =	sshll.u32 @!p1 s15, $0x8  }
0x32: {  	s17 =	sshll.u32 @!p1 s17, $0xE;
	p2 =	sgt.s32 @!p1 s15, $0xFF;
	s15 =	ssub.s32 @!p1 $0x10000, s18  }
0x33: {  	s14 =	ssub.s32 @!p1 s14, s16;
	p2 =	por !p2, p1;
	s16 =	sand.u32 @!p1 $0x4000, s17  }
0x34: {  	s17 =	simm.s32 @!p1 $0x40;
	s15 =	sshrl.u32 @!p1 s15, $0x2;
	s14 =	sshll.u32 @!p1 s14, $0x4  }
0x35: {  	s18 =	simm.s32 @!p1 $0x80;
	s15 =	simm.s32 @!p2 $0x0;
	s14 =	sadd.s32 @!p1 s2, s14  }
0x36: {  	[tilespmem:s16], [sflag:$0x1] =	stream.strided.gather @!p1 [hbm4b:s14+s17], s15, s18, s17, $0x38;
	[tilespmem:$0x10000] =	vst v63  }
0x37: {  	p1 =	seq.s32 s12, $0x0  }
0x38: {  	p2 =	sge.u32 @!p1 s12, s7  }
0x39: {  	p1 =	por p1, p2  }
.Ltmp2:
0x3a: {  	_ = 	snop;
	(pc) =	sbr.rel @p1 .LBB2_7-.Ltmp2, $1  }
0x3b: {  	_ =	sdelay $0x3  }
0x3c: {  	p1 =	sgt.s32 s11, $0x2610;
	s14 =	smov.u32 s11;
	s15 =	sshra.s32 s11, $0x1F  }
0x3d: {  	s14 =	simm.s32 @!p1 $0x2610;
	s15 =	sand.u32 s15, s11  }
0x3e: {  	s14 =	ssub.s32 s14, s15  }
0x3f: {  	s14 =	sadd.s32 $0xFFFFD9F0, s14  }
0x40: {  	s31 =	sshll.u32 s14, $0x8  }
0x41: {  	s15 =	ssub.s32 $0x10000, s31  }
0x42: {  	p1 =	sgt.s32 s14, $0xFF;
	s14 =	sshrl.u32 s15, $0x2;
	s15 =	sadd.s32 $0x100, s11  }
0x43: {  	s14 =	simm.s32 @p1 $0x0;
	p1 =	slt.s32 s15, $0x2710  }
0x44: {  	s15 =	simm.s32 @!p1 $0x2710  }
0x45: {  	s20 =	ssub.s32 s15, s11  }
0x46: {  	p1 =	slt.s32 s20, $0x1  }
.Ltmp3:
0x47: {  	_ = 	snop;
	(pc) =	sbr.rel @p1 .LBB2_6-.Ltmp3, $4  }
0x48: {  	_ = 	snop  }
0x49: {  	s16 =	sshll.u32 s12, $0xE;
	_ =	swait.ge [sflag:s4], s14  }
0x4a: {  	s16 =	sand.u32 $0x4000, s16;
	s17 =	ssub.s32 $0x0, s14;
	[sflag:s4] =	ssyncset.done $0x0  }
0x4b: {  	s15 =	sor.u32 $0x8000, s16;
	[sflag:s4] =	ssyncadd.s32 s17  }
0x4c: {  	v0 =	vmov s16;
	_ =	sdelay $0x2  }
0x4d: {  	s31 =	simm.s32 $0x0;
	p1 =	sne.s32 s20, $0x1  }
.Ltmp4:
0x4e: {  	s18 =	sand.u32 $0x3FC0, s31;
	(pc) =	sbr.rel @!p1 .LBB2_5-.Ltmp4, $4  }
0x4f: {  	s17 =	sor.u32 $0x30, s18;
	v1 =	vld.idx.msk [tilespmem:v0+s18+$0x0 ss:$0x1], $0xffff  }
0x50: {  	v3 =	vmov s15;
	s16 =	sor.u32 $0x10, s18;
	v2 =	vld.idx.msk [tilespmem:v0+s17+$0x0 ss:$0x1], $0xffff  }
0x51: {  	s19 =	sor.u32 $0x20, s18;
	v4 =	vld.idx.msk [tilespmem:v0+s16+$0x0 ss:$0x1], $0xffff  }
0x52: {  	s20 =	sadd.s32 $0xFFFFFFFF, s20;
	s21 =	simm.s32 $0x40;
	v5 =	vld.idx.msk [tilespmem:v0+s19+$0x0 ss:$0x1], $0xffff  }
.LBB2_4:
0x53: {  	s22 =	sand.u32 $0x3FC0, s21  }
0x54: {  	p1 =	sne.s32 s20, $0x1;
	s20 =	sadd.s32 $0xFFFFFFFF, s20;
	s23 =	sor.u32 $0x10, s22  }
.Ltmp5:
0x55: {  	s24 =	sor.u32 $0x20, s22;
	s25 =	sor.u32 $0x30, s22;
	[tilespmem:v3+s18+$0x0 ss:$0x1] =	vst.idx.msk $0xffff, v1;
	v1 =	vld.idx.msk [tilespmem:v0+s22+$0x0 ss:$0x1], $0xffff;
	(pc) =	sbr.rel @p1 .LBB2_4-.Ltmp5, $4  }
0x56: {  	s18 =	smov.u32 s22;
	[tilespmem:v3+s17+$0x0 ss:$0x1] =	vst.idx.msk $0xffff, v2;
	v2 =	vld.idx.msk [tilespmem:v0+s25+$0x0 ss:$0x1], $0xffff;
	s17 =	smov.u32 s25  }
0x57: {  	[tilespmem:v3+s16+$0x0 ss:$0x1] =	vst.idx.msk $0xffff, v4;
	v4 =	vld.idx.msk [tilespmem:v0+s23+$0x0 ss:$0x1], $0xffff;
	s16 =	smov.u32 s23  }
0x58: {  	[tilespmem:v3+s19+$0x0 ss:$0x1] =	vst.idx.msk $0xffff, v5;
	v5 =	vld.idx.msk [tilespmem:v0+s24+$0x0 ss:$0x1], $0xffff;
	s19 =	smov.u32 s24  }
0x59: {  	s21 =	sadd.s32 $0x40, s21  }
.Ltmp6:
0x5a: {  	_ = 	snop;
	(pc) =	sbr.rel .LBB2_5-.Ltmp6, $1  }
0x5b: {  	_ =	sdelay $0x3  }
.LBB2_8:
0x5c: {  	_ =	sfence.sel $0x180000  }
0x5d: {  	s2 =	simm.s32 $0x1;
	[bflag:$0x0] =	sbarrier.arrive $0xFFFF  }
0x5e: {  	s31 =	simm.s32 $0x2;
	[sflag:s2] =	ssyncpa.u1 $0x1  }
0x5f: {  	[sflag:s31] =	ssyncpa.u1 $0x1  }
0x60: {  	_ =	strace $0x90000059  }
0x61: {  	s0 =	sadd.s32 @!p0 $0x100000, s0;
	[bflag:$0x2] =	sbarrier.arrive $0xFFFF  }
0x62: {  	[sflag:s0] =	ssyncadd.tile.s32 @!p0 $0x1;
	s0 =	simm.s32 @!p0 $0x3F  }
0x63: {  	_ =	swait.ge @!p0 [sflag:s0], s1  }
0x64: {  	s1 =	ssub.s32 @!p0 $0x0, s1;
	[sflag:s0] =	ssyncset.done @!p0 $0x0  }
0x65: {  	[sflag:s0] =	ssyncadd.s32 @!p0 s1  }
0x66: {  	[bflag:$0x3] =	sbarrier.arrive $0xFFFF  }
0x67: {  	_ =	shalt  }
.Lfunc_end2:
execute1_lowered:
.L_overlay_start_2:
0x68: {  	(tag) =	ssettag $0x2  }
0x69: {  	s2 =	rddreg [dreg:$0x0]  }
0x6a: {  	s6 =	rddreg [dreg:$0x1]  }
0x6b: {  	s4 =	rddreg [dreg:$0x2];
	_ =	strace $0x8000005C;
	s0 =	simm.s32 $0x1  }
0x6c: {  	s3 =	simm.s32 $0x88;
	v0 =	vimm.s32 $0x0;
	[sflag:s0] =	ssyncpa.u1 $0x0  }
0x6d: {  	[tilespmem:s3+$0x30] =	vst v0  }
0x6e: {  	s1 =	sadd.s32 $0x75C00, s2;
	s0 =	sadd.s32 $0x62000, s2;
	[tilespmem:s3+$0x20] =	vst v0  }
0x6f: {  	s2 =	sadd.s32 $0x6BE00, s2;
	s7 =	sand.u32 $0x1, s4;
	s4 =	simm.s32 $0x40;
	[tilespmem:s3+$0x10] =	vst v0  }
.LBB3_1:
0x70: {  	s4 =	sadd.s32 $0x40, s4  }
0x71: {  	[tilespmem:s3+$0x0] =	vst v0;
	s3 =	sadd.s32 $0x40, s3;
	p0 =	slt.u32 s4, $0x5040  }
.Ltmp7:
0x72: {  	(pc) =	sbr.rel @p0 .LBB3_1-.Ltmp7, $4  }
0x73: {  	_ = 	snop  }
0x74: {  	[tilespmem:s3+$0x30] =	vst v0  }
0x75: {  	[tilespmem:s3+$0x20] =	vst v0  }
0x76: {  	[tilespmem:s3+$0x10] =	vst v0  }
0x77: {  	s8 =	stileid.u32  }
0x78: {  	s4 =	smul.u32 $0x1F, s8  }
0x79: {  	s5 =	smin.u32 s8, $0x4  }
0x7a: {  	s4 =	sadd.s32 s5, s4  }
0x7b: {  	p0 =	slt.u32 s8, $0x4;
	s12 =	smul.u32 $0x140, s4;
	s4 =	simm.s32 $0x2800  }
0x7c: {  	s4 =	simm.s32 @!p0 $0x26C0  }
0x7d: {  	s25 =	simm.s32 $0x2;
	s4 =	sadd.s32 s4, s12  }
0x7e: {  	s28 =	simm.s32 $0x9;
	s9 =	simm.s32 $0xA;
	s14 =	smin.u32 s4, $0x27100  }
0x7f: {  	s30 =	simm.s32 $0xB;
	[dreg:$0x5] =	wrdreg s7;
	s4 =	ssub.s32 s14, s12  }
0x80: {  	s31 =	smul.u32 $0x4E20, s7;
	s13 =	simm.s32 $0x1;
	p0 =	sgt.s32 s4, $0x0  }
0x81: {  	s19 =	simm.s32 $0x0;
	s20 =	simm.s32 $0xA808;
	s4 =	simm.s32 @!p0 $0x0  }
0x82: {  	s21 =	simm.s32 $0xFFFFFFFF;
	p1 =	por $0x0, $0x0;
	s26 =	smulhi.u32 $0x66666667, s4  }
0x83: {  	[tilespmem:s3+$0x0] =	vst v0;
	s23 =	simm.s32 $0x0;
	[sflag:s25] =	ssyncpa.u1 $0x0;
	s18 =	sshll.u32 s8, $0x7  }
0x84: {  	s0 =	sadd.s32 s31, s0;
	[dreg:$0xb] =	wrdreg s18;
	s3 =	sshrl.u32 s26, $0x7  }
0x85: {  	v0 =	vimm.s32 $0xFFFFFFFF;
	s17 =	sadd.s32 s31, s2;
	[dreg:$0xa] =	wrdreg s0;
	s29 =	smul.u32 $0x140, s3  }
0x86: {  	s25 =	simm.s32 $0x0;
	[tilespmem:$0xA108] =	vst v0;
	[sflag:s28] =	ssyncpa.u1 $0x0;
	[dreg:$0x9] =	wrdreg s17  }
.Ltmp8:
0x87: {  	p0 =	sne.s32 s4, s29;
	s4 =	simm.s32 $0x1;
	(pc) =	sbr.rel .LBB3_3-.Ltmp8, $4  }
0x88: {  	[sflag:s9] =	ssyncpa.u1 $0x0;
	[dreg:$0x6] =	wrdreg s12;
	s4 =	simm.s32 @!p0 $0x0  }
0x89: {  	[sflag:s30] =	ssyncpa.u1 $0x0;
	[dreg:$0x7] =	wrdreg s14;
	s15 =	sadd.s32 s4, s3  }
0x8a: {  	s24 =	smov.u32 s12;
	s22 =	sadd.s32 $0x1, s15;
	[dreg:$0x8] =	wrdreg s15  }
0x8b: {  	v0 =	vlaneseq.u32;
	s26 =	simm.s32 $0x0;
	p0 =	por $0x1, $0x1;
	[dreg:$0xc] =	wrdreg s22  }
.LBB3_22:
0x8c: {  	s0 =	sshrl.u32 s3, $0x2  }
.LBB3_24:
0x8d: {  	s3 =	simm.s32 $0xC  }
0x8e: {  	_ =	swait.ge [sflag:s3], s0  }
0x8f: {  	s31 =	ssub.s32 $0x0, s0;
	v1 =	vmov s4;
	vm0 =	veq.s32 v0, $0x0;
	[sflag:s3] =	ssyncset.done $0x0  }
0x90: {  	vm15 =	veq.s32 v0, $0x2;
	v1 =	vsel vm0, s2, v1;
	[sflag:s3] =	ssyncadd.s32 s31  }
0x91: {  	v1 =	vsel vm15, s26, v1;
	[sflag:s3] =	ssyncpa.u1 $0x1  }
0x92: {  	[tilespmem:$0xA108] =	vst v1  }
.LBB3_25:
0x93: {  	s0 =	sadd.s32 $0x140, s24  }
0x94: {  	s2 =	smov.u32 s12;
	p2 =	slt.s32 s0, s14  }
0x95: {  	s2 =	smov.u32 @p2 s0;
	p2 =	sne.s32 s25, s22  }
.Ltmp9:
0x96: {  	_ = 	snop;
	(pc) =	sbr.rel @!p2 .LBB3_26-.Ltmp9, $4  }
0x97: {  	_ = 	snop  }
0x98: {  	s26 =	smov.u32 s23;
	s31 =	sadd.s32 $0x1, s25;
	p0 =	por !p0, !p0  }
0x99: {  	s23 =	smov.u32 s24;
	s20 =	sadd.s32 $0x140, s20;
	s21 =	sadd.s32 $0x1, s21  }
0x9a: {  	p1 =	por !p1, !p1;
	s25 =	smov.u32 s31;
	s24 =	smov.u32 s2  }
.LBB3_3:
0x9b: {  	p2 =	sge.u32 s25, s15  }
0x9c: {  	s0 =	smulhi.u32 @!p2 $0xAAAAAAAB, s25  }
0x9d: {  	s2 =	smov.u32 s24;
	p3 =	sgt.s32 @!p2 s24, $0x26FC0  }
0x9e: {  	s3 =	sshra.s32 @!p2 s24, $0x1F;
	p3 =	por !p3, p2;
	s0 =	sshrl.u32 @!p2 s0, $0x1  }
0x9f: {  	s3 =	sand.u32 @!p2 s3, s24;
	s2 =	simm.s32 @p3 $0x26FC0;
	s0 =	smul.u32 @!p2 $0x3, s0  }
0xa0: {  	s2 =	ssub.s32 @!p2 s2, s3  }
0xa1: {  	s2 =	sadd.s32 @!p2 $0xFFFD9040, s2;
	s0 =	ssub.s32 @!p2 s25, s0  }
0xa2: {  	s3 =	sshll.u32 @!p2 s2, $0x2;
	p3 =	sgt.s32 @!p2 s2, $0x13F;
	s0 =	smul.u32 @!p2 $0x500, s0  }
0xa3: {  	s4 =	sand.u32 @!p2 $0x7, s24;
	s2 =	ssub.s32 @!p2 $0x500, s3;
	p3 =	por !p3, p2  }
0xa4: {  	s3 =	sshrl.u32 @!p2 s24, $0x3;
	s2 =	sshrl.u32 @!p2 s2, $0x2;
	s0 =	sshrl.u32 @!p2 s0, $0x2  }
0xa5: {  	s3 =	sadd.s32 @!p2 s3, s17;
	s2 =	simm.s32 @!p3 $0x0;
	s0 =	sadd.s32 @!p2 $0xA948, s0  }
0xa6: {  	[tilespmem:s0], [sflag:$0xA] =	stream.linear.gather @!p2 [hbm4b:s3+s4], s2, $0x38;
	[tilespmem:$0x1EF88] =	vst v63  }
0xa7: {  	s0 =	sadd.s32 $0xFFFFFFFF, s25  }
0xa8: {  	p2 =	sge.u32 s0, s15  }
.Ltmp10:
0xa9: {  	_ = 	snop;
	(pc) =	sbr.rel @p2 .LBB3_7-.Ltmp10, $1  }
0xaa: {  	_ =	sdelay $0x3  }
0xab: {  	p2 =	sgt.s32 s23, $0x26FC0;
	s2 =	smov.u32 s23;
	s3 =	sshra.s32 s23, $0x1F  }
0xac: {  	s2 =	simm.s32 @!p2 $0x26FC0;
	s3 =	sand.u32 s3, s23  }
0xad: {  	s17 =	smulhi.u32 $0xAAAAAAAB, s21;
	s2 =	ssub.s32 s2, s3  }
0xae: {  	s0 =	sand.u32 $0x1, s0;
	s2 =	sadd.s32 $0xFFFD9040, s2  }
0xaf: {  	s5 =	simm.s32 $0xA;
	s3 =	sshrl.u32 s17, $0x1;
	s4 =	sshll.u32 s2, $0x2  }
0xb0: {  	s7 =	sshrl.u32 s23, $0x3;
	s3 =	smul.u32 $0xFFFFF100, s3;
	s4 =	ssub.s32 $0x500, s4  }
0xb1: {  	s18 =	smul.u32 $0x500, s0;
	p2 =	sgt.s32 s2, $0x13F;
	s2 =	sshrl.u32 s4, $0x2  }
0xb2: {  	s9 =	sand.u32 $0x7, s23;
	s3 =	sshra.s32 s3, $0x2;
	s2 =	simm.s32 @p2 $0x0  }
0xb3: {  	s0 =	sadd.s32 s3, s20;
	s4 =	sshrl.u32 s18, $0x2;
	_ =	swait.ge [sflag:s5], s2  }
0xb4: {  	s22 =	ssub.s32 $0x0, s2;
	[sflag:s5] =	ssyncset.done $0x0;
	s8 =	rddreg [dreg:$0xa]  }
0xb5: {  	s4 =	sadd.s32 $0xAD08, s4;
	[sflag:s5] =	ssyncadd.s32 s22;
	s3 =	sadd.s32 s7, s8  }
0xb6: {  	[tilespmem:s4], [sflag:$0xB] =	stream.linear.gather [hbm4b:s3+s9], s2, $0x38;
	[tilespmem:$0x1EF88] =	vst v63  }
0xb7: {  	v1 =	vld.msk [tilespmem:s0+$0x0], $0xffff;
	_ =	sdelay $0x4  }
0xb8: {  	v1 =	vshll.u32 v1, $0x4  }
0xb9: {  	(v2sf) =	vpush v1, $0x0  }
0xba: {  	(v2sf) =	vpush v1, $0x1  }
0xbb: {  	(v2sf) =	vpush v1, $0x2;
	_ =	sdelay $0x3  }
0xbc: {  	(v2sf) =	vpush v1, $0x3;
	_ =	sdelay $0x1  }
0xbd: {  	(v2sf) =	vpush v1, $0x4  }
0xbe: {  	s2 =	simm.s32 $0x1;
	(v2sf) =	vpush v1, $0x5  }
0xbf: {  	s2 =	simm.s32 @!p0 $0x0  }
0xc0: {  	s2 =	smul.u32 $0x28000, s2;
	(v2sf) =	vpush v1, $0x6;
	_ =	sdelay $0x1  }
0xc1: {  	s2 =	sshrl.u32 s2, $0x2  }
0xc2: {  	s28 =	sadd.s32 $0xB708, s2  }
0xc3: {  	s12 =	sadd.s32 $0xFFFFF880, s28;
	s17 =	sadd.s32 $0xFFFFF900, s28;
	s10 =	spop (v2sf);
	(v2sf) =	vpush v1, $0x7  }
0xc4: {  	s18 =	sadd.s32 $0xFFFFF980, s28;
	s11 =	sand.u32 $0x1FFFFFF0, s10;
	s14 =	spop (v2sf)  }
0xc5: {  	(v2sf) =	vpush v1, $0x8;
	s2 =	sadd.s32 s6, s11;
	s15 =	sand.u32 $0x1FFFFFF0, s14;
	s16 =	spop (v2sf)  }
0xc6: {  	[tilespmem:s12], [sflag:$0x9] =	stream.linear.gather [hbm4b:s2+s19], $0x40, $0x38;
	[tilespmem:$0x1EF88] =	vst v63  }
0xc7: {  	s5 =	sadd.s32 $0xFFFFFA00, s28;
	s2 =	sadd.s32 s6, s15;
	s3 =	sand.u32 $0x1FFFFFF0, s16  }
0xc8: {  	(v2sf) =	vpush v1, $0x9;
	[tilespmem:s17], [sflag:$0x9] =	stream.linear.gather [hbm4b:s2+s19], $0x40, $0x38;
	[tilespmem:$0x1EF88] =	vst v63  }
0xc9: {  	s7 =	sadd.s32 $0xFFFFFA80, s28;
	s22 =	spop (v2sf);
	s3 =	sadd.s32 s6, s3  }
0xca: {  	(v2sf) =	vpush v1, $0xA;
	[tilespmem:s18], [sflag:$0x9] =	stream.linear.gather [hbm4b:s3+s19], $0x40, $0x38;
	[tilespmem:$0x1EF88] =	vst v63  }
0xcb: {  	s11 =	sadd.s32 $0xFFFFFB00, s28;
	s4 =	spop (v2sf);
	(v2sf) =	vpush v1, $0xB;
	s3 =	sand.u32 $0x1FFFFFF0, s22  }
0xcc: {  	s8 =	spop (v2sf);
	s2 =	sadd.s32 s6, s3;
	s3 =	sand.u32 $0x1FFFFFF0, s4  }
0xcd: {  	(v2sf) =	vpush v1, $0xC;
	[tilespmem:s5], [sflag:$0x9] =	stream.linear.gather [hbm4b:s2+s19], $0x40, $0x38;
	[tilespmem:$0x1EF88] =	vst v63  }
0xce: {  	s9 =	sand.u32 $0x1FFFFFF0, s8;
	s10 =	spop (v2sf);
	s3 =	sadd.s32 s6, s3  }
0xcf: {  	(v2sf) =	vpush v1, $0xD;
	[tilespmem:s7], [sflag:$0x9] =	stream.linear.gather [hbm4b:s3+s19], $0x40, $0x38;
	[tilespmem:$0x1EF88] =	vst v63  }
0xd0: {  	s12 =	sadd.s32 $0xFFFFFB80, s28;
	s2 =	sadd.s32 s6, s9;
	s3 =	sand.u32 $0x1FFFFFF0, s10  }
0xd1: {  	[tilespmem:s11], [sflag:$0x9] =	stream.linear.gather [hbm4b:s2+s19], $0x40, $0x38;
	[tilespmem:$0x1EF88] =	vst v63  }
0xd2: {  	s17 =	sadd.s32 $0xFFFFFC00, s28;
	s3 =	sadd.s32 s6, s3;
	s14 =	spop (v2sf)  }
0xd3: {  	[tilespmem:s12], [sflag:$0x9] =	stream.linear.gather [hbm4b:s3+s19], $0x40, $0x38;
	(v2sf) =	vpush v1, $0xE;
	[tilespmem:$0x1EF88] =	vst v63  }
0xd4: {  	s18 =	sadd.s32 $0xFFFFFC80, s28;
	s15 =	sand.u32 $0x1FFFFFF0, s14;
	s16 =	spop (v2sf)  }
0xd5: {  	s5 =	sadd.s32 $0xFFFFFD00, s28;
	(v2sf) =	vpush v1, $0xF;
	s2 =	sadd.s32 s6, s15;
	s3 =	sand.u32 $0x1FFFFFF0, s16  }
0xd6: {  	[tilespmem:s17], [sflag:$0x9] =	stream.linear.gather [hbm4b:s2+s19], $0x40, $0x38;
	[tilespmem:$0x1EF88] =	vst v63  }
0xd7: {  	s7 =	sadd.s32 $0xFFFFFD80, s28;
	s22 =	spop (v2sf);
	s3 =	sadd.s32 s6, s3  }
0xd8: {  	[tilespmem:s18], [sflag:$0x9] =	stream.linear.gather [hbm4b:s3+s19], $0x40, $0x38;
	[tilespmem:$0x1EF88] =	vst v63  }
0xd9: {  	s11 =	sadd.s32 $0xFFFFFE00, s28;
	s4 =	spop (v2sf);
	s3 =	sand.u32 $0x1FFFFFF0, s22  }
0xda: {  	s8 =	spop (v2sf);
	s2 =	sadd.s32 s6, s3;
	s3 =	sand.u32 $0x1FFFFFF0, s4  }
0xdb: {  	[tilespmem:s5], [sflag:$0x9] =	stream.linear.gather [hbm4b:s2+s19], $0x40, $0x38;
	[tilespmem:$0x1EF88] =	vst v63  }
0xdc: {  	s9 =	sand.u32 $0x1FFFFFF0, s8;
	s10 =	spop (v2sf);
	s3 =	sadd.s32 s6, s3  }
0xdd: {  	[tilespmem:s7], [sflag:$0x9] =	stream.linear.gather [hbm4b:s3+s19], $0x40, $0x38;
	[tilespmem:$0x1EF88] =	vst v63  }
0xde: {  	s14 =	spop (v2sf);
	s2 =	sadd.s32 s6, s9;
	s3 =	sand.u32 $0x1FFFFFF0, s10  }
0xdf: {  	[tilespmem:s11], [sflag:$0x9] =	stream.linear.gather [hbm4b:s2+s19], $0x40, $0x38;
	[tilespmem:$0x1EF88] =	vst v63  }
0xe0: {  	s12 =	sadd.s32 $0xFFFFFE80, s28;
	s15 =	sand.u32 $0x1FFFFFF0, s14;
	s3 =	sadd.s32 s6, s3  }
0xe1: {  	[tilespmem:s12], [sflag:$0x9] =	stream.linear.gather [hbm4b:s3+s19], $0x40, $0x38;
	[tilespmem:$0x1EF88] =	vst v63  }
0xe2: {  	s17 =	sadd.s32 $0xFFFFFF00, s28;
	s2 =	sadd.s32 s6, s15;
	s16 =	spop (v2sf)  }
0xe3: {  	[tilespmem:s17], [sflag:$0x9] =	stream.linear.gather [hbm4b:s2+s19], $0x40, $0x38;
	[tilespmem:$0x1EF88] =	vst v63  }
0xe4: {  	s29 =	simm.s32 $0x0;
	s3 =	sand.u32 $0x1FFFFFF0, s16;
	s18 =	spop (v2sf)  }
0xe5: {  	s22 =	sadd.s32 $0xFFFFFF80, s28;
	s3 =	sadd.s32 s6, s3;
	s2 =	sand.u32 $0x1FFFFFF0, s18  }
0xe6: {  	[tilespmem:s22], [sflag:$0x9] =	stream.linear.gather [hbm4b:s3+s19], $0x40, $0x38;
	[tilespmem:$0x1EF88] =	vst v63  }
0xe7: {  	s31 =	sadd.s32 $0x10, s0;
	s30 =	sadd.s32 $0x800, s28;
	s2 =	sadd.s32 s6, s2  }
.LBB3_5:
0xe8: {  	[tilespmem:s28], [sflag:$0x9] =	stream.linear.gather [hbm4b:s2+s19], $0x40, $0x38;
	[tilespmem:$0x1EF88] =	vst v63  }
0xe9: {  	s29 =	sadd.s32 $0x10, s29;
	s28 =	smov.u32 s30  }
0xea: {  	p2 =	slt.u32 s29, $0x130;
	v1 =	vld.msk [tilespmem:s31+$0x0], $0xffff;
	_ =	sdelay $0x4  }
0xeb: {  	v1 =	vshll.u32 v1, $0x4  }
0xec: {  	(v2sf) =	vpush v1, $0x0  }
0xed: {  	(v2sf) =	vpush v1, $0x1  }
0xee: {  	(v2sf) =	vpush v1, $0x2;
	_ =	sdelay $0x1  }
0xef: {  	(v2sf) =	vpush v1, $0x3;
	_ =	sdelay $0x1  }
0xf0: {  	(v2sf) =	vpush v1, $0x4;
	_ =	sdelay $0x1  }
0xf1: {  	(v2sf) =	vpush v1, $0x5;
	_ =	sdelay $0x1  }
0xf2: {  	(v2sf) =	vpush v1, $0x6  }
0xf3: {  	s4 =	sadd.s32 $0xFFFFFE80, s30;
	s0 =	sadd.s32 $0xFFFFFF00, s30  }
0xf4: {  	s3 =	sadd.s32 $0xFFFFFD00, s30;
	s2 =	sadd.s32 $0xFFFFFD80, s30;
	s5 =	sadd.s32 $0xFFFFFE00, s30;
	(v2sf) =	vpush v1, $0x7  }
0xf5: {  	s10 =	sadd.s32 $0xFFFFFB80, s30;
	s9 =	sadd.s32 $0xFFFFFC00, s30;
	s16 =	sadd.s32 $0xFFFFFC80, s30  }
0xf6: {  	s11 =	sadd.s32 $0xFFFFFA00, s30;
	s12 =	sadd.s32 $0xFFFFFA80, s30;
	s15 =	sadd.s32 $0xFFFFFB00, s30;
	(v2sf) =	vpush v1, $0x8  }
0xf7: {  	s18 =	sadd.s32 $0xFFFFF900, s30;
	s7 =	sadd.s32 $0xFFFFF980, s30;
	s22 =	spop (v2sf)  }
0xf8: {  	s8 =	sadd.s32 $0xFFFFF880, s30;
	s22 =	sand.u32 $0x1FFFFFF0, s22;
	s14 =	spop (v2sf);
	(v2sf) =	vpush v1, $0x9  }
0xf9: {  	s22 =	sadd.s32 s6, s22;
	s14 =	sand.u32 $0x1FFFFFF0, s14;
	s17 =	spop (v2sf)  }
0xfa: {  	[tilespmem:s8], [sflag:$0x9] =	stream.linear.gather [hbm4b:s22+s19], $0x40, $0x38;
	(v2sf) =	vpush v1, $0xA;
	[tilespmem:$0x1EF88] =	vst v63  }
0xfb: {  	s8 =	sadd.s32 s6, s14;
	s14 =	sand.u32 $0x1FFFFFF0, s17;
	s17 =	spop (v2sf)  }
0xfc: {  	[tilespmem:s18], [sflag:$0x9] =	stream.linear.gather [hbm4b:s8+s19], $0x40, $0x38;
	(v2sf) =	vpush v1, $0xB;
	[tilespmem:$0x1EF88] =	vst v63  }
0xfd: {  	s8 =	sadd.s32 s6, s14;
	s14 =	sand.u32 $0x1FFFFFF0, s17;
	s17 =	spop (v2sf)  }
0xfe: {  	[tilespmem:s7], [sflag:$0x9] =	stream.linear.gather [hbm4b:s8+s19], $0x40, $0x38;
	(v2sf) =	vpush v1, $0xC;
	[tilespmem:$0x1EF88] =	vst v63  }
0xff: {  	s7 =	sadd.s32 s6, s14;
	s8 =	sand.u32 $0x1FFFFFF0, s17;
	s14 =	spop (v2sf)  }
0x100: {  	[tilespmem:s11], [sflag:$0x9] =	stream.linear.gather [hbm4b:s7+s19], $0x40, $0x38;
	(v2sf) =	vpush v1, $0xD;
	[tilespmem:$0x1EF88] =	vst v63  }
0x101: {  	s7 =	sadd.s32 s6, s8;
	s8 =	sand.u32 $0x1FFFFFF0, s14;
	s11 =	spop (v2sf)  }
0x102: {  	[tilespmem:s12], [sflag:$0x9] =	stream.linear.gather [hbm4b:s7+s19], $0x40, $0x38;
	(v2sf) =	vpush v1, $0xE;
	[tilespmem:$0x1EF88] =	vst v63  }
0x103: {  	s7 =	sadd.s32 s6, s8;
	s8 =	sand.u32 $0x1FFFFFF0, s11;
	s11 =	spop (v2sf)  }
0x104: {  	[tilespmem:s15], [sflag:$0x9] =	stream.linear.gather [hbm4b:s7+s19], $0x40, $0x38;
	(v2sf) =	vpush v1, $0xF;
	[tilespmem:$0x1EF88] =	vst v63  }
0x105: {  	s7 =	sadd.s32 s6, s8;
	s8 =	sand.u32 $0x1FFFFFF0, s11;
	s11 =	spop (v2sf)  }
0x106: {  	[tilespmem:s10], [sflag:$0x9] =	stream.linear.gather [hbm4b:s7+s19], $0x40, $0x38;
	[tilespmem:$0x1EF88] =	vst v63  }
0x107: {  	s7 =	sadd.s32 s6, s8;
	s8 =	sand.u32 $0x1FFFFFF0, s11;
	s10 =	spop (v2sf)  }
0x108: {  	[tilespmem:s9], [sflag:$0x9] =	stream.linear.gather [hbm4b:s7+s19], $0x40, $0x38;
	[tilespmem:$0x1EF88] =	vst v63  }
0x109: {  	s7 =	sadd.s32 s6, s8;
	s8 =	sand.u32 $0x1FFFFFF0, s10;
	s9 =	spop (v2sf)  }
0x10a: {  	[tilespmem:s16], [sflag:$0x9] =	stream.linear.gather [hbm4b:s7+s19], $0x40, $0x38;
	[tilespmem:$0x1EF88] =	vst v63  }
0x10b: {  	s7 =	sadd.s32 s6, s8;
	s8 =	sand.u32 $0x1FFFFFF0, s9;
	s9 =	spop (v2sf)  }
0x10c: {  	[tilespmem:s3], [sflag:$0x9] =	stream.linear.gather [hbm4b:s7+s19], $0x40, $0x38;
	[tilespmem:$0x1EF88] =	vst v63  }
0x10d: {  	s3 =	sadd.s32 s6, s8;
	s7 =	sand.u32 $0x1FFFFFF0, s9;
	s8 =	spop (v2sf)  }
0x10e: {  	[tilespmem:s2], [sflag:$0x9] =	stream.linear.gather [hbm4b:s3+s19], $0x40, $0x38;
	[tilespmem:$0x1EF88] =	vst v63  }
0x10f: {  	s2 =	sadd.s32 s6, s7;
	s3 =	sand.u32 $0x1FFFFFF0, s8;
	s7 =	spop (v2sf)  }
0x110: {  	[tilespmem:s5], [sflag:$0x9] =	stream.linear.gather [hbm4b:s2+s19], $0x40, $0x38;
	[tilespmem:$0x1EF88] =	vst v63  }
0x111: {  	s2 =	sadd.s32 s6, s3;
	s3 =	sand.u32 $0x1FFFFFF0, s7;
	s5 =	spop (v2sf)  }
0x112: {  	[tilespmem:s4], [sflag:$0x9] =	stream.linear.gather [hbm4b:s2+s19], $0x40, $0x38;
	[tilespmem:$0x1EF88] =	vst v63  }
0x113: {  	s2 =	sadd.s32 s6, s3  }
.Ltmp11:
0x114: {  	s3 =	sand.u32 $0x1FFFFFF0, s5;
	s4 =	spop (v2sf);
	(pc) =	sbr.rel @p2 .LBB3_5-.Ltmp11, $4  }
0x115: {  	[tilespmem:s0], [sflag:$0x9] =	stream.linear.gather [hbm4b:s2+s19], $0x40, $0x38;
	[tilespmem:$0x1EF88] =	vst v63  }
0x116: {  	s0 =	sadd.s32 s6, s3;
	s2 =	sadd.s32 $0xFFFFFF80, s30;
	s3 =	sand.u32 $0x1FFFFFF0, s4  }
0x117: {  	[tilespmem:s2], [sflag:$0x9] =	stream.linear.gather [hbm4b:s0+s19], $0x40, $0x38;
	[tilespmem:$0x1EF88] =	vst v63  }
0x118: {  	s31 =	sadd.s32 $0x10, s31;
	s30 =	sadd.s32 $0x800, s30;
	s2 =	sadd.s32 s6, s3  }
0x119: {  	[tilespmem:s28], [sflag:$0x9] =	stream.linear.gather [hbm4b:s2+s19], $0x40, $0x38;
	[tilespmem:$0x1EF88] =	vst v63  }
0x11a: {  	s12 =	rddreg [dreg:$0x6]  }
0x11b: {  	s14 =	rddreg [dreg:$0x7]  }
0x11c: {  	s15 =	rddreg [dreg:$0x8]  }
0x11d: {  	s17 =	rddreg [dreg:$0x9]  }
0x11e: {  	s18 =	rddreg [dreg:$0xb]  }
0x11f: {  	s22 =	rddreg [dreg:$0xc]  }
.LBB3_7:
0x120: {  	p2 =	slt.u32 s25, $0x2  }
.Ltmp12:
0x121: {  	_ = 	snop;
	(pc) =	sbr.rel @p2 .LBB3_25-.Ltmp12, $1  }
0x122: {  	_ =	sdelay $0x3  }
0x123: {  	p2 =	sgt.s32 s26, $0x26FC0;
	s0 =	smov.u32 s26;
	s2 =	sshra.s32 s26, $0x1F  }
0x124: {  	s0 =	simm.s32 @!p2 $0x26FC0;
	s2 =	sand.u32 s2, s26  }
0x125: {  	s0 =	ssub.s32 s0, s2  }
0x126: {  	s0 =	sadd.s32 $0xFFFD9040, s0  }
0x127: {  	s3 =	simm.s32 $0x9;
	s29 =	sshll.u32 s0, $0x2  }
0x128: {  	_ =	swait.ge [sflag:s3], $0x5000;
	s2 =	ssub.s32 $0x500, s29  }
0x129: {  	[sflag:s3] =	ssyncset.done $0x0;
	p2 =	sgt.s32 s0, $0x13F;
	s0 =	sshrl.u32 s2, $0x2  }
0x12a: {  	s30 =	simm.s32 $0xB;
	[sflag:s3] =	ssyncadd.s32 $0xFFFFB000;
	s0 =	simm.s32 @p2 $0x0  }
0x12b: {  	_ =	swait.ge [sflag:s30], s0  }
0x12c: {  	s0 =	ssub.s32 $0x0, s0;
	[sflag:s30] =	ssyncset.done $0x0  }
0x12d: {  	[sflag:s30] =	ssyncadd.s32 s0  }
0x12e: {  	v1 =	vld [tilespmem:$0xA108];
	_ =	sdelay $0x4  }
0x12f: {  	(v2sf) =	vpush v1, $0x0  }
0x130: {  	(v2sf) =	vpush v1, $0x1  }
0x131: {  	(v2sf) =	vpush v1, $0x2;
	_ =	sdelay $0x3  }
0x132: {  	s0 =	sadd.s32 $0x140, s26  }
0x133: {  	s4 =	ssub.s32 $0x4E200, s26;
	p2 =	slt.s32 s14, s0  }
0x134: {  	s0 =	smov.u32 @p2 s14;
	p2 =	sgt.s32 s4, $0x0  }
0x135: {  	s0 =	ssub.s32 s0, s26;
	s4 =	simm.s32 @!p2 $0x0  }
0x136: {  	p2 =	slt.s32 s4, s0  }
0x137: {  	s0 =	smov.u32 @p2 s4  }
0x138: {  	s2 =	simm.s32 $0x1;
	p2 =	slt.s32 s0, $0x1  }
.Ltmp13:
0x139: {  	s2 =	simm.s32 @!p1 $0x0;
	(pc) =	sbr.rel @p2 .LBB3_12-.Ltmp13, $4  }
0x13a: {  	s7 =	smul.u32 $0x500, s2  }
0x13b: {  	s3 =	spop (v2sf)  }
0x13c: {  	s31 =	sshrl.u32 s7, $0x2;
	s5 =	spop (v2sf)  }
0x13d: {  	s28 =	sadd.s32 $0xAD08, s31;
	s26 =	spop (v2sf)  }
0x13e: {  	s4 =	smin.u32 s0, $0x10  }
0x13f: {  	v1 =	vmov s4  }
0x140: {  	p3 =	sgt.s32 s0, $0x10;
	vm1 =	vgt.u32 v1, v0  }
.Ltmp14:
0x141: {  	_ = 	snop;
	(pc) =	sbr.rel @!p3 .LBB3_11-.Ltmp14, $2  }
0x142: {  	_ =	sdelay $0x2  }
0x143: {  	s9 =	simm.s32 $0x10;
	s10 =	sadd.s32 $0xFFFFFFF0, s0;
	s4 =	smov.u32 s28;
	vm0 =	vmmov vm1  }
.LBB3_10:
0x144: {  	s7 =	smin.u32 s10, $0x10;
	s9 =	sadd.s32 $0x10, s9;
	v1 =	vld.msk [tilespmem:s4+$0x0 ss:$0x1], vm1  }
0x145: {  	v2 =	vmov s7;
	p3 =	slt.s32 s9, s0  }
0x146: {  	vm1 =	vgt.u32 v2, v0  }
.Ltmp15:
0x147: {  	(pc) =	sbr.rel @p3 .LBB3_10-.Ltmp15, $3  }
0x148: {  	_ =	sdelay $0x1  }
0x149: {  	v1 =	vshll.u32 v1, $0x4  }
0x14a: {  	s10 =	sadd.s32 $0xFFFFFFF0, s10;
	[tilespmem:s4+$0x0] =	vst.msk vm0, v1;
	s4 =	sadd.s32 $0x10, s4;
	vm0 =	vmmov vm1  }
.LBB3_11:
0x14b: {  	_ =	sdelay $0x4  }
0x14c: {  	v1 =	vld.msk [tilespmem:s4+$0x0 ss:$0x1], vm1;
	_ =	sdelay $0x4  }
0x14d: {  	v1 =	vshll.u32 v1, $0x4  }
0x14e: {  	[tilespmem:s4+$0x0] =	vst.msk vm0, v1  }
.LBB3_12:
0x14f: {  	s4 =	sand.u32 $0x1, s25  }
0x150: {  	s4 =	smul.u32 $0x140, s4  }
0x151: {  	p3 =	sne.s32 s5, $0xFFFFFFFF  }
0x152: {  	v1 =	vld.msk @!p3 [tilespmem:s4+$0xAD08], $0x1;
	_ =	sdelay $0x4  }
0x153: {  	(v2sf) =	vpush @!p3 v1, $0x0;
	_ =	sdelay $0xc  }
.Ltmp16:
0x154: {  	_ = 	snop;
	(pc) =	sbr.rel @p2 .LBB3_23-.Ltmp16, $4  }
0x155: {  	_ = 	snop  }
0x156: {  	s29 =	spop @!p3 (v2sf)  }
0x157: {  	s31 =	simm.s32 $0xC;
	s26 =	simm.s32 @!p3 $0x0;
	s4 =	smov.u32 s29  }
0x158: {  	[sflag:s31] =	ssyncpa.u1 $0x0;
	s29 =	smov.u32 @p3 s3;
	s4 =	smov.u32 @p3 s5  }
0x159: {  	v1 =	vld.msk [tilespmem:s28+$0x0], $0x1;
	_ =	sdelay $0x4  }
0x15a: {  	(v2sf) =	vpush v1, $0x0;
	_ =	sdelay $0xe  }
0x15b: {  	s2 =	smul.u32 $0x28000, s2;
	s5 =	spop (v2sf)  }
0x15c: {  	s31 =	ssub.s32 $0x0, s0;
	p2 =	seq.s32 s29, s5  }
0x15d: {  	s3 =	smov.u32 s29;
	s2 =	sshrl.u32 s2, $0x2;
	p3 =	sgt.s32 @!p2 s29, $0x0  }
0x15e: {  	s30 =	sadd.s32 $0xAFA8, s2;
	s2 =	sadd.s32 $0x1, s31;
	p3 =	por !p3, p2  }
0x15f: {  	s3 =	simm.s32 @p3 $0x0;
	p3 =	seq.s32 s2, $0x0  }
.Ltmp17:
0x160: {  	_ = 	snop;
	(pc) =	sbr.rel @p3 .LBB3_15-.Ltmp17, $4  }
0x161: {  	_ = 	snop  }
0x162: {  	s0 =	simm.s32 $0x0;
	s9 =	simm.s32 @!p2 $0x1;
	s3 =	smin.u32 @!p2 s3, $0x270F8  }
0x163: {  	s10 =	simm.s32 @!p2 $0x50C8;
	s9 =	smov.u32 @p2 s0;
	s7 =	sand.u32 @!p2 $0x3FFF8, s3  }
0x164: {  	s16 =	sand.u32 @!p2 $0x7, s3;
	s3 =	sadd.s32 $0x1, s28;
	s11 =	sadd.s32 @!p2 s1, s7  }
.LBB3_14:
0x165: {  	s7 =	smov.u32 s9  }
0x166: {  	[tilespmem:s10], [sflag:$0x2] =	stream.linear.gather @!p2 [hbm4b:s11+s16], $0x40, $0x38;
	[tilespmem:$0x1EF88] =	vst v63  }
0x167: {  	s2 =	sadd.s32 $0x1, s2;
	s8 =	smov.u32 s5;
	v1 =	vld.msk [tilespmem:s3+$0x0], $0x1  }
0x168: {  	p3 =	seq.s32 s2, $0x0;
	_ =	sdelay $0x3  }
0x169: {  	(v2sf) =	vpush v1, $0x0;
	_ =	sdelay $0xe  }
0x16a: {  	s5 =	spop (v2sf)  }
0x16b: {  	p2 =	seq.s32 s8, s5  }
0x16c: {  	p4 =	sgt.s32 @!p2 s8, $0x0;
	s10 =	sshll.u32 @!p2 s9, $0x8;
	s9 =	sadd.s32 @!p2 $0x1, s9  }
.Ltmp18:
0x16d: {  	p4 =	por !p4, p2;
	s10 =	sshra.s32 @!p2 s10, $0x2;
	(pc) =	sbr.rel @!p3 .LBB3_14-.Ltmp18, $4  }
0x16e: {  	s9 =	smov.u32 @p2 s7;
	s8 =	simm.s32 @p4 $0x0;
	s10 =	sadd.s32 @!p2 $0x50C8, s10  }
0x16f: {  	s7 =	smin.u32 @!p2 s8, $0x270F8  }
0x170: {  	s8 =	sand.u32 @!p2 $0x3FFF8, s7;
	s16 =	sand.u32 @!p2 $0x7, s7  }
0x171: {  	s3 =	sadd.s32 $0x1, s3;
	s11 =	sadd.s32 @!p2 s1, s8  }
.LBB3_15:
0x172: {  	[tilespmem:s10], [sflag:$0x2] =	stream.linear.gather @!p2 [hbm4b:s11+s16], $0x40, $0x38;
	[tilespmem:$0x1EF88] =	vst v63  }
.Ltmp19:
0x173: {  	s2 =	sshll.u32 s9, $0x6;
	(pc) =	sbr.rel .LBB3_16-.Ltmp19, $4  }
0x174: {  	s3 =	simm.s32 $0x2;
	s2 =	sand.u32 $0x3FFFFFC0, s2  }
0x175: {  	_ =	swait.ge [sflag:s3], s2  }
0x176: {  	s2 =	ssub.s32 $0x0, s2;
	[sflag:s3] =	ssyncset.done $0x0  }
0x177: {  	[sflag:s3] =	ssyncadd.s32 s2;
	s3 =	simm.s32 $0x0  }
.LBB3_17:
0x178: {  	v1 =	vld [tilespmem:s30+$0xFFFFFFE0];
	_ =	sdelay $0x4  }
0x179: {  	[tilespmem:s5+$0x88] =	vst.add.f32.msk $0xffff, v1  }
0x17a: {  	v1 =	vld [tilespmem:s30+$0xFFFFFFF0];
	_ =	sdelay $0x4  }
0x17b: {  	[tilespmem:s5+$0x98] =	vst.add.f32.msk $0xffff, v1  }
0x17c: {  	v1 =	vld [tilespmem:s30+$0x0];
	_ =	sdelay $0x4  }
0x17d: {  	[tilespmem:s5+$0xA8] =	vst.add.f32.msk $0xffff, v1  }
0x17e: {  	v1 =	vld [tilespmem:s30+$0x10];
	_ =	sdelay $0x4  }
0x17f: {  	[tilespmem:s5+$0xB8] =	vst.add.f32.msk $0xffff, v1  }
.LBB3_21:
0x180: {  	s31 =	sadd.s32 $0x1, s31  }
0x181: {  	p2 =	seq.s32 s31, $0x0  }
.Ltmp20:
0x182: {  	_ = 	snop;
	(pc) =	sbr.rel @p2 .LBB3_22-.Ltmp20, $2  }
0x183: {  	_ =	sdelay $0x2  }
0x184: {  	s30 =	sadd.s32 $0x80, s30;
	s28 =	sadd.s32 $0x1, s28;
	s29 =	smov.u32 s2  }
.LBB3_16:
0x185: {  	v1 =	vld.msk [tilespmem:s28+$0x0], $0x1;
	_ =	sdelay $0x4  }
0x186: {  	(v2sf) =	vpush v1, $0x0;
	_ =	sdelay $0xe  }
0x187: {  	s2 =	spop (v2sf)  }
0x188: {  	p2 =	sne.s32 s29, s2  }
.Ltmp21:
0x189: {  	_ = 	snop;
	(pc) =	sbr.rel @!p2 .LBB3_17-.Ltmp21, $3  }
0x18a: {  	_ =	sdelay $0x1  }
0x18b: {  	s5 =	sshll.u32 s26, $0x8  }
0x18c: {  	s5 =	sshra.s32 s5, $0x2  }
0x18d: {  	p2 =	seq.s32 s29, s4  }
.Ltmp22:
0x18e: {  	_ = 	snop;
	(pc) =	sbr.rel @!p2 .LBB3_19-.Ltmp22, $1  }
0x18f: {  	_ =	sdelay $0x3  }
.Ltmp23:
0x190: {  	s5 =	sadd.s32 $0x88, s5;
	(pc) =	sbr.rel .LBB3_20-.Ltmp23, $4  }
0x191: {  	[spmem:s18] =	stream.linear.scatter [tilespmem:s5], [sflag:$0x1], $0x40, $0x38;
	[tilespmem:$0x1EF88] =	vst v63  }
0x192: {  	_ =	swait.ge [sflag:s13], $0x40  }
0x193: {  	[sflag:s13] =	ssyncset.done $0x0  }
0x194: {  	[sflag:s13] =	ssyncadd.s32 $0xFFFFFFC0  }
.LBB3_19:
0x195: {  	s7 =	sshll.u32 s0, $0x8  }
0x196: {  	s7 =	sshra.s32 s7, $0x2  }
0x197: {  	v1 =	vld [tilespmem:s7+$0x50C8];
	_ =	sdelay $0x4  }
0x198: {  	[tilespmem:s5+$0x88] =	vst.add.f32.msk $0xffff, v1  }
0x199: {  	v1 =	vld [tilespmem:s7+$0x50D8];
	_ =	sdelay $0x4  }
0x19a: {  	[tilespmem:s5+$0x98] =	vst.add.f32.msk $0xffff, v1  }
0x19b: {  	v1 =	vld [tilespmem:s7+$0x50E8];
	_ =	sdelay $0x4  }
0x19c: {  	[tilespmem:s5+$0xA8] =	vst.add.f32.msk $0xffff, v1  }
0x19d: {  	v1 =	vld [tilespmem:s7+$0x50F8];
	_ =	sdelay $0x2  }
0x19e: {  	p2 =	sgt.u32 s29, $0x270F8  }
0x19f: {  	s7 =	sand.u32 @!p2 $0x3FFF8, s29  }
0x1a0: {  	s8 =	sadd.s32 $0x88, s5;
	[tilespmem:s5+$0xB8] =	vst.add.f32.msk $0xffff, v1;
	s5 =	sadd.s32 @!p2 s1, s7;
	s7 =	sand.u32 @!p2 $0x7, s29  }
0x1a1: {  	[hbm4b:s5+s7] =	stream.linear.scatter @!p2 [tilespmem:s8], [sflag:$0xC], $0x40, $0x38;
	[tilespmem:$0x1EF88] =	vst v63  }
0x1a2: {  	s5 =	simm.s32 $0x0  }
0x1a3: {  	s5 =	simm.s32 @!p2 $0x100  }
0x1a4: {  	s3 =	sadd.s32 s5, s3  }
.LBB3_20:
0x1a5: {  	s5 =	sadd.s32 $0x1, s26  }
0x1a6: {  	s7 =	smulhi.u32 $0xCCCCCCCD, s5;
	_ =	sdelay $0x1  }
0x1a7: {  	v1 =	vld [tilespmem:s30+$0xFFFFFFE0];
	s7 =	sshrl.u32 s7, $0x8  }
0x1a8: {  	s7 =	smul.u32 $0x140, s7;
	_ =	sdelay $0x1  }
0x1a9: {  	s26 =	ssub.s32 s5, s7  }
0x1aa: {  	s5 =	sshll.u32 s26, $0x6  }
0x1ab: {  	[tilespmem:s5+$0x88] =	vst v1  }
0x1ac: {  	v1 =	vld [tilespmem:s30+$0xFFFFFFF0];
	_ =	sdelay $0x4  }
0x1ad: {  	[tilespmem:s5+$0x98] =	vst v1  }
0x1ae: {  	v1 =	vld [tilespmem:s30+$0x0];
	_ =	sdelay $0x4  }
0x1af: {  	[tilespmem:s5+$0xA8] =	vst v1  }
0x1b0: {  	v1 =	vld [tilespmem:s30+$0x10]  }
.Ltmp24:
0x1b1: {  	_ = 	snop;
	(pc) =	sbr.rel .LBB3_21-.Ltmp24, $2  }
0x1b2: {  	_ =	sdelay $0x2  }
0x1b3: {  	s0 =	sadd.s32 $0x1, s0;
	[tilespmem:s5+$0xB8] =	vst v1  }
.LBB3_23:
.Ltmp25:
0x1b4: {  	(pc) =	sbr.rel .LBB3_24-.Ltmp25, $4  }
0x1b5: {  	_ = 	snop  }
0x1b6: {  	s0 =	simm.s32 $0x2  }
0x1b7: {  	_ =	swait.ge [sflag:s0], $0x0  }
0x1b8: {  	s2 =	smov.u32 s29;
	[sflag:s0] =	ssyncset.done $0x0;
	s0 =	simm.s32 $0x0  }
.LBB3_26:
0x1b9: {  	_ =	sfence.sel $0x180000  }
0x1ba: {  	s0 =	simm.s32 $0x9;
	[bflag:$0x0] =	sbarrier.arrive $0xFFFF  }
0x1bb: {  	s24 =	simm.s32 $0xA;
	[sflag:s0] =	ssyncpa.u1 $0x1  }
0x1bc: {  	s25 =	simm.s32 $0xB;
	[sflag:s24] =	ssyncpa.u1 $0x1  }
0x1bd: {  	s26 =	simm.s32 $0x2;
	[sflag:s25] =	ssyncpa.u1 $0x1  }
0x1be: {  	[sflag:s26] =	ssyncpa.u1 $0x1  }
0x1bf: {  	v0 =	vld [tilespmem:$0xA108];
	_ =	sdelay $0x4  }
0x1c0: {  	(v2sf) =	vpush v0, $0x0  }
0x1c1: {  	(v2sf) =	vpush v0, $0x1;
	_ =	sdelay $0x1  }
0x1c2: {  	(v2sf) =	vpush v0, $0x2;
	_ =	sdelay $0xb  }
0x1c3: {  	s0 =	spop (v2sf)  }
0x1c4: {  	s2 =	spop (v2sf)  }
0x1c5: {  	s3 =	smov.u32 s0;
	p0 =	sne.s32 s0, s2  }
0x1c6: {  	s4 =	spop (v2sf);
	s3 =	simm.s32 @!p0 $0xFFFFFFFF  }
0x1c7: {  	v2 =	vimm.s32 $0x1;
	v3 =	vlaneseq.u32;
	p0 =	seq.s32 s4, $0xFFFFFFFF;
	v1 =	vmov s3  }
0x1c8: {  	s14 =	stileid.u32;
	v0 =	vperm.xlane v0, v2;
	p1 =	sne.s32 @!p0 s0, s2;
	v1 =	vperm.xlane v1, v3  }
0x1c9: {  	vm0 =	vcmask $0x3F04;
	s6 =	simm.s32 $0xA108;
	s0 =	simm.s32 @!p0 $0x1;
	p1 =	por !p1, p0  }
0x1ca: {  	s3 =	sshll.u32 s14, $0x1;
	s2 =	sshll.u32 @!p0 s4, $0x8;
	s0 =	simm.s32 @p1 $0x0;
	v0 =	vsel vm0, v1, v0  }
0x1cb: {  	s5 =	sor.u32 $0x800, s3;
	s2 =	sshra.s32 @!p0 s2, $0x2;
	s0 =	sor.u32 @!p0 s0, s3;
	[tilespmem:$0xA108] =	vst v0  }
0x1cc: {  	[spmem:s5] =	stream.linear.scatter [tilespmem:s6], [sflag:$0x1], $0x2, $0x38;
	[tilespmem:$0x1EF88] =	vst v63  }
0x1cd: {  	s2 =	sadd.s32 @!p0 $0x88, s2;
	s0 =	sshll.u32 @!p0 s0, $0x6  }
0x1ce: {  	[spmem:s0] =	stream.linear.scatter @!p0 [tilespmem:s2], [sflag:$0x1], $0x40, $0x38;
	[tilespmem:$0x1EF88] =	vst v63  }
0x1cf: {  	s0 =	simm.s32 @!p0 $0x42  }
0x1d0: {  	s28 =	simm.s32 $0x1;
	s0 =	simm.s32 @p0 $0x2  }
0x1d1: {  	_ =	swait.ge [sflag:s28], s0  }
0x1d2: {  	s0 =	ssub.s32 $0x0, s0;
	[sflag:s28] =	ssyncset.done $0x0  }
0x1d3: {  	p0 =	sne.s32 s14, $0x0;
	[sflag:s28] =	ssyncadd.s32 s0  }
.Ltmp26:
0x1d4: {  	_ =	sfence.stream.spmem;
	(pc) =	sbr.rel @p0 .LBB3_43-.Ltmp26, $4  }
0x1d5: {  	s29 =	simm.s32 $0x3;
	[bflag:$0x0] =	sbarrier.arrive $0xFFFF  }
0x1d6: {  	s30 =	simm.s32 $0x4;
	[sflag:s29] =	ssyncpa.u1 $0x1  }
0x1d7: {  	s31 =	simm.s32 $0x3C;
	[sflag:s30] =	ssyncpa.u1 $0x1  }
0x1d8: {  	s13 =	rddreg [dreg:$0x5];
	[sflag:s31] =	ssyncpa.u1 $0x1  }
0x1d9: {  	_ =	sfence.stream.spmem;
	s0 =	simm.s32 $0x5  }
0x1da: {  	s2 =	simm.s32 $0x800;
	s3 =	simm.s32 $0xA118;
	[sflag:s0] =	ssyncpa.u1 $0x0  }
0x1db: {  	[tilespmem:s3], [sflag:$0x5] =	stream.linear.gather [spmem:s2], $0x20, $0x38;
	[tilespmem:$0x1EF88] =	vst v63  }
0x1dc: {  	s26 =	simm.s32 $0x0;
	s28 =	simm.s32 $0xA138  }
0x1dd: {  	[tilespmem:s28], [sflag:$0x5] =	stream.linear.gather [spmem:s26], $0x800, $0x38;
	[tilespmem:$0x1EF88] =	vst v63  }
0x1de: {  	_ =	swait.ge [sflag:s0], $0x820  }
0x1df: {  	[sflag:s0] =	ssyncset.done $0x0  }
0x1e0: {  	s29 =	simm.s32 $0x0;
	[sflag:s0] =	ssyncadd.s32 $0xFFFFF7E0  }
0x1e1: {  	v0 =	vld.msk [tilespmem:s29+$0xA118], $0x1;
	_ =	sdelay $0x1  }
0x1e2: {  	s30 =	simm.s32 $0x1  }
0x1e3: {  	v1 =	vld.msk [tilespmem:s30+$0xA118], $0x1;
	_ =	sdelay $0x1  }
0x1e4: {  	(v2sf) =	vpush v0, $0x0;
	_ =	sdelay $0x2  }
0x1e5: {  	(v2sf) =	vpush v1, $0x0;
	_ =	sdelay $0x2  }
0x1e6: {  	s31 =	simm.s32 $0x2  }
0x1e7: {  	v0 =	vld.msk [tilespmem:s31+$0xA118], $0x1;
	_ =	sdelay $0x2  }
0x1e8: {  	s2 =	simm.s32 $0xFFFFFFFF;
	s3 =	simm.s32 $0xFFFFFFFF;
	s0 =	simm.s32 $0xC  }
.LBB3_28:
0x1e9: {  	s4 =	smov.u32 s3;
	s5 =	smov.u32 s2  }
0x1ea: {  	s2 =	sshra.s32 s0, $0x2;
	p1 =	sne.s32 s0, $0x7C;
	s0 =	sadd.s32 $0x4, s0;
	(v2sf) =	vpush v0, $0x0  }
0x1eb: {  	v0 =	vld.msk [tilespmem:s2+$0xA118], $0x1  }
.Ltmp27:
0x1ec: {  	(pc) =	sbr.rel @p1 .LBB3_28-.Ltmp27, $4  }
0x1ed: {  	s3 =	spop (v2sf)  }
0x1ee: {  	p2 =	sne.s32 s5, $0xFFFFFFFF;
	s2 =	smov.u32 s3  }
0x1ef: {  	p3 =	seq.s32 s3, $0xFFFFFFFF;
	s2 =	smov.u32 @p2 s5  }
0x1f0: {  	s3 =	smov.u32 @p3 s4;
	s2 =	smov.u32 @p3 s5  }
0x1f1: {  	(v2sf) =	vpush v0, $0x0;
	_ =	sdelay $0x8  }
0x1f2: {  	s0 =	spop (v2sf)  }
0x1f3: {  	p1 =	sne.s32 s2, $0xFFFFFFFF;
	s4 =	smov.u32 s0  }
0x1f4: {  	s6 =	simm.s32 $0x0;
	p2 =	seq.s32 s0, $0xFFFFFFFF;
	s4 =	smov.u32 @p1 s2  }
0x1f5: {  	s9 =	simm.s32 $0xA0C8;
	s4 =	smov.u32 @p2 s2;
	s2 =	spop (v2sf)  }
0x1f6: {  	s0 =	smov.u32 @p2 s3;
	p1 =	sne.s32 s4, $0xFFFFFFFF;
	s5 =	smov.u32 s2  }
.Ltmp28:
0x1f7: {  	p2 =	seq.s32 s2, $0xFFFFFFFF;
	s5 =	smov.u32 @p1 s4;
	(pc) =	sbr.rel .LBB3_30-.Ltmp28, $4  }
0x1f8: {  	s10 =	simm.s32 $0x0;
	s5 =	smov.u32 @p2 s4;
	s7 =	spop (v2sf)  }
0x1f9: {  	s2 =	smov.u32 @p2 s0;
	p1 =	sne.s32 s5, $0xFFFFFFFF;
	s8 =	smov.u32 s7  }
0x1fa: {  	s0 =	simm.s32 $0x6;
	p2 =	seq.s32 s7, $0xFFFFFFFF;
	s8 =	smov.u32 @p1 s5  }
0x1fb: {  	[sflag:s0] =	ssyncpa.u1 $0x0;
	s7 =	smov.u32 @p2 s2;
	s8 =	smov.u32 @p2 s5  }
.LBB3_36:
0x1fc: {  	p1 =	sgt.u32 s2, $0x270F8  }
0x1fd: {  	p2 =	seq.s32 @!p1 s2, s8  }
0x1fe: {  	p1 =	por p1, p2  }
0x1ff: {  	p2 =	sne.s32 @!p1 s2, s7  }
0x200: {  	p1 =	por p1, !p2  }
0x201: {  	s2 =	sshll.u32 @p1 s10, $0x8  }
0x202: {  	s3 =	sand.u32 @!p1 $0x3FFF8, s2  }
0x203: {  	s2 =	sand.u32 @!p1 $0x7, s2;
	s3 =	sadd.s32 @!p1 s1, s3  }
0x204: {  	[tilespmem:s9], [sflag:$0x6] =	stream.linear.gather @!p1 [hbm4b:s3+s2], $0x40, $0x38;
	[tilespmem:$0x1EF88] =	vst v63  }
0x205: {  	_ =	swait.ge @!p1 [sflag:s0], $0x40  }
0x206: {  	[sflag:s0] =	ssyncset.done @!p1 $0x0  }
0x207: {  	[sflag:s0] =	ssyncadd.s32 @!p1 $0xFFFFFFC0  }
0x208: {  	v1 =	vld @!p1 [tilespmem:$0xA0C8];
	_ =	sdelay $0x2  }
0x209: {  	s2 =	sshll.u32 @!p1 s10, $0x8  }
0x20a: {  	s3 =	sshrl.u32 @!p1 s2, $0x2  }
0x20b: {  	[tilespmem:s3+$0xA138] =	vst.add.f32.msk @!p1 $0xffff, v1  }
0x20c: {  	v1 =	vld @!p1 [tilespmem:$0xA0D8];
	_ =	sdelay $0x4  }
0x20d: {  	[tilespmem:s3+$0xA148] =	vst.add.f32.msk @!p1 $0xffff, v1  }
0x20e: {  	v1 =	vld @!p1 [tilespmem:$0xA0E8];
	_ =	sdelay $0x4  }
0x20f: {  	[tilespmem:s3+$0xA158] =	vst.add.f32.msk @!p1 $0xffff, v1  }
0x210: {  	v1 =	vld @!p1 [tilespmem:$0xA0F8];
	_ =	sdelay $0x4  }
0x211: {  	[tilespmem:s3+$0xA168] =	vst.add.f32.msk @!p1 $0xffff, v1  }
0x212: {  	s2 =	sshrl.u32 s2, $0x2;
	[tilespmem:s6+$0xA118] =	vst.msk $0x1, v0  }
0x213: {  	v0 =	vld [tilespmem:s2+$0xA138];
	_ =	sdelay $0x2  }
0x214: {  	s31 =	sshll.u32 s6, $0x8  }
0x215: {  	s3 =	sshra.s32 s31, $0x2  }
0x216: {  	[tilespmem:s3+$0xA138] =	vst v0  }
0x217: {  	v0 =	vld [tilespmem:s2+$0xA148];
	_ =	sdelay $0x4  }
0x218: {  	[tilespmem:s3+$0xA148] =	vst v0  }
0x219: {  	v0 =	vld [tilespmem:s2+$0xA158];
	_ =	sdelay $0x4  }
0x21a: {  	[tilespmem:s3+$0xA158] =	vst v0  }
0x21b: {  	v0 =	vld [tilespmem:s2+$0xA168];
	_ =	sdelay $0x4  }
0x21c: {  	s6 =	sadd.s32 $0x1, s6;
	[tilespmem:s3+$0xA168] =	vst v0  }
.LBB3_37:
0x21d: {  	s10 =	sadd.s32 $0x1, s10  }
0x21e: {  	p1 =	sne.s32 s10, $0x20  }
.Ltmp29:
0x21f: {  	_ = 	snop;
	(pc) =	sbr.rel @!p1 .LBB3_38-.Ltmp29, $1  }
0x220: {  	_ =	sdelay $0x3  }
.LBB3_30:
0x221: {  	v0 =	vld.msk [tilespmem:s10+$0xA118], $0x1;
	_ =	sdelay $0x4  }
0x222: {  	(v2sf) =	vpush v0, $0x0;
	_ =	sdelay $0xe  }
0x223: {  	s2 =	spop (v2sf)  }
0x224: {  	p1 =	seq.s32 s2, $0xFFFFFFFF  }
.Ltmp30:
0x225: {  	_ = 	snop;
	(pc) =	sbr.rel @p1 .LBB3_37-.Ltmp30, $1  }
0x226: {  	_ =	sdelay $0x3  }
0x227: {  	p1 =	slt.s32 s6, $0x1  }
.Ltmp31:
0x228: {  	_ = 	snop;
	(pc) =	sbr.rel @p1 .LBB3_36-.Ltmp31, $1  }
0x229: {  	_ =	sdelay $0x3  }
0x22a: {  	s3 =	simm.s32 $0xA118;
	p1 =	por $0x0, $0x0  }
0x22b: {  	v1 =	vld.msk @!p1 [tilespmem:s3+$0x0], $0x1;
	_ =	sdelay $0x4  }
0x22c: {  	(v2sf) =	vpush @!p1 v1, $0x0;
	_ =	sdelay $0xd  }
0x22d: {  	p3 =	sne.s32 s6, $0x1  }
.Ltmp32:
0x22e: {  	s4 =	spop @!p1 (v2sf);
	(pc) =	sbr.rel @!p3 .LBB3_34-.Ltmp32, $4  }
0x22f: {  	p2 =	seq.s32 @!p1 s2, s4  }
0x230: {  	s4 =	simm.s32 $0x0;
	p2 =	por !p2, p1  }
0x231: {  	s11 =	simm.s32 $0xFFFFFFFF;
	s4 =	simm.s32 @p2 $0xFFFFFFFF  }
0x232: {  	s5 =	simm.s32 $0x1;
	s4 =	smov.u32 @p1 s11  }
.LBB3_33:
0x233: {  	s11 =	smov.u32 s4;
	p1 =	sne.s32 s4, $0xFFFFFFFF  }
0x234: {  	s3 =	sadd.s32 $0x1, s3;
	s4 =	smov.u32 s5;
	s5 =	sadd.s32 $0x1, s5  }
0x235: {  	p2 =	sne.s32 s6, s5;
	v1 =	vld.msk @!p1 [tilespmem:s3+$0x0], $0x1;
	_ =	sdelay $0x4  }
0x236: {  	(v2sf) =	vpush @!p1 v1, $0x0;
	_ =	sdelay $0xe  }
.Ltmp33:
0x237: {  	s12 =	spop @!p1 (v2sf);
	(pc) =	sbr.rel @p2 .LBB3_33-.Ltmp33, $4  }
0x238: {  	p3 =	seq.s32 @!p1 s2, s12  }
0x239: {  	p3 =	por !p3, p1  }
0x23a: {  	s4 =	simm.s32 @p3 $0xFFFFFFFF  }
0x23b: {  	s4 =	smov.u32 @p1 s11  }
.LBB3_34:
0x23c: {  	p1 =	seq.s32 s4, $0xFFFFFFFF  }
.Ltmp34:
0x23d: {  	_ = 	snop;
	(pc) =	sbr.rel @p1 .LBB3_36-.Ltmp34, $1  }
0x23e: {  	_ =	sdelay $0x3  }
0x23f: {  	s2 =	sshll.u32 s10, $0x6  }
0x240: {  	s2 =	sand.u32 $0x3FFFFFC0, s2  }
0x241: {  	v0 =	vld [tilespmem:s2+$0xA138];
	_ =	sdelay $0x2  }
0x242: {  	s3 =	sshll.u32 s4, $0x8  }
0x243: {  	s3 =	sshra.s32 s3, $0x2  }
0x244: {  	[tilespmem:s3+$0xA138] =	vst.add.f32.msk $0xffff, v0  }
0x245: {  	v0 =	vld [tilespmem:s2+$0xA148];
	_ =	sdelay $0x4  }
0x246: {  	[tilespmem:s3+$0xA148] =	vst.add.f32.msk $0xffff, v0  }
0x247: {  	v0 =	vld [tilespmem:s2+$0xA158];
	_ =	sdelay $0x4  }
0x248: {  	[tilespmem:s3+$0xA158] =	vst.add.f32.msk $0xffff, v0  }
0x249: {  	v0 =	vld [tilespmem:s2+$0xA168]  }
.Ltmp35:
0x24a: {  	_ = 	snop;
	(pc) =	sbr.rel .LBB3_37-.Ltmp35, $2  }
0x24b: {  	_ =	sdelay $0x2  }
0x24c: {  	[tilespmem:s3+$0xA168] =	vst.add.f32.msk $0xffff, v0  }
.LBB3_38:
0x24d: {  	s0 =	simm.s32 $0x6;
	p1 =	seq.s32 s6, $0x0  }
0x24e: {  	[sflag:s0] =	ssyncpa.u1 $0x1;
	v0 =	vimm.s32 @p1 $0xFFFFFFFF  }
0x24f: {  	s0 =	sadd.s32 $0xFFFFFFFF, s6;
	[tilespmem:$0xA938] =	vst @p1 v0  }
0x250: {  	v0 =	vld.msk @!p1 [tilespmem:s0+$0xA118], $0x1;
	_ =	sdelay $0x1  }
0x251: {  	v1 =	vld.msk @!p1 [tilespmem:$0xA118], $0x1;
	_ =	sdelay $0x2  }
0x252: {  	p2 =	seq.s32 @!p1 s0, $0x0;
	v0 =	vbroadcast @!p1 v0, $0x0  }
0x253: {  	vm0 =	vmmov @!p1 $0x1;
	p2 =	por !p2, p1  }
0x254: {  	v1 =	vnsel @!p1 vm0, $0xFFFFFFFF, v1;
	vm0 =	vcmask @!p1 $0x308;
	v0 =	vpsel !p2, $0xFFFFFFFF, v0  }
0x255: {  	p2 =	sne.s32 @!p1 s8, s7;
	v0 =	vsel @!p1 vm0, v1, v0  }
0x256: {  	s2 =	simm.s32 @!p1 $0xA138;
	s3 =	simm.s32 @!p1 $0x0;
	p3 =	por !p2, p1;
	[tilespmem:$0xA938] =	vst @!p1 v0  }
0x257: {  	[spmem:s3] =	stream.linear.scatter @!p1 [tilespmem:s2], [sflag:$0x1], $0x40, $0x38;
	[tilespmem:$0x1EF88] =	vst v63  }
0x258: {  	s2 =	sshll.u32 @!p3 s0, $0x8  }
0x259: {  	s2 =	sshra.s32 @!p3 s2, $0x2  }
0x25a: {  	s3 =	simm.s32 @!p3 $0x40;
	s2 =	sadd.s32 @!p3 $0xA138, s2  }
0x25b: {  	[spmem:s3] =	stream.linear.scatter @!p3 [tilespmem:s2], [sflag:$0x1], $0x40, $0x38;
	[tilespmem:$0x1EF88] =	vst v63  }
0x25c: {  	s2 =	simm.s32 @!p3 $0x1  }
0x25d: {  	_ =	swait.ge @!p3 [sflag:s2], $0x80  }
0x25e: {  	p1 =	por p2, p1;
	[sflag:s2] =	ssyncset.done @!p3 $0x0  }
0x25f: {  	[sflag:s2] =	ssyncadd.s32 @!p3 $0xFFFFFF80;
	s2 =	simm.s32 @!p1 $0x1  }
0x260: {  	_ =	swait.ge @!p1 [sflag:s2], $0x40  }
0x261: {  	s29 =	simm.s32 $0xA938;
	[sflag:s2] =	ssyncset.done @!p1 $0x0  }
0x262: {  	s30 =	simm.s32 $0x800;
	s31 =	simm.s32 $0x1;
	[sflag:s2] =	ssyncadd.s32 @!p1 $0xFFFFFFC0  }
0x263: {  	[spmem:s30] =	stream.linear.scatter [tilespmem:s29], [sflag:$0x1], $0x10, $0x38;
	[tilespmem:$0x1EF88] =	vst v63  }
0x264: {  	_ =	swait.ge [sflag:s31], $0x10  }
0x265: {  	[sflag:s31] =	ssyncset.done $0x0  }
0x266: {  	p1 =	seq.s32 s13, $0x0;
	s9 =	rddreg [dreg:$0x2];
	[sflag:s31] =	ssyncadd.s32 $0xFFFFFFF0  }
0x267: {  	s3 =	sshll.u32 @p1 s9, $0xE;
	s8 =	rddreg [dreg:$0x3]  }
0x268: {  	s2 =	sadd.s32 @p1 $0x15C3C, s3;
	s3 =	sshll.u32 @p1 s8, $0x11  }
0x269: {  	_ =	sfence.stream.spmem;
	s2 =	sor.u32 @p1 s3, s2  }
0x26a: {  	[sflag:s2] =	ssyncadd.remote.s32 @p1 $0x1;
	s2 =	simm.s32 @p1 $0x4  }
0x26b: {  	s4 =	simm.s32 @!p1 $0x3C;
	s3 =	sand.u32 $0xFFFFFFFE, s9;
	_ =	swait.ge @p1 [sflag:s2], $0x12  }
0x26c: {  	s5 =	simm.s32 @!p1 $0x0;
	s3 =	sadd.s32 @!p1 $0x4, s3;
	[sflag:s2] =	ssyncset.done @p1 $0x0  }
0x26d: {  	s7 =	simm.s32 @!p1 $0x80;
	[sflag:s2] =	ssyncadd.s32 @p1 $0xFFFFFFEE;
	s2 =	sshll.u32 @!p1 s3, $0x1A  }
0x26e: {  	s3 =	sshll.u32 @!p1 s3, $0xD;
	s2 =	sor.u32 @!p1 s2, s8;
	_ =	swait.eq @!p1 [sflag:s4], $0x1  }
0x26f: {  	s3 =	sor.u32 @!p1 $0x1C04, s3;
	s4 =	simm.s32 @!p1 $0x1C03;
	s2 =	sor.u32 @!p1 $0x80004000, s2  }
0x270: {  	[spmem:s7], [sflag:s3] =	dma.general @!p1 [spmem:s5], [sflag:s4], length:$0x10, [dreg:$0x0], stride_count:$0x0, ici_dest:s2, dma_misc:DstOpCode:WRITE  }
0x271: {  	p2 =	slt.s32 s0, $0x2;
	s5 =	simm.s32 @!p1 $0x100;
	s7 =	simm.s32 @!p1 $0x102  }
0x272: {  	[spmem:s7], [sflag:s3] =	dma.general @!p1 [spmem:s5], [sflag:s4], length:$0x2, [dreg:$0x0], stride_count:$0x0, ici_dest:s2, dma_misc:DstOpCode:WRITE  }
.Ltmp36:
0x273: {  	s2 =	simm.s32 @!p1 $0x3;
	(pc) =	sbr.rel @p2 .LBB3_42-.Ltmp36, $4  }
0x274: {  	s3 =	sshll.u32 @!p1 s9, $0xE;
	_ =	swait.ge @!p1 [sflag:s2], $0x12  }
0x275: {  	s4 =	sshll.u32 @!p1 s8, $0x11;
	s3 =	sadd.s32 @!p1 $0x11C3C, s3;
	[sflag:s2] =	ssyncset.done @!p1 $0x0  }
0x276: {  	[sflag:s2] =	ssyncadd.s32 @!p1 $0xFFFFFFEE;
	s2 =	sor.u32 @!p1 s4, s3  }
0x277: {  	s0 =	simm.s32 $0x0;
	[sflag:s2] =	ssyncadd.remote.s32 @!p1 $0xFFFFFFFF  }
0x278: {  	s0 =	simm.s32 $0xA119  }
0x279: {  	v0 =	vld.msk [tilespmem:s0+$0x0], $0x1;
	_ =	sdelay $0x4  }
0x27a: {  	(v2sf) =	vpush v0, $0x0;
	_ =	sdelay $0xc  }
0x27b: {  	s2 =	sadd.s32 $0xFFFFFFFE, s6  }
0x27c: {  	s2 =	sadd.s32 $0xFFFFFFFF, s2  }
0x27d: {  	p2 =	sne.s32 s2, $0x0;
	s3 =	spop (v2sf)  }
.Ltmp37:
0x27e: {  	p1 =	sgt.u32 s3, $0x270F8;
	(pc) =	sbr.rel @!p2 .LBB3_41-.Ltmp37, $4  }
0x27f: {  	s5 =	simm.s32 $0x0;
	s4 =	sand.u32 @!p1 $0x3FFF8, s3  }
0x280: {  	s0 =	simm.s32 $0xA178;
	s3 =	sand.u32 @!p1 $0x7, s3;
	s4 =	sadd.s32 @!p1 s1, s4  }
0x281: {  	[hbm4b:s4+s3] =	stream.linear.scatter @!p1 [tilespmem:s0], [sflag:$0x5], $0x40, $0x38;
	[tilespmem:$0x1EF88] =	vst v63  }
0x282: {  	s5 =	simm.s32 @!p1 $0x100;
	s3 =	simm.s32 $0x0;
	s4 =	simm.s32 $0xA11A  }
.LBB3_40:
0x283: {  	v0 =	vld.msk [tilespmem:s4+$0x0], $0x1;
	s2 =	sadd.s32 $0xFFFFFFFF, s2;
	s3 =	sadd.s32 s3, s5  }
0x284: {  	p1 =	sne.s32 s2, $0x0;
	_ =	sdelay $0x3  }
0x285: {  	(v2sf) =	vpush v0, $0x0;
	_ =	sdelay $0xe  }
.Ltmp38:
0x286: {  	s6 =	spop (v2sf);
	(pc) =	sbr.rel @p1 .LBB3_40-.Ltmp38, $4  }
0x287: {  	s5 =	simm.s32 $0x0;
	p2 =	sgt.u32 s6, $0x270F8  }
0x288: {  	s0 =	sadd.s32 $0x40, s0;
	s5 =	simm.s32 @!p2 $0x100;
	s7 =	sand.u32 @!p2 $0x3FFF8, s6  }
0x289: {  	s4 =	sadd.s32 $0x1, s4;
	s6 =	sand.u32 @!p2 $0x7, s6;
	s7 =	sadd.s32 @!p2 s1, s7  }
0x28a: {  	[hbm4b:s7+s6] =	stream.linear.scatter @!p2 [tilespmem:s0], [sflag:$0x5], $0x40, $0x38;
	[tilespmem:$0x1EF88] =	vst v63  }
.LBB3_41:
0x28b: {  	s0 =	sadd.s32 s3, s5  }
0x28c: {  	s0 =	sshrl.u32 s0, $0x2  }
.LBB3_42:
0x28d: {  	s2 =	simm.s32 $0x5  }
0x28e: {  	_ =	swait.ge [sflag:s2], s0  }
0x28f: {  	s31 =	ssub.s32 $0x0, s0;
	[sflag:s2] =	ssyncset.done $0x0  }
0x290: {  	[sflag:s2] =	ssyncadd.s32 s31  }
0x291: {  	[sflag:s2] =	ssyncpa.u1 $0x1  }
.LBB3_43:
0x292: {  	s0 =	sor.u32 s13, s14  }
0x293: {  	p1 =	sne.s32 s0, $0x0  }
.Ltmp39:
0x294: {  	_ = 	snop;
	(pc) =	sbr.rel @p1 .LBB3_58-.Ltmp39, $3  }
0x295: {  	_ =	sdelay $0x1  }
0x296: {  	[bflag:$0x0] =	sbarrier.arrive $0xFFFF  }
0x297: {  	_ =	sfence  }
0x298: {  	s2 =	simm.s32 $0x7  }
0x299: {  	s0 =	simm.s32 $0x800;
	s3 =	simm.s32 $0xA118;
	[sflag:s2] =	ssyncpa.u1 $0x0  }
0x29a: {  	[tilespmem:s3], [sflag:$0x7] =	stream.linear.gather [spmem:s0], $0x20, $0x38;
	[tilespmem:$0x1EF88] =	vst v63  }
0x29b: {  	s30 =	simm.s32 $0xA138;
	s0 =	simm.s32 $0x0  }
0x29c: {  	[tilespmem:s30], [sflag:$0x7] =	stream.linear.gather [spmem:s0], $0x800, $0x38;
	[tilespmem:$0x1EF88] =	vst v63  }
.Ltmp40:
0x29d: {  	_ = 	snop;
	(pc) =	sbr.rel .LBB3_45-.Ltmp40, $4  }
0x29e: {  	_ =	swait.ge [sflag:s2], $0x820  }
0x29f: {  	[sflag:s2] =	ssyncset.done $0x0  }
0x2a0: {  	s31 =	simm.s32 $0x8;
	[sflag:s2] =	ssyncadd.s32 $0xFFFFF7E0  }
0x2a1: {  	s2 =	simm.s32 $0x0;
	[sflag:s31] =	ssyncpa.u1 $0x0  }
.LBB3_51:
0x2a2: {  	p1 =	slt.u32 s3, $0x270F9  }
0x2a3: {  	s4 =	sand.u32 @p1 $0x3FFF8, s3  }
0x2a4: {  	s3 =	sand.u32 @p1 $0x7, s3;
	s5 =	simm.s32 @p1 $0xA0C8;
	s4 =	sadd.s32 @p1 s1, s4  }
0x2a5: {  	[tilespmem:s5], [sflag:$0x8] =	stream.linear.gather @p1 [hbm4b:s4+s3], $0x40, $0x38;
	[tilespmem:$0x1EF88] =	vst v63  }
0x2a6: {  	s3 =	simm.s32 @p1 $0x8  }
0x2a7: {  	_ =	swait.ge @p1 [sflag:s3], $0x40  }
0x2a8: {  	[sflag:s3] =	ssyncset.done @p1 $0x0  }
0x2a9: {  	[sflag:s3] =	ssyncadd.s32 @p1 $0xFFFFFFC0  }
0x2aa: {  	v1 =	vld @p1 [tilespmem:$0xA0C8];
	_ =	sdelay $0x2  }
0x2ab: {  	s3 =	sshll.u32 @p1 s2, $0x8  }
0x2ac: {  	s4 =	sshrl.u32 @p1 s3, $0x2  }
0x2ad: {  	[tilespmem:s4+$0xA138] =	vst.add.f32.msk @p1 $0xffff, v1  }
0x2ae: {  	v1 =	vld @p1 [tilespmem:$0xA0D8];
	_ =	sdelay $0x4  }
0x2af: {  	[tilespmem:s4+$0xA148] =	vst.add.f32.msk @p1 $0xffff, v1  }
0x2b0: {  	v1 =	vld @p1 [tilespmem:$0xA0E8];
	_ =	sdelay $0x4  }
0x2b1: {  	[tilespmem:s4+$0xA158] =	vst.add.f32.msk @p1 $0xffff, v1  }
0x2b2: {  	v1 =	vld @p1 [tilespmem:$0xA0F8];
	_ =	sdelay $0x3  }
0x2b3: {  	s5 =	sshll.u32 @!p1 s2, $0x8  }
0x2b4: {  	s5 =	smov.u32 @p1 s3;
	[tilespmem:s4+$0xA168] =	vst.add.f32.msk @p1 $0xffff, v1  }
0x2b5: {  	s3 =	sshrl.u32 s5, $0x2;
	[tilespmem:s0+$0xA118] =	vst.msk $0x1, v0  }
0x2b6: {  	v0 =	vld [tilespmem:s3+$0xA138];
	_ =	sdelay $0x2  }
0x2b7: {  	s31 =	sshll.u32 s0, $0x8  }
0x2b8: {  	s4 =	sshra.s32 s31, $0x2  }
0x2b9: {  	[tilespmem:s4+$0xA138] =	vst v0  }
0x2ba: {  	v0 =	vld [tilespmem:s3+$0xA148];
	_ =	sdelay $0x4  }
0x2bb: {  	[tilespmem:s4+$0xA148] =	vst v0  }
0x2bc: {  	v0 =	vld [tilespmem:s3+$0xA158];
	_ =	sdelay $0x4  }
0x2bd: {  	[tilespmem:s4+$0xA158] =	vst v0  }
0x2be: {  	v0 =	vld [tilespmem:s3+$0xA168];
	_ =	sdelay $0x4  }
0x2bf: {  	s0 =	sadd.s32 $0x1, s0;
	[tilespmem:s4+$0xA168] =	vst v0  }
.LBB3_52:
0x2c0: {  	s2 =	sadd.s32 $0x1, s2  }
0x2c1: {  	p1 =	sne.s32 s2, $0x20  }
.Ltmp41:
0x2c2: {  	_ = 	snop;
	(pc) =	sbr.rel @!p1 .LBB3_53-.Ltmp41, $1  }
0x2c3: {  	_ =	sdelay $0x3  }
.LBB3_45:
0x2c4: {  	v0 =	vld.msk [tilespmem:s2+$0xA118], $0x1;
	_ =	sdelay $0x4  }
0x2c5: {  	(v2sf) =	vpush v0, $0x0;
	_ =	sdelay $0xe  }
0x2c6: {  	s3 =	spop (v2sf)  }
0x2c7: {  	p1 =	seq.s32 s3, $0xFFFFFFFF  }
.Ltmp42:
0x2c8: {  	_ = 	snop;
	(pc) =	sbr.rel @p1 .LBB3_52-.Ltmp42, $1  }
0x2c9: {  	_ =	sdelay $0x3  }
0x2ca: {  	p1 =	slt.s32 s0, $0x1  }
.Ltmp43:
0x2cb: {  	_ = 	snop;
	(pc) =	sbr.rel @p1 .LBB3_51-.Ltmp43, $1  }
0x2cc: {  	_ =	sdelay $0x3  }
0x2cd: {  	s4 =	simm.s32 $0xA118;
	p1 =	por $0x0, $0x0  }
0x2ce: {  	v1 =	vld.msk @!p1 [tilespmem:s4+$0x0], $0x1;
	_ =	sdelay $0x4  }
0x2cf: {  	(v2sf) =	vpush @!p1 v1, $0x0;
	_ =	sdelay $0xd  }
0x2d0: {  	p3 =	sne.s32 s0, $0x1  }
.Ltmp44:
0x2d1: {  	s5 =	spop @!p1 (v2sf);
	(pc) =	sbr.rel @!p3 .LBB3_49-.Ltmp44, $4  }
0x2d2: {  	p2 =	seq.s32 @!p1 s3, s5  }
0x2d3: {  	s5 =	simm.s32 $0x0;
	p2 =	por !p2, p1  }
0x2d4: {  	s7 =	simm.s32 $0xFFFFFFFF;
	s5 =	simm.s32 @p2 $0xFFFFFFFF  }
0x2d5: {  	s6 =	simm.s32 $0x1;
	s5 =	smov.u32 @p1 s7  }
.LBB3_48:
0x2d6: {  	s7 =	smov.u32 s5;
	p1 =	sne.s32 s5, $0xFFFFFFFF  }
0x2d7: {  	s4 =	sadd.s32 $0x1, s4;
	s5 =	smov.u32 s6;
	s6 =	sadd.s32 $0x1, s6  }
0x2d8: {  	p2 =	sne.s32 s0, s6;
	v1 =	vld.msk @!p1 [tilespmem:s4+$0x0], $0x1;
	_ =	sdelay $0x4  }
0x2d9: {  	(v2sf) =	vpush @!p1 v1, $0x0;
	_ =	sdelay $0xe  }
.Ltmp45:
0x2da: {  	s8 =	spop @!p1 (v2sf);
	(pc) =	sbr.rel @p2 .LBB3_48-.Ltmp45, $4  }
0x2db: {  	p3 =	seq.s32 @!p1 s3, s8  }
0x2dc: {  	p3 =	por !p3, p1  }
0x2dd: {  	s5 =	simm.s32 @p3 $0xFFFFFFFF  }
0x2de: {  	s5 =	smov.u32 @p1 s7  }
.LBB3_49:
0x2df: {  	p1 =	seq.s32 s5, $0xFFFFFFFF  }
.Ltmp46:
0x2e0: {  	_ = 	snop;
	(pc) =	sbr.rel @p1 .LBB3_51-.Ltmp46, $1  }
0x2e1: {  	_ =	sdelay $0x3  }
0x2e2: {  	s3 =	sshll.u32 s2, $0x6  }
0x2e3: {  	s3 =	sand.u32 $0x3FFFFFC0, s3  }
0x2e4: {  	v0 =	vld [tilespmem:s3+$0xA138];
	_ =	sdelay $0x2  }
0x2e5: {  	s4 =	sshll.u32 s5, $0x8  }
0x2e6: {  	s4 =	sshra.s32 s4, $0x2  }
0x2e7: {  	[tilespmem:s4+$0xA138] =	vst.add.f32.msk $0xffff, v0  }
0x2e8: {  	v0 =	vld [tilespmem:s3+$0xA148];
	_ =	sdelay $0x4  }
0x2e9: {  	[tilespmem:s4+$0xA148] =	vst.add.f32.msk $0xffff, v0  }
0x2ea: {  	v0 =	vld [tilespmem:s3+$0xA158];
	_ =	sdelay $0x4  }
0x2eb: {  	[tilespmem:s4+$0xA158] =	vst.add.f32.msk $0xffff, v0  }
0x2ec: {  	v0 =	vld [tilespmem:s3+$0xA168]  }
.Ltmp47:
0x2ed: {  	_ = 	snop;
	(pc) =	sbr.rel .LBB3_52-.Ltmp47, $2  }
0x2ee: {  	_ =	sdelay $0x2  }
0x2ef: {  	[tilespmem:s4+$0xA168] =	vst.add.f32.msk $0xffff, v0  }
.LBB3_53:
0x2f0: {  	p1 =	slt.s32 s0, $0x1  }
.Ltmp48:
0x2f1: {  	_ = 	snop;
	(pc) =	sbr.rel @p1 .LBB3_57-.Ltmp48, $3  }
0x2f2: {  	_ =	sdelay $0x1  }
0x2f3: {  	s2 =	simm.s32 $0x8  }
0x2f4: {  	[sflag:s2] =	ssyncpa.u1 $0x1;
	s2 =	simm.s32 $0x0  }
0x2f5: {  	s3 =	simm.s32 $0xA118  }
0x2f6: {  	v0 =	vld.msk [tilespmem:s3+$0x0], $0x1;
	_ =	sdelay $0x4  }
0x2f7: {  	(v2sf) =	vpush v0, $0x0;
	_ =	sdelay $0xe  }
0x2f8: {  	s0 =	sadd.s32 $0xFFFFFFFF, s0;
	s4 =	spop (v2sf)  }
0x2f9: {  	p2 =	sne.s32 s0, $0x0;
	p1 =	sgt.u32 s4, $0x270F8  }
.Ltmp49:
0x2fa: {  	s5 =	sand.u32 @!p1 $0x3FFF8, s4;
	(pc) =	sbr.rel @!p2 .LBB3_56-.Ltmp49, $4  }
0x2fb: {  	s3 =	simm.s32 $0xA138;
	s4 =	sand.u32 @!p1 $0x7, s4;
	s5 =	sadd.s32 @!p1 s1, s5  }
0x2fc: {  	[hbm4b:s5+s4] =	stream.linear.scatter @!p1 [tilespmem:s3], [sflag:$0x7], $0x40, $0x38;
	[tilespmem:$0x1EF88] =	vst v63  }
0x2fd: {  	s5 =	simm.s32 $0x0  }
0x2fe: {  	s4 =	simm.s32 $0xA119;
	s5 =	simm.s32 @!p1 $0x100  }
.LBB3_55:
0x2ff: {  	v0 =	vld.msk [tilespmem:s4+$0x0], $0x1;
	s0 =	sadd.s32 $0xFFFFFFFF, s0;
	s2 =	sadd.s32 s2, s5  }
0x300: {  	p1 =	sne.s32 s0, $0x0;
	_ =	sdelay $0x3  }
0x301: {  	(v2sf) =	vpush v0, $0x0;
	_ =	sdelay $0xe  }
.Ltmp50:
0x302: {  	s6 =	spop (v2sf);
	(pc) =	sbr.rel @p1 .LBB3_55-.Ltmp50, $4  }
0x303: {  	s5 =	simm.s32 $0x0;
	p2 =	sgt.u32 s6, $0x270F8  }
0x304: {  	s3 =	sadd.s32 $0x40, s3;
	s5 =	simm.s32 @!p2 $0x100;
	s7 =	sand.u32 @!p2 $0x3FFF8, s6  }
0x305: {  	s4 =	sadd.s32 $0x1, s4;
	s6 =	sand.u32 @!p2 $0x7, s6;
	s7 =	sadd.s32 @!p2 s1, s7  }
0x306: {  	[hbm4b:s7+s6] =	stream.linear.scatter @!p2 [tilespmem:s3], [sflag:$0x7], $0x40, $0x38;
	[tilespmem:$0x1EF88] =	vst v63  }
.LBB3_56:
0x307: {  	s0 =	sadd.s32 s2, s5  }
0x308: {  	s2 =	sshrl.u32 s0, $0x2  }
.LBB3_57:
0x309: {  	s0 =	simm.s32 $0x7  }
0x30a: {  	_ =	swait.ge [sflag:s0], s2  }
0x30b: {  	s1 =	ssub.s32 $0x0, s2;
	[sflag:s0] =	ssyncset.done $0x0  }
0x30c: {  	[sflag:s0] =	ssyncadd.s32 s1  }
0x30d: {  	[sflag:s0] =	ssyncpa.u1 $0x1  }
.LBB3_58:
0x30e: {  	_ =	sfence;
	s0 =	simm.s32 $0x1  }
0x30f: {  	[sflag:s0] =	ssyncpa.u1 $0x1  }
0x310: {  	_ =	strace $0x9000005C  }
0x311: {  	[bflag:$0x2] =	sbarrier.arrive $0xFFFF  }
0x312: {  	s0 =	rddreg [dreg:$0x4]  }
0x313: {  	s0 =	sadd.s32 @!p0 $0x100000, s0  }
0x314: {  	[sflag:s0] =	ssyncadd.tile.s32 @!p0 $0x1;
	_ =	shalt  }
.Lfunc_end3:
_tile_overlayer_lowered:
.L_overlay_start_3:
0x315: {  	(tag) =	ssettag $0x3  }
0x316: {  	s0 =	rddreg [dreg:$0x0];
	s2 =	stileid.u32  }
0x317: {  	s1 =	rddreg [dreg:$0x1];
	p0 =	sne.s32 s2, $0x0  }
0x318: {  	s3 =	rddreg [dreg:$0x2];
	[bflag:$0x3] =	sbarrier.arrive $0xFFFF;
	s2 =	simm.s32 @!p0 $0x1C01  }
0x319: {  	[timem:s3], [sflag:s2] =	dma.local @!p0 [hbm:s0], s1  }
0x31a: {  	s0 =	simm.s32 @!p0 $0x1  }
0x31b: {  	_ =	swait.ge @!p0 [sflag:s0], s1  }
0x31c: {  	s1 =	ssub.s32 @!p0 $0x0, s1;
	[sflag:s0] =	ssyncset.done @!p0 $0x0  }
0x31d: {  	[sflag:s0] =	ssyncadd.s32 @!p0 s1  }
0x31e: {  	[bflag:$0x3] =	sbarrier.arrive $0xFFFF  }
0x31f: {  	_ =	shalt  }

// kernel: scatter_offload_async_start
scs
__scs_entry_jumppad:
0x0: {  	(pc) =	sbr.rel $0x88, $3  }
0x1: {  	(tag) =	ssettag $0x0;
	lr =	simm.s32 $0x1  }
0x2: {  	[smem:$0x3F91] =	sst lr;
	_ =	strace $0xD0000000  }
0x3: {  	_ = 	snop  }
0x4: {  	_ = 	snop  }
0x5: {  	_ = 	snop  }
0x6: {  	_ = 	snop  }
0x7: {  	_ = 	snop  }
__scs_overlays_trampoline_lowered:
0x8: {  	[smem:$0x3FA0] =	sst s0  }
0x9: {  	[smem:$0x3FA1] =	sst s1  }
0xa: {  	[smem:$0x3FA2] =	sst s2  }
0xb: {  	[smem:$0x3FA3] =	sst s3  }
0xc: {  	[smem:$0x3FA4] =	sst s4  }
0xd: {  	[smem:$0x3FA5] =	sst s5  }
0xe: {  	[smem:$0x3FA6] =	sst s6  }
0xf: {  	[smem:$0x3FA7] =	sst s7  }
0x10: {  	[smem:$0x3FA8] =	sst s8  }
0x11: {  	[smem:$0x3FA9] =	sst s9;
	s0 =	simm.s32 @!p0 $0x0  }
0x12: {  	s1 =	sld [smem:$0x3F8F];
	s0 =	simm.s32 @p0 $0x1  }
0x13: {  	[smem:$0x3FAA] =	sst s0;
	s0 =	simm.s32 @!p1 $0x0  }
0x14: {  	s2 =	sld [smem:$0x3F8E];
	s0 =	simm.s32 @p1 $0x1  }
0x15: {  	[smem:$0x3FAB] =	sst s0;
	s0 =	simm.s32 @!p2 $0x0  }
0x16: {  	s3 =	sld [smem:$0x3FDB];
	s0 =	simm.s32 @p2 $0x1  }
0x17: {  	s4 =	simm.s32 $0x1BF5;
	[smem:$0x3FAD] =	sst s0  }
0x18: {  	s0 =	sld [smem:$0x3F90];
	_ =	swait.ge [sflag:s4], $0x0  }
0x19: {  	s7 =	sld [smem:$0x3F91]  }
0x1a: {  	s8 =	sadd.s32 $0xFFFFE003, lr  }
0x1b: {  	s9 =	sadd.s32 $0xFFFFFEF7, lr;
	s5 =	simm.s32 $0xFFFFFFFF;
	p2 =	slt.u32 s8, $0xFFFFF086  }
0x1c: {  	p1 =	slt.u32 s9, $0xF7A;
	s5 =	simm.s32 @!p2 $0x0  }
0x1d: {  	s5 =	simm.s32 @p1 $0x1;
	p0 =	seq.s32 s7, s2  }
0x1e: {  	s7 =	smul.u32 @!p0 $0xF7A, s2;
	p2 =	seq.s32 @!p0 s5, $0x0  }
0x1f: {  	s9 =	smul.u32 $0xF7A, s1;
	s8 =	simm.s32 @!p0 $0x1BF5;
	p2 =	por !p2, p0  }
0x20: {  	[sflag:s8] =	ssyncset.s32 @!p0 $0xFFFFF086;
	s6 =	sadd.s32 @!p0 s3, s7;
	s7 =	simm.s32 @!p0 $0x108  }
0x21: {  	s3 =	sadd.s32 s3, s9;
	s6 =	sadd.s32 @!p0 $0x88, s6;
	s7 =	simm.s32 @p2 $0x1082  }
0x22: {  	[simem:s7], [sflag:s8] =	dma.local @!p0 [hbm:s6], $0xF7A  }
0x23: {  	s9 =	sor.u32 $0xD0000000, s2;
	s6 =	simm.s32 $0x108;
	_ =	swait.ge @!p0 [sflag:s8], $0x0  }
0x24: {  	s3 =	sadd.s32 $0x88, s3;
	s6 =	simm.s32 @!p1 $0x1082;
	[sflag:s4] =	ssyncset.s32 $0xFFFFF086  }
0x25: {  	[simem:s6], [sflag:s4] =	dma.local [hbm:s3], $0xF7A  }
0x26: {  	[smem:$0x3F91] =	sst s1;
	(tag) =	ssettag s2;
	_ =	strace s9  }
0x27: {  	s1 =	sld [smem:$0x3FA1]  }
0x28: {  	s2 =	sld [smem:$0x3FA2]  }
0x29: {  	s4 =	sld [smem:$0x3FA4]  }
0x2a: {  	p0 =	seq.s32 s5, $0x0;
	s5 =	sld [smem:$0x3FA5]  }
0x2b: {  	s6 =	sld [smem:$0x3FA6]  }
0x2c: {  	s7 =	sld [smem:$0x3FA7]  }
0x2d: {  	s3 =	simm.s32 $0x108;
	s8 =	sld [smem:$0x3FA8]  }
0x2e: {  	s3 =	simm.s32 @!p0 $0x1082;
	s9 =	sld [smem:$0x3FA9]  }
0x2f: {  	lr =	sadd.s32 s0, s3;
	s0 =	sld [smem:$0x3FA0]  }
0x30: {  	s3 =	sld [smem:$0x3FA3]  }
0x31: {  	[smem:$0x3FAC] =	sst s10  }
0x32: {  	s10 =	sld [smem:$0x3FAA];
	_ =	sdelay $0x3  }
0x33: {  	p0 =	seq.s32 s10, $0x1;
	s10 =	sld [smem:$0x3FAC];
	_ =	sdelay $0x3  }
0x34: {  	[smem:$0x3FAC] =	sst s10  }
0x35: {  	s10 =	sld [smem:$0x3FAB];
	_ =	sdelay $0x3  }
0x36: {  	p1 =	seq.s32 s10, $0x1;
	s10 =	sld [smem:$0x3FAC];
	_ =	sdelay $0x3  }
0x37: {  	[smem:$0x3FAC] =	sst s10  }
0x38: {  	s10 =	sld [smem:$0x3FAD]  }
0x39: {  	_ = 	snop;
	(pc) =	sbr.ind lr, $3  }
0x3a: {  	_ = 	snop  }
0x3b: {  	_ = 	snop  }
0x3c: {  	p2 =	seq.s32 s10, $0x1;
	s10 =	sld [smem:$0x3FAC]  }
0x3d: {  	_ =	shalt  }
0x3e: {  	_ =	shalt  }
0x3f: {  	_ =	shalt  }
0x40: {  	_ =	shalt  }
0x41: {  	_ =	shalt  }
0x42: {  	_ =	shalt  }
0x43: {  	_ =	shalt  }
0x44: {  	_ =	shalt  }
0x45: {  	_ =	shalt  }
0x46: {  	_ =	shalt  }
0x47: {  	_ =	shalt  }
0x48: {  	_ =	shalt  }
0x49: {  	_ =	shalt  }
0x4a: {  	_ =	shalt  }
0x4b: {  	_ =	shalt  }
0x4c: {  	_ =	shalt  }
0x4d: {  	_ =	shalt  }
0x4e: {  	_ =	shalt  }
0x4f: {  	_ =	shalt  }
0x50: {  	_ =	shalt  }
0x51: {  	_ =	shalt  }
0x52: {  	_ =	shalt  }
0x53: {  	_ =	shalt  }
0x54: {  	_ =	shalt  }
0x55: {  	_ =	shalt  }
0x56: {  	_ =	shalt  }
0x57: {  	_ =	shalt  }
0x58: {  	_ =	shalt  }
0x59: {  	_ =	shalt  }
0x5a: {  	_ =	shalt  }
0x5b: {  	_ =	shalt  }
0x5c: {  	_ =	shalt  }
0x5d: {  	_ =	shalt  }
0x5e: {  	_ =	shalt  }
0x5f: {  	_ =	shalt  }
0x60: {  	_ =	shalt  }
0x61: {  	_ =	shalt  }
0x62: {  	_ =	shalt  }
0x63: {  	_ =	shalt  }
0x64: {  	_ =	shalt  }
0x65: {  	_ =	shalt  }
0x66: {  	_ =	shalt  }
0x67: {  	_ =	shalt  }
0x68: {  	_ =	shalt  }
0x69: {  	_ =	shalt  }
0x6a: {  	_ =	shalt  }
0x6b: {  	_ =	shalt  }
0x6c: {  	_ =	shalt  }
0x6d: {  	_ =	shalt  }
0x6e: {  	_ =	shalt  }
0x6f: {  	_ =	shalt  }
0x70: {  	_ =	shalt  }
0x71: {  	_ =	shalt  }
0x72: {  	_ =	shalt  }
0x73: {  	_ =	shalt  }
0x74: {  	_ =	shalt  }
0x75: {  	_ =	shalt  }
0x76: {  	_ =	shalt  }
0x77: {  	_ =	shalt  }
0x78: {  	_ =	shalt  }
0x79: {  	_ =	shalt  }
0x7a: {  	_ =	shalt  }
0x7b: {  	_ =	shalt  }
0x7c: {  	_ =	shalt  }
0x7d: {  	_ =	shalt  }
0x7e: {  	_ =	shalt  }
0x7f: {  	_ =	shalt  }
0x80: {  	_ =	shalt  }
0x81: {  	_ =	shalt  }
0x82: {  	_ =	shalt  }
0x83: {  	_ =	shalt  }
0x84: {  	_ =	shalt  }
0x85: {  	_ =	shalt  }
0x86: {  	_ =	shalt  }
0x87: {  	_ =	shalt  }
.Lfunc_end0:
.L_simem_size_0:
called_computation_lowered:
.L_overlay_start_0:
0x88: {  	s2 =	sld [smem:$0x3FD9]  }
0x89: {  	s3 =	sld [smem:$0x3FFE];
	_ =	sdelay $0x1  }
0x8a: {  	s1 =	srdreg.scid  }
0x8b: {  	s0 =	sand.u32 $0x1, s1  }
0x8c: {  	s13 =	sshll.u32 s0, $0xA;
	s2 =	sadd.s32 s3, s2  }
0x8d: {  	s2 =	sadd.s32 s2, s13  }
0x8e: {  	[smem:$0x3FB8] =	sst s2  }
0x8f: {  	_ = 	snop  }
0x90: {  	s2 =	sld [smem:$0x3FD0];
	_ =	sdelay $0x2  }
0x91: {  	s4 =	simm.s32 $0xD;
	s14 =	simm.s32 $0x10  }
0x92: {  	[smem:s14], [sflag:s4] =	dma.local [hbm:s2], $0x1  }
0x93: {  	_ =	swait.eq [sflag:s4], $0x1  }
0x94: {  	[sflag:s4] =	ssyncset.done $0x0  }
0x95: {  	s15 =	sld [smem:$0x11];
	[sflag:s4] =	ssyncadd.s32 $0xFFFFFFFF  }
0x96: {  	s16 =	sld [smem:$0x12];
	(tm) =	ssettm $0x1  }
0x97: {  	s17 =	sld [smem:$0x3FFB];
	_ =	sdelay $0x3  }
0x98: {  	_ =	strace s17  }
0x99: {  	s2 =	sld [smem:$0x3FFC];
	_ =	sdelay $0x3  }
0x9a: {  	_ =	strace s2  }
0x9b: {  	s2 =	sld [smem:$0x3FFD];
	_ =	sdelay $0x3  }
0x9c: {  	_ =	strace s2  }
0x9d: {  	_ =	strace $0x8FFFFFFF  }
0x9e: {  	s18 =	sld [smem:$0x3FDB];
	_ =	sdelay $0x1  }
0x9f: {  	s5 =	simm.s32 $_scs_section_size  }
0xa0: {  	s6 =	simm.s32 $_size__tile_overlayer_lowered;
	s7 =	simm.s32 $_tile_overlayer_lowered  }
0xa1: {  	s8 =	simm.s32 $0x1BFF;
	s19 =	sshll.u32 s7, $0x1;
	s5 =	sadd.s32 s5, s18  }
0xa2: {  	s20 =	simm.s32 $0x0;
	s6 =	sshll.u32 s6, $0x1;
	s7 =	sadd.s32 s19, s5  }
0xa3: {  	[timem:s20], [sflag:s8] =	dma.local [hbm:s7], s6  }
0xa4: {  	_ =	swait.ge [sflag:s8], s6  }
0xa5: {  	s6 =	ssub.s32 $0x0, s6;
	[sflag:s8] =	ssyncset.done $0x0  }
0xa6: {  	[sflag:s8] =	ssyncadd.s32 s6;
	_ =	sdelay $0x1  }
0xa7: {  	s21 =	simm.s32 $0x1B8B  }
0xa8: {  	_ =	swait.ge [sflag:s21], $0x1  }
0xa9: {  	[sflag:s21] =	ssyncset.done $0x0  }
0xaa: {  	s22 =	sld [smem:$0x3FFE];
	[sflag:s21] =	ssyncadd.s32 $0xFFFFFFFF  }
0xab: {  	s24 =	simm.s32 $0x1B8E;
	s23 =	sld [smem:$0x0]  }
0xac: {  	s25 =	simm.s32 $execute0_lowered;
	[smem:$0x3FD2] =	sst s24  }
0xad: {  	s8 =	sshll.u32 s25, $0x1;
	_ =	strace $0x80000046;
	[dreg:$0x1] =	wrdreg $0xFFFFFFFF  }
0xae: {  	s9 =	simm.s32 $_size_execute0_lowered;
	s8 =	sadd.s32 s5, s8;
	[dreg:$0x0] =	wrdreg $0x0  }
0xaf: {  	s9 =	sshll.u32 s9, $0x1;
	[dreg:$0x2] =	wrdreg s8  }
0xb0: {  	[dreg:$0x3] =	wrdreg s9  }
0xb1: {  	[dreg:$0x4] =	wrdreg $0xC0  }
0xb2: {  	s26 =	simm.s32 $execute1_lowered;
	_ =	task [dreg:s20], $0x5FFFF  }
0xb3: {  	s8 =	sshll.u32 s26, $0x1;
	[dreg:$0x1] =	wrdreg $0xFFFFFFFF  }
0xb4: {  	s5 =	sadd.s32 s5, s8;
	[dreg:$0x0] =	wrdreg $0x60  }
0xb5: {  	[dreg:$0x2] =	wrdreg s5  }
0xb6: {  	[dreg:$0x3] =	wrdreg s22  }
0xb7: {  	[dreg:$0x4] =	wrdreg $0x9  }
0xb8: {  	_ =	task.clear_ibuf [dreg:s20], $0x5FFFF;
	_ =	strace $0x90000046  }
0xb9: {  	s28 =	simm.s32 $0x9;
	_ =	strace $0x80000048  }
0xba: {  	_ =	swait.ge [sflag:s28], $0x1  }
0xbb: {  	[sflag:s28] =	ssyncadd.s32 $0xFFFFFFFF  }
0xbc: {  	_ =	strace $0x90000048  }
0xbd: {  	s5 =	sld [smem:$0x0]  }
0xbe: {  	s8 =	sand.u32 $0xFFFFFFFE, s1  }
0xbf: {  	p0 =	sne.s32 s1, s8  }
0xc0: {  	s8 =	sshll.u32 @p0 s8, $0xE  }
0xc1: {  	s8 =	sadd.s32 @p0 $0x11BF3, s8;
	s9 =	sshll.u32 @p0 s5, $0x11  }
0xc2: {  	s8 =	sor.u32 @p0 s9, s8  }
0xc3: {  	[sflag:s8] =	ssyncadd.remote.s32 @p0 $0x1;
	_ =	sdelay $0x1  }
0xc4: {  	s8 =	simm.s32 @p0 $0x1BF3  }
0xc5: {  	_ =	swait.eq @p0 [sflag:s8], $0x1  }
0xc6: {  	[sflag:s8] =	ssyncadd.s32 @p0 $0xFFFFFFFF  }
0xc7: {  	s9 =	sshll.u32 @!p0 s1, $0xE  }
0xc8: {  	s9 =	sor.u32 @!p0 $0x4000, s9;
	s8 =	simm.s32 @!p0 $0x1BF3  }
0xc9: {  	s5 =	sshll.u32 @!p0 s5, $0x11;
	s9 =	sadd.s32 @!p0 $0x11BF3, s9;
	_ =	swait.eq @!p0 [sflag:s8], $0x1  }
0xca: {  	s5 =	sor.u32 @!p0 s5, s9;
	[sflag:s8] =	ssyncadd.s32 @!p0 $0xFFFFFFFF  }
0xcb: {  	[sflag:s5] =	ssyncadd.remote.s32 @!p0 $0x1  }
0xcc: {  	_ =	strace $0x80000049;
	[dreg:$0x1] =	wrdreg $0xFFFFFFFF  }
0xcd: {  	[dreg:$0x0] =	wrdreg $0x2030  }
0xce: {  	[dreg:$0x2] =	wrdreg s22  }
0xcf: {  	[dreg:$0x3] =	wrdreg s16  }
0xd0: {  	[dreg:$0x4] =	wrdreg s15  }
0xd1: {  	[dreg:$0x5] =	wrdreg s1  }
0xd2: {  	[dreg:$0x6] =	wrdreg s23  }
0xd3: {  	[dreg:$0x7] =	wrdreg $0xA  }
0xd4: {  	_ =	task.clear_ibuf [dreg:s20], $0x8FFFF;
	_ =	strace $0x90000049  }
0xd5: {  	s29 =	simm.s32 $0xA;
	_ =	strace $0x8000004B  }
0xd6: {  	_ =	swait.ge [sflag:s29], $0x1  }
0xd7: {  	[sflag:s29] =	ssyncadd.s32 $0xFFFFFFFF  }
0xd8: {  	_ =	strace $0x9000004B  }
0xd9: {  	_ =	sfence  }
0xda: {  	s30 =	sld [smem:$0x0];
	_ =	sdelay $0x2  }
0xdb: {  	s31 =	sshll.u32 s1, $0xD;
	s1 =	sshrl.u32 s1, $0x2  }
0xdc: {  	s4 =	sand.u32 $0x4000, s31;
	s1 =	sadd.s32 s1, s30  }
0xdd: {  	s0 =	sor.u32 s4, s0;
	s1 =	sshll.u32 s1, $0x11  }
0xde: {  	s0 =	sor.u32 s1, s0  }
0xdf: {  	s0 =	sadd.s32 $0x8F2B, s0  }
0xe0: {  	[sflag:s0] =	ssyncadd.remote.s32 $0x1  }
0xe1: {  	_ =	sfence.sel $0xFFFF  }
0xe2: {  	[dreg:$0x0] =	wrdreg $0xFFFFFFFF;
	(pc) =	sbr.abs _section_cstart, $3  }
0xe3: {  	[dreg:$0x1] =	wrdreg $0xFFFFFFFF  }
0xe4: {  	_ =	task.clear_ibuf [dreg:s20], $0x2FFFF;
	_ =	strace $0x9FFFFFFF  }
0xe5: {  	(tm) =	ssettm $0x7FFFFFFF  }
tec
execute0_lowered:
.L_overlay_start_1:
0x0: {  	(tag) =	ssettag $0x1  }
0x1: {  	s2 =	rddreg [dreg:$0x0]  }
0x2: {  	s5 =	rddreg [dreg:$0x1]  }
0x3: {  	s0 =	rddreg [dreg:$0x2];
	s3 =	stileid.u32;
	[bflag:$0x3] =	sbarrier.arrive $0xFFFF  }
0x4: {  	s1 =	simm.s32 $_size_execute1_lowered;
	s29 =	srdreg.scid;
	s31 =	simm.s32 $0x2  }
0x5: {  	s13 =	simm.s32 $0x0;
	s8 =	simm.s32 $0x40;
	p0 =	sne.s32 s3, $0x0  }
0x6: {  	s1 =	sshll.u32 s1, $0x1;
	s4 =	simm.s32 @!p0 $0x1C3F;
	s6 =	simm.s32 @!p0 $0x4060  }
0x7: {  	[timem:s6], [sflag:s4] =	dma.local @!p0 [hbm:s2], s1  }
0x8: {  	s9 =	simm.s32 $0x80;
	s11 =	simm.s32 $0x0;
	s2 =	sshll.u32 s29, $0x8  }
.Ltmp0:
0x9: {  	s3 =	sshll.u32 s3, $0x9;
	s30 =	sand.u32 $0x100, s2;
	(pc) =	sbr.rel .LBB2_1-.Ltmp0, $4  }
0xa: {  	s12 =	simm.s32 $0x0;
	s4 =	simm.s32 $0x1;
	s3 =	sor.u32 s3, s30  }
0xb: {  	_ =	strace $0x80000047;
	s2 =	sadd.s32 $0x13C00, s5;
	s7 =	ssub.s32 $0x2700, s3  }
0xc: {  	s5 =	sadd.s32 $0x3AE00, s5;
	[sflag:s4] =	ssyncpa.u1 $0x0;
	s6 =	sshrl.u32 s7, $0xD  }
0xd: {  	[sflag:s31] =	ssyncpa.u1 $0x0;
	s10 =	smov.u32 s3;
	s7 =	sor.u32 $0x2, s6  }
.LBB2_5:
0xe: {  	_ =	sdelay $0x3  }
0xf: {  	[tilespmem:v3+s18+$0x0 ss:$0x1] =	vst.idx.msk $0xffff, v1  }
0x10: {  	[tilespmem:v3+s17+$0x0 ss:$0x1] =	vst.idx.msk $0xffff, v2  }
0x11: {  	[tilespmem:v3+s16+$0x0 ss:$0x1] =	vst.idx.msk $0xffff, v4  }
0x12: {  	[tilespmem:v3+s19+$0x0 ss:$0x1] =	vst.idx.msk $0xffff, v5  }
.LBB2_6:
0x13: {  	s16 =	sand.u32 $0x1FFFFFF, s11  }
0x14: {  	s17 =	smulhi.u32 $0x1A36E2F, s16;
	_ =	sdelay $0x1  }
0x15: {  	s17 =	sshrl.u32 s17, $0x6  }
0x16: {  	s17 =	smul.u32 $0x2710, s17;
	_ =	sdelay $0x1  }
0x17: {  	s16 =	ssub.s32 s16, s17  }
0x18: {  	s16 =	sshll.u32 s16, $0x4  }
0x19: {  	s16 =	sadd.s32 s5, s16  }
0x1a: {  	[hbm4b:s16+s8] =	stream.strided.scatter [tilespmem:s15], [sflag:$0x2], s14, s9, s8, $0x38;
	[tilespmem:$0x10000] =	vst v63  }
.LBB2_7:
0x1b: {  	p1 =	slt.u32 s12, $0x2  }
0x1c: {  	p2 =	sgt.s32 @!p1 s13, $0x2610  }
0x1d: {  	s14 =	smov.u32 s13;
	s15 =	sshra.s32 @!p1 s13, $0x1F;
	p2 =	por !p2, p1  }
0x1e: {  	s13 =	sand.u32 @!p1 s15, s13;
	s14 =	simm.s32 @p2 $0x2610  }
0x1f: {  	s13 =	ssub.s32 @!p1 s14, s13  }
0x20: {  	s13 =	sadd.s32 @!p1 $0xFFFFD9F0, s13  }
0x21: {  	s14 =	sshll.u32 @!p1 s13, $0x8  }
0x22: {  	p2 =	sgt.s32 @!p1 s13, $0xFF;
	s13 =	ssub.s32 @!p1 $0x10000, s14  }
0x23: {  	s15 =	sadd.s32 $0x2000, s10;
	p2 =	por !p2, p1;
	s13 =	sshrl.u32 @!p1 s13, $0x2  }
0x24: {  	s13 =	simm.s32 @!p2 $0x0;
	p2 =	sgt.s32 s15, $0x270F  }
0x25: {  	s15 =	smov.u32 @p2 s3;
	p2 =	sne.s32 s12, s7  }
.Ltmp1:
0x26: {  	_ = 	snop;
	(pc) =	sbr.rel @!p2 .LBB2_8-.Ltmp1, $4  }
0x27: {  	s14 =	simm.s32 @!p1 $0x2  }
0x28: {  	_ =	swait.ge @!p1 [sflag:s14], s13;
	s16 =	ssub.s32 @!p1 $0x0, s13  }
0x29: {  	s13 =	smov.u32 s11;
	s12 =	sadd.s32 $0x1, s12;
	[sflag:s14] =	ssyncset.done @!p1 $0x0  }
0x2a: {  	s11 =	smov.u32 s10;
	s10 =	smov.u32 s15;
	[sflag:s14] =	ssyncadd.s32 @!p1 s16  }
.LBB2_1:
0x2b: {  	p1 =	sgt.u32 s12, s6  }
0x2c: {  	s15 =	smov.u32 s10;
	p2 =	sgt.s32 @!p1 s10, $0x2610  }
0x2d: {  	s14 =	sand.u32 @!p1 $0x1FFFFFF, s10;
	s16 =	sshra.s32 @!p1 s10, $0x1F;
	p2 =	por !p2, p1  }
0x2e: {  	s17 =	smulhi.u32 @!p1 $0x1A36E2F, s14;
	s16 =	sand.u32 @!p1 s16, s10;
	s15 =	simm.s32 @p2 $0x2610  }
0x2f: {  	s15 =	ssub.s32 @!p1 s15, s16  }
0x30: {  	s16 =	sshrl.u32 @!p1 s17, $0x6;
	s15 =	sadd.s32 @!p1 $0xFFFFD9F0, s15  }
0x31: {  	s17 =	sxor.u32 @!p1 $0xFFFFFFFF, s12;
	s16 =	smul.u32 @!p1 $0x2710, s16;
	s18 =	sshll.u32 @!p1 s15, $0x8  }
0x32: {  	s17 =	sshll.u32 @!p1 s17, $0xE;
	p2 =	sgt.s32 @!p1 s15, $0xFF;
	s15 =	ssub.s32 @!p1 $0x10000, s18  }
0x33: {  	s14 =	ssub.s32 @!p1 s14, s16;
	p2 =	por !p2, p1;
	s16 =	sand.u32 @!p1 $0x4000, s17  }
0x34: {  	s17 =	simm.s32 @!p1 $0x40;
	s15 =	sshrl.u32 @!p1 s15, $0x2;
	s14 =	sshll.u32 @!p1 s14, $0x4  }
0x35: {  	s18 =	simm.s32 @!p1 $0x80;
	s15 =	simm.s32 @!p2 $0x0;
	s14 =	sadd.s32 @!p1 s2, s14  }
0x36: {  	[tilespmem:s16], [sflag:$0x1] =	stream.strided.gather @!p1 [hbm4b:s14+s17], s15, s18, s17, $0x38;
	[tilespmem:$0x10000] =	vst v63  }
0x37: {  	p1 =	seq.s32 s12, $0x0  }
0x38: {  	p2 =	sge.u32 @!p1 s12, s7  }
0x39: {  	p1 =	por p1, p2  }
.Ltmp2:
0x3a: {  	_ = 	snop;
	(pc) =	sbr.rel @p1 .LBB2_7-.Ltmp2, $1  }
0x3b: {  	_ =	sdelay $0x3  }
0x3c: {  	p1 =	sgt.s32 s11, $0x2610;
	s14 =	smov.u32 s11;
	s15 =	sshra.s32 s11, $0x1F  }
0x3d: {  	s14 =	simm.s32 @!p1 $0x2610;
	s15 =	sand.u32 s15, s11  }
0x3e: {  	s14 =	ssub.s32 s14, s15  }
0x3f: {  	s14 =	sadd.s32 $0xFFFFD9F0, s14  }
0x40: {  	s31 =	sshll.u32 s14, $0x8  }
0x41: {  	s15 =	ssub.s32 $0x10000, s31  }
0x42: {  	p1 =	sgt.s32 s14, $0xFF;
	s14 =	sshrl.u32 s15, $0x2;
	s15 =	sadd.s32 $0x100, s11  }
0x43: {  	s14 =	simm.s32 @p1 $0x0;
	p1 =	slt.s32 s15, $0x2710  }
0x44: {  	s15 =	simm.s32 @!p1 $0x2710  }
0x45: {  	s20 =	ssub.s32 s15, s11  }
0x46: {  	p1 =	slt.s32 s20, $0x1  }
.Ltmp3:
0x47: {  	_ = 	snop;
	(pc) =	sbr.rel @p1 .LBB2_6-.Ltmp3, $4  }
0x48: {  	_ = 	snop  }
0x49: {  	s16 =	sshll.u32 s12, $0xE;
	_ =	swait.ge [sflag:s4], s14  }
0x4a: {  	s16 =	sand.u32 $0x4000, s16;
	s17 =	ssub.s32 $0x0, s14;
	[sflag:s4] =	ssyncset.done $0x0  }
0x4b: {  	s15 =	sor.u32 $0x8000, s16;
	[sflag:s4] =	ssyncadd.s32 s17  }
0x4c: {  	v0 =	vmov s16;
	_ =	sdelay $0x2  }
0x4d: {  	s31 =	simm.s32 $0x0;
	p1 =	sne.s32 s20, $0x1  }
.Ltmp4:
0x4e: {  	s18 =	sand.u32 $0x3FC0, s31;
	(pc) =	sbr.rel @!p1 .LBB2_5-.Ltmp4, $4  }
0x4f: {  	s17 =	sor.u32 $0x30, s18;
	v1 =	vld.idx.msk [tilespmem:v0+s18+$0x0 ss:$0x1], $0xffff  }
0x50: {  	v3 =	vmov s15;
	s16 =	sor.u32 $0x10, s18;
	v2 =	vld.idx.msk [tilespmem:v0+s17+$0x0 ss:$0x1], $0xffff  }
0x51: {  	s19 =	sor.u32 $0x20, s18;
	v4 =	vld.idx.msk [tilespmem:v0+s16+$0x0 ss:$0x1], $0xffff  }
0x52: {  	s20 =	sadd.s32 $0xFFFFFFFF, s20;
	s21 =	simm.s32 $0x40;
	v5 =	vld.idx.msk [tilespmem:v0+s19+$0x0 ss:$0x1], $0xffff  }
.LBB2_4:
0x53: {  	s22 =	sand.u32 $0x3FC0, s21  }
0x54: {  	p1 =	sne.s32 s20, $0x1;
	s20 =	sadd.s32 $0xFFFFFFFF, s20;
	s23 =	sor.u32 $0x10, s22  }
.Ltmp5:
0x55: {  	s24 =	sor.u32 $0x20, s22;
	s25 =	sor.u32 $0x30, s22;
	[tilespmem:v3+s18+$0x0 ss:$0x1] =	vst.idx.msk $0xffff, v1;
	v1 =	vld.idx.msk [tilespmem:v0+s22+$0x0 ss:$0x1], $0xffff;
	(pc) =	sbr.rel @p1 .LBB2_4-.Ltmp5, $4  }
0x56: {  	s18 =	smov.u32 s22;
	[tilespmem:v3+s17+$0x0 ss:$0x1] =	vst.idx.msk $0xffff, v2;
	v2 =	vld.idx.msk [tilespmem:v0+s25+$0x0 ss:$0x1], $0xffff;
	s17 =	smov.u32 s25  }
0x57: {  	[tilespmem:v3+s16+$0x0 ss:$0x1] =	vst.idx.msk $0xffff, v4;
	v4 =	vld.idx.msk [tilespmem:v0+s23+$0x0 ss:$0x1], $0xffff;
	s16 =	smov.u32 s23  }
0x58: {  	[tilespmem:v3+s19+$0x0 ss:$0x1] =	vst.idx.msk $0xffff, v5;
	v5 =	vld.idx.msk [tilespmem:v0+s24+$0x0 ss:$0x1], $0xffff;
	s19 =	smov.u32 s24  }
0x59: {  	s21 =	sadd.s32 $0x40, s21  }
.Ltmp6:
0x5a: {  	_ = 	snop;
	(pc) =	sbr.rel .LBB2_5-.Ltmp6, $1  }
0x5b: {  	_ =	sdelay $0x3  }
.LBB2_8:
0x5c: {  	_ =	sfence.sel $0x180000  }
0x5d: {  	s2 =	simm.s32 $0x1;
	[bflag:$0x0] =	sbarrier.arrive $0xFFFF  }
0x5e: {  	s31 =	simm.s32 $0x2;
	[sflag:s2] =	ssyncpa.u1 $0x1  }
0x5f: {  	[sflag:s31] =	ssyncpa.u1 $0x1  }
0x60: {  	_ =	strace $0x90000047  }
0x61: {  	s0 =	sadd.s32 @!p0 $0x100000, s0;
	[bflag:$0x2] =	sbarrier.arrive $0xFFFF  }
0x62: {  	[sflag:s0] =	ssyncadd.tile.s32 @!p0 $0x1;
	s0 =	simm.s32 @!p0 $0x3F  }
0x63: {  	_ =	swait.ge @!p0 [sflag:s0], s1  }
0x64: {  	s1 =	ssub.s32 @!p0 $0x0, s1;
	[sflag:s0] =	ssyncset.done @!p0 $0x0  }
0x65: {  	[sflag:s0] =	ssyncadd.s32 @!p0 s1  }
0x66: {  	[bflag:$0x3] =	sbarrier.arrive $0xFFFF  }
0x67: {  	_ =	shalt  }
.Lfunc_end2:
execute1_lowered:
.L_overlay_start_2:
0x68: {  	(tag) =	ssettag $0x2  }
0x69: {  	s2 =	rddreg [dreg:$0x0]  }
0x6a: {  	s0 =	rddreg [dreg:$0x1]  }
0x6b: {  	s6 =	rddreg [dreg:$0x2]  }
0x6c: {  	s4 =	rddreg [dreg:$0x3];
	_ =	strace $0x8000004A;
	s1 =	simm.s32 $0x1  }
0x6d: {  	s3 =	simm.s32 $0x88;
	v0 =	vimm.s32 $0x0;
	[sflag:s1] =	ssyncpa.u1 $0x0  }
0x6e: {  	[tilespmem:s3+$0x30] =	vst v0  }
0x6f: {  	s1 =	sadd.s32 $0x3AE00, s2;
	[tilespmem:s3+$0x20] =	vst v0  }
0x70: {  	s2 =	sadd.s32 $0x9E00, s2;
	s7 =	sand.u32 $0x1, s4;
	s4 =	simm.s32 $0x40;
	[tilespmem:s3+$0x10] =	vst v0  }
.LBB3_1:
0x71: {  	s4 =	sadd.s32 $0x40, s4  }
0x72: {  	[tilespmem:s3+$0x0] =	vst v0;
	s3 =	sadd.s32 $0x40, s3;
	p0 =	slt.u32 s4, $0x5040  }
.Ltmp7:
0x73: {  	(pc) =	sbr.rel @p0 .LBB3_1-.Ltmp7, $4  }
0x74: {  	_ = 	snop  }
0x75: {  	[tilespmem:s3+$0x30] =	vst v0  }
0x76: {  	[tilespmem:s3+$0x20] =	vst v0  }
0x77: {  	[tilespmem:s3+$0x10] =	vst v0  }
0x78: {  	s8 =	stileid.u32  }
0x79: {  	s4 =	smul.u32 $0x1F, s8  }
0x7a: {  	s5 =	smin.u32 s8, $0x4  }
0x7b: {  	s4 =	sadd.s32 s5, s4  }
0x7c: {  	p0 =	slt.u32 s8, $0x4;
	s12 =	smul.u32 $0x140, s4;
	s4 =	simm.s32 $0x2800  }
0x7d: {  	s4 =	simm.s32 @!p0 $0x26C0  }
0x7e: {  	s25 =	simm.s32 $0x2;
	s4 =	sadd.s32 s4, s12  }
0x7f: {  	s28 =	simm.s32 $0x9;
	s9 =	simm.s32 $0xA;
	s14 =	smin.u32 s4, $0x27100  }
0x80: {  	s30 =	simm.s32 $0xB;
	[dreg:$0x6] =	wrdreg s7;
	s4 =	ssub.s32 s14, s12  }
0x81: {  	s31 =	smul.u32 $0x4E20, s7;
	s13 =	simm.s32 $0x1;
	p0 =	sgt.s32 s4, $0x0  }
0x82: {  	s19 =	simm.s32 $0x0;
	s20 =	simm.s32 $0xA808;
	s4 =	simm.s32 @!p0 $0x0  }
0x83: {  	s21 =	simm.s32 $0xFFFFFFFF;
	p1 =	por $0x0, $0x0;
	s26 =	smulhi.u32 $0x66666667, s4  }
0x84: {  	[tilespmem:s3+$0x0] =	vst v0;
	s23 =	simm.s32 $0x0;
	[sflag:s25] =	ssyncpa.u1 $0x0;
	s18 =	sshll.u32 s8, $0x7  }
0x85: {  	s0 =	sadd.s32 s31, s0;
	[dreg:$0xc] =	wrdreg s18;
	s3 =	sshrl.u32 s26, $0x7  }
0x86: {  	v0 =	vimm.s32 $0xFFFFFFFF;
	s17 =	sadd.s32 s31, s2;
	[dreg:$0xb] =	wrdreg s0;
	s29 =	smul.u32 $0x140, s3  }
0x87: {  	s25 =	simm.s32 $0x0;
	[tilespmem:$0xA108] =	vst v0;
	[sflag:s28] =	ssyncpa.u1 $0x0;
	[dreg:$0xa] =	wrdreg s17  }
.Ltmp8:
0x88: {  	p0 =	sne.s32 s4, s29;
	s4 =	simm.s32 $0x1;
	(pc) =	sbr.rel .LBB3_3-.Ltmp8, $4  }
0x89: {  	[sflag:s9] =	ssyncpa.u1 $0x0;
	[dreg:$0x7] =	wrdreg s12;
	s4 =	simm.s32 @!p0 $0x0  }
0x8a: {  	[sflag:s30] =	ssyncpa.u1 $0x0;
	[dreg:$0x8] =	wrdreg s14;
	s15 =	sadd.s32 s4, s3  }
0x8b: {  	s24 =	smov.u32 s12;
	s22 =	sadd.s32 $0x1, s15;
	[dreg:$0x9] =	wrdreg s15  }
0x8c: {  	v0 =	vlaneseq.u32;
	s26 =	simm.s32 $0x0;
	p0 =	por $0x1, $0x1;
	[dreg:$0xd] =	wrdreg s22  }
.LBB3_22:
0x8d: {  	s0 =	sshrl.u32 s3, $0x2  }
.LBB3_24:
0x8e: {  	s3 =	simm.s32 $0xC  }
0x8f: {  	_ =	swait.ge [sflag:s3], s0  }
0x90: {  	s31 =	ssub.s32 $0x0, s0;
	v1 =	vmov s4;
	vm0 =	veq.s32 v0, $0x0;
	[sflag:s3] =	ssyncset.done $0x0  }
0x91: {  	vm15 =	veq.s32 v0, $0x2;
	v1 =	vsel vm0, s2, v1;
	[sflag:s3] =	ssyncadd.s32 s31  }
0x92: {  	v1 =	vsel vm15, s26, v1;
	[sflag:s3] =	ssyncpa.u1 $0x1  }
0x93: {  	[tilespmem:$0xA108] =	vst v1  }
.LBB3_25:
0x94: {  	s0 =	sadd.s32 $0x140, s24  }
0x95: {  	s2 =	smov.u32 s12;
	p2 =	slt.s32 s0, s14  }
0x96: {  	s2 =	smov.u32 @p2 s0;
	p2 =	sne.s32 s25, s22  }
.Ltmp9:
0x97: {  	_ = 	snop;
	(pc) =	sbr.rel @!p2 .LBB3_26-.Ltmp9, $4  }
0x98: {  	_ = 	snop  }
0x99: {  	s26 =	smov.u32 s23;
	s31 =	sadd.s32 $0x1, s25;
	p0 =	por !p0, !p0  }
0x9a: {  	s23 =	smov.u32 s24;
	s20 =	sadd.s32 $0x140, s20;
	s21 =	sadd.s32 $0x1, s21  }
0x9b: {  	p1 =	por !p1, !p1;
	s25 =	smov.u32 s31;
	s24 =	smov.u32 s2  }
.LBB3_3:
0x9c: {  	p2 =	sge.u32 s25, s15  }
0x9d: {  	s0 =	smulhi.u32 @!p2 $0xAAAAAAAB, s25  }
0x9e: {  	s2 =	smov.u32 s24;
	p3 =	sgt.s32 @!p2 s24, $0x26FC0  }
0x9f: {  	s3 =	sshra.s32 @!p2 s24, $0x1F;
	p3 =	por !p3, p2;
	s0 =	sshrl.u32 @!p2 s0, $0x1  }
0xa0: {  	s3 =	sand.u32 @!p2 s3, s24;
	s2 =	simm.s32 @p3 $0x26FC0;
	s0 =	smul.u32 @!p2 $0x3, s0  }
0xa1: {  	s2 =	ssub.s32 @!p2 s2, s3  }
0xa2: {  	s2 =	sadd.s32 @!p2 $0xFFFD9040, s2;
	s0 =	ssub.s32 @!p2 s25, s0  }
0xa3: {  	s3 =	sshll.u32 @!p2 s2, $0x2;
	p3 =	sgt.s32 @!p2 s2, $0x13F;
	s0 =	smul.u32 @!p2 $0x500, s0  }
0xa4: {  	s4 =	sand.u32 @!p2 $0x7, s24;
	s2 =	ssub.s32 @!p2 $0x500, s3;
	p3 =	por !p3, p2  }
0xa5: {  	s3 =	sshrl.u32 @!p2 s24, $0x3;
	s2 =	sshrl.u32 @!p2 s2, $0x2;
	s0 =	sshrl.u32 @!p2 s0, $0x2  }
0xa6: {  	s3 =	sadd.s32 @!p2 s3, s17;
	s2 =	simm.s32 @!p3 $0x0;
	s0 =	sadd.s32 @!p2 $0xA948, s0  }
0xa7: {  	[tilespmem:s0], [sflag:$0xA] =	stream.linear.gather @!p2 [hbm4b:s3+s4], s2, $0x38;
	[tilespmem:$0x1EF88] =	vst v63  }
0xa8: {  	s0 =	sadd.s32 $0xFFFFFFFF, s25  }
0xa9: {  	p2 =	sge.u32 s0, s15  }
.Ltmp10:
0xaa: {  	_ = 	snop;
	(pc) =	sbr.rel @p2 .LBB3_7-.Ltmp10, $1  }
0xab: {  	_ =	sdelay $0x3  }
0xac: {  	p2 =	sgt.s32 s23, $0x26FC0;
	s2 =	smov.u32 s23;
	s3 =	sshra.s32 s23, $0x1F  }
0xad: {  	s2 =	simm.s32 @!p2 $0x26FC0;
	s3 =	sand.u32 s3, s23  }
0xae: {  	s17 =	smulhi.u32 $0xAAAAAAAB, s21;
	s2 =	ssub.s32 s2, s3  }
0xaf: {  	s0 =	sand.u32 $0x1, s0;
	s2 =	sadd.s32 $0xFFFD9040, s2  }
0xb0: {  	s5 =	simm.s32 $0xA;
	s3 =	sshrl.u32 s17, $0x1;
	s4 =	sshll.u32 s2, $0x2  }
0xb1: {  	s7 =	sshrl.u32 s23, $0x3;
	s3 =	smul.u32 $0xFFFFF100, s3;
	s4 =	ssub.s32 $0x500, s4  }
0xb2: {  	s18 =	smul.u32 $0x500, s0;
	p2 =	sgt.s32 s2, $0x13F;
	s2 =	sshrl.u32 s4, $0x2  }
0xb3: {  	s9 =	sand.u32 $0x7, s23;
	s3 =	sshra.s32 s3, $0x2;
	s2 =	simm.s32 @p2 $0x0  }
0xb4: {  	s0 =	sadd.s32 s3, s20;
	s4 =	sshrl.u32 s18, $0x2;
	_ =	swait.ge [sflag:s5], s2  }
0xb5: {  	s22 =	ssub.s32 $0x0, s2;
	[sflag:s5] =	ssyncset.done $0x0;
	s8 =	rddreg [dreg:$0xb]  }
0xb6: {  	s4 =	sadd.s32 $0xAD08, s4;
	[sflag:s5] =	ssyncadd.s32 s22;
	s3 =	sadd.s32 s7, s8  }
0xb7: {  	[tilespmem:s4], [sflag:$0xB] =	stream.linear.gather [hbm4b:s3+s9], s2, $0x38;
	[tilespmem:$0x1EF88] =	vst v63  }
0xb8: {  	v1 =	vld.msk [tilespmem:s0+$0x0], $0xffff;
	_ =	sdelay $0x4  }
0xb9: {  	v1 =	vshll.u32 v1, $0x4  }
0xba: {  	(v2sf) =	vpush v1, $0x0  }
0xbb: {  	(v2sf) =	vpush v1, $0x1  }
0xbc: {  	(v2sf) =	vpush v1, $0x2;
	_ =	sdelay $0x3  }
0xbd: {  	(v2sf) =	vpush v1, $0x3;
	_ =	sdelay $0x1  }
0xbe: {  	(v2sf) =	vpush v1, $0x4  }
0xbf: {  	s2 =	simm.s32 $0x1;
	(v2sf) =	vpush v1, $0x5  }
0xc0: {  	s2 =	simm.s32 @!p0 $0x0  }
0xc1: {  	s2 =	smul.u32 $0x28000, s2;
	(v2sf) =	vpush v1, $0x6;
	_ =	sdelay $0x1  }
0xc2: {  	s2 =	sshrl.u32 s2, $0x2  }
0xc3: {  	s28 =	sadd.s32 $0xB708, s2  }
0xc4: {  	s12 =	sadd.s32 $0xFFFFF880, s28;
	s17 =	sadd.s32 $0xFFFFF900, s28;
	s10 =	spop (v2sf);
	(v2sf) =	vpush v1, $0x7  }
0xc5: {  	s18 =	sadd.s32 $0xFFFFF980, s28;
	s11 =	sand.u32 $0x1FFFFFF0, s10;
	s14 =	spop (v2sf)  }
0xc6: {  	(v2sf) =	vpush v1, $0x8;
	s2 =	sadd.s32 s6, s11;
	s15 =	sand.u32 $0x1FFFFFF0, s14;
	s16 =	spop (v2sf)  }
0xc7: {  	[tilespmem:s12], [sflag:$0x9] =	stream.linear.gather [hbm4b:s2+s19], $0x40, $0x38;
	[tilespmem:$0x1EF88] =	vst v63  }
0xc8: {  	s5 =	sadd.s32 $0xFFFFFA00, s28;
	s2 =	sadd.s32 s6, s15;
	s3 =	sand.u32 $0x1FFFFFF0, s16  }
0xc9: {  	(v2sf) =	vpush v1, $0x9;
	[tilespmem:s17], [sflag:$0x9] =	stream.linear.gather [hbm4b:s2+s19], $0x40, $0x38;
	[tilespmem:$0x1EF88] =	vst v63  }
0xca: {  	s7 =	sadd.s32 $0xFFFFFA80, s28;
	s22 =	spop (v2sf);
	s3 =	sadd.s32 s6, s3  }
0xcb: {  	(v2sf) =	vpush v1, $0xA;
	[tilespmem:s18], [sflag:$0x9] =	stream.linear.gather [hbm4b:s3+s19], $0x40, $0x38;
	[tilespmem:$0x1EF88] =	vst v63  }
0xcc: {  	s11 =	sadd.s32 $0xFFFFFB00, s28;
	s4 =	spop (v2sf);
	(v2sf) =	vpush v1, $0xB;
	s3 =	sand.u32 $0x1FFFFFF0, s22  }
0xcd: {  	s8 =	spop (v2sf);
	s2 =	sadd.s32 s6, s3;
	s3 =	sand.u32 $0x1FFFFFF0, s4  }
0xce: {  	(v2sf) =	vpush v1, $0xC;
	[tilespmem:s5], [sflag:$0x9] =	stream.linear.gather [hbm4b:s2+s19], $0x40, $0x38;
	[tilespmem:$0x1EF88] =	vst v63  }
0xcf: {  	s9 =	sand.u32 $0x1FFFFFF0, s8;
	s10 =	spop (v2sf);
	s3 =	sadd.s32 s6, s3  }
0xd0: {  	(v2sf) =	vpush v1, $0xD;
	[tilespmem:s7], [sflag:$0x9] =	stream.linear.gather [hbm4b:s3+s19], $0x40, $0x38;
	[tilespmem:$0x1EF88] =	vst v63  }
0xd1: {  	s12 =	sadd.s32 $0xFFFFFB80, s28;
	s2 =	sadd.s32 s6, s9;
	s3 =	sand.u32 $0x1FFFFFF0, s10  }
0xd2: {  	[tilespmem:s11], [sflag:$0x9] =	stream.linear.gather [hbm4b:s2+s19], $0x40, $0x38;
	[tilespmem:$0x1EF88] =	vst v63  }
0xd3: {  	s17 =	sadd.s32 $0xFFFFFC00, s28;
	s3 =	sadd.s32 s6, s3;
	s14 =	spop (v2sf)  }
0xd4: {  	[tilespmem:s12], [sflag:$0x9] =	stream.linear.gather [hbm4b:s3+s19], $0x40, $0x38;
	(v2sf) =	vpush v1, $0xE;
	[tilespmem:$0x1EF88] =	vst v63  }
0xd5: {  	s18 =	sadd.s32 $0xFFFFFC80, s28;
	s15 =	sand.u32 $0x1FFFFFF0, s14;
	s16 =	spop (v2sf)  }
0xd6: {  	s5 =	sadd.s32 $0xFFFFFD00, s28;
	(v2sf) =	vpush v1, $0xF;
	s2 =	sadd.s32 s6, s15;
	s3 =	sand.u32 $0x1FFFFFF0, s16  }
0xd7: {  	[tilespmem:s17], [sflag:$0x9] =	stream.linear.gather [hbm4b:s2+s19], $0x40, $0x38;
	[tilespmem:$0x1EF88] =	vst v63  }
0xd8: {  	s7 =	sadd.s32 $0xFFFFFD80, s28;
	s22 =	spop (v2sf);
	s3 =	sadd.s32 s6, s3  }
0xd9: {  	[tilespmem:s18], [sflag:$0x9] =	stream.linear.gather [hbm4b:s3+s19], $0x40, $0x38;
	[tilespmem:$0x1EF88] =	vst v63  }
0xda: {  	s11 =	sadd.s32 $0xFFFFFE00, s28;
	s4 =	spop (v2sf);
	s3 =	sand.u32 $0x1FFFFFF0, s22  }
0xdb: {  	s8 =	spop (v2sf);
	s2 =	sadd.s32 s6, s3;
	s3 =	sand.u32 $0x1FFFFFF0, s4  }
0xdc: {  	[tilespmem:s5], [sflag:$0x9] =	stream.linear.gather [hbm4b:s2+s19], $0x40, $0x38;
	[tilespmem:$0x1EF88] =	vst v63  }
0xdd: {  	s9 =	sand.u32 $0x1FFFFFF0, s8;
	s10 =	spop (v2sf);
	s3 =	sadd.s32 s6, s3  }
0xde: {  	[tilespmem:s7], [sflag:$0x9] =	stream.linear.gather [hbm4b:s3+s19], $0x40, $0x38;
	[tilespmem:$0x1EF88] =	vst v63  }
0xdf: {  	s14 =	spop (v2sf);
	s2 =	sadd.s32 s6, s9;
	s3 =	sand.u32 $0x1FFFFFF0, s10  }
0xe0: {  	[tilespmem:s11], [sflag:$0x9] =	stream.linear.gather [hbm4b:s2+s19], $0x40, $0x38;
	[tilespmem:$0x1EF88] =	vst v63  }
0xe1: {  	s12 =	sadd.s32 $0xFFFFFE80, s28;
	s15 =	sand.u32 $0x1FFFFFF0, s14;
	s3 =	sadd.s32 s6, s3  }
0xe2: {  	[tilespmem:s12], [sflag:$0x9] =	stream.linear.gather [hbm4b:s3+s19], $0x40, $0x38;
	[tilespmem:$0x1EF88] =	vst v63  }
0xe3: {  	s17 =	sadd.s32 $0xFFFFFF00, s28;
	s2 =	sadd.s32 s6, s15;
	s16 =	spop (v2sf)  }
0xe4: {  	[tilespmem:s17], [sflag:$0x9] =	stream.linear.gather [hbm4b:s2+s19], $0x40, $0x38;
	[tilespmem:$0x1EF88] =	vst v63  }
0xe5: {  	s29 =	simm.s32 $0x0;
	s3 =	sand.u32 $0x1FFFFFF0, s16;
	s18 =	spop (v2sf)  }
0xe6: {  	s22 =	sadd.s32 $0xFFFFFF80, s28;
	s3 =	sadd.s32 s6, s3;
	s2 =	sand.u32 $0x1FFFFFF0, s18  }
0xe7: {  	[tilespmem:s22], [sflag:$0x9] =	stream.linear.gather [hbm4b:s3+s19], $0x40, $0x38;
	[tilespmem:$0x1EF88] =	vst v63  }
0xe8: {  	s31 =	sadd.s32 $0x10, s0;
	s30 =	sadd.s32 $0x800, s28;
	s2 =	sadd.s32 s6, s2  }
.LBB3_5:
0xe9: {  	[tilespmem:s28], [sflag:$0x9] =	stream.linear.gather [hbm4b:s2+s19], $0x40, $0x38;
	[tilespmem:$0x1EF88] =	vst v63  }
0xea: {  	s29 =	sadd.s32 $0x10, s29;
	s28 =	smov.u32 s30  }
0xeb: {  	p2 =	slt.u32 s29, $0x130;
	v1 =	vld.msk [tilespmem:s31+$0x0], $0xffff;
	_ =	sdelay $0x4  }
0xec: {  	v1 =	vshll.u32 v1, $0x4  }
0xed: {  	(v2sf) =	vpush v1, $0x0  }
0xee: {  	(v2sf) =	vpush v1, $0x1  }
0xef: {  	(v2sf) =	vpush v1, $0x2;
	_ =	sdelay $0x1  }
0xf0: {  	(v2sf) =	vpush v1, $0x3;
	_ =	sdelay $0x1  }
0xf1: {  	(v2sf) =	vpush v1, $0x4;
	_ =	sdelay $0x1  }
0xf2: {  	(v2sf) =	vpush v1, $0x5;
	_ =	sdelay $0x1  }
0xf3: {  	(v2sf) =	vpush v1, $0x6  }
0xf4: {  	s4 =	sadd.s32 $0xFFFFFE80, s30;
	s0 =	sadd.s32 $0xFFFFFF00, s30  }
0xf5: {  	s3 =	sadd.s32 $0xFFFFFD00, s30;
	s2 =	sadd.s32 $0xFFFFFD80, s30;
	s5 =	sadd.s32 $0xFFFFFE00, s30;
	(v2sf) =	vpush v1, $0x7  }
0xf6: {  	s10 =	sadd.s32 $0xFFFFFB80, s30;
	s9 =	sadd.s32 $0xFFFFFC00, s30;
	s16 =	sadd.s32 $0xFFFFFC80, s30  }
0xf7: {  	s11 =	sadd.s32 $0xFFFFFA00, s30;
	s12 =	sadd.s32 $0xFFFFFA80, s30;
	s15 =	sadd.s32 $0xFFFFFB00, s30;
	(v2sf) =	vpush v1, $0x8  }
0xf8: {  	s18 =	sadd.s32 $0xFFFFF900, s30;
	s7 =	sadd.s32 $0xFFFFF980, s30;
	s22 =	spop (v2sf)  }
0xf9: {  	s8 =	sadd.s32 $0xFFFFF880, s30;
	s22 =	sand.u32 $0x1FFFFFF0, s22;
	s14 =	spop (v2sf);
	(v2sf) =	vpush v1, $0x9  }
0xfa: {  	s22 =	sadd.s32 s6, s22;
	s14 =	sand.u32 $0x1FFFFFF0, s14;
	s17 =	spop (v2sf)  }
0xfb: {  	[tilespmem:s8], [sflag:$0x9] =	stream.linear.gather [hbm4b:s22+s19], $0x40, $0x38;
	(v2sf) =	vpush v1, $0xA;
	[tilespmem:$0x1EF88] =	vst v63  }
0xfc: {  	s8 =	sadd.s32 s6, s14;
	s14 =	sand.u32 $0x1FFFFFF0, s17;
	s17 =	spop (v2sf)  }
0xfd: {  	[tilespmem:s18], [sflag:$0x9] =	stream.linear.gather [hbm4b:s8+s19], $0x40, $0x38;
	(v2sf) =	vpush v1, $0xB;
	[tilespmem:$0x1EF88] =	vst v63  }
0xfe: {  	s8 =	sadd.s32 s6, s14;
	s14 =	sand.u32 $0x1FFFFFF0, s17;
	s17 =	spop (v2sf)  }
0xff: {  	[tilespmem:s7], [sflag:$0x9] =	stream.linear.gather [hbm4b:s8+s19], $0x40, $0x38;
	(v2sf) =	vpush v1, $0xC;
	[tilespmem:$0x1EF88] =	vst v63  }
0x100: {  	s7 =	sadd.s32 s6, s14;
	s8 =	sand.u32 $0x1FFFFFF0, s17;
	s14 =	spop (v2sf)  }
0x101: {  	[tilespmem:s11], [sflag:$0x9] =	stream.linear.gather [hbm4b:s7+s19], $0x40, $0x38;
	(v2sf) =	vpush v1, $0xD;
	[tilespmem:$0x1EF88] =	vst v63  }
0x102: {  	s7 =	sadd.s32 s6, s8;
	s8 =	sand.u32 $0x1FFFFFF0, s14;
	s11 =	spop (v2sf)  }
0x103: {  	[tilespmem:s12], [sflag:$0x9] =	stream.linear.gather [hbm4b:s7+s19], $0x40, $0x38;
	(v2sf) =	vpush v1, $0xE;
	[tilespmem:$0x1EF88] =	vst v63  }
0x104: {  	s7 =	sadd.s32 s6, s8;
	s8 =	sand.u32 $0x1FFFFFF0, s11;
	s11 =	spop (v2sf)  }
0x105: {  	[tilespmem:s15], [sflag:$0x9] =	stream.linear.gather [hbm4b:s7+s19], $0x40, $0x38;
	(v2sf) =	vpush v1, $0xF;
	[tilespmem:$0x1EF88] =	vst v63  }
0x106: {  	s7 =	sadd.s32 s6, s8;
	s8 =	sand.u32 $0x1FFFFFF0, s11;
	s11 =	spop (v2sf)  }
0x107: {  	[tilespmem:s10], [sflag:$0x9] =	stream.linear.gather [hbm4b:s7+s19], $0x40, $0x38;
	[tilespmem:$0x1EF88] =	vst v63  }
0x108: {  	s7 =	sadd.s32 s6, s8;
	s8 =	sand.u32 $0x1FFFFFF0, s11;
	s10 =	spop (v2sf)  }
0x109: {  	[tilespmem:s9], [sflag:$0x9] =	stream.linear.gather [hbm4b:s7+s19], $0x40, $0x38;
	[tilespmem:$0x1EF88] =	vst v63  }
0x10a: {  	s7 =	sadd.s32 s6, s8;
	s8 =	sand.u32 $0x1FFFFFF0, s10;
	s9 =	spop (v2sf)  }
0x10b: {  	[tilespmem:s16], [sflag:$0x9] =	stream.linear.gather [hbm4b:s7+s19], $0x40, $0x38;
	[tilespmem:$0x1EF88] =	vst v63  }
0x10c: {  	s7 =	sadd.s32 s6, s8;
	s8 =	sand.u32 $0x1FFFFFF0, s9;
	s9 =	spop (v2sf)  }
0x10d: {  	[tilespmem:s3], [sflag:$0x9] =	stream.linear.gather [hbm4b:s7+s19], $0x40, $0x38;
	[tilespmem:$0x1EF88] =	vst v63  }
0x10e: {  	s3 =	sadd.s32 s6, s8;
	s7 =	sand.u32 $0x1FFFFFF0, s9;
	s8 =	spop (v2sf)  }
0x10f: {  	[tilespmem:s2], [sflag:$0x9] =	stream.linear.gather [hbm4b:s3+s19], $0x40, $0x38;
	[tilespmem:$0x1EF88] =	vst v63  }
0x110: {  	s2 =	sadd.s32 s6, s7;
	s3 =	sand.u32 $0x1FFFFFF0, s8;
	s7 =	spop (v2sf)  }
0x111: {  	[tilespmem:s5], [sflag:$0x9] =	stream.linear.gather [hbm4b:s2+s19], $0x40, $0x38;
	[tilespmem:$0x1EF88] =	vst v63  }
0x112: {  	s2 =	sadd.s32 s6, s3;
	s3 =	sand.u32 $0x1FFFFFF0, s7;
	s5 =	spop (v2sf)  }
0x113: {  	[tilespmem:s4], [sflag:$0x9] =	stream.linear.gather [hbm4b:s2+s19], $0x40, $0x38;
	[tilespmem:$0x1EF88] =	vst v63  }
0x114: {  	s2 =	sadd.s32 s6, s3  }
.Ltmp11:
0x115: {  	s3 =	sand.u32 $0x1FFFFFF0, s5;
	s4 =	spop (v2sf);
	(pc) =	sbr.rel @p2 .LBB3_5-.Ltmp11, $4  }
0x116: {  	[tilespmem:s0], [sflag:$0x9] =	stream.linear.gather [hbm4b:s2+s19], $0x40, $0x38;
	[tilespmem:$0x1EF88] =	vst v63  }
0x117: {  	s0 =	sadd.s32 s6, s3;
	s2 =	sadd.s32 $0xFFFFFF80, s30;
	s3 =	sand.u32 $0x1FFFFFF0, s4  }
0x118: {  	[tilespmem:s2], [sflag:$0x9] =	stream.linear.gather [hbm4b:s0+s19], $0x40, $0x38;
	[tilespmem:$0x1EF88] =	vst v63  }
0x119: {  	s31 =	sadd.s32 $0x10, s31;
	s30 =	sadd.s32 $0x800, s30;
	s2 =	sadd.s32 s6, s3  }
0x11a: {  	[tilespmem:s28], [sflag:$0x9] =	stream.linear.gather [hbm4b:s2+s19], $0x40, $0x38;
	[tilespmem:$0x1EF88] =	vst v63  }
0x11b: {  	s12 =	rddreg [dreg:$0x7]  }
0x11c: {  	s14 =	rddreg [dreg:$0x8]  }
0x11d: {  	s15 =	rddreg [dreg:$0x9]  }
0x11e: {  	s17 =	rddreg [dreg:$0xa]  }
0x11f: {  	s18 =	rddreg [dreg:$0xc]  }
0x120: {  	s22 =	rddreg [dreg:$0xd]  }
.LBB3_7:
0x121: {  	p2 =	slt.u32 s25, $0x2  }
.Ltmp12:
0x122: {  	_ = 	snop;
	(pc) =	sbr.rel @p2 .LBB3_25-.Ltmp12, $1  }
0x123: {  	_ =	sdelay $0x3  }
0x124: {  	p2 =	sgt.s32 s26, $0x26FC0;
	s0 =	smov.u32 s26;
	s2 =	sshra.s32 s26, $0x1F  }
0x125: {  	s0 =	simm.s32 @!p2 $0x26FC0;
	s2 =	sand.u32 s2, s26  }
0x126: {  	s0 =	ssub.s32 s0, s2  }
0x127: {  	s0 =	sadd.s32 $0xFFFD9040, s0  }
0x128: {  	s3 =	simm.s32 $0x9;
	s29 =	sshll.u32 s0, $0x2  }
0x129: {  	_ =	swait.ge [sflag:s3], $0x5000;
	s2 =	ssub.s32 $0x500, s29  }
0x12a: {  	[sflag:s3] =	ssyncset.done $0x0;
	p2 =	sgt.s32 s0, $0x13F;
	s0 =	sshrl.u32 s2, $0x2  }
0x12b: {  	s30 =	simm.s32 $0xB;
	[sflag:s3] =	ssyncadd.s32 $0xFFFFB000;
	s0 =	simm.s32 @p2 $0x0  }
0x12c: {  	_ =	swait.ge [sflag:s30], s0  }
0x12d: {  	s0 =	ssub.s32 $0x0, s0;
	[sflag:s30] =	ssyncset.done $0x0  }
0x12e: {  	[sflag:s30] =	ssyncadd.s32 s0  }
0x12f: {  	v1 =	vld [tilespmem:$0xA108];
	_ =	sdelay $0x4  }
0x130: {  	(v2sf) =	vpush v1, $0x0  }
0x131: {  	(v2sf) =	vpush v1, $0x1  }
0x132: {  	(v2sf) =	vpush v1, $0x2;
	_ =	sdelay $0x3  }
0x133: {  	s0 =	sadd.s32 $0x140, s26  }
0x134: {  	s4 =	ssub.s32 $0x4E200, s26;
	p2 =	slt.s32 s14, s0  }
0x135: {  	s0 =	smov.u32 @p2 s14;
	p2 =	sgt.s32 s4, $0x0  }
0x136: {  	s0 =	ssub.s32 s0, s26;
	s4 =	simm.s32 @!p2 $0x0  }
0x137: {  	p2 =	slt.s32 s4, s0  }
0x138: {  	s0 =	smov.u32 @p2 s4  }
0x139: {  	s2 =	simm.s32 $0x1;
	p2 =	slt.s32 s0, $0x1  }
.Ltmp13:
0x13a: {  	s2 =	simm.s32 @!p1 $0x0;
	(pc) =	sbr.rel @p2 .LBB3_12-.Ltmp13, $4  }
0x13b: {  	s7 =	smul.u32 $0x500, s2  }
0x13c: {  	s3 =	spop (v2sf)  }
0x13d: {  	s31 =	sshrl.u32 s7, $0x2;
	s5 =	spop (v2sf)  }
0x13e: {  	s28 =	sadd.s32 $0xAD08, s31;
	s26 =	spop (v2sf)  }
0x13f: {  	s4 =	smin.u32 s0, $0x10  }
0x140: {  	v1 =	vmov s4  }
0x141: {  	p3 =	sgt.s32 s0, $0x10;
	vm1 =	vgt.u32 v1, v0  }
.Ltmp14:
0x142: {  	_ = 	snop;
	(pc) =	sbr.rel @!p3 .LBB3_11-.Ltmp14, $2  }
0x143: {  	_ =	sdelay $0x2  }
0x144: {  	s9 =	simm.s32 $0x10;
	s10 =	sadd.s32 $0xFFFFFFF0, s0;
	s4 =	smov.u32 s28;
	vm0 =	vmmov vm1  }
.LBB3_10:
0x145: {  	s7 =	smin.u32 s10, $0x10;
	s9 =	sadd.s32 $0x10, s9;
	v1 =	vld.msk [tilespmem:s4+$0x0 ss:$0x1], vm1  }
0x146: {  	v2 =	vmov s7;
	p3 =	slt.s32 s9, s0  }
0x147: {  	vm1 =	vgt.u32 v2, v0  }
.Ltmp15:
0x148: {  	(pc) =	sbr.rel @p3 .LBB3_10-.Ltmp15, $3  }
0x149: {  	_ =	sdelay $0x1  }
0x14a: {  	v1 =	vshll.u32 v1, $0x4  }
0x14b: {  	s10 =	sadd.s32 $0xFFFFFFF0, s10;
	[tilespmem:s4+$0x0] =	vst.msk vm0, v1;
	s4 =	sadd.s32 $0x10, s4;
	vm0 =	vmmov vm1  }
.LBB3_11:
0x14c: {  	_ =	sdelay $0x4  }
0x14d: {  	v1 =	vld.msk [tilespmem:s4+$0x0 ss:$0x1], vm1;
	_ =	sdelay $0x4  }
0x14e: {  	v1 =	vshll.u32 v1, $0x4  }
0x14f: {  	[tilespmem:s4+$0x0] =	vst.msk vm0, v1  }
.LBB3_12:
0x150: {  	s4 =	sand.u32 $0x1, s25  }
0x151: {  	s4 =	smul.u32 $0x140, s4  }
0x152: {  	p3 =	sne.s32 s5, $0xFFFFFFFF  }
0x153: {  	v1 =	vld.msk @!p3 [tilespmem:s4+$0xAD08], $0x1;
	_ =	sdelay $0x4  }
0x154: {  	(v2sf) =	vpush @!p3 v1, $0x0;
	_ =	sdelay $0xc  }
.Ltmp16:
0x155: {  	_ = 	snop;
	(pc) =	sbr.rel @p2 .LBB3_23-.Ltmp16, $4  }
0x156: {  	_ = 	snop  }
0x157: {  	s29 =	spop @!p3 (v2sf)  }
0x158: {  	s31 =	simm.s32 $0xC;
	s26 =	simm.s32 @!p3 $0x0;
	s4 =	smov.u32 s29  }
0x159: {  	[sflag:s31] =	ssyncpa.u1 $0x0;
	s29 =	smov.u32 @p3 s3;
	s4 =	smov.u32 @p3 s5  }
0x15a: {  	v1 =	vld.msk [tilespmem:s28+$0x0], $0x1;
	_ =	sdelay $0x4  }
0x15b: {  	(v2sf) =	vpush v1, $0x0;
	_ =	sdelay $0xe  }
0x15c: {  	s2 =	smul.u32 $0x28000, s2;
	s5 =	spop (v2sf)  }
0x15d: {  	s31 =	ssub.s32 $0x0, s0;
	p2 =	seq.s32 s29, s5  }
0x15e: {  	s3 =	smov.u32 s29;
	s2 =	sshrl.u32 s2, $0x2;
	p3 =	sgt.s32 @!p2 s29, $0x0  }
0x15f: {  	s30 =	sadd.s32 $0xAFA8, s2;
	s2 =	sadd.s32 $0x1, s31;
	p3 =	por !p3, p2  }
0x160: {  	s3 =	simm.s32 @p3 $0x0;
	p3 =	seq.s32 s2, $0x0  }
.Ltmp17:
0x161: {  	_ = 	snop;
	(pc) =	sbr.rel @p3 .LBB3_15-.Ltmp17, $4  }
0x162: {  	_ = 	snop  }
0x163: {  	s0 =	simm.s32 $0x0;
	s9 =	simm.s32 @!p2 $0x1;
	s3 =	smin.u32 @!p2 s3, $0x270F8  }
0x164: {  	s10 =	simm.s32 @!p2 $0x50C8;
	s9 =	smov.u32 @p2 s0;
	s7 =	sand.u32 @!p2 $0x3FFF8, s3  }
0x165: {  	s16 =	sand.u32 @!p2 $0x7, s3;
	s3 =	sadd.s32 $0x1, s28;
	s11 =	sadd.s32 @!p2 s1, s7  }
.LBB3_14:
0x166: {  	s7 =	smov.u32 s9  }
0x167: {  	[tilespmem:s10], [sflag:$0x2] =	stream.linear.gather @!p2 [hbm4b:s11+s16], $0x40, $0x38;
	[tilespmem:$0x1EF88] =	vst v63  }
0x168: {  	s2 =	sadd.s32 $0x1, s2;
	s8 =	smov.u32 s5;
	v1 =	vld.msk [tilespmem:s3+$0x0], $0x1  }
0x169: {  	p3 =	seq.s32 s2, $0x0;
	_ =	sdelay $0x3  }
0x16a: {  	(v2sf) =	vpush v1, $0x0;
	_ =	sdelay $0xe  }
0x16b: {  	s5 =	spop (v2sf)  }
0x16c: {  	p2 =	seq.s32 s8, s5  }
0x16d: {  	p4 =	sgt.s32 @!p2 s8, $0x0;
	s10 =	sshll.u32 @!p2 s9, $0x8;
	s9 =	sadd.s32 @!p2 $0x1, s9  }
.Ltmp18:
0x16e: {  	p4 =	por !p4, p2;
	s10 =	sshra.s32 @!p2 s10, $0x2;
	(pc) =	sbr.rel @!p3 .LBB3_14-.Ltmp18, $4  }
0x16f: {  	s9 =	smov.u32 @p2 s7;
	s8 =	simm.s32 @p4 $0x0;
	s10 =	sadd.s32 @!p2 $0x50C8, s10  }
0x170: {  	s7 =	smin.u32 @!p2 s8, $0x270F8  }
0x171: {  	s8 =	sand.u32 @!p2 $0x3FFF8, s7;
	s16 =	sand.u32 @!p2 $0x7, s7  }
0x172: {  	s3 =	sadd.s32 $0x1, s3;
	s11 =	sadd.s32 @!p2 s1, s8  }
.LBB3_15:
0x173: {  	[tilespmem:s10], [sflag:$0x2] =	stream.linear.gather @!p2 [hbm4b:s11+s16], $0x40, $0x38;
	[tilespmem:$0x1EF88] =	vst v63  }
.Ltmp19:
0x174: {  	s2 =	sshll.u32 s9, $0x6;
	(pc) =	sbr.rel .LBB3_16-.Ltmp19, $4  }
0x175: {  	s3 =	simm.s32 $0x2;
	s2 =	sand.u32 $0x3FFFFFC0, s2  }
0x176: {  	_ =	swait.ge [sflag:s3], s2  }
0x177: {  	s2 =	ssub.s32 $0x0, s2;
	[sflag:s3] =	ssyncset.done $0x0  }
0x178: {  	[sflag:s3] =	ssyncadd.s32 s2;
	s3 =	simm.s32 $0x0  }
.LBB3_17:
0x179: {  	v1 =	vld [tilespmem:s30+$0xFFFFFFE0];
	_ =	sdelay $0x4  }
0x17a: {  	[tilespmem:s5+$0x88] =	vst.add.f32.msk $0xffff, v1  }
0x17b: {  	v1 =	vld [tilespmem:s30+$0xFFFFFFF0];
	_ =	sdelay $0x4  }
0x17c: {  	[tilespmem:s5+$0x98] =	vst.add.f32.msk $0xffff, v1  }
0x17d: {  	v1 =	vld [tilespmem:s30+$0x0];
	_ =	sdelay $0x4  }
0x17e: {  	[tilespmem:s5+$0xA8] =	vst.add.f32.msk $0xffff, v1  }
0x17f: {  	v1 =	vld [tilespmem:s30+$0x10];
	_ =	sdelay $0x4  }
0x180: {  	[tilespmem:s5+$0xB8] =	vst.add.f32.msk $0xffff, v1  }
.LBB3_21:
0x181: {  	s31 =	sadd.s32 $0x1, s31  }
0x182: {  	p2 =	seq.s32 s31, $0x0  }
.Ltmp20:
0x183: {  	_ = 	snop;
	(pc) =	sbr.rel @p2 .LBB3_22-.Ltmp20, $2  }
0x184: {  	_ =	sdelay $0x2  }
0x185: {  	s30 =	sadd.s32 $0x80, s30;
	s28 =	sadd.s32 $0x1, s28;
	s29 =	smov.u32 s2  }
.LBB3_16:
0x186: {  	v1 =	vld.msk [tilespmem:s28+$0x0], $0x1;
	_ =	sdelay $0x4  }
0x187: {  	(v2sf) =	vpush v1, $0x0;
	_ =	sdelay $0xe  }
0x188: {  	s2 =	spop (v2sf)  }
0x189: {  	p2 =	sne.s32 s29, s2  }
.Ltmp21:
0x18a: {  	_ = 	snop;
	(pc) =	sbr.rel @!p2 .LBB3_17-.Ltmp21, $3  }
0x18b: {  	_ =	sdelay $0x1  }
0x18c: {  	s5 =	sshll.u32 s26, $0x8  }
0x18d: {  	s5 =	sshra.s32 s5, $0x2  }
0x18e: {  	p2 =	seq.s32 s29, s4  }
.Ltmp22:
0x18f: {  	_ = 	snop;
	(pc) =	sbr.rel @!p2 .LBB3_19-.Ltmp22, $1  }
0x190: {  	_ =	sdelay $0x3  }
.Ltmp23:
0x191: {  	s5 =	sadd.s32 $0x88, s5;
	(pc) =	sbr.rel .LBB3_20-.Ltmp23, $4  }
0x192: {  	[spmem:s18] =	stream.linear.scatter [tilespmem:s5], [sflag:$0x1], $0x40, $0x38;
	[tilespmem:$0x1EF88] =	vst v63  }
0x193: {  	_ =	swait.ge [sflag:s13], $0x40  }
0x194: {  	[sflag:s13] =	ssyncset.done $0x0  }
0x195: {  	[sflag:s13] =	ssyncadd.s32 $0xFFFFFFC0  }
.LBB3_19:
0x196: {  	s7 =	sshll.u32 s0, $0x8  }
0x197: {  	s7 =	sshra.s32 s7, $0x2  }
0x198: {  	v1 =	vld [tilespmem:s7+$0x50C8];
	_ =	sdelay $0x4  }
0x199: {  	[tilespmem:s5+$0x88] =	vst.add.f32.msk $0xffff, v1  }
0x19a: {  	v1 =	vld [tilespmem:s7+$0x50D8];
	_ =	sdelay $0x4  }
0x19b: {  	[tilespmem:s5+$0x98] =	vst.add.f32.msk $0xffff, v1  }
0x19c: {  	v1 =	vld [tilespmem:s7+$0x50E8];
	_ =	sdelay $0x4  }
0x19d: {  	[tilespmem:s5+$0xA8] =	vst.add.f32.msk $0xffff, v1  }
0x19e: {  	v1 =	vld [tilespmem:s7+$0x50F8];
	_ =	sdelay $0x2  }
0x19f: {  	p2 =	sgt.u32 s29, $0x270F8  }
0x1a0: {  	s7 =	sand.u32 @!p2 $0x3FFF8, s29  }
0x1a1: {  	s8 =	sadd.s32 $0x88, s5;
	[tilespmem:s5+$0xB8] =	vst.add.f32.msk $0xffff, v1;
	s5 =	sadd.s32 @!p2 s1, s7;
	s7 =	sand.u32 @!p2 $0x7, s29  }
0x1a2: {  	[hbm4b:s5+s7] =	stream.linear.scatter @!p2 [tilespmem:s8], [sflag:$0xC], $0x40, $0x38;
	[tilespmem:$0x1EF88] =	vst v63  }
0x1a3: {  	s5 =	simm.s32 $0x0  }
0x1a4: {  	s5 =	simm.s32 @!p2 $0x100  }
0x1a5: {  	s3 =	sadd.s32 s5, s3  }
.LBB3_20:
0x1a6: {  	s5 =	sadd.s32 $0x1, s26  }
0x1a7: {  	s7 =	smulhi.u32 $0xCCCCCCCD, s5;
	_ =	sdelay $0x1  }
0x1a8: {  	v1 =	vld [tilespmem:s30+$0xFFFFFFE0];
	s7 =	sshrl.u32 s7, $0x8  }
0x1a9: {  	s7 =	smul.u32 $0x140, s7;
	_ =	sdelay $0x1  }
0x1aa: {  	s26 =	ssub.s32 s5, s7  }
0x1ab: {  	s5 =	sshll.u32 s26, $0x6  }
0x1ac: {  	[tilespmem:s5+$0x88] =	vst v1  }
0x1ad: {  	v1 =	vld [tilespmem:s30+$0xFFFFFFF0];
	_ =	sdelay $0x4  }
0x1ae: {  	[tilespmem:s5+$0x98] =	vst v1  }
0x1af: {  	v1 =	vld [tilespmem:s30+$0x0];
	_ =	sdelay $0x4  }
0x1b0: {  	[tilespmem:s5+$0xA8] =	vst v1  }
0x1b1: {  	v1 =	vld [tilespmem:s30+$0x10]  }
.Ltmp24:
0x1b2: {  	_ = 	snop;
	(pc) =	sbr.rel .LBB3_21-.Ltmp24, $2  }
0x1b3: {  	_ =	sdelay $0x2  }
0x1b4: {  	s0 =	sadd.s32 $0x1, s0;
	[tilespmem:s5+$0xB8] =	vst v1  }
.LBB3_23:
.Ltmp25:
0x1b5: {  	(pc) =	sbr.rel .LBB3_24-.Ltmp25, $4  }
0x1b6: {  	_ = 	snop  }
0x1b7: {  	s0 =	simm.s32 $0x2  }
0x1b8: {  	_ =	swait.ge [sflag:s0], $0x0  }
0x1b9: {  	s2 =	smov.u32 s29;
	[sflag:s0] =	ssyncset.done $0x0;
	s0 =	simm.s32 $0x0  }
.LBB3_26:
0x1ba: {  	_ =	sfence.sel $0x180000  }
0x1bb: {  	s0 =	simm.s32 $0x9;
	[bflag:$0x0] =	sbarrier.arrive $0xFFFF  }
0x1bc: {  	s24 =	simm.s32 $0xA;
	[sflag:s0] =	ssyncpa.u1 $0x1  }
0x1bd: {  	s25 =	simm.s32 $0xB;
	[sflag:s24] =	ssyncpa.u1 $0x1  }
0x1be: {  	s26 =	simm.s32 $0x2;
	[sflag:s25] =	ssyncpa.u1 $0x1  }
0x1bf: {  	[sflag:s26] =	ssyncpa.u1 $0x1  }
0x1c0: {  	v0 =	vld [tilespmem:$0xA108];
	_ =	sdelay $0x4  }
0x1c1: {  	(v2sf) =	vpush v0, $0x0  }
0x1c2: {  	(v2sf) =	vpush v0, $0x1;
	_ =	sdelay $0x1  }
0x1c3: {  	(v2sf) =	vpush v0, $0x2;
	_ =	sdelay $0xb  }
0x1c4: {  	s0 =	spop (v2sf)  }
0x1c5: {  	s2 =	spop (v2sf)  }
0x1c6: {  	s3 =	smov.u32 s0;
	p0 =	sne.s32 s0, s2  }
0x1c7: {  	s4 =	spop (v2sf);
	s3 =	simm.s32 @!p0 $0xFFFFFFFF  }
0x1c8: {  	v2 =	vimm.s32 $0x1;
	v3 =	vlaneseq.u32;
	p0 =	seq.s32 s4, $0xFFFFFFFF;
	v1 =	vmov s3  }
0x1c9: {  	s14 =	stileid.u32;
	v0 =	vperm.xlane v0, v2;
	p1 =	sne.s32 @!p0 s0, s2;
	v1 =	vperm.xlane v1, v3  }
0x1ca: {  	vm0 =	vcmask $0x3F04;
	s6 =	simm.s32 $0xA108;
	s0 =	simm.s32 @!p0 $0x1;
	p1 =	por !p1, p0  }
0x1cb: {  	s3 =	sshll.u32 s14, $0x1;
	s2 =	sshll.u32 @!p0 s4, $0x8;
	s0 =	simm.s32 @p1 $0x0;
	v0 =	vsel vm0, v1, v0  }
0x1cc: {  	s5 =	sor.u32 $0x800, s3;
	s2 =	sshra.s32 @!p0 s2, $0x2;
	s0 =	sor.u32 @!p0 s0, s3;
	[tilespmem:$0xA108] =	vst v0  }
0x1cd: {  	[spmem:s5] =	stream.linear.scatter [tilespmem:s6], [sflag:$0x1], $0x2, $0x38;
	[tilespmem:$0x1EF88] =	vst v63  }
0x1ce: {  	s2 =	sadd.s32 @!p0 $0x88, s2;
	s0 =	sshll.u32 @!p0 s0, $0x6  }
0x1cf: {  	[spmem:s0] =	stream.linear.scatter @!p0 [tilespmem:s2], [sflag:$0x1], $0x40, $0x38;
	[tilespmem:$0x1EF88] =	vst v63  }
0x1d0: {  	s0 =	simm.s32 @!p0 $0x42  }
0x1d1: {  	s28 =	simm.s32 $0x1;
	s0 =	simm.s32 @p0 $0x2  }
0x1d2: {  	_ =	swait.ge [sflag:s28], s0  }
0x1d3: {  	s0 =	ssub.s32 $0x0, s0;
	[sflag:s28] =	ssyncset.done $0x0  }
0x1d4: {  	p0 =	sne.s32 s14, $0x0;
	[sflag:s28] =	ssyncadd.s32 s0  }
.Ltmp26:
0x1d5: {  	_ =	sfence.stream.spmem;
	(pc) =	sbr.rel @p0 .LBB3_43-.Ltmp26, $4  }
0x1d6: {  	s29 =	simm.s32 $0x3;
	[bflag:$0x0] =	sbarrier.arrive $0xFFFF  }
0x1d7: {  	s30 =	simm.s32 $0x4;
	[sflag:s29] =	ssyncpa.u1 $0x1  }
0x1d8: {  	s31 =	simm.s32 $0x3C;
	[sflag:s30] =	ssyncpa.u1 $0x1  }
0x1d9: {  	s13 =	rddreg [dreg:$0x6];
	[sflag:s31] =	ssyncpa.u1 $0x1  }
0x1da: {  	_ =	sfence.stream.spmem;
	s0 =	simm.s32 $0x5  }
0x1db: {  	s2 =	simm.s32 $0x800;
	s3 =	simm.s32 $0xA118;
	[sflag:s0] =	ssyncpa.u1 $0x0  }
0x1dc: {  	[tilespmem:s3], [sflag:$0x5] =	stream.linear.gather [spmem:s2], $0x20, $0x38;
	[tilespmem:$0x1EF88] =	vst v63  }
0x1dd: {  	s26 =	simm.s32 $0x0;
	s28 =	simm.s32 $0xA138  }
0x1de: {  	[tilespmem:s28], [sflag:$0x5] =	stream.linear.gather [spmem:s26], $0x800, $0x38;
	[tilespmem:$0x1EF88] =	vst v63  }
0x1df: {  	_ =	swait.ge [sflag:s0], $0x820  }
0x1e0: {  	[sflag:s0] =	ssyncset.done $0x0  }
0x1e1: {  	s29 =	simm.s32 $0x0;
	[sflag:s0] =	ssyncadd.s32 $0xFFFFF7E0  }
0x1e2: {  	v0 =	vld.msk [tilespmem:s29+$0xA118], $0x1;
	_ =	sdelay $0x1  }
0x1e3: {  	s30 =	simm.s32 $0x1  }
0x1e4: {  	v1 =	vld.msk [tilespmem:s30+$0xA118], $0x1;
	_ =	sdelay $0x1  }
0x1e5: {  	(v2sf) =	vpush v0, $0x0;
	_ =	sdelay $0x2  }
0x1e6: {  	(v2sf) =	vpush v1, $0x0;
	_ =	sdelay $0x2  }
0x1e7: {  	s31 =	simm.s32 $0x2  }
0x1e8: {  	v0 =	vld.msk [tilespmem:s31+$0xA118], $0x1;
	_ =	sdelay $0x2  }
0x1e9: {  	s2 =	simm.s32 $0xFFFFFFFF;
	s3 =	simm.s32 $0xFFFFFFFF;
	s0 =	simm.s32 $0xC  }
.LBB3_28:
0x1ea: {  	s4 =	smov.u32 s3;
	s5 =	smov.u32 s2  }
0x1eb: {  	s2 =	sshra.s32 s0, $0x2;
	p1 =	sne.s32 s0, $0x7C;
	s0 =	sadd.s32 $0x4, s0;
	(v2sf) =	vpush v0, $0x0  }
0x1ec: {  	v0 =	vld.msk [tilespmem:s2+$0xA118], $0x1  }
.Ltmp27:
0x1ed: {  	(pc) =	sbr.rel @p1 .LBB3_28-.Ltmp27, $4  }
0x1ee: {  	s3 =	spop (v2sf)  }
0x1ef: {  	p2 =	sne.s32 s5, $0xFFFFFFFF;
	s2 =	smov.u32 s3  }
0x1f0: {  	p3 =	seq.s32 s3, $0xFFFFFFFF;
	s2 =	smov.u32 @p2 s5  }
0x1f1: {  	s3 =	smov.u32 @p3 s4;
	s2 =	smov.u32 @p3 s5  }
0x1f2: {  	(v2sf) =	vpush v0, $0x0;
	_ =	sdelay $0x8  }
0x1f3: {  	s0 =	spop (v2sf)  }
0x1f4: {  	p1 =	sne.s32 s2, $0xFFFFFFFF;
	s4 =	smov.u32 s0  }
0x1f5: {  	s6 =	simm.s32 $0x0;
	p2 =	seq.s32 s0, $0xFFFFFFFF;
	s4 =	smov.u32 @p1 s2  }
0x1f6: {  	s9 =	simm.s32 $0xA0C8;
	s4 =	smov.u32 @p2 s2;
	s2 =	spop (v2sf)  }
0x1f7: {  	s0 =	smov.u32 @p2 s3;
	p1 =	sne.s32 s4, $0xFFFFFFFF;
	s5 =	smov.u32 s2  }
.Ltmp28:
0x1f8: {  	p2 =	seq.s32 s2, $0xFFFFFFFF;
	s5 =	smov.u32 @p1 s4;
	(pc) =	sbr.rel .LBB3_30-.Ltmp28, $4  }
0x1f9: {  	s10 =	simm.s32 $0x0;
	s5 =	smov.u32 @p2 s4;
	s7 =	spop (v2sf)  }
0x1fa: {  	s2 =	smov.u32 @p2 s0;
	p1 =	sne.s32 s5, $0xFFFFFFFF;
	s8 =	smov.u32 s7  }
0x1fb: {  	s0 =	simm.s32 $0x6;
	p2 =	seq.s32 s7, $0xFFFFFFFF;
	s8 =	smov.u32 @p1 s5  }
0x1fc: {  	[sflag:s0] =	ssyncpa.u1 $0x0;
	s7 =	smov.u32 @p2 s2;
	s8 =	smov.u32 @p2 s5  }
.LBB3_36:
0x1fd: {  	p1 =	sgt.u32 s2, $0x270F8  }
0x1fe: {  	p2 =	seq.s32 @!p1 s2, s8  }
0x1ff: {  	p1 =	por p1, p2  }
0x200: {  	p2 =	sne.s32 @!p1 s2, s7  }
0x201: {  	p1 =	por p1, !p2  }
0x202: {  	s2 =	sshll.u32 @p1 s10, $0x8  }
0x203: {  	s3 =	sand.u32 @!p1 $0x3FFF8, s2  }
0x204: {  	s2 =	sand.u32 @!p1 $0x7, s2;
	s3 =	sadd.s32 @!p1 s1, s3  }
0x205: {  	[tilespmem:s9], [sflag:$0x6] =	stream.linear.gather @!p1 [hbm4b:s3+s2], $0x40, $0x38;
	[tilespmem:$0x1EF88] =	vst v63  }
0x206: {  	_ =	swait.ge @!p1 [sflag:s0], $0x40  }
0x207: {  	[sflag:s0] =	ssyncset.done @!p1 $0x0  }
0x208: {  	[sflag:s0] =	ssyncadd.s32 @!p1 $0xFFFFFFC0  }
0x209: {  	v1 =	vld @!p1 [tilespmem:$0xA0C8];
	_ =	sdelay $0x2  }
0x20a: {  	s2 =	sshll.u32 @!p1 s10, $0x8  }
0x20b: {  	s3 =	sshrl.u32 @!p1 s2, $0x2  }
0x20c: {  	[tilespmem:s3+$0xA138] =	vst.add.f32.msk @!p1 $0xffff, v1  }
0x20d: {  	v1 =	vld @!p1 [tilespmem:$0xA0D8];
	_ =	sdelay $0x4  }
0x20e: {  	[tilespmem:s3+$0xA148] =	vst.add.f32.msk @!p1 $0xffff, v1  }
0x20f: {  	v1 =	vld @!p1 [tilespmem:$0xA0E8];
	_ =	sdelay $0x4  }
0x210: {  	[tilespmem:s3+$0xA158] =	vst.add.f32.msk @!p1 $0xffff, v1  }
0x211: {  	v1 =	vld @!p1 [tilespmem:$0xA0F8];
	_ =	sdelay $0x4  }
0x212: {  	[tilespmem:s3+$0xA168] =	vst.add.f32.msk @!p1 $0xffff, v1  }
0x213: {  	s2 =	sshrl.u32 s2, $0x2;
	[tilespmem:s6+$0xA118] =	vst.msk $0x1, v0  }
0x214: {  	v0 =	vld [tilespmem:s2+$0xA138];
	_ =	sdelay $0x2  }
0x215: {  	s31 =	sshll.u32 s6, $0x8  }
0x216: {  	s3 =	sshra.s32 s31, $0x2  }
0x217: {  	[tilespmem:s3+$0xA138] =	vst v0  }
0x218: {  	v0 =	vld [tilespmem:s2+$0xA148];
	_ =	sdelay $0x4  }
0x219: {  	[tilespmem:s3+$0xA148] =	vst v0  }
0x21a: {  	v0 =	vld [tilespmem:s2+$0xA158];
	_ =	sdelay $0x4  }
0x21b: {  	[tilespmem:s3+$0xA158] =	vst v0  }
0x21c: {  	v0 =	vld [tilespmem:s2+$0xA168];
	_ =	sdelay $0x4  }
0x21d: {  	s6 =	sadd.s32 $0x1, s6;
	[tilespmem:s3+$0xA168] =	vst v0  }
.LBB3_37:
0x21e: {  	s10 =	sadd.s32 $0x1, s10  }
0x21f: {  	p1 =	sne.s32 s10, $0x20  }
.Ltmp29:
0x220: {  	_ = 	snop;
	(pc) =	sbr.rel @!p1 .LBB3_38-.Ltmp29, $1  }
0x221: {  	_ =	sdelay $0x3  }
.LBB3_30:
0x222: {  	v0 =	vld.msk [tilespmem:s10+$0xA118], $0x1;
	_ =	sdelay $0x4  }
0x223: {  	(v2sf) =	vpush v0, $0x0;
	_ =	sdelay $0xe  }
0x224: {  	s2 =	spop (v2sf)  }
0x225: {  	p1 =	seq.s32 s2, $0xFFFFFFFF  }
.Ltmp30:
0x226: {  	_ = 	snop;
	(pc) =	sbr.rel @p1 .LBB3_37-.Ltmp30, $1  }
0x227: {  	_ =	sdelay $0x3  }
0x228: {  	p1 =	slt.s32 s6, $0x1  }
.Ltmp31:
0x229: {  	_ = 	snop;
	(pc) =	sbr.rel @p1 .LBB3_36-.Ltmp31, $1  }
0x22a: {  	_ =	sdelay $0x3  }
0x22b: {  	s3 =	simm.s32 $0xA118;
	p1 =	por $0x0, $0x0  }
0x22c: {  	v1 =	vld.msk @!p1 [tilespmem:s3+$0x0], $0x1;
	_ =	sdelay $0x4  }
0x22d: {  	(v2sf) =	vpush @!p1 v1, $0x0;
	_ =	sdelay $0xd  }
0x22e: {  	p3 =	sne.s32 s6, $0x1  }
.Ltmp32:
0x22f: {  	s4 =	spop @!p1 (v2sf);
	(pc) =	sbr.rel @!p3 .LBB3_34-.Ltmp32, $4  }
0x230: {  	p2 =	seq.s32 @!p1 s2, s4  }
0x231: {  	s4 =	simm.s32 $0x0;
	p2 =	por !p2, p1  }
0x232: {  	s11 =	simm.s32 $0xFFFFFFFF;
	s4 =	simm.s32 @p2 $0xFFFFFFFF  }
0x233: {  	s5 =	simm.s32 $0x1;
	s4 =	smov.u32 @p1 s11  }
.LBB3_33:
0x234: {  	s11 =	smov.u32 s4;
	p1 =	sne.s32 s4, $0xFFFFFFFF  }
0x235: {  	s3 =	sadd.s32 $0x1, s3;
	s4 =	smov.u32 s5;
	s5 =	sadd.s32 $0x1, s5  }
0x236: {  	p2 =	sne.s32 s6, s5;
	v1 =	vld.msk @!p1 [tilespmem:s3+$0x0], $0x1;
	_ =	sdelay $0x4  }
0x237: {  	(v2sf) =	vpush @!p1 v1, $0x0;
	_ =	sdelay $0xe  }
.Ltmp33:
0x238: {  	s12 =	spop @!p1 (v2sf);
	(pc) =	sbr.rel @p2 .LBB3_33-.Ltmp33, $4  }
0x239: {  	p3 =	seq.s32 @!p1 s2, s12  }
0x23a: {  	p3 =	por !p3, p1  }
0x23b: {  	s4 =	simm.s32 @p3 $0xFFFFFFFF  }
0x23c: {  	s4 =	smov.u32 @p1 s11  }
.LBB3_34:
0x23d: {  	p1 =	seq.s32 s4, $0xFFFFFFFF  }
.Ltmp34:
0x23e: {  	_ = 	snop;
	(pc) =	sbr.rel @p1 .LBB3_36-.Ltmp34, $1  }
0x23f: {  	_ =	sdelay $0x3  }
0x240: {  	s2 =	sshll.u32 s10, $0x6  }
0x241: {  	s2 =	sand.u32 $0x3FFFFFC0, s2  }
0x242: {  	v0 =	vld [tilespmem:s2+$0xA138];
	_ =	sdelay $0x2  }
0x243: {  	s3 =	sshll.u32 s4, $0x8  }
0x244: {  	s3 =	sshra.s32 s3, $0x2  }
0x245: {  	[tilespmem:s3+$0xA138] =	vst.add.f32.msk $0xffff, v0  }
0x246: {  	v0 =	vld [tilespmem:s2+$0xA148];
	_ =	sdelay $0x4  }
0x247: {  	[tilespmem:s3+$0xA148] =	vst.add.f32.msk $0xffff, v0  }
0x248: {  	v0 =	vld [tilespmem:s2+$0xA158];
	_ =	sdelay $0x4  }
0x249: {  	[tilespmem:s3+$0xA158] =	vst.add.f32.msk $0xffff, v0  }
0x24a: {  	v0 =	vld [tilespmem:s2+$0xA168]  }
.Ltmp35:
0x24b: {  	_ = 	snop;
	(pc) =	sbr.rel .LBB3_37-.Ltmp35, $2  }
0x24c: {  	_ =	sdelay $0x2  }
0x24d: {  	[tilespmem:s3+$0xA168] =	vst.add.f32.msk $0xffff, v0  }
.LBB3_38:
0x24e: {  	s0 =	simm.s32 $0x6;
	p1 =	seq.s32 s6, $0x0  }
0x24f: {  	[sflag:s0] =	ssyncpa.u1 $0x1;
	v0 =	vimm.s32 @p1 $0xFFFFFFFF  }
0x250: {  	s0 =	sadd.s32 $0xFFFFFFFF, s6;
	[tilespmem:$0xA938] =	vst @p1 v0  }
0x251: {  	v0 =	vld.msk @!p1 [tilespmem:s0+$0xA118], $0x1;
	_ =	sdelay $0x1  }
0x252: {  	v1 =	vld.msk @!p1 [tilespmem:$0xA118], $0x1;
	_ =	sdelay $0x2  }
0x253: {  	p2 =	seq.s32 @!p1 s0, $0x0;
	v0 =	vbroadcast @!p1 v0, $0x0  }
0x254: {  	vm0 =	vmmov @!p1 $0x1;
	p2 =	por !p2, p1  }
0x255: {  	v1 =	vnsel @!p1 vm0, $0xFFFFFFFF, v1;
	vm0 =	vcmask @!p1 $0x308;
	v0 =	vpsel !p2, $0xFFFFFFFF, v0  }
0x256: {  	p2 =	sne.s32 @!p1 s8, s7;
	v0 =	vsel @!p1 vm0, v1, v0  }
0x257: {  	s2 =	simm.s32 @!p1 $0xA138;
	s3 =	simm.s32 @!p1 $0x0;
	p3 =	por !p2, p1;
	[tilespmem:$0xA938] =	vst @!p1 v0  }
0x258: {  	[spmem:s3] =	stream.linear.scatter @!p1 [tilespmem:s2], [sflag:$0x1], $0x40, $0x38;
	[tilespmem:$0x1EF88] =	vst v63  }
0x259: {  	s2 =	sshll.u32 @!p3 s0, $0x8  }
0x25a: {  	s2 =	sshra.s32 @!p3 s2, $0x2  }
0x25b: {  	s3 =	simm.s32 @!p3 $0x40;
	s2 =	sadd.s32 @!p3 $0xA138, s2  }
0x25c: {  	[spmem:s3] =	stream.linear.scatter @!p3 [tilespmem:s2], [sflag:$0x1], $0x40, $0x38;
	[tilespmem:$0x1EF88] =	vst v63  }
0x25d: {  	s2 =	simm.s32 @!p3 $0x1  }
0x25e: {  	_ =	swait.ge @!p3 [sflag:s2], $0x80  }
0x25f: {  	p1 =	por p2, p1;
	[sflag:s2] =	ssyncset.done @!p3 $0x0  }
0x260: {  	[sflag:s2] =	ssyncadd.s32 @!p3 $0xFFFFFF80;
	s2 =	simm.s32 @!p1 $0x1  }
0x261: {  	_ =	swait.ge @!p1 [sflag:s2], $0x40  }
0x262: {  	s29 =	simm.s32 $0xA938;
	[sflag:s2] =	ssyncset.done @!p1 $0x0  }
0x263: {  	s30 =	simm.s32 $0x800;
	s31 =	simm.s32 $0x1;
	[sflag:s2] =	ssyncadd.s32 @!p1 $0xFFFFFFC0  }
0x264: {  	[spmem:s30] =	stream.linear.scatter [tilespmem:s29], [sflag:$0x1], $0x10, $0x38;
	[tilespmem:$0x1EF88] =	vst v63  }
0x265: {  	_ =	swait.ge [sflag:s31], $0x10  }
0x266: {  	[sflag:s31] =	ssyncset.done $0x0  }
0x267: {  	p1 =	seq.s32 s13, $0x0;
	s9 =	rddreg [dreg:$0x3];
	[sflag:s31] =	ssyncadd.s32 $0xFFFFFFF0  }
0x268: {  	s3 =	sshll.u32 @p1 s9, $0xE;
	s8 =	rddreg [dreg:$0x4]  }
0x269: {  	s2 =	sadd.s32 @p1 $0x15C3C, s3;
	s3 =	sshll.u32 @p1 s8, $0x11  }
0x26a: {  	_ =	sfence.stream.spmem;
	s2 =	sor.u32 @p1 s3, s2  }
0x26b: {  	[sflag:s2] =	ssyncadd.remote.s32 @p1 $0x1;
	s2 =	simm.s32 @p1 $0x4  }
0x26c: {  	s4 =	simm.s32 @!p1 $0x3C;
	s3 =	sand.u32 $0xFFFFFFFE, s9;
	_ =	swait.ge @p1 [sflag:s2], $0x12  }
0x26d: {  	s5 =	simm.s32 @!p1 $0x0;
	s3 =	sadd.s32 @!p1 $0x4, s3;
	[sflag:s2] =	ssyncset.done @p1 $0x0  }
0x26e: {  	s7 =	simm.s32 @!p1 $0x80;
	[sflag:s2] =	ssyncadd.s32 @p1 $0xFFFFFFEE;
	s2 =	sshll.u32 @!p1 s3, $0x1A  }
0x26f: {  	s3 =	sshll.u32 @!p1 s3, $0xD;
	s2 =	sor.u32 @!p1 s2, s8;
	_ =	swait.eq @!p1 [sflag:s4], $0x1  }
0x270: {  	s3 =	sor.u32 @!p1 $0x1C04, s3;
	s4 =	simm.s32 @!p1 $0x1C03;
	s2 =	sor.u32 @!p1 $0x80004000, s2  }
0x271: {  	[spmem:s7], [sflag:s3] =	dma.general @!p1 [spmem:s5], [sflag:s4], length:$0x10, [dreg:$0x0], stride_count:$0x0, ici_dest:s2, dma_misc:DstOpCode:WRITE  }
0x272: {  	p2 =	slt.s32 s0, $0x2;
	s5 =	simm.s32 @!p1 $0x100;
	s7 =	simm.s32 @!p1 $0x102  }
0x273: {  	[spmem:s7], [sflag:s3] =	dma.general @!p1 [spmem:s5], [sflag:s4], length:$0x2, [dreg:$0x0], stride_count:$0x0, ici_dest:s2, dma_misc:DstOpCode:WRITE  }
.Ltmp36:
0x274: {  	s2 =	simm.s32 @!p1 $0x3;
	(pc) =	sbr.rel @p2 .LBB3_42-.Ltmp36, $4  }
0x275: {  	s3 =	sshll.u32 @!p1 s9, $0xE;
	_ =	swait.ge @!p1 [sflag:s2], $0x12  }
0x276: {  	s4 =	sshll.u32 @!p1 s8, $0x11;
	s3 =	sadd.s32 @!p1 $0x11C3C, s3;
	[sflag:s2] =	ssyncset.done @!p1 $0x0  }
0x277: {  	[sflag:s2] =	ssyncadd.s32 @!p1 $0xFFFFFFEE;
	s2 =	sor.u32 @!p1 s4, s3  }
0x278: {  	s0 =	simm.s32 $0x0;
	[sflag:s2] =	ssyncadd.remote.s32 @!p1 $0xFFFFFFFF  }
0x279: {  	s0 =	simm.s32 $0xA119  }
0x27a: {  	v0 =	vld.msk [tilespmem:s0+$0x0], $0x1;
	_ =	sdelay $0x4  }
0x27b: {  	(v2sf) =	vpush v0, $0x0;
	_ =	sdelay $0xc  }
0x27c: {  	s2 =	sadd.s32 $0xFFFFFFFE, s6  }
0x27d: {  	s2 =	sadd.s32 $0xFFFFFFFF, s2  }
0x27e: {  	p2 =	sne.s32 s2, $0x0;
	s3 =	spop (v2sf)  }
.Ltmp37:
0x27f: {  	p1 =	sgt.u32 s3, $0x270F8;
	(pc) =	sbr.rel @!p2 .LBB3_41-.Ltmp37, $4  }
0x280: {  	s5 =	simm.s32 $0x0;
	s4 =	sand.u32 @!p1 $0x3FFF8, s3  }
0x281: {  	s0 =	simm.s32 $0xA178;
	s3 =	sand.u32 @!p1 $0x7, s3;
	s4 =	sadd.s32 @!p1 s1, s4  }
0x282: {  	[hbm4b:s4+s3] =	stream.linear.scatter @!p1 [tilespmem:s0], [sflag:$0x5], $0x40, $0x38;
	[tilespmem:$0x1EF88] =	vst v63  }
0x283: {  	s5 =	simm.s32 @!p1 $0x100;
	s3 =	simm.s32 $0x0;
	s4 =	simm.s32 $0xA11A  }
.LBB3_40:
0x284: {  	v0 =	vld.msk [tilespmem:s4+$0x0], $0x1;
	s2 =	sadd.s32 $0xFFFFFFFF, s2;
	s3 =	sadd.s32 s3, s5  }
0x285: {  	p1 =	sne.s32 s2, $0x0;
	_ =	sdelay $0x3  }
0x286: {  	(v2sf) =	vpush v0, $0x0;
	_ =	sdelay $0xe  }
.Ltmp38:
0x287: {  	s6 =	spop (v2sf);
	(pc) =	sbr.rel @p1 .LBB3_40-.Ltmp38, $4  }
0x288: {  	s5 =	simm.s32 $0x0;
	p2 =	sgt.u32 s6, $0x270F8  }
0x289: {  	s0 =	sadd.s32 $0x40, s0;
	s5 =	simm.s32 @!p2 $0x100;
	s7 =	sand.u32 @!p2 $0x3FFF8, s6  }
0x28a: {  	s4 =	sadd.s32 $0x1, s4;
	s6 =	sand.u32 @!p2 $0x7, s6;
	s7 =	sadd.s32 @!p2 s1, s7  }
0x28b: {  	[hbm4b:s7+s6] =	stream.linear.scatter @!p2 [tilespmem:s0], [sflag:$0x5], $0x40, $0x38;
	[tilespmem:$0x1EF88] =	vst v63  }
.LBB3_41:
0x28c: {  	s0 =	sadd.s32 s3, s5  }
0x28d: {  	s0 =	sshrl.u32 s0, $0x2  }
.LBB3_42:
0x28e: {  	s2 =	simm.s32 $0x5  }
0x28f: {  	_ =	swait.ge [sflag:s2], s0  }
0x290: {  	s31 =	ssub.s32 $0x0, s0;
	[sflag:s2] =	ssyncset.done $0x0  }
0x291: {  	[sflag:s2] =	ssyncadd.s32 s31  }
0x292: {  	[sflag:s2] =	ssyncpa.u1 $0x1  }
.LBB3_43:
0x293: {  	s0 =	sor.u32 s13, s14  }
0x294: {  	p1 =	sne.s32 s0, $0x0  }
.Ltmp39:
0x295: {  	_ = 	snop;
	(pc) =	sbr.rel @p1 .LBB3_58-.Ltmp39, $3  }
0x296: {  	_ =	sdelay $0x1  }
0x297: {  	[bflag:$0x0] =	sbarrier.arrive $0xFFFF  }
0x298: {  	_ =	sfence  }
0x299: {  	s2 =	simm.s32 $0x7  }
0x29a: {  	s0 =	simm.s32 $0x800;
	s3 =	simm.s32 $0xA118;
	[sflag:s2] =	ssyncpa.u1 $0x0  }
0x29b: {  	[tilespmem:s3], [sflag:$0x7] =	stream.linear.gather [spmem:s0], $0x20, $0x38;
	[tilespmem:$0x1EF88] =	vst v63  }
0x29c: {  	s30 =	simm.s32 $0xA138;
	s0 =	simm.s32 $0x0  }
0x29d: {  	[tilespmem:s30], [sflag:$0x7] =	stream.linear.gather [spmem:s0], $0x800, $0x38;
	[tilespmem:$0x1EF88] =	vst v63  }
.Ltmp40:
0x29e: {  	_ = 	snop;
	(pc) =	sbr.rel .LBB3_45-.Ltmp40, $4  }
0x29f: {  	_ =	swait.ge [sflag:s2], $0x820  }
0x2a0: {  	[sflag:s2] =	ssyncset.done $0x0  }
0x2a1: {  	s31 =	simm.s32 $0x8;
	[sflag:s2] =	ssyncadd.s32 $0xFFFFF7E0  }
0x2a2: {  	s2 =	simm.s32 $0x0;
	[sflag:s31] =	ssyncpa.u1 $0x0  }
.LBB3_51:
0x2a3: {  	p1 =	slt.u32 s3, $0x270F9  }
0x2a4: {  	s4 =	sand.u32 @p1 $0x3FFF8, s3  }
0x2a5: {  	s3 =	sand.u32 @p1 $0x7, s3;
	s5 =	simm.s32 @p1 $0xA0C8;
	s4 =	sadd.s32 @p1 s1, s4  }
0x2a6: {  	[tilespmem:s5], [sflag:$0x8] =	stream.linear.gather @p1 [hbm4b:s4+s3], $0x40, $0x38;
	[tilespmem:$0x1EF88] =	vst v63  }
0x2a7: {  	s3 =	simm.s32 @p1 $0x8  }
0x2a8: {  	_ =	swait.ge @p1 [sflag:s3], $0x40  }
0x2a9: {  	[sflag:s3] =	ssyncset.done @p1 $0x0  }
0x2aa: {  	[sflag:s3] =	ssyncadd.s32 @p1 $0xFFFFFFC0  }
0x2ab: {  	v1 =	vld @p1 [tilespmem:$0xA0C8];
	_ =	sdelay $0x2  }
0x2ac: {  	s3 =	sshll.u32 @p1 s2, $0x8  }
0x2ad: {  	s4 =	sshrl.u32 @p1 s3, $0x2  }
0x2ae: {  	[tilespmem:s4+$0xA138] =	vst.add.f32.msk @p1 $0xffff, v1  }
0x2af: {  	v1 =	vld @p1 [tilespmem:$0xA0D8];
	_ =	sdelay $0x4  }
0x2b0: {  	[tilespmem:s4+$0xA148] =	vst.add.f32.msk @p1 $0xffff, v1  }
0x2b1: {  	v1 =	vld @p1 [tilespmem:$0xA0E8];
	_ =	sdelay $0x4  }
0x2b2: {  	[tilespmem:s4+$0xA158] =	vst.add.f32.msk @p1 $0xffff, v1  }
0x2b3: {  	v1 =	vld @p1 [tilespmem:$0xA0F8];
	_ =	sdelay $0x3  }
0x2b4: {  	s5 =	sshll.u32 @!p1 s2, $0x8  }
0x2b5: {  	s5 =	smov.u32 @p1 s3;
	[tilespmem:s4+$0xA168] =	vst.add.f32.msk @p1 $0xffff, v1  }
0x2b6: {  	s3 =	sshrl.u32 s5, $0x2;
	[tilespmem:s0+$0xA118] =	vst.msk $0x1, v0  }
0x2b7: {  	v0 =	vld [tilespmem:s3+$0xA138];
	_ =	sdelay $0x2  }
0x2b8: {  	s31 =	sshll.u32 s0, $0x8  }
0x2b9: {  	s4 =	sshra.s32 s31, $0x2  }
0x2ba: {  	[tilespmem:s4+$0xA138] =	vst v0  }
0x2bb: {  	v0 =	vld [tilespmem:s3+$0xA148];
	_ =	sdelay $0x4  }
0x2bc: {  	[tilespmem:s4+$0xA148] =	vst v0  }
0x2bd: {  	v0 =	vld [tilespmem:s3+$0xA158];
	_ =	sdelay $0x4  }
0x2be: {  	[tilespmem:s4+$0xA158] =	vst v0  }
0x2bf: {  	v0 =	vld [tilespmem:s3+$0xA168];
	_ =	sdelay $0x4  }
0x2c0: {  	s0 =	sadd.s32 $0x1, s0;
	[tilespmem:s4+$0xA168] =	vst v0  }
.LBB3_52:
0x2c1: {  	s2 =	sadd.s32 $0x1, s2  }
0x2c2: {  	p1 =	sne.s32 s2, $0x20  }
.Ltmp41:
0x2c3: {  	_ = 	snop;
	(pc) =	sbr.rel @!p1 .LBB3_53-.Ltmp41, $1  }
0x2c4: {  	_ =	sdelay $0x3  }
.LBB3_45:
0x2c5: {  	v0 =	vld.msk [tilespmem:s2+$0xA118], $0x1;
	_ =	sdelay $0x4  }
0x2c6: {  	(v2sf) =	vpush v0, $0x0;
	_ =	sdelay $0xe  }
0x2c7: {  	s3 =	spop (v2sf)  }
0x2c8: {  	p1 =	seq.s32 s3, $0xFFFFFFFF  }
.Ltmp42:
0x2c9: {  	_ = 	snop;
	(pc) =	sbr.rel @p1 .LBB3_52-.Ltmp42, $1  }
0x2ca: {  	_ =	sdelay $0x3  }
0x2cb: {  	p1 =	slt.s32 s0, $0x1  }
.Ltmp43:
0x2cc: {  	_ = 	snop;
	(pc) =	sbr.rel @p1 .LBB3_51-.Ltmp43, $1  }
0x2cd: {  	_ =	sdelay $0x3  }
0x2ce: {  	s4 =	simm.s32 $0xA118;
	p1 =	por $0x0, $0x0  }
0x2cf: {  	v1 =	vld.msk @!p1 [tilespmem:s4+$0x0], $0x1;
	_ =	sdelay $0x4  }
0x2d0: {  	(v2sf) =	vpush @!p1 v1, $0x0;
	_ =	sdelay $0xd  }
0x2d1: {  	p3 =	sne.s32 s0, $0x1  }
.Ltmp44:
0x2d2: {  	s5 =	spop @!p1 (v2sf);
	(pc) =	sbr.rel @!p3 .LBB3_49-.Ltmp44, $4  }
0x2d3: {  	p2 =	seq.s32 @!p1 s3, s5  }
0x2d4: {  	s5 =	simm.s32 $0x0;
	p2 =	por !p2, p1  }
0x2d5: {  	s7 =	simm.s32 $0xFFFFFFFF;
	s5 =	simm.s32 @p2 $0xFFFFFFFF  }
0x2d6: {  	s6 =	simm.s32 $0x1;
	s5 =	smov.u32 @p1 s7  }
.LBB3_48:
0x2d7: {  	s7 =	smov.u32 s5;
	p1 =	sne.s32 s5, $0xFFFFFFFF  }
0x2d8: {  	s4 =	sadd.s32 $0x1, s4;
	s5 =	smov.u32 s6;
	s6 =	sadd.s32 $0x1, s6  }
0x2d9: {  	p2 =	sne.s32 s0, s6;
	v1 =	vld.msk @!p1 [tilespmem:s4+$0x0], $0x1;
	_ =	sdelay $0x4  }
0x2da: {  	(v2sf) =	vpush @!p1 v1, $0x0;
	_ =	sdelay $0xe  }
.Ltmp45:
0x2db: {  	s8 =	spop @!p1 (v2sf);
	(pc) =	sbr.rel @p2 .LBB3_48-.Ltmp45, $4  }
0x2dc: {  	p3 =	seq.s32 @!p1 s3, s8  }
0x2dd: {  	p3 =	por !p3, p1  }
0x2de: {  	s5 =	simm.s32 @p3 $0xFFFFFFFF  }
0x2df: {  	s5 =	smov.u32 @p1 s7  }
.LBB3_49:
0x2e0: {  	p1 =	seq.s32 s5, $0xFFFFFFFF  }
.Ltmp46:
0x2e1: {  	_ = 	snop;
	(pc) =	sbr.rel @p1 .LBB3_51-.Ltmp46, $1  }
0x2e2: {  	_ =	sdelay $0x3  }
0x2e3: {  	s3 =	sshll.u32 s2, $0x6  }
0x2e4: {  	s3 =	sand.u32 $0x3FFFFFC0, s3  }
0x2e5: {  	v0 =	vld [tilespmem:s3+$0xA138];
	_ =	sdelay $0x2  }
0x2e6: {  	s4 =	sshll.u32 s5, $0x8  }
0x2e7: {  	s4 =	sshra.s32 s4, $0x2  }
0x2e8: {  	[tilespmem:s4+$0xA138] =	vst.add.f32.msk $0xffff, v0  }
0x2e9: {  	v0 =	vld [tilespmem:s3+$0xA148];
	_ =	sdelay $0x4  }
0x2ea: {  	[tilespmem:s4+$0xA148] =	vst.add.f32.msk $0xffff, v0  }
0x2eb: {  	v0 =	vld [tilespmem:s3+$0xA158];
	_ =	sdelay $0x4  }
0x2ec: {  	[tilespmem:s4+$0xA158] =	vst.add.f32.msk $0xffff, v0  }
0x2ed: {  	v0 =	vld [tilespmem:s3+$0xA168]  }
.Ltmp47:
0x2ee: {  	_ = 	snop;
	(pc) =	sbr.rel .LBB3_52-.Ltmp47, $2  }
0x2ef: {  	_ =	sdelay $0x2  }
0x2f0: {  	[tilespmem:s4+$0xA168] =	vst.add.f32.msk $0xffff, v0  }
.LBB3_53:
0x2f1: {  	p1 =	slt.s32 s0, $0x1  }
.Ltmp48:
0x2f2: {  	_ = 	snop;
	(pc) =	sbr.rel @p1 .LBB3_57-.Ltmp48, $3  }
0x2f3: {  	_ =	sdelay $0x1  }
0x2f4: {  	s2 =	simm.s32 $0x8  }
0x2f5: {  	[sflag:s2] =	ssyncpa.u1 $0x1;
	s2 =	simm.s32 $0x0  }
0x2f6: {  	s3 =	simm.s32 $0xA118  }
0x2f7: {  	v0 =	vld.msk [tilespmem:s3+$0x0], $0x1;
	_ =	sdelay $0x4  }
0x2f8: {  	(v2sf) =	vpush v0, $0x0;
	_ =	sdelay $0xe  }
0x2f9: {  	s0 =	sadd.s32 $0xFFFFFFFF, s0;
	s4 =	spop (v2sf)  }
0x2fa: {  	p2 =	sne.s32 s0, $0x0;
	p1 =	sgt.u32 s4, $0x270F8  }
.Ltmp49:
0x2fb: {  	s5 =	sand.u32 @!p1 $0x3FFF8, s4;
	(pc) =	sbr.rel @!p2 .LBB3_56-.Ltmp49, $4  }
0x2fc: {  	s3 =	simm.s32 $0xA138;
	s4 =	sand.u32 @!p1 $0x7, s4;
	s5 =	sadd.s32 @!p1 s1, s5  }
0x2fd: {  	[hbm4b:s5+s4] =	stream.linear.scatter @!p1 [tilespmem:s3], [sflag:$0x7], $0x40, $0x38;
	[tilespmem:$0x1EF88] =	vst v63  }
0x2fe: {  	s5 =	simm.s32 $0x0  }
0x2ff: {  	s4 =	simm.s32 $0xA119;
	s5 =	simm.s32 @!p1 $0x100  }
.LBB3_55:
0x300: {  	v0 =	vld.msk [tilespmem:s4+$0x0], $0x1;
	s0 =	sadd.s32 $0xFFFFFFFF, s0;
	s2 =	sadd.s32 s2, s5  }
0x301: {  	p1 =	sne.s32 s0, $0x0;
	_ =	sdelay $0x3  }
0x302: {  	(v2sf) =	vpush v0, $0x0;
	_ =	sdelay $0xe  }
.Ltmp50:
0x303: {  	s6 =	spop (v2sf);
	(pc) =	sbr.rel @p1 .LBB3_55-.Ltmp50, $4  }
0x304: {  	s5 =	simm.s32 $0x0;
	p2 =	sgt.u32 s6, $0x270F8  }
0x305: {  	s3 =	sadd.s32 $0x40, s3;
	s5 =	simm.s32 @!p2 $0x100;
	s7 =	sand.u32 @!p2 $0x3FFF8, s6  }
0x306: {  	s4 =	sadd.s32 $0x1, s4;
	s6 =	sand.u32 @!p2 $0x7, s6;
	s7 =	sadd.s32 @!p2 s1, s7  }
0x307: {  	[hbm4b:s7+s6] =	stream.linear.scatter @!p2 [tilespmem:s3], [sflag:$0x7], $0x40, $0x38;
	[tilespmem:$0x1EF88] =	vst v63  }
.LBB3_56:
0x308: {  	s0 =	sadd.s32 s2, s5  }
0x309: {  	s2 =	sshrl.u32 s0, $0x2  }
.LBB3_57:
0x30a: {  	s0 =	simm.s32 $0x7  }
0x30b: {  	_ =	swait.ge [sflag:s0], s2  }
0x30c: {  	s1 =	ssub.s32 $0x0, s2;
	[sflag:s0] =	ssyncset.done $0x0  }
0x30d: {  	[sflag:s0] =	ssyncadd.s32 s1  }
0x30e: {  	[sflag:s0] =	ssyncpa.u1 $0x1  }
.LBB3_58:
0x30f: {  	_ =	sfence;
	s0 =	simm.s32 $0x1  }
0x310: {  	[sflag:s0] =	ssyncpa.u1 $0x1  }
0x311: {  	_ =	strace $0x9000004A  }
0x312: {  	[bflag:$0x2] =	sbarrier.arrive $0xFFFF  }
0x313: {  	s0 =	rddreg [dreg:$0x5]  }
0x314: {  	s0 =	sadd.s32 @!p0 $0x100000, s0  }
0x315: {  	[sflag:s0] =	ssyncadd.tile.s32 @!p0 $0x1;
	_ =	shalt  }
.Lfunc_end3:
_tile_overlayer_lowered:
.L_overlay_start_3:
0x316: {  	(tag) =	ssettag $0x3  }
0x317: {  	s0 =	rddreg [dreg:$0x0];
	s2 =	stileid.u32  }
0x318: {  	s1 =	rddreg [dreg:$0x1];
	p0 =	sne.s32 s2, $0x0  }
0x319: {  	s3 =	rddreg [dreg:$0x2];
	[bflag:$0x3] =	sbarrier.arrive $0xFFFF;
	s2 =	simm.s32 @!p0 $0x1C01  }
0x31a: {  	[timem:s3], [sflag:s2] =	dma.local @!p0 [hbm:s0], s1  }
0x31b: {  	s0 =	simm.s32 @!p0 $0x1  }
0x31c: {  	_ =	swait.ge @!p0 [sflag:s0], s1  }
0x31d: {  	s1 =	ssub.s32 @!p0 $0x0, s1;
	[sflag:s0] =	ssyncset.done @!p0 $0x0  }
0x31e: {  	[sflag:s0] =	ssyncadd.s32 @!p0 s1  }
0x31f: {  	[bflag:$0x3] =	sbarrier.arrive $0xFFFF  }
0x320: {  	_ =	shalt  }

</sc_bundles>
